<compile_context>
chip_gen: v7x
topology: tpu7x:2x2x1
jax: 0.10.2.dev20260603
libtpu: 0.0.44.dev20260713+nightly
codegen_flags: <defaults>
</compile_context>

<pallas_src>
import functools

import jax
import jax.numpy as jnp
from jax import lax
from jax.experimental import pallas as pl
from jax.experimental.pallas import tpu as pltpu
from jax.experimental.pallas import tpu_sc as plsc

EPS = 1e-8


def _vb_body(x_ref, w1mu_ref, w1ls_ref, w2mu_ref, w2ls_ref, out_ref):
    x = x_ref[...]
    d1 = w1mu_ref.shape[1]
    d2 = w2mu_ref.shape[1]
    scale = (2.0 / d1) ** 0.5
    w1mu = scale * w1mu_ref[...]
    sig21 = (scale * scale) * jnp.exp(w1ls_ref[...])
    w2mu = w2mu_ref[...]
    sig22 = jnp.exp(w2ls_ref[...])

    dot = functools.partial(jnp.dot, preferred_element_type=jnp.float32)
    m1 = jnp.maximum(dot(x, w1mu), 0.0)
    v1 = dot(x * x, sig21)
    m2 = dot(m1, w2mu)
    v2 = dot(m1 * m1 + v1, sig22) + dot(v1, w2mu * w2mu)

    p = 1.0 / (v2 + EPS)
    out_ref[:, :d2] = p
    out_ref[:, d2:] = p * m2


def _vb_layers(X, W1_mu, W1_logsig2, W2_mu, W2_logsig2, block_rows,
               row_block0, n_rows):
    d0 = X.shape[1]
    d1 = W1_mu.shape[1]
    d2 = W2_mu.shape[1]
    grid = n_rows // block_rows
    return pl.pallas_call(
        _vb_body,
        grid=(grid,),
        in_specs=[
            pl.BlockSpec((block_rows, d0), lambda i: (row_block0 + i, 0)),
            pl.BlockSpec((d0, d1), lambda i: (0, 0)),
            pl.BlockSpec((d0, d1), lambda i: (0, 0)),
            pl.BlockSpec((d1, d2), lambda i: (0, 0)),
            pl.BlockSpec((d1, d2), lambda i: (0, 0)),
        ],
        out_specs=pl.BlockSpec((block_rows, 2 * d2), lambda i: (i, 0)),
        out_shape=jax.ShapeDtypeStruct((n_rows, 2 * d2), jnp.float32),
    )(X, W1_mu, W1_logsig2, W2_mu, W2_logsig2)


def _make_seg_sum(n, num_seg_pad, width, chunk):
    info = plsc.get_sparse_core_info()
    nc, ns = info.num_cores, info.num_subcores
    nw = nc * ns
    rows_per_tile = n // nw
    n_chunks = rows_per_tile // chunk
    segs_per_tile = num_seg_pad // ns

    mesh = plsc.VectorSubcoreMesh(core_axis_name="c", subcore_axis_name="s")

    @functools.partial(
        pl.kernel,
        out_type=jax.ShapeDtypeStruct((nc, num_seg_pad, width), jnp.float32),
        mesh=mesh,
        scratch_types=[
            pltpu.VMEM((n_chunks * chunk,), jnp.int32),
            pltpu.VMEM((chunk, width), jnp.float32),
            pltpu.VMEM((chunk, width), jnp.float32),
            pltpu.VMEM((80, width), jnp.float32),
            pltpu.VMEM_SHARED((num_seg_pad, width), jnp.float32),
            pltpu.SemaphoreType.DMA,
            pltpu.SemaphoreType.DMA,
        ],
    )
    def seg_sum(pw_hbm, idx_hbm, part_hbm,
                idx_v, buf0, buf1, zbuf, acc_sh, sem0, sem1):
        cid = lax.axis_index("c")
        sid = lax.axis_index("s")
        wid = sid * nc + cid
        base = wid * rows_per_tile
        bufs = (buf0, buf1)
        sems = (sem0, sem1)

        def issue(g, b):
            pltpu.async_copy(pw_hbm.at[pl.ds(base + g * chunk, chunk)],
                             bufs[b], sems[b])

        for b in range(2):
            issue(b, b)

        pltpu.sync_copy(idx_hbm.at[wid], idx_v)

        z16 = jnp.zeros((16,), jnp.float32)

        def zrow(i, c):
            for j in range(width // 16):
                zbuf[i, pl.ds(j * 16, 16)] = z16
            return c

        lax.fori_loop(0, 80, zrow, 0)
        for k in range(segs_per_tile // 80):
            pltpu.sync_copy(
                zbuf,
                acc_sh.at[pl.ds(sid * segs_per_tile + k * 80, 80)])
        plsc.subcore_barrier()


        def body(j, carry):
            for b in range(2):
                g = 2 * j + b
                pltpu.make_async_copy(pw_hbm.at[pl.ds(0, chunk)],
                                      bufs[b], sems[b]).wait()
                pltpu.sync_copy(bufs[b],
                                acc_sh.at[idx_v.at[pl.ds(g * chunk, chunk)]],
                                add=True)
                issue(jnp.minimum(g + 2, n_chunks - 1), b)
            return carry

        lax.fori_loop(0, n_chunks // 2, body, 0)

        if n_chunks % 2:
            gl = n_chunks - 1
            pltpu.make_async_copy(pw_hbm.at[pl.ds(0, chunk)],
                                  bufs[0], sems[0]).wait()
            pltpu.sync_copy(bufs[0],
                            acc_sh.at[idx_v.at[pl.ds(gl * chunk, chunk)]],
                            add=True)
            pltpu.make_async_copy(pw_hbm.at[pl.ds(0, chunk)],
                                  bufs[1], sems[1]).wait()
        else:
            pltpu.make_async_copy(pw_hbm.at[pl.ds(0, chunk)],
                                  bufs[0], sems[0]).wait()
            pltpu.make_async_copy(pw_hbm.at[pl.ds(0, chunk)],
                                  bufs[1], sems[1]).wait()
        plsc.subcore_barrier()

        pltpu.sync_copy(
            acc_sh.at[pl.ds(sid * segs_per_tile, segs_per_tile)],
            part_hbm.at[cid, pl.ds(sid * segs_per_tile, segs_per_tile)],
        )

    return seg_sum


def _fin_body(*refs):
    means_ref, vars_ref = refs[-2], refs[-1]
    d2 = means_ref.shape[1]
    s = refs[0][0] + refs[0][1]
    for r in refs[1:-2]:
        s = s + r[0] + r[1]
    w = s[:, :d2] + EPS
    var = 1.0 / w
    means_ref[...] = s[:, d2:] * var
    vars_ref[...] = var


def _finalize(parts, num_seg_pad, d2):
    width = 2 * d2
    bs = 1280
    grid = num_seg_pad // bs
    return pl.pallas_call(
        _fin_body,
        grid=(grid,),
        in_specs=[pl.BlockSpec((2, bs, width), lambda i: (0, i, 0))
                  for _ in parts],
        out_specs=(pl.BlockSpec((bs, d2), lambda i: (i, 0)),
                   pl.BlockSpec((bs, d2), lambda i: (i, 0))),
        out_shape=(
            jax.ShapeDtypeStruct((num_seg_pad, d2), jnp.float32),
            jax.ShapeDtypeStruct((num_seg_pad, d2), jnp.float32),
        ),
    )(*parts)


def kernel(X, W1_mu, W1_logsig2, W2_mu, W2_logsig2, X_idx):
    n = X.shape[0]
    d2 = W2_mu.shape[1]
    num_seg = 10000
    num_seg_pad = 10240
    width = 2 * d2

    nchunk = 5
    chunk = 80
    block_rows = 8000
    info = plsc.get_sparse_core_info()
    nw = info.num_cores * info.num_subcores
    n_c = n // nchunk
    n_chunks = n_c // (nw * chunk)
    assert n_chunks >= 2 and n_c % (nw * chunk) == 0
    assert n_c % block_rows == 0

    idx3d = X_idx.reshape(nchunk, nw, n_chunks * chunk)
    seg_sum = _make_seg_sum(n_c, num_seg_pad, width, chunk=chunk)

    parts = []
    for c in range(nchunk):
        pw = _vb_layers(X, W1_mu, W1_logsig2, W2_mu, W2_logsig2,
                        block_rows=block_rows,
                        row_block0=c * (n_c // block_rows), n_rows=n_c)
        parts.append(seg_sum(pw, idx3d[c]))

    means_p, vars_p = _finalize(parts, num_seg_pad, d2)
    return means_p[:num_seg], vars_p[:num_seg]

# --- scband reference (transcript-rebuilt; emitter-appended) ---
"""Pipeline reference for scband-dgp-rf-embeddings-14018773254666 (READ-ONLY COPY).

The authoritative reference and input builder live on the scoring server;
editing this copy changes nothing except your own understanding.
"""

import jax, jax.numpy as jnp
import numpy as np

N = 320000
FEA_DIMS = [128, 32]
NUM_RF = 64
NUM_SEG = 10000


def _vb_layer(mean, var, W_mu, W_logsig2, relu_out):
    # Variational Bayesian linear layer with moment propagation.
    sig2 = jnp.exp(W_logsig2)
    m = mean @ W_mu
    if var is None:
        v = (mean ** 2) @ sig2
    else:
        v = (mean ** 2 + var) @ sig2 + var @ (W_mu ** 2)
    if relu_out:
        scale = jnp.sqrt(2.0 / W_mu.shape[1]).astype(m.dtype)
        m = scale * jnp.maximum(m, 0.0)
        v = (scale ** 2) * v
    return m, v


def setup_inputs(seed: int = 0) -> dict:
    key = jax.random.key(seed)
    k1, k2, k3, k4, k5, k6 = jax.random.split(key, 6)
    X = jax.random.normal(k1, (N, FEA_DIMS[0]), dtype=jnp.float32)
    X_idx = jnp.sort(jax.random.randint(k2, (N,), 0, NUM_SEG, dtype=jnp.int32))
    W1_mu = jax.random.normal(k3, (FEA_DIMS[0], NUM_RF), dtype=jnp.float32) / np.sqrt(FEA_DIMS[0])
    W1_logsig2 = jax.random.normal(k4, (FEA_DIMS[0], NUM_RF), dtype=jnp.float32) * 0.1 - 5.0
    W2_mu = jax.random.normal(k5, (NUM_RF, FEA_DIMS[1]), dtype=jnp.float32) / np.sqrt(NUM_RF)
    W2_logsig2 = jax.random.normal(k6, (NUM_RF, FEA_DIMS[1]), dtype=jnp.float32) * 0.1 - 5.0
    return {"X": X, "W1_mu": W1_mu, "W1_logsig2": W1_logsig2,
            "W2_mu": W2_mu, "W2_logsig2": W2_logsig2, "X_idx": X_idx}


def reference(X, W1_mu, W1_logsig2, W2_mu, W2_logsig2, X_idx):
    # DGP-RF layers
    m, v = _vb_layer(X, None, W1_mu, W1_logsig2, relu_out=True)
    m, v = _vb_layer(m, v, W2_mu, W2_logsig2, relu_out=False)
    out_means, out_vars = m, v
    # precision-weighted segment reduction (replaces torch unique-id loop;
    # with N=320000 and 10000 segments, all segment ids are present w.h.p.,
    # so sorted-unique-id output equals segments 0..NUM_SEG-1)
    mat_tmp1 = 1.0 / (out_vars + 1e-08)
    weighted = mat_tmp1 * out_means
    w_sum = jax.ops.segment_sum(mat_tmp1, X_idx, num_segments=NUM_SEG) + 1e-08
    mean_sum = jax.ops.segment_sum(weighted, X_idx, num_segments=NUM_SEG)
    embedd_vars = 1.0 / w_sum
    embedd_means = mean_sum * embedd_vars
    return (embedd_means, embedd_vars)

if __name__ == "__main__":
    import jax
    _d = setup_inputs()
    print(jax.jit(kernel)(*tuple(_d.values())))

</pallas_src>

<mosaic_0001>
#map = affine_map<(d0, d1) -> (0, 0)>
#map1 = affine_map<(d0, d1) -> (0, 0, 0)>
module attributes {stable_mosaic.version = 14 : i64} {
  func.func @seg_sum(%arg0: i32, %arg1: i32, %arg2: memref<64000x64xf32, #tpu.memory_space<hbm>>, %arg3: memref<32x2000xi32, #tpu.memory_space<hbm>>, %arg4: memref<2x10240x64xf32, #tpu.memory_space<hbm>>, %arg5: memref<2000xi32, #tpu.memory_space<vmem>>, %arg6: memref<80x64xf32, #tpu.memory_space<vmem>>, %arg7: memref<80x64xf32, #tpu.memory_space<vmem>>, %arg8: memref<80x64xf32, #tpu.memory_space<vmem>>, %arg9: memref<10240x64xf32, #tpu.memory_space<vmem_shared>>, %arg10: memref<!tpu.dma_semaphore, #tpu.memory_space<semaphore_mem>>, %arg11: memref<!tpu.dma_semaphore, #tpu.memory_space<semaphore_mem>>) attributes {dimension_semantics = [#tpu.dimension_semantics<core_parallel>, #tpu.dimension_semantics<subcore_parallel>], iteration_bounds = array<i64: 2, 16>, scalar_prefetch = 0 : i64, scratch_operands = 7 : i64, tpu.core_type = #tpu.core_type<sc_vector_subcore>, window_params = [{transform_indices = #map}, {transform_indices = #map}, {transform_indices = #map1}]} {
    %mul3A = arith.constant 2 : i32
    %mul3A_0 = arith.muli %arg1, %mul3A : i32
    %add3A = arith.addi %mul3A_0, %arg0 : i32
    %mul3A_1 = arith.constant 2000 : i32
    %mul3A_2 = arith.muli %add3A, %mul3A_1 : i32
    %add3A_3 = arith.constant 0 : i32
    %add3A_4 = arith.addi %mul3A_2, %add3A_3 : i32
    %dma_start3A = arith.constant 0 : i32
    %dma_start3A_5 = tpu.memref_slice %arg2[%add3A_4, %dma_start3A] : memref<64000x64xf32, #tpu.memory_space<hbm>> -> memref<80x64xf32, #tpu.memory_space<hbm>>
    %dma_start3A_6 = arith.constant 0 : i32
    %dma_start3A_7 = tpu.memref_slice %arg2[%add3A_4, %dma_start3A_6] : memref<64000x64xf32, #tpu.memory_space<hbm>> -> memref<80x64xf32, #tpu.memory_space<hbm>>
    tpu.enqueue_dma source(%dma_start3A_7 : memref<80x64xf32, #tpu.memory_space<hbm>>) target(%arg6 : memref<80x64xf32, #tpu.memory_space<vmem>>) target_semaphore(%arg10 : memref<!tpu.dma_semaphore, #tpu.memory_space<semaphore_mem>>)
    %add3A_8 = arith.constant 80 : i32
    %add3A_9 = arith.addi %mul3A_2, %add3A_8 : i32
    %dma_start3A_10 = arith.constant 0 : i32
    %dma_start3A_11 = tpu.memref_slice %arg2[%add3A_9, %dma_start3A_10] : memref<64000x64xf32, #tpu.memory_space<hbm>> -> memref<80x64xf32, #tpu.memory_space<hbm>>
    %dma_start3A_12 = arith.constant 0 : i32
    %dma_start3A_13 = tpu.memref_slice %arg2[%add3A_9, %dma_start3A_12] : memref<64000x64xf32, #tpu.memory_space<hbm>> -> memref<80x64xf32, #tpu.memory_space<hbm>>
    tpu.enqueue_dma source(%dma_start3A_13 : memref<80x64xf32, #tpu.memory_space<hbm>>) target(%arg7 : memref<80x64xf32, #tpu.memory_space<vmem>>) target_semaphore(%arg11 : memref<!tpu.dma_semaphore, #tpu.memory_space<semaphore_mem>>)
    "tpu.region"() ({
      %run_scoped3A = tpu.sem_alloc : memref<!tpu.dma_semaphore, #tpu.memory_space<semaphore_mem>>
      %dma_start3A_74 = arith.constant 0 : i32
      %dma_start3A_75 = tpu.memref_slice %arg3[%add3A, %dma_start3A_74] : memref<32x2000xi32, #tpu.memory_space<hbm>> -> memref<1x2000xi32, #tpu.memory_space<hbm>>
      %dma_start3A_76 = tpu.memref_squeeze %dma_start3A_75 : memref<1x2000xi32, #tpu.memory_space<hbm>> -> memref<2000xi32, #tpu.memory_space<hbm>>
      %dma_start3A_77 = arith.constant 0 : i32
      %dma_start3A_78 = tpu.memref_slice %arg3[%add3A, %dma_start3A_77] : memref<32x2000xi32, #tpu.memory_space<hbm>> -> memref<1x2000xi32, #tpu.memory_space<hbm>>
      %dma_start3A_79 = tpu.memref_squeeze %dma_start3A_78 : memref<1x2000xi32, #tpu.memory_space<hbm>> -> memref<2000xi32, #tpu.memory_space<hbm>>
      tpu.enqueue_dma source(%dma_start3A_79 : memref<2000xi32, #tpu.memory_space<hbm>>) target(%arg5 : memref<2000xi32, #tpu.memory_space<vmem>>) target_semaphore(%run_scoped3A : memref<!tpu.dma_semaphore, #tpu.memory_space<semaphore_mem>>)
      %dma_wait3A_80 = arith.constant 0 : i32
      %dma_wait3A_81 = tpu.memref_slice %arg3[%add3A, %dma_wait3A_80] : memref<32x2000xi32, #tpu.memory_space<hbm>> -> memref<1x2000xi32, #tpu.memory_space<hbm>>
      %dma_wait3A_82 = tpu.memref_squeeze %dma_wait3A_81 : memref<1x2000xi32, #tpu.memory_space<hbm>> -> memref<2000xi32, #tpu.memory_space<hbm>>
      %dma_wait3A_83 = arith.constant 0 : i32
      %dma_wait3A_84 = tpu.memref_slice %arg3[%add3A, %dma_wait3A_83] : memref<32x2000xi32, #tpu.memory_space<hbm>> -> memref<1x2000xi32, #tpu.memory_space<hbm>>
      %dma_wait3A_85 = tpu.memref_squeeze %dma_wait3A_84 : memref<1x2000xi32, #tpu.memory_space<hbm>> -> memref<2000xi32, #tpu.memory_space<hbm>>
      tpu.wait_dma2 semaphore(%run_scoped3A : memref<!tpu.dma_semaphore, #tpu.memory_space<semaphore_mem>>) src(%dma_wait3A_85 : memref<2000xi32, #tpu.memory_space<hbm>>) dst(%arg5 : memref<2000xi32, #tpu.memory_space<vmem>>)
      tpu.yield
    }) : () -> ()
    %broadcast_in_dim3A = arith.constant 0.000000e+00 : f32
    %broadcast_in_dim3A_14 = vector.broadcast %broadcast_in_dim3A : f32 to vector<16xf32>
    %scan3A = arith.constant 0 : i32
    %scan3A_15 = arith.constant 0 : i32
    %scan3A_16 = arith.constant 80 : i32
    %scan3A_17 = arith.addi %scan3A_15, %scan3A_16 : i32
    %scan3A_18 = arith.constant 1 : i32
    scf.for %scan3A_74 = %scan3A_15 to %scan3A_17 step %scan3A_18  : i32 {
      %swap3A = arith.index_cast %scan3A_74 : i32 to index
      %swap3A_75 = arith.constant 0 : index
      %swap3A_76 = tpu.vector_load %arg8[%swap3A, %swap3A_75] {strides = array<i32>} : memref<80x64xf32, #tpu.memory_space<vmem>>, vector<1x16xf32>,
      %swap3A_77 = vector.shape_cast %swap3A_76 : vector<1x16xf32> to vector<16xf32>
      %swap3A_78 = vector.shape_cast %broadcast_in_dim3A_14 : vector<16xf32> to vector<1x16xf32>
      tpu.vector_store %arg8[%swap3A, %swap3A_75], %swap3A_78 {strides = array<i32>} : memref<80x64xf32, #tpu.memory_space<vmem>>, vector<1x16xf32>,
      %swap3A_79 = arith.index_cast %scan3A_74 : i32 to index
      %swap3A_80 = arith.constant 16 : index
      %swap3A_81 = tpu.vector_load %arg8[%swap3A_79, %swap3A_80] {strides = array<i32>} : memref<80x64xf32, #tpu.memory_space<vmem>>, vector<1x16xf32>,
      %swap3A_82 = vector.shape_cast %swap3A_81 : vector<1x16xf32> to vector<16xf32>
      %swap3A_83 = vector.shape_cast %broadcast_in_dim3A_14 : vector<16xf32> to vector<1x16xf32>
      tpu.vector_store %arg8[%swap3A_79, %swap3A_80], %swap3A_83 {strides = array<i32>} : memref<80x64xf32, #tpu.memory_space<vmem>>, vector<1x16xf32>,
      %swap3A_84 = arith.index_cast %scan3A_74 : i32 to index
      %swap3A_85 = arith.constant 32 : index
      %swap3A_86 = tpu.vector_load %arg8[%swap3A_84, %swap3A_85] {strides = array<i32>} : memref<80x64xf32, #tpu.memory_space<vmem>>, vector<1x16xf32>,
      %swap3A_87 = vector.shape_cast %swap3A_86 : vector<1x16xf32> to vector<16xf32>
      %swap3A_88 = vector.shape_cast %broadcast_in_dim3A_14 : vector<16xf32> to vector<1x16xf32>
      tpu.vector_store %arg8[%swap3A_84, %swap3A_85], %swap3A_88 {strides = array<i32>} : memref<80x64xf32, #tpu.memory_space<vmem>>, vector<1x16xf32>,
      %swap3A_89 = arith.index_cast %scan3A_74 : i32 to index
      %swap3A_90 = arith.constant 48 : index
      %swap3A_91 = tpu.vector_load %arg8[%swap3A_89, %swap3A_90] {strides = array<i32>} : memref<80x64xf32, #tpu.memory_space<vmem>>, vector<1x16xf32>,
      %swap3A_92 = vector.shape_cast %swap3A_91 : vector<1x16xf32> to vector<16xf32>
      %swap3A_93 = vector.shape_cast %broadcast_in_dim3A_14 : vector<16xf32> to vector<1x16xf32>
      tpu.vector_store %arg8[%swap3A_89, %swap3A_90], %swap3A_93 {strides = array<i32>} : memref<80x64xf32, #tpu.memory_space<vmem>>, vector<1x16xf32>,
    }
    %scan3A_19 = arith.constant 80 : i32
    %mul3A_20 = arith.constant 640 : i32
    %mul3A_21 = arith.muli %arg1, %mul3A_20 : i32
    %add3A_22 = arith.constant 0 : i32
    %add3A_23 = arith.addi %mul3A_21, %add3A_22 : i32
    "tpu.region"() ({
      %run_scoped3A = tpu.sem_alloc : memref<!tpu.dma_semaphore, #tpu.memory_space<semaphore_mem>>
      %dma_start3A_74 = arith.constant 0 : i32
      %dma_start3A_75 = tpu.memref_slice %arg9[%add3A_23, %dma_start3A_74] : memref<10240x64xf32, #tpu.memory_space<vmem_shared>> -> memref<80x64xf32, #tpu.memory_space<vmem_shared>>
      %dma_start3A_76 = arith.constant 0 : i32
      %dma_start3A_77 = tpu.memref_slice %arg9[%add3A_23, %dma_start3A_76] : memref<10240x64xf32, #tpu.memory_space<vmem_shared>> -> memref<80x64xf32, #tpu.memory_space<vmem_shared>>
      tpu.enqueue_dma source(%arg8 : memref<80x64xf32, #tpu.memory_space<vmem>>) target(%dma_start3A_77 : memref<80x64xf32, #tpu.memory_space<vmem_shared>>) target_semaphore(%run_scoped3A : memref<!tpu.dma_semaphore, #tpu.memory_space<semaphore_mem>>)
      %dma_wait3A_78 = arith.constant 0 : i32
      %dma_wait3A_79 = tpu.memref_slice %arg9[%add3A_23, %dma_wait3A_78] : memref<10240x64xf32, #tpu.memory_space<vmem_shared>> -> memref<80x64xf32, #tpu.memory_space<vmem_shared>>
      %dma_wait3A_80 = arith.constant 0 : i32
      %dma_wait3A_81 = tpu.memref_slice %arg9[%add3A_23, %dma_wait3A_80] : memref<10240x64xf32, #tpu.memory_space<vmem_shared>> -> memref<80x64xf32, #tpu.memory_space<vmem_shared>>
      tpu.wait_dma2 semaphore(%run_scoped3A : memref<!tpu.dma_semaphore, #tpu.memory_space<semaphore_mem>>) src(%arg8 : memref<80x64xf32, #tpu.memory_space<vmem>>) dst(%dma_wait3A_81 : memref<80x64xf32, #tpu.memory_space<vmem_shared>>)
      tpu.yield
    }) : () -> ()
    %mul3A_24 = arith.constant 640 : i32
    %mul3A_25 = arith.muli %arg1, %mul3A_24 : i32
    %add3A_26 = arith.constant 80 : i32
    %add3A_27 = arith.addi %mul3A_25, %add3A_26 : i32
    "tpu.region"() ({
      %run_scoped3A = tpu.sem_alloc : memref<!tpu.dma_semaphore, #tpu.memory_space<semaphore_mem>>
      %dma_start3A_74 = arith.constant 0 : i32
      %dma_start3A_75 = tpu.memref_slice %arg9[%add3A_27, %dma_start3A_74] : memref<10240x64xf32, #tpu.memory_space<vmem_shared>> -> memref<80x64xf32, #tpu.memory_space<vmem_shared>>
      %dma_start3A_76 = arith.constant 0 : i32
      %dma_start3A_77 = tpu.memref_slice %arg9[%add3A_27, %dma_start3A_76] : memref<10240x64xf32, #tpu.memory_space<vmem_shared>> -> memref<80x64xf32, #tpu.memory_space<vmem_shared>>
      tpu.enqueue_dma source(%arg8 : memref<80x64xf32, #tpu.memory_space<vmem>>) target(%dma_start3A_77 : memref<80x64xf32, #tpu.memory_space<vmem_shared>>) target_semaphore(%run_scoped3A : memref<!tpu.dma_semaphore, #tpu.memory_space<semaphore_mem>>)
      %dma_wait3A_78 = arith.constant 0 : i32
      %dma_wait3A_79 = tpu.memref_slice %arg9[%add3A_27, %dma_wait3A_78] : memref<10240x64xf32, #tpu.memory_space<vmem_shared>> -> memref<80x64xf32, #tpu.memory_space<vmem_shared>>
      %dma_wait3A_80 = arith.constant 0 : i32
      %dma_wait3A_81 = tpu.memref_slice %arg9[%add3A_27, %dma_wait3A_80] : memref<10240x64xf32, #tpu.memory_space<vmem_shared>> -> memref<80x64xf32, #tpu.memory_space<vmem_shared>>
      tpu.wait_dma2 semaphore(%run_scoped3A : memref<!tpu.dma_semaphore, #tpu.memory_space<semaphore_mem>>) src(%arg8 : memref<80x64xf32, #tpu.memory_space<vmem>>) dst(%dma_wait3A_81 : memref<80x64xf32, #tpu.memory_space<vmem_shared>>)
      tpu.yield
    }) : () -> ()
    %mul3A_28 = arith.constant 640 : i32
    %mul3A_29 = arith.muli %arg1, %mul3A_28 : i32
    %add3A_30 = arith.constant 160 : i32
    %add3A_31 = arith.addi %mul3A_29, %add3A_30 : i32
    "tpu.region"() ({
      %run_scoped3A = tpu.sem_alloc : memref<!tpu.dma_semaphore, #tpu.memory_space<semaphore_mem>>
      %dma_start3A_74 = arith.constant 0 : i32
      %dma_start3A_75 = tpu.memref_slice %arg9[%add3A_31, %dma_start3A_74] : memref<10240x64xf32, #tpu.memory_space<vmem_shared>> -> memref<80x64xf32, #tpu.memory_space<vmem_shared>>
      %dma_start3A_76 = arith.constant 0 : i32
      %dma_start3A_77 = tpu.memref_slice %arg9[%add3A_31, %dma_start3A_76] : memref<10240x64xf32, #tpu.memory_space<vmem_shared>> -> memref<80x64xf32, #tpu.memory_space<vmem_shared>>
      tpu.enqueue_dma source(%arg8 : memref<80x64xf32, #tpu.memory_space<vmem>>) target(%dma_start3A_77 : memref<80x64xf32, #tpu.memory_space<vmem_shared>>) target_semaphore(%run_scoped3A : memref<!tpu.dma_semaphore, #tpu.memory_space<semaphore_mem>>)
      %dma_wait3A_78 = arith.constant 0 : i32
      %dma_wait3A_79 = tpu.memref_slice %arg9[%add3A_31, %dma_wait3A_78] : memref<10240x64xf32, #tpu.memory_space<vmem_shared>> -> memref<80x64xf32, #tpu.memory_space<vmem_shared>>
      %dma_wait3A_80 = arith.constant 0 : i32
      %dma_wait3A_81 = tpu.memref_slice %arg9[%add3A_31, %dma_wait3A_80] : memref<10240x64xf32, #tpu.memory_space<vmem_shared>> -> memref<80x64xf32, #tpu.memory_space<vmem_shared>>
      tpu.wait_dma2 semaphore(%run_scoped3A : memref<!tpu.dma_semaphore, #tpu.memory_space<semaphore_mem>>) src(%arg8 : memref<80x64xf32, #tpu.memory_space<vmem>>) dst(%dma_wait3A_81 : memref<80x64xf32, #tpu.memory_space<vmem_shared>>)
      tpu.yield
    }) : () -> ()
    %mul3A_32 = arith.constant 640 : i32
    %mul3A_33 = arith.muli %arg1, %mul3A_32 : i32
    %add3A_34 = arith.constant 240 : i32
    %add3A_35 = arith.addi %mul3A_33, %add3A_34 : i32
    "tpu.region"() ({
      %run_scoped3A = tpu.sem_alloc : memref<!tpu.dma_semaphore, #tpu.memory_space<semaphore_mem>>
      %dma_start3A_74 = arith.constant 0 : i32
      %dma_start3A_75 = tpu.memref_slice %arg9[%add3A_35, %dma_start3A_74] : memref<10240x64xf32, #tpu.memory_space<vmem_shared>> -> memref<80x64xf32, #tpu.memory_space<vmem_shared>>
      %dma_start3A_76 = arith.constant 0 : i32
      %dma_start3A_77 = tpu.memref_slice %arg9[%add3A_35, %dma_start3A_76] : memref<10240x64xf32, #tpu.memory_space<vmem_shared>> -> memref<80x64xf32, #tpu.memory_space<vmem_shared>>
      tpu.enqueue_dma source(%arg8 : memref<80x64xf32, #tpu.memory_space<vmem>>) target(%dma_start3A_77 : memref<80x64xf32, #tpu.memory_space<vmem_shared>>) target_semaphore(%run_scoped3A : memref<!tpu.dma_semaphore, #tpu.memory_space<semaphore_mem>>)
      %dma_wait3A_78 = arith.constant 0 : i32
      %dma_wait3A_79 = tpu.memref_slice %arg9[%add3A_35, %dma_wait3A_78] : memref<10240x64xf32, #tpu.memory_space<vmem_shared>> -> memref<80x64xf32, #tpu.memory_space<vmem_shared>>
      %dma_wait3A_80 = arith.constant 0 : i32
      %dma_wait3A_81 = tpu.memref_slice %arg9[%add3A_35, %dma_wait3A_80] : memref<10240x64xf32, #tpu.memory_space<vmem_shared>> -> memref<80x64xf32, #tpu.memory_space<vmem_shared>>
      tpu.wait_dma2 semaphore(%run_scoped3A : memref<!tpu.dma_semaphore, #tpu.memory_space<semaphore_mem>>) src(%arg8 : memref<80x64xf32, #tpu.memory_space<vmem>>) dst(%dma_wait3A_81 : memref<80x64xf32, #tpu.memory_space<vmem_shared>>)
      tpu.yield
    }) : () -> ()
    %mul3A_36 = arith.constant 640 : i32
    %mul3A_37 = arith.muli %arg1, %mul3A_36 : i32
    %add3A_38 = arith.constant 320 : i32
    %add3A_39 = arith.addi %mul3A_37, %add3A_38 : i32
    "tpu.region"() ({
      %run_scoped3A = tpu.sem_alloc : memref<!tpu.dma_semaphore, #tpu.memory_space<semaphore_mem>>
      %dma_start3A_74 = arith.constant 0 : i32
      %dma_start3A_75 = tpu.memref_slice %arg9[%add3A_39, %dma_start3A_74] : memref<10240x64xf32, #tpu.memory_space<vmem_shared>> -> memref<80x64xf32, #tpu.memory_space<vmem_shared>>
      %dma_start3A_76 = arith.constant 0 : i32
      %dma_start3A_77 = tpu.memref_slice %arg9[%add3A_39, %dma_start3A_76] : memref<10240x64xf32, #tpu.memory_space<vmem_shared>> -> memref<80x64xf32, #tpu.memory_space<vmem_shared>>
      tpu.enqueue_dma source(%arg8 : memref<80x64xf32, #tpu.memory_space<vmem>>) target(%dma_start3A_77 : memref<80x64xf32, #tpu.memory_space<vmem_shared>>) target_semaphore(%run_scoped3A : memref<!tpu.dma_semaphore, #tpu.memory_space<semaphore_mem>>)
      %dma_wait3A_78 = arith.constant 0 : i32
      %dma_wait3A_79 = tpu.memref_slice %arg9[%add3A_39, %dma_wait3A_78] : memref<10240x64xf32, #tpu.memory_space<vmem_shared>> -> memref<80x64xf32, #tpu.memory_space<vmem_shared>>
      %dma_wait3A_80 = arith.constant 0 : i32
      %dma_wait3A_81 = tpu.memref_slice %arg9[%add3A_39, %dma_wait3A_80] : memref<10240x64xf32, #tpu.memory_space<vmem_shared>> -> memref<80x64xf32, #tpu.memory_space<vmem_shared>>
      tpu.wait_dma2 semaphore(%run_scoped3A : memref<!tpu.dma_semaphore, #tpu.memory_space<semaphore_mem>>) src(%arg8 : memref<80x64xf32, #tpu.memory_space<vmem>>) dst(%dma_wait3A_81 : memref<80x64xf32, #tpu.memory_space<vmem_shared>>)
      tpu.yield
    }) : () -> ()
    %mul3A_40 = arith.constant 640 : i32
    %mul3A_41 = arith.muli %arg1, %mul3A_40 : i32
    %add3A_42 = arith.constant 400 : i32
    %add3A_43 = arith.addi %mul3A_41, %add3A_42 : i32
    "tpu.region"() ({
      %run_scoped3A = tpu.sem_alloc : memref<!tpu.dma_semaphore, #tpu.memory_space<semaphore_mem>>
      %dma_start3A_74 = arith.constant 0 : i32
      %dma_start3A_75 = tpu.memref_slice %arg9[%add3A_43, %dma_start3A_74] : memref<10240x64xf32, #tpu.memory_space<vmem_shared>> -> memref<80x64xf32, #tpu.memory_space<vmem_shared>>
      %dma_start3A_76 = arith.constant 0 : i32
      %dma_start3A_77 = tpu.memref_slice %arg9[%add3A_43, %dma_start3A_76] : memref<10240x64xf32, #tpu.memory_space<vmem_shared>> -> memref<80x64xf32, #tpu.memory_space<vmem_shared>>
      tpu.enqueue_dma source(%arg8 : memref<80x64xf32, #tpu.memory_space<vmem>>) target(%dma_start3A_77 : memref<80x64xf32, #tpu.memory_space<vmem_shared>>) target_semaphore(%run_scoped3A : memref<!tpu.dma_semaphore, #tpu.memory_space<semaphore_mem>>)
      %dma_wait3A_78 = arith.constant 0 : i32
      %dma_wait3A_79 = tpu.memref_slice %arg9[%add3A_43, %dma_wait3A_78] : memref<10240x64xf32, #tpu.memory_space<vmem_shared>> -> memref<80x64xf32, #tpu.memory_space<vmem_shared>>
      %dma_wait3A_80 = arith.constant 0 : i32
      %dma_wait3A_81 = tpu.memref_slice %arg9[%add3A_43, %dma_wait3A_80] : memref<10240x64xf32, #tpu.memory_space<vmem_shared>> -> memref<80x64xf32, #tpu.memory_space<vmem_shared>>
      tpu.wait_dma2 semaphore(%run_scoped3A : memref<!tpu.dma_semaphore, #tpu.memory_space<semaphore_mem>>) src(%arg8 : memref<80x64xf32, #tpu.memory_space<vmem>>) dst(%dma_wait3A_81 : memref<80x64xf32, #tpu.memory_space<vmem_shared>>)
      tpu.yield
    }) : () -> ()
    %mul3A_44 = arith.constant 640 : i32
    %mul3A_45 = arith.muli %arg1, %mul3A_44 : i32
    %add3A_46 = arith.constant 480 : i32
    %add3A_47 = arith.addi %mul3A_45, %add3A_46 : i32
    "tpu.region"() ({
      %run_scoped3A = tpu.sem_alloc : memref<!tpu.dma_semaphore, #tpu.memory_space<semaphore_mem>>
      %dma_start3A_74 = arith.constant 0 : i32
      %dma_start3A_75 = tpu.memref_slice %arg9[%add3A_47, %dma_start3A_74] : memref<10240x64xf32, #tpu.memory_space<vmem_shared>> -> memref<80x64xf32, #tpu.memory_space<vmem_shared>>
      %dma_start3A_76 = arith.constant 0 : i32
      %dma_start3A_77 = tpu.memref_slice %arg9[%add3A_47, %dma_start3A_76] : memref<10240x64xf32, #tpu.memory_space<vmem_shared>> -> memref<80x64xf32, #tpu.memory_space<vmem_shared>>
      tpu.enqueue_dma source(%arg8 : memref<80x64xf32, #tpu.memory_space<vmem>>) target(%dma_start3A_77 : memref<80x64xf32, #tpu.memory_space<vmem_shared>>) target_semaphore(%run_scoped3A : memref<!tpu.dma_semaphore, #tpu.memory_space<semaphore_mem>>)
      %dma_wait3A_78 = arith.constant 0 : i32
      %dma_wait3A_79 = tpu.memref_slice %arg9[%add3A_47, %dma_wait3A_78] : memref<10240x64xf32, #tpu.memory_space<vmem_shared>> -> memref<80x64xf32, #tpu.memory_space<vmem_shared>>
      %dma_wait3A_80 = arith.constant 0 : i32
      %dma_wait3A_81 = tpu.memref_slice %arg9[%add3A_47, %dma_wait3A_80] : memref<10240x64xf32, #tpu.memory_space<vmem_shared>> -> memref<80x64xf32, #tpu.memory_space<vmem_shared>>
      tpu.wait_dma2 semaphore(%run_scoped3A : memref<!tpu.dma_semaphore, #tpu.memory_space<semaphore_mem>>) src(%arg8 : memref<80x64xf32, #tpu.memory_space<vmem>>) dst(%dma_wait3A_81 : memref<80x64xf32, #tpu.memory_space<vmem_shared>>)
      tpu.yield
    }) : () -> ()
    %mul3A_48 = arith.constant 640 : i32
    %mul3A_49 = arith.muli %arg1, %mul3A_48 : i32
    %add3A_50 = arith.constant 560 : i32
    %add3A_51 = arith.addi %mul3A_49, %add3A_50 : i32
    "tpu.region"() ({
      %run_scoped3A = tpu.sem_alloc : memref<!tpu.dma_semaphore, #tpu.memory_space<semaphore_mem>>
      %dma_start3A_74 = arith.constant 0 : i32
      %dma_start3A_75 = tpu.memref_slice %arg9[%add3A_51, %dma_start3A_74] : memref<10240x64xf32, #tpu.memory_space<vmem_shared>> -> memref<80x64xf32, #tpu.memory_space<vmem_shared>>
      %dma_start3A_76 = arith.constant 0 : i32
      %dma_start3A_77 = tpu.memref_slice %arg9[%add3A_51, %dma_start3A_76] : memref<10240x64xf32, #tpu.memory_space<vmem_shared>> -> memref<80x64xf32, #tpu.memory_space<vmem_shared>>
      tpu.enqueue_dma source(%arg8 : memref<80x64xf32, #tpu.memory_space<vmem>>) target(%dma_start3A_77 : memref<80x64xf32, #tpu.memory_space<vmem_shared>>) target_semaphore(%run_scoped3A : memref<!tpu.dma_semaphore, #tpu.memory_space<semaphore_mem>>)
      %dma_wait3A_78 = arith.constant 0 : i32
      %dma_wait3A_79 = tpu.memref_slice %arg9[%add3A_51, %dma_wait3A_78] : memref<10240x64xf32, #tpu.memory_space<vmem_shared>> -> memref<80x64xf32, #tpu.memory_space<vmem_shared>>
      %dma_wait3A_80 = arith.constant 0 : i32
      %dma_wait3A_81 = tpu.memref_slice %arg9[%add3A_51, %dma_wait3A_80] : memref<10240x64xf32, #tpu.memory_space<vmem_shared>> -> memref<80x64xf32, #tpu.memory_space<vmem_shared>>
      tpu.wait_dma2 semaphore(%run_scoped3A : memref<!tpu.dma_semaphore, #tpu.memory_space<semaphore_mem>>) src(%arg8 : memref<80x64xf32, #tpu.memory_space<vmem>>) dst(%dma_wait3A_81 : memref<80x64xf32, #tpu.memory_space<vmem_shared>>)
      tpu.yield
    }) : () -> ()
    %barrier3A = arith.constant 0 : index
    tpu.barrier barrier_id(%barrier3A)
    %scan3A_52 = arith.constant 0 : i32
    %scan3A_53 = arith.constant 0 : i32
    %scan3A_54 = arith.constant 12 : i32
    %scan3A_55 = arith.addi %scan3A_53, %scan3A_54 : i32
    %scan3A_56 = arith.constant 1 : i32
    scf.for %scan3A_74 = %scan3A_53 to %scan3A_55 step %scan3A_56  : i32 {
      %mul3A_75 = arith.constant 2 : i32
      %mul3A_76 = arith.muli %mul3A_75, %scan3A_74 : i32
      %add3A_77 = arith.constant 0 : i32
      %add3A_78 = arith.addi %mul3A_76, %add3A_77 : i32
      %dma_wait3A_79 = arith.constant 0 : i32
      %dma_wait3A_80 = arith.constant 0 : i32
      %dma_wait3A_81 = tpu.memref_slice %arg2[%dma_wait3A_79, %dma_wait3A_80] : memref<64000x64xf32, #tpu.memory_space<hbm>> -> memref<80x64xf32, #tpu.memory_space<hbm>>
      %dma_wait3A_82 = arith.constant 0 : i32
      %dma_wait3A_83 = arith.constant 0 : i32
      %dma_wait3A_84 = tpu.memref_slice %arg2[%dma_wait3A_82, %dma_wait3A_83] : memref<64000x64xf32, #tpu.memory_space<hbm>> -> memref<80x64xf32, #tpu.memory_space<hbm>>
      tpu.wait_dma2 semaphore(%arg10 : memref<!tpu.dma_semaphore, #tpu.memory_space<semaphore_mem>>) src(%dma_wait3A_84 : memref<80x64xf32, #tpu.memory_space<hbm>>) dst(%arg6 : memref<80x64xf32, #tpu.memory_space<vmem>>)
      %mul3A_85 = arith.constant 80 : i32
      %mul3A_86 = arith.muli %add3A_78, %mul3A_85 : i32
      "tpu.region"() ({
        %run_scoped3A = tpu.sem_alloc : memref<!tpu.dma_semaphore, #tpu.memory_space<semaphore_mem>>
        %dma_start3A_120 = tpu.memref_slice %arg5[%mul3A_86] : memref<2000xi32, #tpu.memory_space<vmem>> -> memref<80xi32, #tpu.memory_space<vmem>>
        %dma_start3A_121 = arith.constant 0 : i32
        %dma_start3A_122 = arith.constant 0 : i32
        %dma_start3A_123 = tpu.memref_slice %arg9[%dma_start3A_121, %dma_start3A_122] : memref<10240x64xf32, #tpu.memory_space<vmem_shared>> -> memref<10240x64xf32, #tpu.memory_space<vmem_shared>>
        tpu.enqueue_indirect_dma source(%arg6 : memref<80x64xf32, #tpu.memory_space<vmem>>) target(%dma_start3A_123 : memref<10240x64xf32, #tpu.memory_space<vmem_shared>>) offsets(%dma_start3A_120 : memref<80xi32, #tpu.memory_space<vmem>>) semaphore(%run_scoped3A : memref<!tpu.dma_semaphore, #tpu.memory_space<semaphore_mem>>) {add = true}
        %dma_wait3A_124 = tpu.memref_slice %arg5[%mul3A_86] : memref<2000xi32, #tpu.memory_space<vmem>> -> memref<80xi32, #tpu.memory_space<vmem>>
        %dma_wait3A_125 = arith.constant 0 : i32
        %dma_wait3A_126 = arith.constant 0 : i32
        %dma_wait3A_127 = tpu.memref_slice %arg9[%dma_wait3A_125, %dma_wait3A_126] : memref<10240x64xf32, #tpu.memory_space<vmem_shared>> -> memref<10240x64xf32, #tpu.memory_space<vmem_shared>>
        tpu.wait_indirect_dma semaphore(%run_scoped3A : memref<!tpu.dma_semaphore, #tpu.memory_space<semaphore_mem>>) src(%arg6 : memref<80x64xf32, #tpu.memory_space<vmem>>) dst(%dma_wait3A_127 : memref<10240x64xf32, #tpu.memory_space<vmem_shared>>)
        tpu.yield
      }) : () -> ()
      %add3A_87 = arith.constant 2 : i32
      %add3A_88 = arith.addi %add3A_78, %add3A_87 : i32
      %min3A = arith.constant 24 : i32
      %min3A_89 = arith.minsi %add3A_88, %min3A : i32
      %mul3A_90 = arith.constant 80 : i32
      %mul3A_91 = arith.muli %min3A_89, %mul3A_90 : i32
      %add3A_92 = arith.addi %mul3A_2, %mul3A_91 : i32
      %dma_start3A_93 = arith.constant 0 : i32
      %dma_start3A_94 = tpu.memref_slice %arg2[%add3A_92, %dma_start3A_93] : memref<64000x64xf32, #tpu.memory_space<hbm>> -> memref<80x64xf32, #tpu.memory_space<hbm>>
      %dma_start3A_95 = arith.constant 0 : i32
      %dma_start3A_96 = tpu.memref_slice %arg2[%add3A_92, %dma_start3A_95] : memref<64000x64xf32, #tpu.memory_space<hbm>> -> memref<80x64xf32, #tpu.memory_space<hbm>>
      tpu.enqueue_dma source(%dma_start3A_96 : memref<80x64xf32, #tpu.memory_space<hbm>>) target(%arg6 : memref<80x64xf32, #tpu.memory_space<vmem>>) target_semaphore(%arg10 : memref<!tpu.dma_semaphore, #tpu.memory_space<semaphore_mem>>)
      %mul3A_97 = arith.constant 2 : i32
      %mul3A_98 = arith.muli %mul3A_97, %scan3A_74 : i32
      %add3A_99 = arith.constant 1 : i32
      %add3A_100 = arith.addi %mul3A_98, %add3A_99 : i32
      %dma_wait3A_101 = arith.constant 0 : i32
      %dma_wait3A_102 = arith.constant 0 : i32
      %dma_wait3A_103 = tpu.memref_slice %arg2[%dma_wait3A_101, %dma_wait3A_102] : memref<64000x64xf32, #tpu.memory_space<hbm>> -> memref<80x64xf32, #tpu.memory_space<hbm>>
      %dma_wait3A_104 = arith.constant 0 : i32
      %dma_wait3A_105 = arith.constant 0 : i32
      %dma_wait3A_106 = tpu.memref_slice %arg2[%dma_wait3A_104, %dma_wait3A_105] : memref<64000x64xf32, #tpu.memory_space<hbm>> -> memref<80x64xf32, #tpu.memory_space<hbm>>
      tpu.wait_dma2 semaphore(%arg11 : memref<!tpu.dma_semaphore, #tpu.memory_space<semaphore_mem>>) src(%dma_wait3A_106 : memref<80x64xf32, #tpu.memory_space<hbm>>) dst(%arg7 : memref<80x64xf32, #tpu.memory_space<vmem>>)
      %mul3A_107 = arith.constant 80 : i32
      %mul3A_108 = arith.muli %add3A_100, %mul3A_107 : i32
      "tpu.region"() ({
        %run_scoped3A = tpu.sem_alloc : memref<!tpu.dma_semaphore, #tpu.memory_space<semaphore_mem>>
        %dma_start3A_120 = tpu.memref_slice %arg5[%mul3A_108] : memref<2000xi32, #tpu.memory_space<vmem>> -> memref<80xi32, #tpu.memory_space<vmem>>
        %dma_start3A_121 = arith.constant 0 : i32
        %dma_start3A_122 = arith.constant 0 : i32
        %dma_start3A_123 = tpu.memref_slice %arg9[%dma_start3A_121, %dma_start3A_122] : memref<10240x64xf32, #tpu.memory_space<vmem_shared>> -> memref<10240x64xf32, #tpu.memory_space<vmem_shared>>
        tpu.enqueue_indirect_dma source(%arg7 : memref<80x64xf32, #tpu.memory_space<vmem>>) target(%dma_start3A_123 : memref<10240x64xf32, #tpu.memory_space<vmem_shared>>) offsets(%dma_start3A_120 : memref<80xi32, #tpu.memory_space<vmem>>) semaphore(%run_scoped3A : memref<!tpu.dma_semaphore, #tpu.memory_space<semaphore_mem>>) {add = true}
        %dma_wait3A_124 = tpu.memref_slice %arg5[%mul3A_108] : memref<2000xi32, #tpu.memory_space<vmem>> -> memref<80xi32, #tpu.memory_space<vmem>>
        %dma_wait3A_125 = arith.constant 0 : i32
        %dma_wait3A_126 = arith.constant 0 : i32
        %dma_wait3A_127 = tpu.memref_slice %arg9[%dma_wait3A_125, %dma_wait3A_126] : memref<10240x64xf32, #tpu.memory_space<vmem_shared>> -> memref<10240x64xf32, #tpu.memory_space<vmem_shared>>
        tpu.wait_indirect_dma semaphore(%run_scoped3A : memref<!tpu.dma_semaphore, #tpu.memory_space<semaphore_mem>>) src(%arg7 : memref<80x64xf32, #tpu.memory_space<vmem>>) dst(%dma_wait3A_127 : memref<10240x64xf32, #tpu.memory_space<vmem_shared>>)
        tpu.yield
      }) : () -> ()
      %add3A_109 = arith.constant 2 : i32
      %add3A_110 = arith.addi %add3A_100, %add3A_109 : i32
      %min3A_111 = arith.constant 24 : i32
      %min3A_112 = arith.minsi %add3A_110, %min3A_111 : i32
      %mul3A_113 = arith.constant 80 : i32
      %mul3A_114 = arith.muli %min3A_112, %mul3A_113 : i32
      %add3A_115 = arith.addi %mul3A_2, %mul3A_114 : i32
      %dma_start3A_116 = arith.constant 0 : i32
      %dma_start3A_117 = tpu.memref_slice %arg2[%add3A_115, %dma_start3A_116] : memref<64000x64xf32, #tpu.memory_space<hbm>> -> memref<80x64xf32, #tpu.memory_space<hbm>>
      %dma_start3A_118 = arith.constant 0 : i32
      %dma_start3A_119 = tpu.memref_slice %arg2[%add3A_115, %dma_start3A_118] : memref<64000x64xf32, #tpu.memory_space<hbm>> -> memref<80x64xf32, #tpu.memory_space<hbm>>
      tpu.enqueue_dma source(%dma_start3A_119 : memref<80x64xf32, #tpu.memory_space<hbm>>) target(%arg7 : memref<80x64xf32, #tpu.memory_space<vmem>>) target_semaphore(%arg11 : memref<!tpu.dma_semaphore, #tpu.memory_space<semaphore_mem>>)
    }
    %scan3A_57 = arith.constant 12 : i32
    %dma_wait3A = arith.constant 0 : i32
    %dma_wait3A_58 = arith.constant 0 : i32
    %dma_wait3A_59 = tpu.memref_slice %arg2[%dma_wait3A, %dma_wait3A_58] : memref<64000x64xf32, #tpu.memory_space<hbm>> -> memref<80x64xf32, #tpu.memory_space<hbm>>
    %dma_wait3A_60 = arith.constant 0 : i32
    %dma_wait3A_61 = arith.constant 0 : i32
    %dma_wait3A_62 = tpu.memref_slice %arg2[%dma_wait3A_60, %dma_wait3A_61] : memref<64000x64xf32, #tpu.memory_space<hbm>> -> memref<80x64xf32, #tpu.memory_space<hbm>>
    tpu.wait_dma2 semaphore(%arg10 : memref<!tpu.dma_semaphore, #tpu.memory_space<semaphore_mem>>) src(%dma_wait3A_62 : memref<80x64xf32, #tpu.memory_space<hbm>>) dst(%arg6 : memref<80x64xf32, #tpu.memory_space<vmem>>)
    "tpu.region"() ({
      %run_scoped3A = tpu.sem_alloc : memref<!tpu.dma_semaphore, #tpu.memory_space<semaphore_mem>>
      %dma_start3A_74 = arith.constant 1920 : i32
      %dma_start3A_75 = tpu.memref_slice %arg5[%dma_start3A_74] : memref<2000xi32, #tpu.memory_space<vmem>> -> memref<80xi32, #tpu.memory_space<vmem>>
      %dma_start3A_76 = arith.constant 0 : i32
      %dma_start3A_77 = arith.constant 0 : i32
      %dma_start3A_78 = tpu.memref_slice %arg9[%dma_start3A_76, %dma_start3A_77] : memref<10240x64xf32, #tpu.memory_space<vmem_shared>> -> memref<10240x64xf32, #tpu.memory_space<vmem_shared>>
      tpu.enqueue_indirect_dma source(%arg6 : memref<80x64xf32, #tpu.memory_space<vmem>>) target(%dma_start3A_78 : memref<10240x64xf32, #tpu.memory_space<vmem_shared>>) offsets(%dma_start3A_75 : memref<80xi32, #tpu.memory_space<vmem>>) semaphore(%run_scoped3A : memref<!tpu.dma_semaphore, #tpu.memory_space<semaphore_mem>>) {add = true}
      %dma_wait3A_79 = arith.constant 1920 : i32
      %dma_wait3A_80 = tpu.memref_slice %arg5[%dma_wait3A_79] : memref<2000xi32, #tpu.memory_space<vmem>> -> memref<80xi32, #tpu.memory_space<vmem>>
      %dma_wait3A_81 = arith.constant 0 : i32
      %dma_wait3A_82 = arith.constant 0 : i32
      %dma_wait3A_83 = tpu.memref_slice %arg9[%dma_wait3A_81, %dma_wait3A_82] : memref<10240x64xf32, #tpu.memory_space<vmem_shared>> -> memref<10240x64xf32, #tpu.memory_space<vmem_shared>>
      tpu.wait_indirect_dma semaphore(%run_scoped3A : memref<!tpu.dma_semaphore, #tpu.memory_space<semaphore_mem>>) src(%arg6 : memref<80x64xf32, #tpu.memory_space<vmem>>) dst(%dma_wait3A_83 : memref<10240x64xf32, #tpu.memory_space<vmem_shared>>)
      tpu.yield
    }) : () -> ()
    %dma_wait3A_63 = arith.constant 0 : i32
    %dma_wait3A_64 = arith.constant 0 : i32
    %dma_wait3A_65 = tpu.memref_slice %arg2[%dma_wait3A_63, %dma_wait3A_64] : memref<64000x64xf32, #tpu.memory_space<hbm>> -> memref<80x64xf32, #tpu.memory_space<hbm>>
    %dma_wait3A_66 = arith.constant 0 : i32
    %dma_wait3A_67 = arith.constant 0 : i32
    %dma_wait3A_68 = tpu.memref_slice %arg2[%dma_wait3A_66, %dma_wait3A_67] : memref<64000x64xf32, #tpu.memory_space<hbm>> -> memref<80x64xf32, #tpu.memory_space<hbm>>
    tpu.wait_dma2 semaphore(%arg11 : memref<!tpu.dma_semaphore, #tpu.memory_space<semaphore_mem>>) src(%dma_wait3A_68 : memref<80x64xf32, #tpu.memory_space<hbm>>) dst(%arg7 : memref<80x64xf32, #tpu.memory_space<vmem>>)
    %barrier3A_69 = arith.constant 0 : index
    tpu.barrier barrier_id(%barrier3A_69)
    %mul3A_70 = arith.constant 640 : i32
    %mul3A_71 = arith.muli %arg1, %mul3A_70 : i32
    %mul3A_72 = arith.constant 640 : i32
    %mul3A_73 = arith.muli %arg1, %mul3A_72 : i32
    "tpu.region"() ({
      %run_scoped3A = tpu.sem_alloc : memref<!tpu.dma_semaphore, #tpu.memory_space<semaphore_mem>>
      %dma_start3A_74 = arith.constant 0 : i32
      %dma_start3A_75 = tpu.memref_slice %arg4[%arg0, %mul3A_73, %dma_start3A_74] : memref<2x10240x64xf32, #tpu.memory_space<hbm>> -> memref<1x640x64xf32, #tpu.memory_space<hbm>>
      %dma_start3A_76 = tpu.memref_squeeze %dma_start3A_75 : memref<1x640x64xf32, #tpu.memory_space<hbm>> -> memref<640x64xf32, #tpu.memory_space<hbm>>
      %dma_start3A_77 = arith.constant 0 : i32
      %dma_start3A_78 = tpu.memref_slice %arg9[%mul3A_71, %dma_start3A_77] : memref<10240x64xf32, #tpu.memory_space<vmem_shared>> -> memref<640x64xf32, #tpu.memory_space<vmem_shared>>
      tpu.enqueue_dma source(%dma_start3A_78 : memref<640x64xf32, #tpu.memory_space<vmem_shared>>) target(%dma_start3A_76 : memref<640x64xf32, #tpu.memory_space<hbm>>) target_semaphore(%run_scoped3A : memref<!tpu.dma_semaphore, #tpu.memory_space<semaphore_mem>>)
      %dma_wait3A_79 = arith.constant 0 : i32
      %dma_wait3A_80 = tpu.memref_slice %arg4[%arg0, %mul3A_73, %dma_wait3A_79] : memref<2x10240x64xf32, #tpu.memory_space<hbm>> -> memref<1x640x64xf32, #tpu.memory_space<hbm>>
      %dma_wait3A_81 = tpu.memref_squeeze %dma_wait3A_80 : memref<1x640x64xf32, #tpu.memory_space<hbm>> -> memref<640x64xf32, #tpu.memory_space<hbm>>
      %dma_wait3A_82 = arith.constant 0 : i32
      %dma_wait3A_83 = tpu.memref_slice %arg9[%mul3A_71, %dma_wait3A_82] : memref<10240x64xf32, #tpu.memory_space<vmem_shared>> -> memref<640x64xf32, #tpu.memory_space<vmem_shared>>
      tpu.wait_dma2 semaphore(%run_scoped3A : memref<!tpu.dma_semaphore, #tpu.memory_space<semaphore_mem>>) src(%dma_wait3A_83 : memref<640x64xf32, #tpu.memory_space<vmem_shared>>) dst(%dma_wait3A_81 : memref<640x64xf32, #tpu.memory_space<hbm>>)
      tpu.yield
    }) : () -> ()
    return
  }
}

#map = affine_map<(d0, d1) -> (0, 0)>
#map1 = affine_map<(d0, d1) -> (0, 0, 0)>
module attributes {stable_mosaic.version = 14 : i64} {
  func.func @seg_sum(%arg0: i32, %arg1: i32, %arg2: memref<64000x64xf32, #tpu.memory_space<hbm>>, %arg3: memref<32x2000xi32, #tpu.memory_space<hbm>>, %arg4: memref<2x10240x64xf32, #tpu.memory_space<hbm>>, %arg5: memref<2000xi32, #tpu.memory_space<vmem>>, %arg6: memref<80x64xf32, #tpu.memory_space<vmem>>, %arg7: memref<80x64xf32, #tpu.memory_space<vmem>>, %arg8: memref<80x64xf32, #tpu.memory_space<vmem>>, %arg9: memref<10240x64xf32, #tpu.memory_space<vmem_shared>>, %arg10: memref<!tpu.dma_semaphore, #tpu.memory_space<semaphore_mem>>, %arg11: memref<!tpu.dma_semaphore, #tpu.memory_space<semaphore_mem>>) attributes {dimension_semantics = [#tpu.dimension_semantics<core_parallel>, #tpu.dimension_semantics<subcore_parallel>], iteration_bounds = array<i64: 2, 16>, scalar_prefetch = 0 : i64, scratch_operands = 7 : i64, tpu.core_type = #tpu.core_type<sc_vector_subcore>, window_params = [{transform_indices = #map}, {transform_indices = #map}, {transform_indices = #map1}]} {
    %mul3A = arith.constant 2 : i32
    %mul3A_0 = arith.muli %arg1, %mul3A : i32
    %add3A = arith.addi %mul3A_0, %arg0 : i32
    %mul3A_1 = arith.constant 2000 : i32
    %mul3A_2 = arith.muli %add3A, %mul3A_1 : i32
    %add3A_3 = arith.constant 0 : i32
    %add3A_4 = arith.addi %mul3A_2, %add3A_3 : i32
    %dma_start3A = arith.constant 0 : i32
    %dma_start3A_5 = tpu.memref_slice %arg2[%add3A_4, %dma_start3A] : memref<64000x64xf32, #tpu.memory_space<hbm>> -> memref<80x64xf32, #tpu.memory_space<hbm>>
    %dma_start3A_6 = arith.constant 0 : i32
    %dma_start3A_7 = tpu.memref_slice %arg2[%add3A_4, %dma_start3A_6] : memref<64000x64xf32, #tpu.memory_space<hbm>> -> memref<80x64xf32, #tpu.memory_space<hbm>>
    tpu.enqueue_dma source(%dma_start3A_7 : memref<80x64xf32, #tpu.memory_space<hbm>>) target(%arg6 : memref<80x64xf32, #tpu.memory_space<vmem>>) target_semaphore(%arg10 : memref<!tpu.dma_semaphore, #tpu.memory_space<semaphore_mem>>)
    %add3A_8 = arith.constant 80 : i32
    %add3A_9 = arith.addi %mul3A_2, %add3A_8 : i32
    %dma_start3A_10 = arith.constant 0 : i32
    %dma_start3A_11 = tpu.memref_slice %arg2[%add3A_9, %dma_start3A_10] : memref<64000x64xf32, #tpu.memory_space<hbm>> -> memref<80x64xf32, #tpu.memory_space<hbm>>
    %dma_start3A_12 = arith.constant 0 : i32
    %dma_start3A_13 = tpu.memref_slice %arg2[%add3A_9, %dma_start3A_12] : memref<64000x64xf32, #tpu.memory_space<hbm>> -> memref<80x64xf32, #tpu.memory_space<hbm>>
    tpu.enqueue_dma source(%dma_start3A_13 : memref<80x64xf32, #tpu.memory_space<hbm>>) target(%arg7 : memref<80x64xf32, #tpu.memory_space<vmem>>) target_semaphore(%arg11 : memref<!tpu.dma_semaphore, #tpu.memory_space<semaphore_mem>>)
    "tpu.region"() ({
      %run_scoped3A = tpu.sem_alloc : memref<!tpu.dma_semaphore, #tpu.memory_space<semaphore_mem>>
      %dma_start3A_74 = arith.constant 0 : i32
      %dma_start3A_75 = tpu.memref_slice %arg3[%add3A, %dma_start3A_74] : memref<32x2000xi32, #tpu.memory_space<hbm>> -> memref<1x2000xi32, #tpu.memory_space<hbm>>
      %dma_start3A_76 = tpu.memref_squeeze %dma_start3A_75 : memref<1x2000xi32, #tpu.memory_space<hbm>> -> memref<2000xi32, #tpu.memory_space<hbm>>
      %dma_start3A_77 = arith.constant 0 : i32
      %dma_start3A_78 = tpu.memref_slice %arg3[%add3A, %dma_start3A_77] : memref<32x2000xi32, #tpu.memory_space<hbm>> -> memref<1x2000xi32, #tpu.memory_space<hbm>>
      %dma_start3A_79 = tpu.memref_squeeze %dma_start3A_78 : memref<1x2000xi32, #tpu.memory_space<hbm>> -> memref<2000xi32, #tpu.memory_space<hbm>>
      tpu.enqueue_dma source(%dma_start3A_79 : memref<2000xi32, #tpu.memory_space<hbm>>) target(%arg5 : memref<2000xi32, #tpu.memory_space<vmem>>) target_semaphore(%run_scoped3A : memref<!tpu.dma_semaphore, #tpu.memory_space<semaphore_mem>>)
      %dma_wait3A_80 = arith.constant 0 : i32
      %dma_wait3A_81 = tpu.memref_slice %arg3[%add3A, %dma_wait3A_80] : memref<32x2000xi32, #tpu.memory_space<hbm>> -> memref<1x2000xi32, #tpu.memory_space<hbm>>
      %dma_wait3A_82 = tpu.memref_squeeze %dma_wait3A_81 : memref<1x2000xi32, #tpu.memory_space<hbm>> -> memref<2000xi32, #tpu.memory_space<hbm>>
      %dma_wait3A_83 = arith.constant 0 : i32
      %dma_wait3A_84 = tpu.memref_slice %arg3[%add3A, %dma_wait3A_83] : memref<32x2000xi32, #tpu.memory_space<hbm>> -> memref<1x2000xi32, #tpu.memory_space<hbm>>
      %dma_wait3A_85 = tpu.memref_squeeze %dma_wait3A_84 : memref<1x2000xi32, #tpu.memory_space<hbm>> -> memref<2000xi32, #tpu.memory_space<hbm>>
      tpu.wait_dma2 semaphore(%run_scoped3A : memref<!tpu.dma_semaphore, #tpu.memory_space<semaphore_mem>>) src(%dma_wait3A_85 : memref<2000xi32, #tpu.memory_space<hbm>>) dst(%arg5 : memref<2000xi32, #tpu.memory_space<vmem>>)
      tpu.yield
    }) : () -> ()
    %broadcast_in_dim3A = arith.constant 0.000000e+00 : f32
    %broadcast_in_dim3A_14 = vector.broadcast %broadcast_in_dim3A : f32 to vector<16xf32>
    %scan3A = arith.constant 0 : i32
    %scan3A_15 = arith.constant 0 : i32
    %scan3A_16 = arith.constant 80 : i32
    %scan3A_17 = arith.addi %scan3A_15, %scan3A_16 : i32
    %scan3A_18 = arith.constant 1 : i32
    scf.for %scan3A_74 = %scan3A_15 to %scan3A_17 step %scan3A_18  : i32 {
      %swap3A = arith.index_cast %scan3A_74 : i32 to index
      %swap3A_75 = arith.constant 0 : index
      %swap3A_76 = tpu.vector_load %arg8[%swap3A, %swap3A_75] {strides = array<i32>} : memref<80x64xf32, #tpu.memory_space<vmem>>, vector<1x16xf32>,
      %swap3A_77 = vector.shape_cast %swap3A_76 : vector<1x16xf32> to vector<16xf32>
      %swap3A_78 = vector.shape_cast %broadcast_in_dim3A_14 : vector<16xf32> to vector<1x16xf32>
      tpu.vector_store %arg8[%swap3A, %swap3A_75], %swap3A_78 {strides = array<i32>} : memref<80x64xf32, #tpu.memory_space<vmem>>, vector<1x16xf32>,
      %swap3A_79 = arith.index_cast %scan3A_74 : i32 to index
      %swap3A_80 = arith.constant 16 : index
      %swap3A_81 = tpu.vector_load %arg8[%swap3A_79, %swap3A_80] {strides = array<i32>} : memref<80x64xf32, #tpu.memory_space<vmem>>, vector<1x16xf32>,
      %swap3A_82 = vector.shape_cast %swap3A_81 : vector<1x16xf32> to vector<16xf32>
      %swap3A_83 = vector.shape_cast %broadcast_in_dim3A_14 : vector<16xf32> to vector<1x16xf32>
      tpu.vector_store %arg8[%swap3A_79, %swap3A_80], %swap3A_83 {strides = array<i32>} : memref<80x64xf32, #tpu.memory_space<vmem>>, vector<1x16xf32>,
      %swap3A_84 = arith.index_cast %scan3A_74 : i32 to index
      %swap3A_85 = arith.constant 32 : index
      %swap3A_86 = tpu.vector_load %arg8[%swap3A_84, %swap3A_85] {strides = array<i32>} : memref<80x64xf32, #tpu.memory_space<vmem>>, vector<1x16xf32>,
      %swap3A_87 = vector.shape_cast %swap3A_86 : vector<1x16xf32> to vector<16xf32>
      %swap3A_88 = vector.shape_cast %broadcast_in_dim3A_14 : vector<16xf32> to vector<1x16xf32>
      tpu.vector_store %arg8[%swap3A_84, %swap3A_85], %swap3A_88 {strides = array<i32>} : memref<80x64xf32, #tpu.memory_space<vmem>>, vector<1x16xf32>,
      %swap3A_89 = arith.index_cast %scan3A_74 : i32 to index
      %swap3A_90 = arith.constant 48 : index
      %swap3A_91 = tpu.vector_load %arg8[%swap3A_89, %swap3A_90] {strides = array<i32>} : memref<80x64xf32, #tpu.memory_space<vmem>>, vector<1x16xf32>,
      %swap3A_92 = vector.shape_cast %swap3A_91 : vector<1x16xf32> to vector<16xf32>
      %swap3A_93 = vector.shape_cast %broadcast_in_dim3A_14 : vector<16xf32> to vector<1x16xf32>
      tpu.vector_store %arg8[%swap3A_89, %swap3A_90], %swap3A_93 {strides = array<i32>} : memref<80x64xf32, #tpu.memory_space<vmem>>, vector<1x16xf32>,
    }
    %scan3A_19 = arith.constant 80 : i32
    %mul3A_20 = arith.constant 640 : i32
    %mul3A_21 = arith.muli %arg1, %mul3A_20 : i32
    %add3A_22 = arith.constant 0 : i32
    %add3A_23 = arith.addi %mul3A_21, %add3A_22 : i32
    "tpu.region"() ({
      %run_scoped3A = tpu.sem_alloc : memref<!tpu.dma_semaphore, #tpu.memory_space<semaphore_mem>>
      %dma_start3A_74 = arith.constant 0 : i32
      %dma_start3A_75 = tpu.memref_slice %arg9[%add3A_23, %dma_start3A_74] : memref<10240x64xf32, #tpu.memory_space<vmem_shared>> -> memref<80x64xf32, #tpu.memory_space<vmem_shared>>
      %dma_start3A_76 = arith.constant 0 : i32
      %dma_start3A_77 = tpu.memref_slice %arg9[%add3A_23, %dma_start3A_76] : memref<10240x64xf32, #tpu.memory_space<vmem_shared>> -> memref<80x64xf32, #tpu.memory_space<vmem_shared>>
      tpu.enqueue_dma source(%arg8 : memref<80x64xf32, #tpu.memory_space<vmem>>) target(%dma_start3A_77 : memref<80x64xf32, #tpu.memory_space<vmem_shared>>) target_semaphore(%run_scoped3A : memref<!tpu.dma_semaphore, #tpu.memory_space<semaphore_mem>>)
      %dma_wait3A_78 = arith.constant 0 : i32
      %dma_wait3A_79 = tpu.memref_slice %arg9[%add3A_23, %dma_wait3A_78] : memref<10240x64xf32, #tpu.memory_space<vmem_shared>> -> memref<80x64xf32, #tpu.memory_space<vmem_shared>>
      %dma_wait3A_80 = arith.constant 0 : i32
      %dma_wait3A_81 = tpu.memref_slice %arg9[%add3A_23, %dma_wait3A_80] : memref<10240x64xf32, #tpu.memory_space<vmem_shared>> -> memref<80x64xf32, #tpu.memory_space<vmem_shared>>
      tpu.wait_dma2 semaphore(%run_scoped3A : memref<!tpu.dma_semaphore, #tpu.memory_space<semaphore_mem>>) src(%arg8 : memref<80x64xf32, #tpu.memory_space<vmem>>) dst(%dma_wait3A_81 : memref<80x64xf32, #tpu.memory_space<vmem_shared>>)
      tpu.yield
    }) : () -> ()
    %mul3A_24 = arith.constant 640 : i32
    %mul3A_25 = arith.muli %arg1, %mul3A_24 : i32
    %add3A_26 = arith.constant 80 : i32
    %add3A_27 = arith.addi %mul3A_25, %add3A_26 : i32
    "tpu.region"() ({
      %run_scoped3A = tpu.sem_alloc : memref<!tpu.dma_semaphore, #tpu.memory_space<semaphore_mem>>
      %dma_start3A_74 = arith.constant 0 : i32
      %dma_start3A_75 = tpu.memref_slice %arg9[%add3A_27, %dma_start3A_74] : memref<10240x64xf32, #tpu.memory_space<vmem_shared>> -> memref<80x64xf32, #tpu.memory_space<vmem_shared>>
      %dma_start3A_76 = arith.constant 0 : i32
      %dma_start3A_77 = tpu.memref_slice %arg9[%add3A_27, %dma_start3A_76] : memref<10240x64xf32, #tpu.memory_space<vmem_shared>> -> memref<80x64xf32, #tpu.memory_space<vmem_shared>>
      tpu.enqueue_dma source(%arg8 : memref<80x64xf32, #tpu.memory_space<vmem>>) target(%dma_start3A_77 : memref<80x64xf32, #tpu.memory_space<vmem_shared>>) target_semaphore(%run_scoped3A : memref<!tpu.dma_semaphore, #tpu.memory_space<semaphore_mem>>)
      %dma_wait3A_78 = arith.constant 0 : i32
      %dma_wait3A_79 = tpu.memref_slice %arg9[%add3A_27, %dma_wait3A_78] : memref<10240x64xf32, #tpu.memory_space<vmem_shared>> -> memref<80x64xf32, #tpu.memory_space<vmem_shared>>
      %dma_wait3A_80 = arith.constant 0 : i32
      %dma_wait3A_81 = tpu.memref_slice %arg9[%add3A_27, %dma_wait3A_80] : memref<10240x64xf32, #tpu.memory_space<vmem_shared>> -> memref<80x64xf32, #tpu.memory_space<vmem_shared>>
      tpu.wait_dma2 semaphore(%run_scoped3A : memref<!tpu.dma_semaphore, #tpu.memory_space<semaphore_mem>>) src(%arg8 : memref<80x64xf32, #tpu.memory_space<vmem>>) dst(%dma_wait3A_81 : memref<80x64xf32, #tpu.memory_space<vmem_shared>>)
      tpu.yield
    }) : () -> ()
    %mul3A_28 = arith.constant 640 : i32
    %mul3A_29 = arith.muli %arg1, %mul3A_28 : i32
    %add3A_30 = arith.constant 160 : i32
    %add3A_31 = arith.addi %mul3A_29, %add3A_30 : i32
    "tpu.region"() ({
      %run_scoped3A = tpu.sem_alloc : memref<!tpu.dma_semaphore, #tpu.memory_space<semaphore_mem>>
      %dma_start3A_74 = arith.constant 0 : i32
      %dma_start3A_75 = tpu.memref_slice %arg9[%add3A_31, %dma_start3A_74] : memref<10240x64xf32, #tpu.memory_space<vmem_shared>> -> memref<80x64xf32, #tpu.memory_space<vmem_shared>>
      %dma_start3A_76 = arith.constant 0 : i32
      %dma_start3A_77 = tpu.memref_slice %arg9[%add3A_31, %dma_start3A_76] : memref<10240x64xf32, #tpu.memory_space<vmem_shared>> -> memref<80x64xf32, #tpu.memory_space<vmem_shared>>
      tpu.enqueue_dma source(%arg8 : memref<80x64xf32, #tpu.memory_space<vmem>>) target(%dma_start3A_77 : memref<80x64xf32, #tpu.memory_space<vmem_shared>>) target_semaphore(%run_scoped3A : memref<!tpu.dma_semaphore, #tpu.memory_space<semaphore_mem>>)
      %dma_wait3A_78 = arith.constant 0 : i32
      %dma_wait3A_79 = tpu.memref_slice %arg9[%add3A_31, %dma_wait3A_78] : memref<10240x64xf32, #tpu.memory_space<vmem_shared>> -> memref<80x64xf32, #tpu.memory_space<vmem_shared>>
      %dma_wait3A_80 = arith.constant 0 : i32
      %dma_wait3A_81 = tpu.memref_slice %arg9[%add3A_31, %dma_wait3A_80] : memref<10240x64xf32, #tpu.memory_space<vmem_shared>> -> memref<80x64xf32, #tpu.memory_space<vmem_shared>>
      tpu.wait_dma2 semaphore(%run_scoped3A : memref<!tpu.dma_semaphore, #tpu.memory_space<semaphore_mem>>) src(%arg8 : memref<80x64xf32, #tpu.memory_space<vmem>>) dst(%dma_wait3A_81 : memref<80x64xf32, #tpu.memory_space<vmem_shared>>)
      tpu.yield
    }) : () -> ()
    %mul3A_32 = arith.constant 640 : i32
    %mul3A_33 = arith.muli %arg1, %mul3A_32 : i32
    %add3A_34 = arith.constant 240 : i32
    %add3A_35 = arith.addi %mul3A_33, %add3A_34 : i32
    "tpu.region"() ({
      %run_scoped3A = tpu.sem_alloc : memref<!tpu.dma_semaphore, #tpu.memory_space<semaphore_mem>>
      %dma_start3A_74 = arith.constant 0 : i32
      %dma_start3A_75 = tpu.memref_slice %arg9[%add3A_35, %dma_start3A_74] : memref<10240x64xf32, #tpu.memory_space<vmem_shared>> -> memref<80x64xf32, #tpu.memory_space<vmem_shared>>
      %dma_start3A_76 = arith.constant 0 : i32
      %dma_start3A_77 = tpu.memref_slice %arg9[%add3A_35, %dma_start3A_76] : memref<10240x64xf32, #tpu.memory_space<vmem_shared>> -> memref<80x64xf32, #tpu.memory_space<vmem_shared>>
      tpu.enqueue_dma source(%arg8 : memref<80x64xf32, #tpu.memory_space<vmem>>) target(%dma_start3A_77 : memref<80x64xf32, #tpu.memory_space<vmem_shared>>) target_semaphore(%run_scoped3A : memref<!tpu.dma_semaphore, #tpu.memory_space<semaphore_mem>>)
      %dma_wait3A_78 = arith.constant 0 : i32
      %dma_wait3A_79 = tpu.memref_slice %arg9[%add3A_35, %dma_wait3A_78] : memref<10240x64xf32, #tpu.memory_space<vmem_shared>> -> memref<80x64xf32, #tpu.memory_space<vmem_shared>>
      %dma_wait3A_80 = arith.constant 0 : i32
      %dma_wait3A_81 = tpu.memref_slice %arg9[%add3A_35, %dma_wait3A_80] : memref<10240x64xf32, #tpu.memory_space<vmem_shared>> -> memref<80x64xf32, #tpu.memory_space<vmem_shared>>
      tpu.wait_dma2 semaphore(%run_scoped3A : memref<!tpu.dma_semaphore, #tpu.memory_space<semaphore_mem>>) src(%arg8 : memref<80x64xf32, #tpu.memory_space<vmem>>) dst(%dma_wait3A_81 : memref<80x64xf32, #tpu.memory_space<vmem_shared>>)
      tpu.yield
    }) : () -> ()
    %mul3A_36 = arith.constant 640 : i32
    %mul3A_37 = arith.muli %arg1, %mul3A_36 : i32
    %add3A_38 = arith.constant 320 : i32
    %add3A_39 = arith.addi %mul3A_37, %add3A_38 : i32
    "tpu.region"() ({
      %run_scoped3A = tpu.sem_alloc : memref<!tpu.dma_semaphore, #tpu.memory_space<semaphore_mem>>
      %dma_start3A_74 = arith.constant 0 : i32
      %dma_start3A_75 = tpu.memref_slice %arg9[%add3A_39, %dma_start3A_74] : memref<10240x64xf32, #tpu.memory_space<vmem_shared>> -> memref<80x64xf32, #tpu.memory_space<vmem_shared>>
      %dma_start3A_76 = arith.constant 0 : i32
      %dma_start3A_77 = tpu.memref_slice %arg9[%add3A_39, %dma_start3A_76] : memref<10240x64xf32, #tpu.memory_space<vmem_shared>> -> memref<80x64xf32, #tpu.memory_space<vmem_shared>>
      tpu.enqueue_dma source(%arg8 : memref<80x64xf32, #tpu.memory_space<vmem>>) target(%dma_start3A_77 : memref<80x64xf32, #tpu.memory_space<vmem_shared>>) target_semaphore(%run_scoped3A : memref<!tpu.dma_semaphore, #tpu.memory_space<semaphore_mem>>)
      %dma_wait3A_78 = arith.constant 0 : i32
      %dma_wait3A_79 = tpu.memref_slice %arg9[%add3A_39, %dma_wait3A_78] : memref<10240x64xf32, #tpu.memory_space<vmem_shared>> -> memref<80x64xf32, #tpu.memory_space<vmem_shared>>
      %dma_wait3A_80 = arith.constant 0 : i32
      %dma_wait3A_81 = tpu.memref_slice %arg9[%add3A_39, %dma_wait3A_80] : memref<10240x64xf32, #tpu.memory_space<vmem_shared>> -> memref<80x64xf32, #tpu.memory_space<vmem_shared>>
      tpu.wait_dma2 semaphore(%run_scoped3A : memref<!tpu.dma_semaphore, #tpu.memory_space<semaphore_mem>>) src(%arg8 : memref<80x64xf32, #tpu.memory_space<vmem>>) dst(%dma_wait3A_81 : memref<80x64xf32, #tpu.memory_space<vmem_shared>>)
      tpu.yield
    }) : () -> ()
    %mul3A_40 = arith.constant 640 : i32
    %mul3A_41 = arith.muli %arg1, %mul3A_40 : i32
    %add3A_42 = arith.constant 400 : i32
    %add3A_43 = arith.addi %mul3A_41, %add3A_42 : i32
    "tpu.region"() ({
      %run_scoped3A = tpu.sem_alloc : memref<!tpu.dma_semaphore, #tpu.memory_space<semaphore_mem>>
      %dma_start3A_74 = arith.constant 0 : i32
      %dma_start3A_75 = tpu.memref_slice %arg9[%add3A_43, %dma_start3A_74] : memref<10240x64xf32, #tpu.memory_space<vmem_shared>> -> memref<80x64xf32, #tpu.memory_space<vmem_shared>>
      %dma_start3A_76 = arith.constant 0 : i32
      %dma_start3A_77 = tpu.memref_slice %arg9[%add3A_43, %dma_start3A_76] : memref<10240x64xf32, #tpu.memory_space<vmem_shared>> -> memref<80x64xf32, #tpu.memory_space<vmem_shared>>
      tpu.enqueue_dma source(%arg8 : memref<80x64xf32, #tpu.memory_space<vmem>>) target(%dma_start3A_77 : memref<80x64xf32, #tpu.memory_space<vmem_shared>>) target_semaphore(%run_scoped3A : memref<!tpu.dma_semaphore, #tpu.memory_space<semaphore_mem>>)
      %dma_wait3A_78 = arith.constant 0 : i32
      %dma_wait3A_79 = tpu.memref_slice %arg9[%add3A_43, %dma_wait3A_78] : memref<10240x64xf32, #tpu.memory_space<vmem_shared>> -> memref<80x64xf32, #tpu.memory_space<vmem_shared>>
      %dma_wait3A_80 = arith.constant 0 : i32
      %dma_wait3A_81 = tpu.memref_slice %arg9[%add3A_43, %dma_wait3A_80] : memref<10240x64xf32, #tpu.memory_space<vmem_shared>> -> memref<80x64xf32, #tpu.memory_space<vmem_shared>>
      tpu.wait_dma2 semaphore(%run_scoped3A : memref<!tpu.dma_semaphore, #tpu.memory_space<semaphore_mem>>) src(%arg8 : memref<80x64xf32, #tpu.memory_space<vmem>>) dst(%dma_wait3A_81 : memref<80x64xf32, #tpu.memory_space<vmem_shared>>)
      tpu.yield
    }) : () -> ()
    %mul3A_44 = arith.constant 640 : i32
    %mul3A_45 = arith.muli %arg1, %mul3A_44 : i32
    %add3A_46 = arith.constant 480 : i32
    %add3A_47 = arith.addi %mul3A_45, %add3A_46 : i32
    "tpu.region"() ({
      %run_scoped3A = tpu.sem_alloc : memref<!tpu.dma_semaphore, #tpu.memory_space<semaphore_mem>>
      %dma_start3A_74 = arith.constant 0 : i32
      %dma_start3A_75 = tpu.memref_slice %arg9[%add3A_47, %dma_start3A_74] : memref<10240x64xf32, #tpu.memory_space<vmem_shared>> -> memref<80x64xf32, #tpu.memory_space<vmem_shared>>
      %dma_start3A_76 = arith.constant 0 : i32
      %dma_start3A_77 = tpu.memref_slice %arg9[%add3A_47, %dma_start3A_76] : memref<10240x64xf32, #tpu.memory_space<vmem_shared>> -> memref<80x64xf32, #tpu.memory_space<vmem_shared>>
      tpu.enqueue_dma source(%arg8 : memref<80x64xf32, #tpu.memory_space<vmem>>) target(%dma_start3A_77 : memref<80x64xf32, #tpu.memory_space<vmem_shared>>) target_semaphore(%run_scoped3A : memref<!tpu.dma_semaphore, #tpu.memory_space<semaphore_mem>>)
      %dma_wait3A_78 = arith.constant 0 : i32
      %dma_wait3A_79 = tpu.memref_slice %arg9[%add3A_47, %dma_wait3A_78] : memref<10240x64xf32, #tpu.memory_space<vmem_shared>> -> memref<80x64xf32, #tpu.memory_space<vmem_shared>>
      %dma_wait3A_80 = arith.constant 0 : i32
      %dma_wait3A_81 = tpu.memref_slice %arg9[%add3A_47, %dma_wait3A_80] : memref<10240x64xf32, #tpu.memory_space<vmem_shared>> -> memref<80x64xf32, #tpu.memory_space<vmem_shared>>
      tpu.wait_dma2 semaphore(%run_scoped3A : memref<!tpu.dma_semaphore, #tpu.memory_space<semaphore_mem>>) src(%arg8 : memref<80x64xf32, #tpu.memory_space<vmem>>) dst(%dma_wait3A_81 : memref<80x64xf32, #tpu.memory_space<vmem_shared>>)
      tpu.yield
    }) : () -> ()
    %mul3A_48 = arith.constant 640 : i32
    %mul3A_49 = arith.muli %arg1, %mul3A_48 : i32
    %add3A_50 = arith.constant 560 : i32
    %add3A_51 = arith.addi %mul3A_49, %add3A_50 : i32
    "tpu.region"() ({
      %run_scoped3A = tpu.sem_alloc : memref<!tpu.dma_semaphore, #tpu.memory_space<semaphore_mem>>
      %dma_start3A_74 = arith.constant 0 : i32
      %dma_start3A_75 = tpu.memref_slice %arg9[%add3A_51, %dma_start3A_74] : memref<10240x64xf32, #tpu.memory_space<vmem_shared>> -> memref<80x64xf32, #tpu.memory_space<vmem_shared>>
      %dma_start3A_76 = arith.constant 0 : i32
      %dma_start3A_77 = tpu.memref_slice %arg9[%add3A_51, %dma_start3A_76] : memref<10240x64xf32, #tpu.memory_space<vmem_shared>> -> memref<80x64xf32, #tpu.memory_space<vmem_shared>>
      tpu.enqueue_dma source(%arg8 : memref<80x64xf32, #tpu.memory_space<vmem>>) target(%dma_start3A_77 : memref<80x64xf32, #tpu.memory_space<vmem_shared>>) target_semaphore(%run_scoped3A : memref<!tpu.dma_semaphore, #tpu.memory_space<semaphore_mem>>)
      %dma_wait3A_78 = arith.constant 0 : i32
      %dma_wait3A_79 = tpu.memref_slice %arg9[%add3A_51, %dma_wait3A_78] : memref<10240x64xf32, #tpu.memory_space<vmem_shared>> -> memref<80x64xf32, #tpu.memory_space<vmem_shared>>
      %dma_wait3A_80 = arith.constant 0 : i32
      %dma_wait3A_81 = tpu.memref_slice %arg9[%add3A_51, %dma_wait3A_80] : memref<10240x64xf32, #tpu.memory_space<vmem_shared>> -> memref<80x64xf32, #tpu.memory_space<vmem_shared>>
      tpu.wait_dma2 semaphore(%run_scoped3A : memref<!tpu.dma_semaphore, #tpu.memory_space<semaphore_mem>>) src(%arg8 : memref<80x64xf32, #tpu.memory_space<vmem>>) dst(%dma_wait3A_81 : memref<80x64xf32, #tpu.memory_space<vmem_shared>>)
      tpu.yield
    }) : () -> ()
    %barrier3A = arith.constant 0 : index
    tpu.barrier barrier_id(%barrier3A)
    %scan3A_52 = arith.constant 0 : i32
    %scan3A_53 = arith.constant 0 : i32
    %scan3A_54 = arith.constant 12 : i32
    %scan3A_55 = arith.addi %scan3A_53, %scan3A_54 : i32
    %scan3A_56 = arith.constant 1 : i32
    scf.for %scan3A_74 = %scan3A_53 to %scan3A_55 step %scan3A_56  : i32 {
      %mul3A_75 = arith.constant 2 : i32
      %mul3A_76 = arith.muli %mul3A_75, %scan3A_74 : i32
      %add3A_77 = arith.constant 0 : i32
      %add3A_78 = arith.addi %mul3A_76, %add3A_77 : i32
      %dma_wait3A_79 = arith.constant 0 : i32
      %dma_wait3A_80 = arith.constant 0 : i32
      %dma_wait3A_81 = tpu.memref_slice %arg2[%dma_wait3A_79, %dma_wait3A_80] : memref<64000x64xf32, #tpu.memory_space<hbm>> -> memref<80x64xf32, #tpu.memory_space<hbm>>
      %dma_wait3A_82 = arith.constant 0 : i32
      %dma_wait3A_83 = arith.constant 0 : i32
      %dma_wait3A_84 = tpu.memref_slice %arg2[%dma_wait3A_82, %dma_wait3A_83] : memref<64000x64xf32, #tpu.memory_space<hbm>> -> memref<80x64xf32, #tpu.memory_space<hbm>>
      tpu.wait_dma2 semaphore(%arg10 : memref<!tpu.dma_semaphore, #tpu.memory_space<semaphore_mem>>) src(%dma_wait3A_84 : memref<80x64xf32, #tpu.memory_space<hbm>>) dst(%arg6 : memref<80x64xf32, #tpu.memory_space<vmem>>)
      %mul3A_85 = arith.constant 80 : i32
      %mul3A_86 = arith.muli %add3A_78, %mul3A_85 : i32
      "tpu.region"() ({
        %run_scoped3A = tpu.sem_alloc : memref<!tpu.dma_semaphore, #tpu.memory_space<semaphore_mem>>
        %dma_start3A_120 = tpu.memref_slice %arg5[%mul3A_86] : memref<2000xi32, #tpu.memory_space<vmem>> -> memref<80xi32, #tpu.memory_space<vmem>>
        %dma_start3A_121 = arith.constant 0 : i32
        %dma_start3A_122 = arith.constant 0 : i32
        %dma_start3A_123 = tpu.memref_slice %arg9[%dma_start3A_121, %dma_start3A_122] : memref<10240x64xf32, #tpu.memory_space<vmem_shared>> -> memref<10240x64xf32, #tpu.memory_space<vmem_shared>>
        tpu.enqueue_indirect_dma source(%arg6 : memref<80x64xf32, #tpu.memory_space<vmem>>) target(%dma_start3A_123 : memref<10240x64xf32, #tpu.memory_space<vmem_shared>>) offsets(%dma_start3A_120 : memref<80xi32, #tpu.memory_space<vmem>>) semaphore(%run_scoped3A : memref<!tpu.dma_semaphore, #tpu.memory_space<semaphore_mem>>) {add = true}
        %dma_wait3A_124 = tpu.memref_slice %arg5[%mul3A_86] : memref<2000xi32, #tpu.memory_space<vmem>> -> memref<80xi32, #tpu.memory_space<vmem>>
        %dma_wait3A_125 = arith.constant 0 : i32
        %dma_wait3A_126 = arith.constant 0 : i32
        %dma_wait3A_127 = tpu.memref_slice %arg9[%dma_wait3A_125, %dma_wait3A_126] : memref<10240x64xf32, #tpu.memory_space<vmem_shared>> -> memref<10240x64xf32, #tpu.memory_space<vmem_shared>>
        tpu.wait_indirect_dma semaphore(%run_scoped3A : memref<!tpu.dma_semaphore, #tpu.memory_space<semaphore_mem>>) src(%arg6 : memref<80x64xf32, #tpu.memory_space<vmem>>) dst(%dma_wait3A_127 : memref<10240x64xf32, #tpu.memory_space<vmem_shared>>)
        tpu.yield
      }) : () -> ()
      %add3A_87 = arith.constant 2 : i32
      %add3A_88 = arith.addi %add3A_78, %add3A_87 : i32
      %min3A = arith.constant 24 : i32
      %min3A_89 = arith.minsi %add3A_88, %min3A : i32
      %mul3A_90 = arith.constant 80 : i32
      %mul3A_91 = arith.muli %min3A_89, %mul3A_90 : i32
      %add3A_92 = arith.addi %mul3A_2, %mul3A_91 : i32
      %dma_start3A_93 = arith.constant 0 : i32
      %dma_start3A_94 = tpu.memref_slice %arg2[%add3A_92, %dma_start3A_93] : memref<64000x64xf32, #tpu.memory_space<hbm>> -> memref<80x64xf32, #tpu.memory_space<hbm>>
      %dma_start3A_95 = arith.constant 0 : i32
      %dma_start3A_96 = tpu.memref_slice %arg2[%add3A_92, %dma_start3A_95] : memref<64000x64xf32, #tpu.memory_space<hbm>> -> memref<80x64xf32, #tpu.memory_space<hbm>>
      tpu.enqueue_dma source(%dma_start3A_96 : memref<80x64xf32, #tpu.memory_space<hbm>>) target(%arg6 : memref<80x64xf32, #tpu.memory_space<vmem>>) target_semaphore(%arg10 : memref<!tpu.dma_semaphore, #tpu.memory_space<semaphore_mem>>)
      %mul3A_97 = arith.constant 2 : i32
      %mul3A_98 = arith.muli %mul3A_97, %scan3A_74 : i32
      %add3A_99 = arith.constant 1 : i32
      %add3A_100 = arith.addi %mul3A_98, %add3A_99 : i32
      %dma_wait3A_101 = arith.constant 0 : i32
      %dma_wait3A_102 = arith.constant 0 : i32
      %dma_wait3A_103 = tpu.memref_slice %arg2[%dma_wait3A_101, %dma_wait3A_102] : memref<64000x64xf32, #tpu.memory_space<hbm>> -> memref<80x64xf32, #tpu.memory_space<hbm>>
      %dma_wait3A_104 = arith.constant 0 : i32
      %dma_wait3A_105 = arith.constant 0 : i32
      %dma_wait3A_106 = tpu.memref_slice %arg2[%dma_wait3A_104, %dma_wait3A_105] : memref<64000x64xf32, #tpu.memory_space<hbm>> -> memref<80x64xf32, #tpu.memory_space<hbm>>
      tpu.wait_dma2 semaphore(%arg11 : memref<!tpu.dma_semaphore, #tpu.memory_space<semaphore_mem>>) src(%dma_wait3A_106 : memref<80x64xf32, #tpu.memory_space<hbm>>) dst(%arg7 : memref<80x64xf32, #tpu.memory_space<vmem>>)
      %mul3A_107 = arith.constant 80 : i32
      %mul3A_108 = arith.muli %add3A_100, %mul3A_107 : i32
      "tpu.region"() ({
        %run_scoped3A = tpu.sem_alloc : memref<!tpu.dma_semaphore, #tpu.memory_space<semaphore_mem>>
        %dma_start3A_120 = tpu.memref_slice %arg5[%mul3A_108] : memref<2000xi32, #tpu.memory_space<vmem>> -> memref<80xi32, #tpu.memory_space<vmem>>
        %dma_start3A_121 = arith.constant 0 : i32
        %dma_start3A_122 = arith.constant 0 : i32
        %dma_start3A_123 = tpu.memref_slice %arg9[%dma_start3A_121, %dma_start3A_122] : memref<10240x64xf32, #tpu.memory_space<vmem_shared>> -> memref<10240x64xf32, #tpu.memory_space<vmem_shared>>
        tpu.enqueue_indirect_dma source(%arg7 : memref<80x64xf32, #tpu.memory_space<vmem>>) target(%dma_start3A_123 : memref<10240x64xf32, #tpu.memory_space<vmem_shared>>) offsets(%dma_start3A_120 : memref<80xi32, #tpu.memory_space<vmem>>) semaphore(%run_scoped3A : memref<!tpu.dma_semaphore, #tpu.memory_space<semaphore_mem>>) {add = true}
        %dma_wait3A_124 = tpu.memref_slice %arg5[%mul3A_108] : memref<2000xi32, #tpu.memory_space<vmem>> -> memref<80xi32, #tpu.memory_space<vmem>>
        %dma_wait3A_125 = arith.constant 0 : i32
        %dma_wait3A_126 = arith.constant 0 : i32
        %dma_wait3A_127 = tpu.memref_slice %arg9[%dma_wait3A_125, %dma_wait3A_126] : memref<10240x64xf32, #tpu.memory_space<vmem_shared>> -> memref<10240x64xf32, #tpu.memory_space<vmem_shared>>
        tpu.wait_indirect_dma semaphore(%run_scoped3A : memref<!tpu.dma_semaphore, #tpu.memory_space<semaphore_mem>>) src(%arg7 : memref<80x64xf32, #tpu.memory_space<vmem>>) dst(%dma_wait3A_127 : memref<10240x64xf32, #tpu.memory_space<vmem_shared>>)
        tpu.yield
      }) : () -> ()
      %add3A_109 = arith.constant 2 : i32
      %add3A_110 = arith.addi %add3A_100, %add3A_109 : i32
      %min3A_111 = arith.constant 24 : i32
      %min3A_112 = arith.minsi %add3A_110, %min3A_111 : i32
      %mul3A_113 = arith.constant 80 : i32
      %mul3A_114 = arith.muli %min3A_112, %mul3A_113 : i32
      %add3A_115 = arith.addi %mul3A_2, %mul3A_114 : i32
      %dma_start3A_116 = arith.constant 0 : i32
      %dma_start3A_117 = tpu.memref_slice %arg2[%add3A_115, %dma_start3A_116] : memref<64000x64xf32, #tpu.memory_space<hbm>> -> memref<80x64xf32, #tpu.memory_space<hbm>>
      %dma_start3A_118 = arith.constant 0 : i32
      %dma_start3A_119 = tpu.memref_slice %arg2[%add3A_115, %dma_start3A_118] : memref<64000x64xf32, #tpu.memory_space<hbm>> -> memref<80x64xf32, #tpu.memory_space<hbm>>
      tpu.enqueue_dma source(%dma_start3A_119 : memref<80x64xf32, #tpu.memory_space<hbm>>) target(%arg7 : memref<80x64xf32, #tpu.memory_space<vmem>>) target_semaphore(%arg11 : memref<!tpu.dma_semaphore, #tpu.memory_space<semaphore_mem>>)
    }
    %scan3A_57 = arith.constant 12 : i32
    %dma_wait3A = arith.constant 0 : i32
    %dma_wait3A_58 = arith.constant 0 : i32
    %dma_wait3A_59 = tpu.memref_slice %arg2[%dma_wait3A, %dma_wait3A_58] : memref<64000x64xf32, #tpu.memory_space<hbm>> -> memref<80x64xf32, #tpu.memory_space<hbm>>
    %dma_wait3A_60 = arith.constant 0 : i32
    %dma_wait3A_61 = arith.constant 0 : i32
    %dma_wait3A_62 = tpu.memref_slice %arg2[%dma_wait3A_60, %dma_wait3A_61] : memref<64000x64xf32, #tpu.memory_space<hbm>> -> memref<80x64xf32, #tpu.memory_space<hbm>>
    tpu.wait_dma2 semaphore(%arg10 : memref<!tpu.dma_semaphore, #tpu.memory_space<semaphore_mem>>) src(%dma_wait3A_62 : memref<80x64xf32, #tpu.memory_space<hbm>>) dst(%arg6 : memref<80x64xf32, #tpu.memory_space<vmem>>)
    "tpu.region"() ({
      %run_scoped3A = tpu.sem_alloc : memref<!tpu.dma_semaphore, #tpu.memory_space<semaphore_mem>>
      %dma_start3A_74 = arith.constant 1920 : i32
      %dma_start3A_75 = tpu.memref_slice %arg5[%dma_start3A_74] : memref<2000xi32, #tpu.memory_space<vmem>> -> memref<80xi32, #tpu.memory_space<vmem>>
      %dma_start3A_76 = arith.constant 0 : i32
      %dma_start3A_77 = arith.constant 0 : i32
      %dma_start3A_78 = tpu.memref_slice %arg9[%dma_start3A_76, %dma_start3A_77] : memref<10240x64xf32, #tpu.memory_space<vmem_shared>> -> memref<10240x64xf32, #tpu.memory_space<vmem_shared>>
      tpu.enqueue_indirect_dma source(%arg6 : memref<80x64xf32, #tpu.memory_space<vmem>>) target(%dma_start3A_78 : memref<10240x64xf32, #tpu.memory_space<vmem_shared>>) offsets(%dma_start3A_75 : memref<80xi32, #tpu.memory_space<vmem>>) semaphore(%run_scoped3A : memref<!tpu.dma_semaphore, #tpu.memory_space<semaphore_mem>>) {add = true}
      %dma_wait3A_79 = arith.constant 1920 : i32
      %dma_wait3A_80 = tpu.memref_slice %arg5[%dma_wait3A_79] : memref<2000xi32, #tpu.memory_space<vmem>> -> memref<80xi32, #tpu.memory_space<vmem>>
      %dma_wait3A_81 = arith.constant 0 : i32
      %dma_wait3A_82 = arith.constant 0 : i32
      %dma_wait3A_83 = tpu.memref_slice %arg9[%dma_wait3A_81, %dma_wait3A_82] : memref<10240x64xf32, #tpu.memory_space<vmem_shared>> -> memref<10240x64xf32, #tpu.memory_space<vmem_shared>>
      tpu.wait_indirect_dma semaphore(%run_scoped3A : memref<!tpu.dma_semaphore, #tpu.memory_space<semaphore_mem>>) src(%arg6 : memref<80x64xf32, #tpu.memory_space<vmem>>) dst(%dma_wait3A_83 : memref<10240x64xf32, #tpu.memory_space<vmem_shared>>)
      tpu.yield
    }) : () -> ()
    %dma_wait3A_63 = arith.constant 0 : i32
    %dma_wait3A_64 = arith.constant 0 : i32
    %dma_wait3A_65 = tpu.memref_slice %arg2[%dma_wait3A_63, %dma_wait3A_64] : memref<64000x64xf32, #tpu.memory_space<hbm>> -> memref<80x64xf32, #tpu.memory_space<hbm>>
    %dma_wait3A_66 = arith.constant 0 : i32
    %dma_wait3A_67 = arith.constant 0 : i32
    %dma_wait3A_68 = tpu.memref_slice %arg2[%dma_wait3A_66, %dma_wait3A_67] : memref<64000x64xf32, #tpu.memory_space<hbm>> -> memref<80x64xf32, #tpu.memory_space<hbm>>
    tpu.wait_dma2 semaphore(%arg11 : memref<!tpu.dma_semaphore, #tpu.memory_space<semaphore_mem>>) src(%dma_wait3A_68 : memref<80x64xf32, #tpu.memory_space<hbm>>) dst(%arg7 : memref<80x64xf32, #tpu.memory_space<vmem>>)
    %barrier3A_69 = arith.constant 0 : index
    tpu.barrier barrier_id(%barrier3A_69)
    %mul3A_70 = arith.constant 640 : i32
    %mul3A_71 = arith.muli %arg1, %mul3A_70 : i32
    %mul3A_72 = arith.constant 640 : i32
    %mul3A_73 = arith.muli %arg1, %mul3A_72 : i32
    "tpu.region"() ({
      %run_scoped3A = tpu.sem_alloc : memref<!tpu.dma_semaphore, #tpu.memory_space<semaphore_mem>>
      %dma_start3A_74 = arith.constant 0 : i32
      %dma_start3A_75 = tpu.memref_slice %arg4[%arg0, %mul3A_73, %dma_start3A_74] : memref<2x10240x64xf32, #tpu.memory_space<hbm>> -> memref<1x640x64xf32, #tpu.memory_space<hbm>>
      %dma_start3A_76 = tpu.memref_squeeze %dma_start3A_75 : memref<1x640x64xf32, #tpu.memory_space<hbm>> -> memref<640x64xf32, #tpu.memory_space<hbm>>
      %dma_start3A_77 = arith.constant 0 : i32
      %dma_start3A_78 = tpu.memref_slice %arg9[%mul3A_71, %dma_start3A_77] : memref<10240x64xf32, #tpu.memory_space<vmem_shared>> -> memref<640x64xf32, #tpu.memory_space<vmem_shared>>
      tpu.enqueue_dma source(%dma_start3A_78 : memref<640x64xf32, #tpu.memory_space<vmem_shared>>) target(%dma_start3A_76 : memref<640x64xf32, #tpu.memory_space<hbm>>) target_semaphore(%run_scoped3A : memref<!tpu.dma_semaphore, #tpu.memory_space<semaphore_mem>>)
      %dma_wait3A_79 = arith.constant 0 : i32
      %dma_wait3A_80 = tpu.memref_slice %arg4[%arg0, %mul3A_73, %dma_wait3A_79] : memref<2x10240x64xf32, #tpu.memory_space<hbm>> -> memref<1x640x64xf32, #tpu.memory_space<hbm>>
      %dma_wait3A_81 = tpu.memref_squeeze %dma_wait3A_80 : memref<1x640x64xf32, #tpu.memory_space<hbm>> -> memref<640x64xf32, #tpu.memory_space<hbm>>
      %dma_wait3A_82 = arith.constant 0 : i32
      %dma_wait3A_83 = tpu.memref_slice %arg9[%mul3A_71, %dma_wait3A_82] : memref<10240x64xf32, #tpu.memory_space<vmem_shared>> -> memref<640x64xf32, #tpu.memory_space<vmem_shared>>
      tpu.wait_dma2 semaphore(%run_scoped3A : memref<!tpu.dma_semaphore, #tpu.memory_space<semaphore_mem>>) src(%dma_wait3A_83 : memref<640x64xf32, #tpu.memory_space<vmem_shared>>) dst(%dma_wait3A_81 : memref<640x64xf32, #tpu.memory_space<hbm>>)
      tpu.yield
    }) : () -> ()
    return
  }
}

#map = affine_map<(d0, d1) -> (0, 0)>
#map1 = affine_map<(d0, d1) -> (0, 0, 0)>
module attributes {stable_mosaic.version = 14 : i64} {
  func.func @seg_sum(%arg0: i32, %arg1: i32, %arg2: memref<64000x64xf32, #tpu.memory_space<hbm>>, %arg3: memref<32x2000xi32, #tpu.memory_space<hbm>>, %arg4: memref<2x10240x64xf32, #tpu.memory_space<hbm>>, %arg5: memref<2000xi32, #tpu.memory_space<vmem>>, %arg6: memref<80x64xf32, #tpu.memory_space<vmem>>, %arg7: memref<80x64xf32, #tpu.memory_space<vmem>>, %arg8: memref<80x64xf32, #tpu.memory_space<vmem>>, %arg9: memref<10240x64xf32, #tpu.memory_space<vmem_shared>>, %arg10: memref<!tpu.dma_semaphore, #tpu.memory_space<semaphore_mem>>, %arg11: memref<!tpu.dma_semaphore, #tpu.memory_space<semaphore_mem>>) attributes {dimension_semantics = [#tpu.dimension_semantics<core_parallel>, #tpu.dimension_semantics<subcore_parallel>], iteration_bounds = array<i64: 2, 16>, scalar_prefetch = 0 : i64, scratch_operands = 7 : i64, tpu.core_type = #tpu.core_type<sc_vector_subcore>, window_params = [{transform_indices = #map}, {transform_indices = #map}, {transform_indices = #map1}]} {
    %mul3A = arith.constant 2 : i32
    %mul3A_0 = arith.muli %arg1, %mul3A : i32
    %add3A = arith.addi %mul3A_0, %arg0 : i32
    %mul3A_1 = arith.constant 2000 : i32
    %mul3A_2 = arith.muli %add3A, %mul3A_1 : i32
    %add3A_3 = arith.constant 0 : i32
    %add3A_4 = arith.addi %mul3A_2, %add3A_3 : i32
    %dma_start3A = arith.constant 0 : i32
    %dma_start3A_5 = tpu.memref_slice %arg2[%add3A_4, %dma_start3A] : memref<64000x64xf32, #tpu.memory_space<hbm>> -> memref<80x64xf32, #tpu.memory_space<hbm>>
    %dma_start3A_6 = arith.constant 0 : i32
    %dma_start3A_7 = tpu.memref_slice %arg2[%add3A_4, %dma_start3A_6] : memref<64000x64xf32, #tpu.memory_space<hbm>> -> memref<80x64xf32, #tpu.memory_space<hbm>>
    tpu.enqueue_dma source(%dma_start3A_7 : memref<80x64xf32, #tpu.memory_space<hbm>>) target(%arg6 : memref<80x64xf32, #tpu.memory_space<vmem>>) target_semaphore(%arg10 : memref<!tpu.dma_semaphore, #tpu.memory_space<semaphore_mem>>)
    %add3A_8 = arith.constant 80 : i32
    %add3A_9 = arith.addi %mul3A_2, %add3A_8 : i32
    %dma_start3A_10 = arith.constant 0 : i32
    %dma_start3A_11 = tpu.memref_slice %arg2[%add3A_9, %dma_start3A_10] : memref<64000x64xf32, #tpu.memory_space<hbm>> -> memref<80x64xf32, #tpu.memory_space<hbm>>
    %dma_start3A_12 = arith.constant 0 : i32
    %dma_start3A_13 = tpu.memref_slice %arg2[%add3A_9, %dma_start3A_12] : memref<64000x64xf32, #tpu.memory_space<hbm>> -> memref<80x64xf32, #tpu.memory_space<hbm>>
    tpu.enqueue_dma source(%dma_start3A_13 : memref<80x64xf32, #tpu.memory_space<hbm>>) target(%arg7 : memref<80x64xf32, #tpu.memory_space<vmem>>) target_semaphore(%arg11 : memref<!tpu.dma_semaphore, #tpu.memory_space<semaphore_mem>>)
    "tpu.region"() ({
      %run_scoped3A = tpu.sem_alloc : memref<!tpu.dma_semaphore, #tpu.memory_space<semaphore_mem>>
      %dma_start3A_74 = arith.constant 0 : i32
      %dma_start3A_75 = tpu.memref_slice %arg3[%add3A, %dma_start3A_74] : memref<32x2000xi32, #tpu.memory_space<hbm>> -> memref<1x2000xi32, #tpu.memory_space<hbm>>
      %dma_start3A_76 = tpu.memref_squeeze %dma_start3A_75 : memref<1x2000xi32, #tpu.memory_space<hbm>> -> memref<2000xi32, #tpu.memory_space<hbm>>
      %dma_start3A_77 = arith.constant 0 : i32
      %dma_start3A_78 = tpu.memref_slice %arg3[%add3A, %dma_start3A_77] : memref<32x2000xi32, #tpu.memory_space<hbm>> -> memref<1x2000xi32, #tpu.memory_space<hbm>>
      %dma_start3A_79 = tpu.memref_squeeze %dma_start3A_78 : memref<1x2000xi32, #tpu.memory_space<hbm>> -> memref<2000xi32, #tpu.memory_space<hbm>>
      tpu.enqueue_dma source(%dma_start3A_79 : memref<2000xi32, #tpu.memory_space<hbm>>) target(%arg5 : memref<2000xi32, #tpu.memory_space<vmem>>) target_semaphore(%run_scoped3A : memref<!tpu.dma_semaphore, #tpu.memory_space<semaphore_mem>>)
      %dma_wait3A_80 = arith.constant 0 : i32
      %dma_wait3A_81 = tpu.memref_slice %arg3[%add3A, %dma_wait3A_80] : memref<32x2000xi32, #tpu.memory_space<hbm>> -> memref<1x2000xi32, #tpu.memory_space<hbm>>
      %dma_wait3A_82 = tpu.memref_squeeze %dma_wait3A_81 : memref<1x2000xi32, #tpu.memory_space<hbm>> -> memref<2000xi32, #tpu.memory_space<hbm>>
      %dma_wait3A_83 = arith.constant 0 : i32
      %dma_wait3A_84 = tpu.memref_slice %arg3[%add3A, %dma_wait3A_83] : memref<32x2000xi32, #tpu.memory_space<hbm>> -> memref<1x2000xi32, #tpu.memory_space<hbm>>
      %dma_wait3A_85 = tpu.memref_squeeze %dma_wait3A_84 : memref<1x2000xi32, #tpu.memory_space<hbm>> -> memref<2000xi32, #tpu.memory_space<hbm>>
      tpu.wait_dma2 semaphore(%run_scoped3A : memref<!tpu.dma_semaphore, #tpu.memory_space<semaphore_mem>>) src(%dma_wait3A_85 : memref<2000xi32, #tpu.memory_space<hbm>>) dst(%arg5 : memref<2000xi32, #tpu.memory_space<vmem>>)
      tpu.yield
    }) : () -> ()
    %broadcast_in_dim3A = arith.constant 0.000000e+00 : f32
    %broadcast_in_dim3A_14 = vector.broadcast %broadcast_in_dim3A : f32 to vector<16xf32>
    %scan3A = arith.constant 0 : i32
    %scan3A_15 = arith.constant 0 : i32
    %scan3A_16 = arith.constant 80 : i32
    %scan3A_17 = arith.addi %scan3A_15, %scan3A_16 : i32
    %scan3A_18 = arith.constant 1 : i32
    scf.for %scan3A_74 = %scan3A_15 to %scan3A_17 step %scan3A_18  : i32 {
      %swap3A = arith.index_cast %scan3A_74 : i32 to index
      %swap3A_75 = arith.constant 0 : index
      %swap3A_76 = tpu.vector_load %arg8[%swap3A, %swap3A_75] {strides = array<i32>} : memref<80x64xf32, #tpu.memory_space<vmem>>, vector<1x16xf32>,
      %swap3A_77 = vector.shape_cast %swap3A_76 : vector<1x16xf32> to vector<16xf32>
      %swap3A_78 = vector.shape_cast %broadcast_in_dim3A_14 : vector<16xf32> to vector<1x16xf32>
      tpu.vector_store %arg8[%swap3A, %swap3A_75], %swap3A_78 {strides = array<i32>} : memref<80x64xf32, #tpu.memory_space<vmem>>, vector<1x16xf32>,
      %swap3A_79 = arith.index_cast %scan3A_74 : i32 to index
      %swap3A_80 = arith.constant 16 : index
      %swap3A_81 = tpu.vector_load %arg8[%swap3A_79, %swap3A_80] {strides = array<i32>} : memref<80x64xf32, #tpu.memory_space<vmem>>, vector<1x16xf32>,
      %swap3A_82 = vector.shape_cast %swap3A_81 : vector<1x16xf32> to vector<16xf32>
      %swap3A_83 = vector.shape_cast %broadcast_in_dim3A_14 : vector<16xf32> to vector<1x16xf32>
      tpu.vector_store %arg8[%swap3A_79, %swap3A_80], %swap3A_83 {strides = array<i32>} : memref<80x64xf32, #tpu.memory_space<vmem>>, vector<1x16xf32>,
      %swap3A_84 = arith.index_cast %scan3A_74 : i32 to index
      %swap3A_85 = arith.constant 32 : index
      %swap3A_86 = tpu.vector_load %arg8[%swap3A_84, %swap3A_85] {strides = array<i32>} : memref<80x64xf32, #tpu.memory_space<vmem>>, vector<1x16xf32>,
      %swap3A_87 = vector.shape_cast %swap3A_86 : vector<1x16xf32> to vector<16xf32>
      %swap3A_88 = vector.shape_cast %broadcast_in_dim3A_14 : vector<16xf32> to vector<1x16xf32>
      tpu.vector_store %arg8[%swap3A_84, %swap3A_85], %swap3A_88 {strides = array<i32>} : memref<80x64xf32, #tpu.memory_space<vmem>>, vector<1x16xf32>,
      %swap3A_89 = arith.index_cast %scan3A_74 : i32 to index
      %swap3A_90 = arith.constant 48 : index
      %swap3A_91 = tpu.vector_load %arg8[%swap3A_89, %swap3A_90] {strides = array<i32>} : memref<80x64xf32, #tpu.memory_space<vmem>>, vector<1x16xf32>,
      %swap3A_92 = vector.shape_cast %swap3A_91 : vector<1x16xf32> to vector<16xf32>
      %swap3A_93 = vector.shape_cast %broadcast_in_dim3A_14 : vector<16xf32> to vector<1x16xf32>
      tpu.vector_store %arg8[%swap3A_89, %swap3A_90], %swap3A_93 {strides = array<i32>} : memref<80x64xf32, #tpu.memory_space<vmem>>, vector<1x16xf32>,
    }
    %scan3A_19 = arith.constant 80 : i32
    %mul3A_20 = arith.constant 640 : i32
    %mul3A_21 = arith.muli %arg1, %mul3A_20 : i32
    %add3A_22 = arith.constant 0 : i32
    %add3A_23 = arith.addi %mul3A_21, %add3A_22 : i32
    "tpu.region"() ({
      %run_scoped3A = tpu.sem_alloc : memref<!tpu.dma_semaphore, #tpu.memory_space<semaphore_mem>>
      %dma_start3A_74 = arith.constant 0 : i32
      %dma_start3A_75 = tpu.memref_slice %arg9[%add3A_23, %dma_start3A_74] : memref<10240x64xf32, #tpu.memory_space<vmem_shared>> -> memref<80x64xf32, #tpu.memory_space<vmem_shared>>
      %dma_start3A_76 = arith.constant 0 : i32
      %dma_start3A_77 = tpu.memref_slice %arg9[%add3A_23, %dma_start3A_76] : memref<10240x64xf32, #tpu.memory_space<vmem_shared>> -> memref<80x64xf32, #tpu.memory_space<vmem_shared>>
      tpu.enqueue_dma source(%arg8 : memref<80x64xf32, #tpu.memory_space<vmem>>) target(%dma_start3A_77 : memref<80x64xf32, #tpu.memory_space<vmem_shared>>) target_semaphore(%run_scoped3A : memref<!tpu.dma_semaphore, #tpu.memory_space<semaphore_mem>>)
      %dma_wait3A_78 = arith.constant 0 : i32
      %dma_wait3A_79 = tpu.memref_slice %arg9[%add3A_23, %dma_wait3A_78] : memref<10240x64xf32, #tpu.memory_space<vmem_shared>> -> memref<80x64xf32, #tpu.memory_space<vmem_shared>>
      %dma_wait3A_80 = arith.constant 0 : i32
      %dma_wait3A_81 = tpu.memref_slice %arg9[%add3A_23, %dma_wait3A_80] : memref<10240x64xf32, #tpu.memory_space<vmem_shared>> -> memref<80x64xf32, #tpu.memory_space<vmem_shared>>
      tpu.wait_dma2 semaphore(%run_scoped3A : memref<!tpu.dma_semaphore, #tpu.memory_space<semaphore_mem>>) src(%arg8 : memref<80x64xf32, #tpu.memory_space<vmem>>) dst(%dma_wait3A_81 : memref<80x64xf32, #tpu.memory_space<vmem_shared>>)
      tpu.yield
    }) : () -> ()
    %mul3A_24 = arith.constant 640 : i32
    %mul3A_25 = arith.muli %arg1, %mul3A_24 : i32
    %add3A_26 = arith.constant 80 : i32
    %add3A_27 = arith.addi %mul3A_25, %add3A_26 : i32
    "tpu.region"() ({
      %run_scoped3A = tpu.sem_alloc : memref<!tpu.dma_semaphore, #tpu.memory_space<semaphore_mem>>
      %dma_start3A_74 = arith.constant 0 : i32
      %dma_start3A_75 = tpu.memref_slice %arg9[%add3A_27, %dma_start3A_74] : memref<10240x64xf32, #tpu.memory_space<vmem_shared>> -> memref<80x64xf32, #tpu.memory_space<vmem_shared>>
      %dma_start3A_76 = arith.constant 0 : i32
      %dma_start3A_77 = tpu.memref_slice %arg9[%add3A_27, %dma_start3A_76] : memref<10240x64xf32, #tpu.memory_space<vmem_shared>> -> memref<80x64xf32, #tpu.memory_space<vmem_shared>>
      tpu.enqueue_dma source(%arg8 : memref<80x64xf32, #tpu.memory_space<vmem>>) target(%dma_start3A_77 : memref<80x64xf32, #tpu.memory_space<vmem_shared>>) target_semaphore(%run_scoped3A : memref<!tpu.dma_semaphore, #tpu.memory_space<semaphore_mem>>)
      %dma_wait3A_78 = arith.constant 0 : i32
      %dma_wait3A_79 = tpu.memref_slice %arg9[%add3A_27, %dma_wait3A_78] : memref<10240x64xf32, #tpu.memory_space<vmem_shared>> -> memref<80x64xf32, #tpu.memory_space<vmem_shared>>
      %dma_wait3A_80 = arith.constant 0 : i32
      %dma_wait3A_81 = tpu.memref_slice %arg9[%add3A_27, %dma_wait3A_80] : memref<10240x64xf32, #tpu.memory_space<vmem_shared>> -> memref<80x64xf32, #tpu.memory_space<vmem_shared>>
      tpu.wait_dma2 semaphore(%run_scoped3A : memref<!tpu.dma_semaphore, #tpu.memory_space<semaphore_mem>>) src(%arg8 : memref<80x64xf32, #tpu.memory_space<vmem>>) dst(%dma_wait3A_81 : memref<80x64xf32, #tpu.memory_space<vmem_shared>>)
      tpu.yield
    }) : () -> ()
    %mul3A_28 = arith.constant 640 : i32
    %mul3A_29 = arith.muli %arg1, %mul3A_28 : i32
    %add3A_30 = arith.constant 160 : i32
    %add3A_31 = arith.addi %mul3A_29, %add3A_30 : i32
    "tpu.region"() ({
      %run_scoped3A = tpu.sem_alloc : memref<!tpu.dma_semaphore, #tpu.memory_space<semaphore_mem>>
      %dma_start3A_74 = arith.constant 0 : i32
      %dma_start3A_75 = tpu.memref_slice %arg9[%add3A_31, %dma_start3A_74] : memref<10240x64xf32, #tpu.memory_space<vmem_shared>> -> memref<80x64xf32, #tpu.memory_space<vmem_shared>>
      %dma_start3A_76 = arith.constant 0 : i32
      %dma_start3A_77 = tpu.memref_slice %arg9[%add3A_31, %dma_start3A_76] : memref<10240x64xf32, #tpu.memory_space<vmem_shared>> -> memref<80x64xf32, #tpu.memory_space<vmem_shared>>
      tpu.enqueue_dma source(%arg8 : memref<80x64xf32, #tpu.memory_space<vmem>>) target(%dma_start3A_77 : memref<80x64xf32, #tpu.memory_space<vmem_shared>>) target_semaphore(%run_scoped3A : memref<!tpu.dma_semaphore, #tpu.memory_space<semaphore_mem>>)
      %dma_wait3A_78 = arith.constant 0 : i32
      %dma_wait3A_79 = tpu.memref_slice %arg9[%add3A_31, %dma_wait3A_78] : memref<10240x64xf32, #tpu.memory_space<vmem_shared>> -> memref<80x64xf32, #tpu.memory_space<vmem_shared>>
      %dma_wait3A_80 = arith.constant 0 : i32
      %dma_wait3A_81 = tpu.memref_slice %arg9[%add3A_31, %dma_wait3A_80] : memref<10240x64xf32, #tpu.memory_space<vmem_shared>> -> memref<80x64xf32, #tpu.memory_space<vmem_shared>>
      tpu.wait_dma2 semaphore(%run_scoped3A : memref<!tpu.dma_semaphore, #tpu.memory_space<semaphore_mem>>) src(%arg8 : memref<80x64xf32, #tpu.memory_space<vmem>>) dst(%dma_wait3A_81 : memref<80x64xf32, #tpu.memory_space<vmem_shared>>)
      tpu.yield
    }) : () -> ()
    %mul3A_32 = arith.constant 640 : i32
    %mul3A_33 = arith.muli %arg1, %mul3A_32 : i32
    %add3A_34 = arith.constant 240 : i32
    %add3A_35 = arith.addi %mul3A_33, %add3A_34 : i32
    "tpu.region"() ({
      %run_scoped3A = tpu.sem_alloc : memref<!tpu.dma_semaphore, #tpu.memory_space<semaphore_mem>>
      %dma_start3A_74 = arith.constant 0 : i32
      %dma_start3A_75 = tpu.memref_slice %arg9[%add3A_35, %dma_start3A_74] : memref<10240x64xf32, #tpu.memory_space<vmem_shared>> -> memref<80x64xf32, #tpu.memory_space<vmem_shared>>
      %dma_start3A_76 = arith.constant 0 : i32
      %dma_start3A_77 = tpu.memref_slice %arg9[%add3A_35, %dma_start3A_76] : memref<10240x64xf32, #tpu.memory_space<vmem_shared>> -> memref<80x64xf32, #tpu.memory_space<vmem_shared>>
      tpu.enqueue_dma source(%arg8 : memref<80x64xf32, #tpu.memory_space<vmem>>) target(%dma_start3A_77 : memref<80x64xf32, #tpu.memory_space<vmem_shared>>) target_semaphore(%run_scoped3A : memref<!tpu.dma_semaphore, #tpu.memory_space<semaphore_mem>>)
      %dma_wait3A_78 = arith.constant 0 : i32
      %dma_wait3A_79 = tpu.memref_slice %arg9[%add3A_35, %dma_wait3A_78] : memref<10240x64xf32, #tpu.memory_space<vmem_shared>> -> memref<80x64xf32, #tpu.memory_space<vmem_shared>>
      %dma_wait3A_80 = arith.constant 0 : i32
      %dma_wait3A_81 = tpu.memref_slice %arg9[%add3A_35, %dma_wait3A_80] : memref<10240x64xf32, #tpu.memory_space<vmem_shared>> -> memref<80x64xf32, #tpu.memory_space<vmem_shared>>
      tpu.wait_dma2 semaphore(%run_scoped3A : memref<!tpu.dma_semaphore, #tpu.memory_space<semaphore_mem>>) src(%arg8 : memref<80x64xf32, #tpu.memory_space<vmem>>) dst(%dma_wait3A_81 : memref<80x64xf32, #tpu.memory_space<vmem_shared>>)
      tpu.yield
    }) : () -> ()
    %mul3A_36 = arith.constant 640 : i32
    %mul3A_37 = arith.muli %arg1, %mul3A_36 : i32
    %add3A_38 = arith.constant 320 : i32
    %add3A_39 = arith.addi %mul3A_37, %add3A_38 : i32
    "tpu.region"() ({
      %run_scoped3A = tpu.sem_alloc : memref<!tpu.dma_semaphore, #tpu.memory_space<semaphore_mem>>
      %dma_start3A_74 = arith.constant 0 : i32
      %dma_start3A_75 = tpu.memref_slice %arg9[%add3A_39, %dma_start3A_74] : memref<10240x64xf32, #tpu.memory_space<vmem_shared>> -> memref<80x64xf32, #tpu.memory_space<vmem_shared>>
      %dma_start3A_76 = arith.constant 0 : i32
      %dma_start3A_77 = tpu.memref_slice %arg9[%add3A_39, %dma_start3A_76] : memref<10240x64xf32, #tpu.memory_space<vmem_shared>> -> memref<80x64xf32, #tpu.memory_space<vmem_shared>>
      tpu.enqueue_dma source(%arg8 : memref<80x64xf32, #tpu.memory_space<vmem>>) target(%dma_start3A_77 : memref<80x64xf32, #tpu.memory_space<vmem_shared>>) target_semaphore(%run_scoped3A : memref<!tpu.dma_semaphore, #tpu.memory_space<semaphore_mem>>)
      %dma_wait3A_78 = arith.constant 0 : i32
      %dma_wait3A_79 = tpu.memref_slice %arg9[%add3A_39, %dma_wait3A_78] : memref<10240x64xf32, #tpu.memory_space<vmem_shared>> -> memref<80x64xf32, #tpu.memory_space<vmem_shared>>
      %dma_wait3A_80 = arith.constant 0 : i32
      %dma_wait3A_81 = tpu.memref_slice %arg9[%add3A_39, %dma_wait3A_80] : memref<10240x64xf32, #tpu.memory_space<vmem_shared>> -> memref<80x64xf32, #tpu.memory_space<vmem_shared>>
      tpu.wait_dma2 semaphore(%run_scoped3A : memref<!tpu.dma_semaphore, #tpu.memory_space<semaphore_mem>>) src(%arg8 : memref<80x64xf32, #tpu.memory_space<vmem>>) dst(%dma_wait3A_81 : memref<80x64xf32, #tpu.memory_space<vmem_shared>>)
      tpu.yield
    }) : () -> ()
    %mul3A_40 = arith.constant 640 : i32
    %mul3A_41 = arith.muli %arg1, %mul3A_40 : i32
    %add3A_42 = arith.constant 400 : i32
    %add3A_43 = arith.addi %mul3A_41, %add3A_42 : i32
    "tpu.region"() ({
      %run_scoped3A = tpu.sem_alloc : memref<!tpu.dma_semaphore, #tpu.memory_space<semaphore_mem>>
      %dma_start3A_74 = arith.constant 0 : i32
      %dma_start3A_75 = tpu.memref_slice %arg9[%add3A_43, %dma_start3A_74] : memref<10240x64xf32, #tpu.memory_space<vmem_shared>> -> memref<80x64xf32, #tpu.memory_space<vmem_shared>>
      %dma_start3A_76 = arith.constant 0 : i32
      %dma_start3A_77 = tpu.memref_slice %arg9[%add3A_43, %dma_start3A_76] : memref<10240x64xf32, #tpu.memory_space<vmem_shared>> -> memref<80x64xf32, #tpu.memory_space<vmem_shared>>
      tpu.enqueue_dma source(%arg8 : memref<80x64xf32, #tpu.memory_space<vmem>>) target(%dma_start3A_77 : memref<80x64xf32, #tpu.memory_space<vmem_shared>>) target_semaphore(%run_scoped3A : memref<!tpu.dma_semaphore, #tpu.memory_space<semaphore_mem>>)
      %dma_wait3A_78 = arith.constant 0 : i32
      %dma_wait3A_79 = tpu.memref_slice %arg9[%add3A_43, %dma_wait3A_78] : memref<10240x64xf32, #tpu.memory_space<vmem_shared>> -> memref<80x64xf32, #tpu.memory_space<vmem_shared>>
      %dma_wait3A_80 = arith.constant 0 : i32
      %dma_wait3A_81 = tpu.memref_slice %arg9[%add3A_43, %dma_wait3A_80] : memref<10240x64xf32, #tpu.memory_space<vmem_shared>> -> memref<80x64xf32, #tpu.memory_space<vmem_shared>>
      tpu.wait_dma2 semaphore(%run_scoped3A : memref<!tpu.dma_semaphore, #tpu.memory_space<semaphore_mem>>) src(%arg8 : memref<80x64xf32, #tpu.memory_space<vmem>>) dst(%dma_wait3A_81 : memref<80x64xf32, #tpu.memory_space<vmem_shared>>)
      tpu.yield
    }) : () -> ()
    %mul3A_44 = arith.constant 640 : i32
    %mul3A_45 = arith.muli %arg1, %mul3A_44 : i32
    %add3A_46 = arith.constant 480 : i32
    %add3A_47 = arith.addi %mul3A_45, %add3A_46 : i32
    "tpu.region"() ({
      %run_scoped3A = tpu.sem_alloc : memref<!tpu.dma_semaphore, #tpu.memory_space<semaphore_mem>>
      %dma_start3A_74 = arith.constant 0 : i32
      %dma_start3A_75 = tpu.memref_slice %arg9[%add3A_47, %dma_start3A_74] : memref<10240x64xf32, #tpu.memory_space<vmem_shared>> -> memref<80x64xf32, #tpu.memory_space<vmem_shared>>
      %dma_start3A_76 = arith.constant 0 : i32
      %dma_start3A_77 = tpu.memref_slice %arg9[%add3A_47, %dma_start3A_76] : memref<10240x64xf32, #tpu.memory_space<vmem_shared>> -> memref<80x64xf32, #tpu.memory_space<vmem_shared>>
      tpu.enqueue_dma source(%arg8 : memref<80x64xf32, #tpu.memory_space<vmem>>) target(%dma_start3A_77 : memref<80x64xf32, #tpu.memory_space<vmem_shared>>) target_semaphore(%run_scoped3A : memref<!tpu.dma_semaphore, #tpu.memory_space<semaphore_mem>>)
      %dma_wait3A_78 = arith.constant 0 : i32
      %dma_wait3A_79 = tpu.memref_slice %arg9[%add3A_47, %dma_wait3A_78] : memref<10240x64xf32, #tpu.memory_space<vmem_shared>> -> memref<80x64xf32, #tpu.memory_space<vmem_shared>>
      %dma_wait3A_80 = arith.constant 0 : i32
      %dma_wait3A_81 = tpu.memref_slice %arg9[%add3A_47, %dma_wait3A_80] : memref<10240x64xf32, #tpu.memory_space<vmem_shared>> -> memref<80x64xf32, #tpu.memory_space<vmem_shared>>
      tpu.wait_dma2 semaphore(%run_scoped3A : memref<!tpu.dma_semaphore, #tpu.memory_space<semaphore_mem>>) src(%arg8 : memref<80x64xf32, #tpu.memory_space<vmem>>) dst(%dma_wait3A_81 : memref<80x64xf32, #tpu.memory_space<vmem_shared>>)
      tpu.yield
    }) : () -> ()
    %mul3A_48 = arith.constant 640 : i32
    %mul3A_49 = arith.muli %arg1, %mul3A_48 : i32
    %add3A_50 = arith.constant 560 : i32
    %add3A_51 = arith.addi %mul3A_49, %add3A_50 : i32
    "tpu.region"() ({
      %run_scoped3A = tpu.sem_alloc : memref<!tpu.dma_semaphore, #tpu.memory_space<semaphore_mem>>
      %dma_start3A_74 = arith.constant 0 : i32
      %dma_start3A_75 = tpu.memref_slice %arg9[%add3A_51, %dma_start3A_74] : memref<10240x64xf32, #tpu.memory_space<vmem_shared>> -> memref<80x64xf32, #tpu.memory_space<vmem_shared>>
      %dma_start3A_76 = arith.constant 0 : i32
      %dma_start3A_77 = tpu.memref_slice %arg9[%add3A_51, %dma_start3A_76] : memref<10240x64xf32, #tpu.memory_space<vmem_shared>> -> memref<80x64xf32, #tpu.memory_space<vmem_shared>>
      tpu.enqueue_dma source(%arg8 : memref<80x64xf32, #tpu.memory_space<vmem>>) target(%dma_start3A_77 : memref<80x64xf32, #tpu.memory_space<vmem_shared>>) target_semaphore(%run_scoped3A : memref<!tpu.dma_semaphore, #tpu.memory_space<semaphore_mem>>)
      %dma_wait3A_78 = arith.constant 0 : i32
      %dma_wait3A_79 = tpu.memref_slice %arg9[%add3A_51, %dma_wait3A_78] : memref<10240x64xf32, #tpu.memory_space<vmem_shared>> -> memref<80x64xf32, #tpu.memory_space<vmem_shared>>
      %dma_wait3A_80 = arith.constant 0 : i32
      %dma_wait3A_81 = tpu.memref_slice %arg9[%add3A_51, %dma_wait3A_80] : memref<10240x64xf32, #tpu.memory_space<vmem_shared>> -> memref<80x64xf32, #tpu.memory_space<vmem_shared>>
      tpu.wait_dma2 semaphore(%run_scoped3A : memref<!tpu.dma_semaphore, #tpu.memory_space<semaphore_mem>>) src(%arg8 : memref<80x64xf32, #tpu.memory_space<vmem>>) dst(%dma_wait3A_81 : memref<80x64xf32, #tpu.memory_space<vmem_shared>>)
      tpu.yield
    }) : () -> ()
    %barrier3A = arith.constant 0 : index
    tpu.barrier barrier_id(%barrier3A)
    %scan3A_52 = arith.constant 0 : i32
    %scan3A_53 = arith.constant 0 : i32
    %scan3A_54 = arith.constant 12 : i32
    %scan3A_55 = arith.addi %scan3A_53, %scan3A_54 : i32
    %scan3A_56 = arith.constant 1 : i32
    scf.for %scan3A_74 = %scan3A_53 to %scan3A_55 step %scan3A_56  : i32 {
      %mul3A_75 = arith.constant 2 : i32
      %mul3A_76 = arith.muli %mul3A_75, %scan3A_74 : i32
      %add3A_77 = arith.constant 0 : i32
      %add3A_78 = arith.addi %mul3A_76, %add3A_77 : i32
      %dma_wait3A_79 = arith.constant 0 : i32
      %dma_wait3A_80 = arith.constant 0 : i32
      %dma_wait3A_81 = tpu.memref_slice %arg2[%dma_wait3A_79, %dma_wait3A_80] : memref<64000x64xf32, #tpu.memory_space<hbm>> -> memref<80x64xf32, #tpu.memory_space<hbm>>
      %dma_wait3A_82 = arith.constant 0 : i32
      %dma_wait3A_83 = arith.constant 0 : i32
      %dma_wait3A_84 = tpu.memref_slice %arg2[%dma_wait3A_82, %dma_wait3A_83] : memref<64000x64xf32, #tpu.memory_space<hbm>> -> memref<80x64xf32, #tpu.memory_space<hbm>>
      tpu.wait_dma2 semaphore(%arg10 : memref<!tpu.dma_semaphore, #tpu.memory_space<semaphore_mem>>) src(%dma_wait3A_84 : memref<80x64xf32, #tpu.memory_space<hbm>>) dst(%arg6 : memref<80x64xf32, #tpu.memory_space<vmem>>)
      %mul3A_85 = arith.constant 80 : i32
      %mul3A_86 = arith.muli %add3A_78, %mul3A_85 : i32
      "tpu.region"() ({
        %run_scoped3A = tpu.sem_alloc : memref<!tpu.dma_semaphore, #tpu.memory_space<semaphore_mem>>
        %dma_start3A_120 = tpu.memref_slice %arg5[%mul3A_86] : memref<2000xi32, #tpu.memory_space<vmem>> -> memref<80xi32, #tpu.memory_space<vmem>>
        %dma_start3A_121 = arith.constant 0 : i32
        %dma_start3A_122 = arith.constant 0 : i32
        %dma_start3A_123 = tpu.memref_slice %arg9[%dma_start3A_121, %dma_start3A_122] : memref<10240x64xf32, #tpu.memory_space<vmem_shared>> -> memref<10240x64xf32, #tpu.memory_space<vmem_shared>>
        tpu.enqueue_indirect_dma source(%arg6 : memref<80x64xf32, #tpu.memory_space<vmem>>) target(%dma_start3A_123 : memref<10240x64xf32, #tpu.memory_space<vmem_shared>>) offsets(%dma_start3A_120 : memref<80xi32, #tpu.memory_space<vmem>>) semaphore(%run_scoped3A : memref<!tpu.dma_semaphore, #tpu.memory_space<semaphore_mem>>) {add = true}
        %dma_wait3A_124 = tpu.memref_slice %arg5[%mul3A_86] : memref<2000xi32, #tpu.memory_space<vmem>> -> memref<80xi32, #tpu.memory_space<vmem>>
        %dma_wait3A_125 = arith.constant 0 : i32
        %dma_wait3A_126 = arith.constant 0 : i32
        %dma_wait3A_127 = tpu.memref_slice %arg9[%dma_wait3A_125, %dma_wait3A_126] : memref<10240x64xf32, #tpu.memory_space<vmem_shared>> -> memref<10240x64xf32, #tpu.memory_space<vmem_shared>>
        tpu.wait_indirect_dma semaphore(%run_scoped3A : memref<!tpu.dma_semaphore, #tpu.memory_space<semaphore_mem>>) src(%arg6 : memref<80x64xf32, #tpu.memory_space<vmem>>) dst(%dma_wait3A_127 : memref<10240x64xf32, #tpu.memory_space<vmem_shared>>)
        tpu.yield
      }) : () -> ()
      %add3A_87 = arith.constant 2 : i32
      %add3A_88 = arith.addi %add3A_78, %add3A_87 : i32
      %min3A = arith.constant 24 : i32
      %min3A_89 = arith.minsi %add3A_88, %min3A : i32
      %mul3A_90 = arith.constant 80 : i32
      %mul3A_91 = arith.muli %min3A_89, %mul3A_90 : i32
      %add3A_92 = arith.addi %mul3A_2, %mul3A_91 : i32
      %dma_start3A_93 = arith.constant 0 : i32
      %dma_start3A_94 = tpu.memref_slice %arg2[%add3A_92, %dma_start3A_93] : memref<64000x64xf32, #tpu.memory_space<hbm>> -> memref<80x64xf32, #tpu.memory_space<hbm>>
      %dma_start3A_95 = arith.constant 0 : i32
      %dma_start3A_96 = tpu.memref_slice %arg2[%add3A_92, %dma_start3A_95] : memref<64000x64xf32, #tpu.memory_space<hbm>> -> memref<80x64xf32, #tpu.memory_space<hbm>>
      tpu.enqueue_dma source(%dma_start3A_96 : memref<80x64xf32, #tpu.memory_space<hbm>>) target(%arg6 : memref<80x64xf32, #tpu.memory_space<vmem>>) target_semaphore(%arg10 : memref<!tpu.dma_semaphore, #tpu.memory_space<semaphore_mem>>)
      %mul3A_97 = arith.constant 2 : i32
      %mul3A_98 = arith.muli %mul3A_97, %scan3A_74 : i32
      %add3A_99 = arith.constant 1 : i32
      %add3A_100 = arith.addi %mul3A_98, %add3A_99 : i32
      %dma_wait3A_101 = arith.constant 0 : i32
      %dma_wait3A_102 = arith.constant 0 : i32
      %dma_wait3A_103 = tpu.memref_slice %arg2[%dma_wait3A_101, %dma_wait3A_102] : memref<64000x64xf32, #tpu.memory_space<hbm>> -> memref<80x64xf32, #tpu.memory_space<hbm>>
      %dma_wait3A_104 = arith.constant 0 : i32
      %dma_wait3A_105 = arith.constant 0 : i32
      %dma_wait3A_106 = tpu.memref_slice %arg2[%dma_wait3A_104, %dma_wait3A_105] : memref<64000x64xf32, #tpu.memory_space<hbm>> -> memref<80x64xf32, #tpu.memory_space<hbm>>
      tpu.wait_dma2 semaphore(%arg11 : memref<!tpu.dma_semaphore, #tpu.memory_space<semaphore_mem>>) src(%dma_wait3A_106 : memref<80x64xf32, #tpu.memory_space<hbm>>) dst(%arg7 : memref<80x64xf32, #tpu.memory_space<vmem>>)
      %mul3A_107 = arith.constant 80 : i32
      %mul3A_108 = arith.muli %add3A_100, %mul3A_107 : i32
      "tpu.region"() ({
        %run_scoped3A = tpu.sem_alloc : memref<!tpu.dma_semaphore, #tpu.memory_space<semaphore_mem>>
        %dma_start3A_120 = tpu.memref_slice %arg5[%mul3A_108] : memref<2000xi32, #tpu.memory_space<vmem>> -> memref<80xi32, #tpu.memory_space<vmem>>
        %dma_start3A_121 = arith.constant 0 : i32
        %dma_start3A_122 = arith.constant 0 : i32
        %dma_start3A_123 = tpu.memref_slice %arg9[%dma_start3A_121, %dma_start3A_122] : memref<10240x64xf32, #tpu.memory_space<vmem_shared>> -> memref<10240x64xf32, #tpu.memory_space<vmem_shared>>
        tpu.enqueue_indirect_dma source(%arg7 : memref<80x64xf32, #tpu.memory_space<vmem>>) target(%dma_start3A_123 : memref<10240x64xf32, #tpu.memory_space<vmem_shared>>) offsets(%dma_start3A_120 : memref<80xi32, #tpu.memory_space<vmem>>) semaphore(%run_scoped3A : memref<!tpu.dma_semaphore, #tpu.memory_space<semaphore_mem>>) {add = true}
        %dma_wait3A_124 = tpu.memref_slice %arg5[%mul3A_108] : memref<2000xi32, #tpu.memory_space<vmem>> -> memref<80xi32, #tpu.memory_space<vmem>>
        %dma_wait3A_125 = arith.constant 0 : i32
        %dma_wait3A_126 = arith.constant 0 : i32
        %dma_wait3A_127 = tpu.memref_slice %arg9[%dma_wait3A_125, %dma_wait3A_126] : memref<10240x64xf32, #tpu.memory_space<vmem_shared>> -> memref<10240x64xf32, #tpu.memory_space<vmem_shared>>
        tpu.wait_indirect_dma semaphore(%run_scoped3A : memref<!tpu.dma_semaphore, #tpu.memory_space<semaphore_mem>>) src(%arg7 : memref<80x64xf32, #tpu.memory_space<vmem>>) dst(%dma_wait3A_127 : memref<10240x64xf32, #tpu.memory_space<vmem_shared>>)
        tpu.yield
      }) : () -> ()
      %add3A_109 = arith.constant 2 : i32
      %add3A_110 = arith.addi %add3A_100, %add3A_109 : i32
      %min3A_111 = arith.constant 24 : i32
      %min3A_112 = arith.minsi %add3A_110, %min3A_111 : i32
      %mul3A_113 = arith.constant 80 : i32
      %mul3A_114 = arith.muli %min3A_112, %mul3A_113 : i32
      %add3A_115 = arith.addi %mul3A_2, %mul3A_114 : i32
      %dma_start3A_116 = arith.constant 0 : i32
      %dma_start3A_117 = tpu.memref_slice %arg2[%add3A_115, %dma_start3A_116] : memref<64000x64xf32, #tpu.memory_space<hbm>> -> memref<80x64xf32, #tpu.memory_space<hbm>>
      %dma_start3A_118 = arith.constant 0 : i32
      %dma_start3A_119 = tpu.memref_slice %arg2[%add3A_115, %dma_start3A_118] : memref<64000x64xf32, #tpu.memory_space<hbm>> -> memref<80x64xf32, #tpu.memory_space<hbm>>
      tpu.enqueue_dma source(%dma_start3A_119 : memref<80x64xf32, #tpu.memory_space<hbm>>) target(%arg7 : memref<80x64xf32, #tpu.memory_space<vmem>>) target_semaphore(%arg11 : memref<!tpu.dma_semaphore, #tpu.memory_space<semaphore_mem>>)
    }
    %scan3A_57 = arith.constant 12 : i32
    %dma_wait3A = arith.constant 0 : i32
    %dma_wait3A_58 = arith.constant 0 : i32
    %dma_wait3A_59 = tpu.memref_slice %arg2[%dma_wait3A, %dma_wait3A_58] : memref<64000x64xf32, #tpu.memory_space<hbm>> -> memref<80x64xf32, #tpu.memory_space<hbm>>
    %dma_wait3A_60 = arith.constant 0 : i32
    %dma_wait3A_61 = arith.constant 0 : i32
    %dma_wait3A_62 = tpu.memref_slice %arg2[%dma_wait3A_60, %dma_wait3A_61] : memref<64000x64xf32, #tpu.memory_space<hbm>> -> memref<80x64xf32, #tpu.memory_space<hbm>>
    tpu.wait_dma2 semaphore(%arg10 : memref<!tpu.dma_semaphore, #tpu.memory_space<semaphore_mem>>) src(%dma_wait3A_62 : memref<80x64xf32, #tpu.memory_space<hbm>>) dst(%arg6 : memref<80x64xf32, #tpu.memory_space<vmem>>)
    "tpu.region"() ({
      %run_scoped3A = tpu.sem_alloc : memref<!tpu.dma_semaphore, #tpu.memory_space<semaphore_mem>>
      %dma_start3A_74 = arith.constant 1920 : i32
      %dma_start3A_75 = tpu.memref_slice %arg5[%dma_start3A_74] : memref<2000xi32, #tpu.memory_space<vmem>> -> memref<80xi32, #tpu.memory_space<vmem>>
      %dma_start3A_76 = arith.constant 0 : i32
      %dma_start3A_77 = arith.constant 0 : i32
      %dma_start3A_78 = tpu.memref_slice %arg9[%dma_start3A_76, %dma_start3A_77] : memref<10240x64xf32, #tpu.memory_space<vmem_shared>> -> memref<10240x64xf32, #tpu.memory_space<vmem_shared>>
      tpu.enqueue_indirect_dma source(%arg6 : memref<80x64xf32, #tpu.memory_space<vmem>>) target(%dma_start3A_78 : memref<10240x64xf32, #tpu.memory_space<vmem_shared>>) offsets(%dma_start3A_75 : memref<80xi32, #tpu.memory_space<vmem>>) semaphore(%run_scoped3A : memref<!tpu.dma_semaphore, #tpu.memory_space<semaphore_mem>>) {add = true}
      %dma_wait3A_79 = arith.constant 1920 : i32
      %dma_wait3A_80 = tpu.memref_slice %arg5[%dma_wait3A_79] : memref<2000xi32, #tpu.memory_space<vmem>> -> memref<80xi32, #tpu.memory_space<vmem>>
      %dma_wait3A_81 = arith.constant 0 : i32
      %dma_wait3A_82 = arith.constant 0 : i32
      %dma_wait3A_83 = tpu.memref_slice %arg9[%dma_wait3A_81, %dma_wait3A_82] : memref<10240x64xf32, #tpu.memory_space<vmem_shared>> -> memref<10240x64xf32, #tpu.memory_space<vmem_shared>>
      tpu.wait_indirect_dma semaphore(%run_scoped3A : memref<!tpu.dma_semaphore, #tpu.memory_space<semaphore_mem>>) src(%arg6 : memref<80x64xf32, #tpu.memory_space<vmem>>) dst(%dma_wait3A_83 : memref<10240x64xf32, #tpu.memory_space<vmem_shared>>)
      tpu.yield
    }) : () -> ()
    %dma_wait3A_63 = arith.constant 0 : i32
    %dma_wait3A_64 = arith.constant 0 : i32
    %dma_wait3A_65 = tpu.memref_slice %arg2[%dma_wait3A_63, %dma_wait3A_64] : memref<64000x64xf32, #tpu.memory_space<hbm>> -> memref<80x64xf32, #tpu.memory_space<hbm>>
    %dma_wait3A_66 = arith.constant 0 : i32
    %dma_wait3A_67 = arith.constant 0 : i32
    %dma_wait3A_68 = tpu.memref_slice %arg2[%dma_wait3A_66, %dma_wait3A_67] : memref<64000x64xf32, #tpu.memory_space<hbm>> -> memref<80x64xf32, #tpu.memory_space<hbm>>
    tpu.wait_dma2 semaphore(%arg11 : memref<!tpu.dma_semaphore, #tpu.memory_space<semaphore_mem>>) src(%dma_wait3A_68 : memref<80x64xf32, #tpu.memory_space<hbm>>) dst(%arg7 : memref<80x64xf32, #tpu.memory_space<vmem>>)
    %barrier3A_69 = arith.constant 0 : index
    tpu.barrier barrier_id(%barrier3A_69)
    %mul3A_70 = arith.constant 640 : i32
    %mul3A_71 = arith.muli %arg1, %mul3A_70 : i32
    %mul3A_72 = arith.constant 640 : i32
    %mul3A_73 = arith.muli %arg1, %mul3A_72 : i32
    "tpu.region"() ({
      %run_scoped3A = tpu.sem_alloc : memref<!tpu.dma_semaphore, #tpu.memory_space<semaphore_mem>>
      %dma_start3A_74 = arith.constant 0 : i32
      %dma_start3A_75 = tpu.memref_slice %arg4[%arg0, %mul3A_73, %dma_start3A_74] : memref<2x10240x64xf32, #tpu.memory_space<hbm>> -> memref<1x640x64xf32, #tpu.memory_space<hbm>>
      %dma_start3A_76 = tpu.memref_squeeze %dma_start3A_75 : memref<1x640x64xf32, #tpu.memory_space<hbm>> -> memref<640x64xf32, #tpu.memory_space<hbm>>
      %dma_start3A_77 = arith.constant 0 : i32
      %dma_start3A_78 = tpu.memref_slice %arg9[%mul3A_71, %dma_start3A_77] : memref<10240x64xf32, #tpu.memory_space<vmem_shared>> -> memref<640x64xf32, #tpu.memory_space<vmem_shared>>
      tpu.enqueue_dma source(%dma_start3A_78 : memref<640x64xf32, #tpu.memory_space<vmem_shared>>) target(%dma_start3A_76 : memref<640x64xf32, #tpu.memory_space<hbm>>) target_semaphore(%run_scoped3A : memref<!tpu.dma_semaphore, #tpu.memory_space<semaphore_mem>>)
      %dma_wait3A_79 = arith.constant 0 : i32
      %dma_wait3A_80 = tpu.memref_slice %arg4[%arg0, %mul3A_73, %dma_wait3A_79] : memref<2x10240x64xf32, #tpu.memory_space<hbm>> -> memref<1x640x64xf32, #tpu.memory_space<hbm>>
      %dma_wait3A_81 = tpu.memref_squeeze %dma_wait3A_80 : memref<1x640x64xf32, #tpu.memory_space<hbm>> -> memref<640x64xf32, #tpu.memory_space<hbm>>
      %dma_wait3A_82 = arith.constant 0 : i32
      %dma_wait3A_83 = tpu.memref_slice %arg9[%mul3A_71, %dma_wait3A_82] : memref<10240x64xf32, #tpu.memory_space<vmem_shared>> -> memref<640x64xf32, #tpu.memory_space<vmem_shared>>
      tpu.wait_dma2 semaphore(%run_scoped3A : memref<!tpu.dma_semaphore, #tpu.memory_space<semaphore_mem>>) src(%dma_wait3A_83 : memref<640x64xf32, #tpu.memory_space<vmem_shared>>) dst(%dma_wait3A_81 : memref<640x64xf32, #tpu.memory_space<hbm>>)
      tpu.yield
    }) : () -> ()
    return
  }
}

#map = affine_map<(d0, d1) -> (0, 0)>
#map1 = affine_map<(d0, d1) -> (0, 0, 0)>
module attributes {stable_mosaic.version = 14 : i64} {
  func.func @seg_sum(%arg0: i32, %arg1: i32, %arg2: memref<64000x64xf32, #tpu.memory_space<hbm>>, %arg3: memref<32x2000xi32, #tpu.memory_space<hbm>>, %arg4: memref<2x10240x64xf32, #tpu.memory_space<hbm>>, %arg5: memref<2000xi32, #tpu.memory_space<vmem>>, %arg6: memref<80x64xf32, #tpu.memory_space<vmem>>, %arg7: memref<80x64xf32, #tpu.memory_space<vmem>>, %arg8: memref<80x64xf32, #tpu.memory_space<vmem>>, %arg9: memref<10240x64xf32, #tpu.memory_space<vmem_shared>>, %arg10: memref<!tpu.dma_semaphore, #tpu.memory_space<semaphore_mem>>, %arg11: memref<!tpu.dma_semaphore, #tpu.memory_space<semaphore_mem>>) attributes {dimension_semantics = [#tpu.dimension_semantics<core_parallel>, #tpu.dimension_semantics<subcore_parallel>], iteration_bounds = array<i64: 2, 16>, scalar_prefetch = 0 : i64, scratch_operands = 7 : i64, tpu.core_type = #tpu.core_type<sc_vector_subcore>, window_params = [{transform_indices = #map}, {transform_indices = #map}, {transform_indices = #map1}]} {
    %mul3A = arith.constant 2 : i32
    %mul3A_0 = arith.muli %arg1, %mul3A : i32
    %add3A = arith.addi %mul3A_0, %arg0 : i32
    %mul3A_1 = arith.constant 2000 : i32
    %mul3A_2 = arith.muli %add3A, %mul3A_1 : i32
    %add3A_3 = arith.constant 0 : i32
    %add3A_4 = arith.addi %mul3A_2, %add3A_3 : i32
    %dma_start3A = arith.constant 0 : i32
    %dma_start3A_5 = tpu.memref_slice %arg2[%add3A_4, %dma_start3A] : memref<64000x64xf32, #tpu.memory_space<hbm>> -> memref<80x64xf32, #tpu.memory_space<hbm>>
    %dma_start3A_6 = arith.constant 0 : i32
    %dma_start3A_7 = tpu.memref_slice %arg2[%add3A_4, %dma_start3A_6] : memref<64000x64xf32, #tpu.memory_space<hbm>> -> memref<80x64xf32, #tpu.memory_space<hbm>>
    tpu.enqueue_dma source(%dma_start3A_7 : memref<80x64xf32, #tpu.memory_space<hbm>>) target(%arg6 : memref<80x64xf32, #tpu.memory_space<vmem>>) target_semaphore(%arg10 : memref<!tpu.dma_semaphore, #tpu.memory_space<semaphore_mem>>)
    %add3A_8 = arith.constant 80 : i32
    %add3A_9 = arith.addi %mul3A_2, %add3A_8 : i32
    %dma_start3A_10 = arith.constant 0 : i32
    %dma_start3A_11 = tpu.memref_slice %arg2[%add3A_9, %dma_start3A_10] : memref<64000x64xf32, #tpu.memory_space<hbm>> -> memref<80x64xf32, #tpu.memory_space<hbm>>
    %dma_start3A_12 = arith.constant 0 : i32
    %dma_start3A_13 = tpu.memref_slice %arg2[%add3A_9, %dma_start3A_12] : memref<64000x64xf32, #tpu.memory_space<hbm>> -> memref<80x64xf32, #tpu.memory_space<hbm>>
    tpu.enqueue_dma source(%dma_start3A_13 : memref<80x64xf32, #tpu.memory_space<hbm>>) target(%arg7 : memref<80x64xf32, #tpu.memory_space<vmem>>) target_semaphore(%arg11 : memref<!tpu.dma_semaphore, #tpu.memory_space<semaphore_mem>>)
    "tpu.region"() ({
      %run_scoped3A = tpu.sem_alloc : memref<!tpu.dma_semaphore, #tpu.memory_space<semaphore_mem>>
      %dma_start3A_74 = arith.constant 0 : i32
      %dma_start3A_75 = tpu.memref_slice %arg3[%add3A, %dma_start3A_74] : memref<32x2000xi32, #tpu.memory_space<hbm>> -> memref<1x2000xi32, #tpu.memory_space<hbm>>
      %dma_start3A_76 = tpu.memref_squeeze %dma_start3A_75 : memref<1x2000xi32, #tpu.memory_space<hbm>> -> memref<2000xi32, #tpu.memory_space<hbm>>
      %dma_start3A_77 = arith.constant 0 : i32
      %dma_start3A_78 = tpu.memref_slice %arg3[%add3A, %dma_start3A_77] : memref<32x2000xi32, #tpu.memory_space<hbm>> -> memref<1x2000xi32, #tpu.memory_space<hbm>>
      %dma_start3A_79 = tpu.memref_squeeze %dma_start3A_78 : memref<1x2000xi32, #tpu.memory_space<hbm>> -> memref<2000xi32, #tpu.memory_space<hbm>>
      tpu.enqueue_dma source(%dma_start3A_79 : memref<2000xi32, #tpu.memory_space<hbm>>) target(%arg5 : memref<2000xi32, #tpu.memory_space<vmem>>) target_semaphore(%run_scoped3A : memref<!tpu.dma_semaphore, #tpu.memory_space<semaphore_mem>>)
      %dma_wait3A_80 = arith.constant 0 : i32
      %dma_wait3A_81 = tpu.memref_slice %arg3[%add3A, %dma_wait3A_80] : memref<32x2000xi32, #tpu.memory_space<hbm>> -> memref<1x2000xi32, #tpu.memory_space<hbm>>
      %dma_wait3A_82 = tpu.memref_squeeze %dma_wait3A_81 : memref<1x2000xi32, #tpu.memory_space<hbm>> -> memref<2000xi32, #tpu.memory_space<hbm>>
      %dma_wait3A_83 = arith.constant 0 : i32
      %dma_wait3A_84 = tpu.memref_slice %arg3[%add3A, %dma_wait3A_83] : memref<32x2000xi32, #tpu.memory_space<hbm>> -> memref<1x2000xi32, #tpu.memory_space<hbm>>
      %dma_wait3A_85 = tpu.memref_squeeze %dma_wait3A_84 : memref<1x2000xi32, #tpu.memory_space<hbm>> -> memref<2000xi32, #tpu.memory_space<hbm>>
      tpu.wait_dma2 semaphore(%run_scoped3A : memref<!tpu.dma_semaphore, #tpu.memory_space<semaphore_mem>>) src(%dma_wait3A_85 : memref<2000xi32, #tpu.memory_space<hbm>>) dst(%arg5 : memref<2000xi32, #tpu.memory_space<vmem>>)
      tpu.yield
    }) : () -> ()
    %broadcast_in_dim3A = arith.constant 0.000000e+00 : f32
    %broadcast_in_dim3A_14 = vector.broadcast %broadcast_in_dim3A : f32 to vector<16xf32>
    %scan3A = arith.constant 0 : i32
    %scan3A_15 = arith.constant 0 : i32
    %scan3A_16 = arith.constant 80 : i32
    %scan3A_17 = arith.addi %scan3A_15, %scan3A_16 : i32
    %scan3A_18 = arith.constant 1 : i32
    scf.for %scan3A_74 = %scan3A_15 to %scan3A_17 step %scan3A_18  : i32 {
      %swap3A = arith.index_cast %scan3A_74 : i32 to index
      %swap3A_75 = arith.constant 0 : index
      %swap3A_76 = tpu.vector_load %arg8[%swap3A, %swap3A_75] {strides = array<i32>} : memref<80x64xf32, #tpu.memory_space<vmem>>, vector<1x16xf32>,
      %swap3A_77 = vector.shape_cast %swap3A_76 : vector<1x16xf32> to vector<16xf32>
      %swap3A_78 = vector.shape_cast %broadcast_in_dim3A_14 : vector<16xf32> to vector<1x16xf32>
      tpu.vector_store %arg8[%swap3A, %swap3A_75], %swap3A_78 {strides = array<i32>} : memref<80x64xf32, #tpu.memory_space<vmem>>, vector<1x16xf32>,
      %swap3A_79 = arith.index_cast %scan3A_74 : i32 to index
      %swap3A_80 = arith.constant 16 : index
      %swap3A_81 = tpu.vector_load %arg8[%swap3A_79, %swap3A_80] {strides = array<i32>} : memref<80x64xf32, #tpu.memory_space<vmem>>, vector<1x16xf32>,
      %swap3A_82 = vector.shape_cast %swap3A_81 : vector<1x16xf32> to vector<16xf32>
      %swap3A_83 = vector.shape_cast %broadcast_in_dim3A_14 : vector<16xf32> to vector<1x16xf32>
      tpu.vector_store %arg8[%swap3A_79, %swap3A_80], %swap3A_83 {strides = array<i32>} : memref<80x64xf32, #tpu.memory_space<vmem>>, vector<1x16xf32>,
      %swap3A_84 = arith.index_cast %scan3A_74 : i32 to index
      %swap3A_85 = arith.constant 32 : index
      %swap3A_86 = tpu.vector_load %arg8[%swap3A_84, %swap3A_85] {strides = array<i32>} : memref<80x64xf32, #tpu.memory_space<vmem>>, vector<1x16xf32>,
      %swap3A_87 = vector.shape_cast %swap3A_86 : vector<1x16xf32> to vector<16xf32>
      %swap3A_88 = vector.shape_cast %broadcast_in_dim3A_14 : vector<16xf32> to vector<1x16xf32>
      tpu.vector_store %arg8[%swap3A_84, %swap3A_85], %swap3A_88 {strides = array<i32>} : memref<80x64xf32, #tpu.memory_space<vmem>>, vector<1x16xf32>,
      %swap3A_89 = arith.index_cast %scan3A_74 : i32 to index
      %swap3A_90 = arith.constant 48 : index
      %swap3A_91 = tpu.vector_load %arg8[%swap3A_89, %swap3A_90] {strides = array<i32>} : memref<80x64xf32, #tpu.memory_space<vmem>>, vector<1x16xf32>,
      %swap3A_92 = vector.shape_cast %swap3A_91 : vector<1x16xf32> to vector<16xf32>
      %swap3A_93 = vector.shape_cast %broadcast_in_dim3A_14 : vector<16xf32> to vector<1x16xf32>
      tpu.vector_store %arg8[%swap3A_89, %swap3A_90], %swap3A_93 {strides = array<i32>} : memref<80x64xf32, #tpu.memory_space<vmem>>, vector<1x16xf32>,
    }
    %scan3A_19 = arith.constant 80 : i32
    %mul3A_20 = arith.constant 640 : i32
    %mul3A_21 = arith.muli %arg1, %mul3A_20 : i32
    %add3A_22 = arith.constant 0 : i32
    %add3A_23 = arith.addi %mul3A_21, %add3A_22 : i32
    "tpu.region"() ({
      %run_scoped3A = tpu.sem_alloc : memref<!tpu.dma_semaphore, #tpu.memory_space<semaphore_mem>>
      %dma_start3A_74 = arith.constant 0 : i32
      %dma_start3A_75 = tpu.memref_slice %arg9[%add3A_23, %dma_start3A_74] : memref<10240x64xf32, #tpu.memory_space<vmem_shared>> -> memref<80x64xf32, #tpu.memory_space<vmem_shared>>
      %dma_start3A_76 = arith.constant 0 : i32
      %dma_start3A_77 = tpu.memref_slice %arg9[%add3A_23, %dma_start3A_76] : memref<10240x64xf32, #tpu.memory_space<vmem_shared>> -> memref<80x64xf32, #tpu.memory_space<vmem_shared>>
      tpu.enqueue_dma source(%arg8 : memref<80x64xf32, #tpu.memory_space<vmem>>) target(%dma_start3A_77 : memref<80x64xf32, #tpu.memory_space<vmem_shared>>) target_semaphore(%run_scoped3A : memref<!tpu.dma_semaphore, #tpu.memory_space<semaphore_mem>>)
      %dma_wait3A_78 = arith.constant 0 : i32
      %dma_wait3A_79 = tpu.memref_slice %arg9[%add3A_23, %dma_wait3A_78] : memref<10240x64xf32, #tpu.memory_space<vmem_shared>> -> memref<80x64xf32, #tpu.memory_space<vmem_shared>>
      %dma_wait3A_80 = arith.constant 0 : i32
      %dma_wait3A_81 = tpu.memref_slice %arg9[%add3A_23, %dma_wait3A_80] : memref<10240x64xf32, #tpu.memory_space<vmem_shared>> -> memref<80x64xf32, #tpu.memory_space<vmem_shared>>
      tpu.wait_dma2 semaphore(%run_scoped3A : memref<!tpu.dma_semaphore, #tpu.memory_space<semaphore_mem>>) src(%arg8 : memref<80x64xf32, #tpu.memory_space<vmem>>) dst(%dma_wait3A_81 : memref<80x64xf32, #tpu.memory_space<vmem_shared>>)
      tpu.yield
    }) : () -> ()
    %mul3A_24 = arith.constant 640 : i32
    %mul3A_25 = arith.muli %arg1, %mul3A_24 : i32
    %add3A_26 = arith.constant 80 : i32
    %add3A_27 = arith.addi %mul3A_25, %add3A_26 : i32
    "tpu.region"() ({
      %run_scoped3A = tpu.sem_alloc : memref<!tpu.dma_semaphore, #tpu.memory_space<semaphore_mem>>
      %dma_start3A_74 = arith.constant 0 : i32
      %dma_start3A_75 = tpu.memref_slice %arg9[%add3A_27, %dma_start3A_74] : memref<10240x64xf32, #tpu.memory_space<vmem_shared>> -> memref<80x64xf32, #tpu.memory_space<vmem_shared>>
      %dma_start3A_76 = arith.constant 0 : i32
      %dma_start3A_77 = tpu.memref_slice %arg9[%add3A_27, %dma_start3A_76] : memref<10240x64xf32, #tpu.memory_space<vmem_shared>> -> memref<80x64xf32, #tpu.memory_space<vmem_shared>>
      tpu.enqueue_dma source(%arg8 : memref<80x64xf32, #tpu.memory_space<vmem>>) target(%dma_start3A_77 : memref<80x64xf32, #tpu.memory_space<vmem_shared>>) target_semaphore(%run_scoped3A : memref<!tpu.dma_semaphore, #tpu.memory_space<semaphore_mem>>)
      %dma_wait3A_78 = arith.constant 0 : i32
      %dma_wait3A_79 = tpu.memref_slice %arg9[%add3A_27, %dma_wait3A_78] : memref<10240x64xf32, #tpu.memory_space<vmem_shared>> -> memref<80x64xf32, #tpu.memory_space<vmem_shared>>
      %dma_wait3A_80 = arith.constant 0 : i32
      %dma_wait3A_81 = tpu.memref_slice %arg9[%add3A_27, %dma_wait3A_80] : memref<10240x64xf32, #tpu.memory_space<vmem_shared>> -> memref<80x64xf32, #tpu.memory_space<vmem_shared>>
      tpu.wait_dma2 semaphore(%run_scoped3A : memref<!tpu.dma_semaphore, #tpu.memory_space<semaphore_mem>>) src(%arg8 : memref<80x64xf32, #tpu.memory_space<vmem>>) dst(%dma_wait3A_81 : memref<80x64xf32, #tpu.memory_space<vmem_shared>>)
      tpu.yield
    }) : () -> ()
    %mul3A_28 = arith.constant 640 : i32
    %mul3A_29 = arith.muli %arg1, %mul3A_28 : i32
    %add3A_30 = arith.constant 160 : i32
    %add3A_31 = arith.addi %mul3A_29, %add3A_30 : i32
    "tpu.region"() ({
      %run_scoped3A = tpu.sem_alloc : memref<!tpu.dma_semaphore, #tpu.memory_space<semaphore_mem>>
      %dma_start3A_74 = arith.constant 0 : i32
      %dma_start3A_75 = tpu.memref_slice %arg9[%add3A_31, %dma_start3A_74] : memref<10240x64xf32, #tpu.memory_space<vmem_shared>> -> memref<80x64xf32, #tpu.memory_space<vmem_shared>>
      %dma_start3A_76 = arith.constant 0 : i32
      %dma_start3A_77 = tpu.memref_slice %arg9[%add3A_31, %dma_start3A_76] : memref<10240x64xf32, #tpu.memory_space<vmem_shared>> -> memref<80x64xf32, #tpu.memory_space<vmem_shared>>
      tpu.enqueue_dma source(%arg8 : memref<80x64xf32, #tpu.memory_space<vmem>>) target(%dma_start3A_77 : memref<80x64xf32, #tpu.memory_space<vmem_shared>>) target_semaphore(%run_scoped3A : memref<!tpu.dma_semaphore, #tpu.memory_space<semaphore_mem>>)
      %dma_wait3A_78 = arith.constant 0 : i32
      %dma_wait3A_79 = tpu.memref_slice %arg9[%add3A_31, %dma_wait3A_78] : memref<10240x64xf32, #tpu.memory_space<vmem_shared>> -> memref<80x64xf32, #tpu.memory_space<vmem_shared>>
      %dma_wait3A_80 = arith.constant 0 : i32
      %dma_wait3A_81 = tpu.memref_slice %arg9[%add3A_31, %dma_wait3A_80] : memref<10240x64xf32, #tpu.memory_space<vmem_shared>> -> memref<80x64xf32, #tpu.memory_space<vmem_shared>>
      tpu.wait_dma2 semaphore(%run_scoped3A : memref<!tpu.dma_semaphore, #tpu.memory_space<semaphore_mem>>) src(%arg8 : memref<80x64xf32, #tpu.memory_space<vmem>>) dst(%dma_wait3A_81 : memref<80x64xf32, #tpu.memory_space<vmem_shared>>)
      tpu.yield
    }) : () -> ()
    %mul3A_32 = arith.constant 640 : i32
    %mul3A_33 = arith.muli %arg1, %mul3A_32 : i32
    %add3A_34 = arith.constant 240 : i32
    %add3A_35 = arith.addi %mul3A_33, %add3A_34 : i32
    "tpu.region"() ({
      %run_scoped3A = tpu.sem_alloc : memref<!tpu.dma_semaphore, #tpu.memory_space<semaphore_mem>>
      %dma_start3A_74 = arith.constant 0 : i32
      %dma_start3A_75 = tpu.memref_slice %arg9[%add3A_35, %dma_start3A_74] : memref<10240x64xf32, #tpu.memory_space<vmem_shared>> -> memref<80x64xf32, #tpu.memory_space<vmem_shared>>
      %dma_start3A_76 = arith.constant 0 : i32
      %dma_start3A_77 = tpu.memref_slice %arg9[%add3A_35, %dma_start3A_76] : memref<10240x64xf32, #tpu.memory_space<vmem_shared>> -> memref<80x64xf32, #tpu.memory_space<vmem_shared>>
      tpu.enqueue_dma source(%arg8 : memref<80x64xf32, #tpu.memory_space<vmem>>) target(%dma_start3A_77 : memref<80x64xf32, #tpu.memory_space<vmem_shared>>) target_semaphore(%run_scoped3A : memref<!tpu.dma_semaphore, #tpu.memory_space<semaphore_mem>>)
      %dma_wait3A_78 = arith.constant 0 : i32
      %dma_wait3A_79 = tpu.memref_slice %arg9[%add3A_35, %dma_wait3A_78] : memref<10240x64xf32, #tpu.memory_space<vmem_shared>> -> memref<80x64xf32, #tpu.memory_space<vmem_shared>>
      %dma_wait3A_80 = arith.constant 0 : i32
      %dma_wait3A_81 = tpu.memref_slice %arg9[%add3A_35, %dma_wait3A_80] : memref<10240x64xf32, #tpu.memory_space<vmem_shared>> -> memref<80x64xf32, #tpu.memory_space<vmem_shared>>
      tpu.wait_dma2 semaphore(%run_scoped3A : memref<!tpu.dma_semaphore, #tpu.memory_space<semaphore_mem>>) src(%arg8 : memref<80x64xf32, #tpu.memory_space<vmem>>) dst(%dma_wait3A_81 : memref<80x64xf32, #tpu.memory_space<vmem_shared>>)
      tpu.yield
    }) : () -> ()
    %mul3A_36 = arith.constant 640 : i32
    %mul3A_37 = arith.muli %arg1, %mul3A_36 : i32
    %add3A_38 = arith.constant 320 : i32
    %add3A_39 = arith.addi %mul3A_37, %add3A_38 : i32
    "tpu.region"() ({
      %run_scoped3A = tpu.sem_alloc : memref<!tpu.dma_semaphore, #tpu.memory_space<semaphore_mem>>
      %dma_start3A_74 = arith.constant 0 : i32
      %dma_start3A_75 = tpu.memref_slice %arg9[%add3A_39, %dma_start3A_74] : memref<10240x64xf32, #tpu.memory_space<vmem_shared>> -> memref<80x64xf32, #tpu.memory_space<vmem_shared>>
      %dma_start3A_76 = arith.constant 0 : i32
      %dma_start3A_77 = tpu.memref_slice %arg9[%add3A_39, %dma_start3A_76] : memref<10240x64xf32, #tpu.memory_space<vmem_shared>> -> memref<80x64xf32, #tpu.memory_space<vmem_shared>>
      tpu.enqueue_dma source(%arg8 : memref<80x64xf32, #tpu.memory_space<vmem>>) target(%dma_start3A_77 : memref<80x64xf32, #tpu.memory_space<vmem_shared>>) target_semaphore(%run_scoped3A : memref<!tpu.dma_semaphore, #tpu.memory_space<semaphore_mem>>)
      %dma_wait3A_78 = arith.constant 0 : i32
      %dma_wait3A_79 = tpu.memref_slice %arg9[%add3A_39, %dma_wait3A_78] : memref<10240x64xf32, #tpu.memory_space<vmem_shared>> -> memref<80x64xf32, #tpu.memory_space<vmem_shared>>
      %dma_wait3A_80 = arith.constant 0 : i32
      %dma_wait3A_81 = tpu.memref_slice %arg9[%add3A_39, %dma_wait3A_80] : memref<10240x64xf32, #tpu.memory_space<vmem_shared>> -> memref<80x64xf32, #tpu.memory_space<vmem_shared>>
      tpu.wait_dma2 semaphore(%run_scoped3A : memref<!tpu.dma_semaphore, #tpu.memory_space<semaphore_mem>>) src(%arg8 : memref<80x64xf32, #tpu.memory_space<vmem>>) dst(%dma_wait3A_81 : memref<80x64xf32, #tpu.memory_space<vmem_shared>>)
      tpu.yield
    }) : () -> ()
    %mul3A_40 = arith.constant 640 : i32
    %mul3A_41 = arith.muli %arg1, %mul3A_40 : i32
    %add3A_42 = arith.constant 400 : i32
    %add3A_43 = arith.addi %mul3A_41, %add3A_42 : i32
    "tpu.region"() ({
      %run_scoped3A = tpu.sem_alloc : memref<!tpu.dma_semaphore, #tpu.memory_space<semaphore_mem>>
      %dma_start3A_74 = arith.constant 0 : i32
      %dma_start3A_75 = tpu.memref_slice %arg9[%add3A_43, %dma_start3A_74] : memref<10240x64xf32, #tpu.memory_space<vmem_shared>> -> memref<80x64xf32, #tpu.memory_space<vmem_shared>>
      %dma_start3A_76 = arith.constant 0 : i32
      %dma_start3A_77 = tpu.memref_slice %arg9[%add3A_43, %dma_start3A_76] : memref<10240x64xf32, #tpu.memory_space<vmem_shared>> -> memref<80x64xf32, #tpu.memory_space<vmem_shared>>
      tpu.enqueue_dma source(%arg8 : memref<80x64xf32, #tpu.memory_space<vmem>>) target(%dma_start3A_77 : memref<80x64xf32, #tpu.memory_space<vmem_shared>>) target_semaphore(%run_scoped3A : memref<!tpu.dma_semaphore, #tpu.memory_space<semaphore_mem>>)
      %dma_wait3A_78 = arith.constant 0 : i32
      %dma_wait3A_79 = tpu.memref_slice %arg9[%add3A_43, %dma_wait3A_78] : memref<10240x64xf32, #tpu.memory_space<vmem_shared>> -> memref<80x64xf32, #tpu.memory_space<vmem_shared>>
      %dma_wait3A_80 = arith.constant 0 : i32
      %dma_wait3A_81 = tpu.memref_slice %arg9[%add3A_43, %dma_wait3A_80] : memref<10240x64xf32, #tpu.memory_space<vmem_shared>> -> memref<80x64xf32, #tpu.memory_space<vmem_shared>>
      tpu.wait_dma2 semaphore(%run_scoped3A : memref<!tpu.dma_semaphore, #tpu.memory_space<semaphore_mem>>) src(%arg8 : memref<80x64xf32, #tpu.memory_space<vmem>>) dst(%dma_wait3A_81 : memref<80x64xf32, #tpu.memory_space<vmem_shared>>)
      tpu.yield
    }) : () -> ()
    %mul3A_44 = arith.constant 640 : i32
    %mul3A_45 = arith.muli %arg1, %mul3A_44 : i32
    %add3A_46 = arith.constant 480 : i32
    %add3A_47 = arith.addi %mul3A_45, %add3A_46 : i32
    "tpu.region"() ({
      %run_scoped3A = tpu.sem_alloc : memref<!tpu.dma_semaphore, #tpu.memory_space<semaphore_mem>>
      %dma_start3A_74 = arith.constant 0 : i32
      %dma_start3A_75 = tpu.memref_slice %arg9[%add3A_47, %dma_start3A_74] : memref<10240x64xf32, #tpu.memory_space<vmem_shared>> -> memref<80x64xf32, #tpu.memory_space<vmem_shared>>
      %dma_start3A_76 = arith.constant 0 : i32
      %dma_start3A_77 = tpu.memref_slice %arg9[%add3A_47, %dma_start3A_76] : memref<10240x64xf32, #tpu.memory_space<vmem_shared>> -> memref<80x64xf32, #tpu.memory_space<vmem_shared>>
      tpu.enqueue_dma source(%arg8 : memref<80x64xf32, #tpu.memory_space<vmem>>) target(%dma_start3A_77 : memref<80x64xf32, #tpu.memory_space<vmem_shared>>) target_semaphore(%run_scoped3A : memref<!tpu.dma_semaphore, #tpu.memory_space<semaphore_mem>>)
      %dma_wait3A_78 = arith.constant 0 : i32
      %dma_wait3A_79 = tpu.memref_slice %arg9[%add3A_47, %dma_wait3A_78] : memref<10240x64xf32, #tpu.memory_space<vmem_shared>> -> memref<80x64xf32, #tpu.memory_space<vmem_shared>>
      %dma_wait3A_80 = arith.constant 0 : i32
      %dma_wait3A_81 = tpu.memref_slice %arg9[%add3A_47, %dma_wait3A_80] : memref<10240x64xf32, #tpu.memory_space<vmem_shared>> -> memref<80x64xf32, #tpu.memory_space<vmem_shared>>
      tpu.wait_dma2 semaphore(%run_scoped3A : memref<!tpu.dma_semaphore, #tpu.memory_space<semaphore_mem>>) src(%arg8 : memref<80x64xf32, #tpu.memory_space<vmem>>) dst(%dma_wait3A_81 : memref<80x64xf32, #tpu.memory_space<vmem_shared>>)
      tpu.yield
    }) : () -> ()
    %mul3A_48 = arith.constant 640 : i32
    %mul3A_49 = arith.muli %arg1, %mul3A_48 : i32
    %add3A_50 = arith.constant 560 : i32
    %add3A_51 = arith.addi %mul3A_49, %add3A_50 : i32
    "tpu.region"() ({
      %run_scoped3A = tpu.sem_alloc : memref<!tpu.dma_semaphore, #tpu.memory_space<semaphore_mem>>
      %dma_start3A_74 = arith.constant 0 : i32
      %dma_start3A_75 = tpu.memref_slice %arg9[%add3A_51, %dma_start3A_74] : memref<10240x64xf32, #tpu.memory_space<vmem_shared>> -> memref<80x64xf32, #tpu.memory_space<vmem_shared>>
      %dma_start3A_76 = arith.constant 0 : i32
      %dma_start3A_77 = tpu.memref_slice %arg9[%add3A_51, %dma_start3A_76] : memref<10240x64xf32, #tpu.memory_space<vmem_shared>> -> memref<80x64xf32, #tpu.memory_space<vmem_shared>>
      tpu.enqueue_dma source(%arg8 : memref<80x64xf32, #tpu.memory_space<vmem>>) target(%dma_start3A_77 : memref<80x64xf32, #tpu.memory_space<vmem_shared>>) target_semaphore(%run_scoped3A : memref<!tpu.dma_semaphore, #tpu.memory_space<semaphore_mem>>)
      %dma_wait3A_78 = arith.constant 0 : i32
      %dma_wait3A_79 = tpu.memref_slice %arg9[%add3A_51, %dma_wait3A_78] : memref<10240x64xf32, #tpu.memory_space<vmem_shared>> -> memref<80x64xf32, #tpu.memory_space<vmem_shared>>
      %dma_wait3A_80 = arith.constant 0 : i32
      %dma_wait3A_81 = tpu.memref_slice %arg9[%add3A_51, %dma_wait3A_80] : memref<10240x64xf32, #tpu.memory_space<vmem_shared>> -> memref<80x64xf32, #tpu.memory_space<vmem_shared>>
      tpu.wait_dma2 semaphore(%run_scoped3A : memref<!tpu.dma_semaphore, #tpu.memory_space<semaphore_mem>>) src(%arg8 : memref<80x64xf32, #tpu.memory_space<vmem>>) dst(%dma_wait3A_81 : memref<80x64xf32, #tpu.memory_space<vmem_shared>>)
      tpu.yield
    }) : () -> ()
    %barrier3A = arith.constant 0 : index
    tpu.barrier barrier_id(%barrier3A)
    %scan3A_52 = arith.constant 0 : i32
    %scan3A_53 = arith.constant 0 : i32
    %scan3A_54 = arith.constant 12 : i32
    %scan3A_55 = arith.addi %scan3A_53, %scan3A_54 : i32
    %scan3A_56 = arith.constant 1 : i32
    scf.for %scan3A_74 = %scan3A_53 to %scan3A_55 step %scan3A_56  : i32 {
      %mul3A_75 = arith.constant 2 : i32
      %mul3A_76 = arith.muli %mul3A_75, %scan3A_74 : i32
      %add3A_77 = arith.constant 0 : i32
      %add3A_78 = arith.addi %mul3A_76, %add3A_77 : i32
      %dma_wait3A_79 = arith.constant 0 : i32
      %dma_wait3A_80 = arith.constant 0 : i32
      %dma_wait3A_81 = tpu.memref_slice %arg2[%dma_wait3A_79, %dma_wait3A_80] : memref<64000x64xf32, #tpu.memory_space<hbm>> -> memref<80x64xf32, #tpu.memory_space<hbm>>
      %dma_wait3A_82 = arith.constant 0 : i32
      %dma_wait3A_83 = arith.constant 0 : i32
      %dma_wait3A_84 = tpu.memref_slice %arg2[%dma_wait3A_82, %dma_wait3A_83] : memref<64000x64xf32, #tpu.memory_space<hbm>> -> memref<80x64xf32, #tpu.memory_space<hbm>>
      tpu.wait_dma2 semaphore(%arg10 : memref<!tpu.dma_semaphore, #tpu.memory_space<semaphore_mem>>) src(%dma_wait3A_84 : memref<80x64xf32, #tpu.memory_space<hbm>>) dst(%arg6 : memref<80x64xf32, #tpu.memory_space<vmem>>)
      %mul3A_85 = arith.constant 80 : i32
      %mul3A_86 = arith.muli %add3A_78, %mul3A_85 : i32
      "tpu.region"() ({
        %run_scoped3A = tpu.sem_alloc : memref<!tpu.dma_semaphore, #tpu.memory_space<semaphore_mem>>
        %dma_start3A_120 = tpu.memref_slice %arg5[%mul3A_86] : memref<2000xi32, #tpu.memory_space<vmem>> -> memref<80xi32, #tpu.memory_space<vmem>>
        %dma_start3A_121 = arith.constant 0 : i32
        %dma_start3A_122 = arith.constant 0 : i32
        %dma_start3A_123 = tpu.memref_slice %arg9[%dma_start3A_121, %dma_start3A_122] : memref<10240x64xf32, #tpu.memory_space<vmem_shared>> -> memref<10240x64xf32, #tpu.memory_space<vmem_shared>>
        tpu.enqueue_indirect_dma source(%arg6 : memref<80x64xf32, #tpu.memory_space<vmem>>) target(%dma_start3A_123 : memref<10240x64xf32, #tpu.memory_space<vmem_shared>>) offsets(%dma_start3A_120 : memref<80xi32, #tpu.memory_space<vmem>>) semaphore(%run_scoped3A : memref<!tpu.dma_semaphore, #tpu.memory_space<semaphore_mem>>) {add = true}
        %dma_wait3A_124 = tpu.memref_slice %arg5[%mul3A_86] : memref<2000xi32, #tpu.memory_space<vmem>> -> memref<80xi32, #tpu.memory_space<vmem>>
        %dma_wait3A_125 = arith.constant 0 : i32
        %dma_wait3A_126 = arith.constant 0 : i32
        %dma_wait3A_127 = tpu.memref_slice %arg9[%dma_wait3A_125, %dma_wait3A_126] : memref<10240x64xf32, #tpu.memory_space<vmem_shared>> -> memref<10240x64xf32, #tpu.memory_space<vmem_shared>>
        tpu.wait_indirect_dma semaphore(%run_scoped3A : memref<!tpu.dma_semaphore, #tpu.memory_space<semaphore_mem>>) src(%arg6 : memref<80x64xf32, #tpu.memory_space<vmem>>) dst(%dma_wait3A_127 : memref<10240x64xf32, #tpu.memory_space<vmem_shared>>)
        tpu.yield
      }) : () -> ()
      %add3A_87 = arith.constant 2 : i32
      %add3A_88 = arith.addi %add3A_78, %add3A_87 : i32
      %min3A = arith.constant 24 : i32
      %min3A_89 = arith.minsi %add3A_88, %min3A : i32
      %mul3A_90 = arith.constant 80 : i32
      %mul3A_91 = arith.muli %min3A_89, %mul3A_90 : i32
      %add3A_92 = arith.addi %mul3A_2, %mul3A_91 : i32
      %dma_start3A_93 = arith.constant 0 : i32
      %dma_start3A_94 = tpu.memref_slice %arg2[%add3A_92, %dma_start3A_93] : memref<64000x64xf32, #tpu.memory_space<hbm>> -> memref<80x64xf32, #tpu.memory_space<hbm>>
      %dma_start3A_95 = arith.constant 0 : i32
      %dma_start3A_96 = tpu.memref_slice %arg2[%add3A_92, %dma_start3A_95] : memref<64000x64xf32, #tpu.memory_space<hbm>> -> memref<80x64xf32, #tpu.memory_space<hbm>>
      tpu.enqueue_dma source(%dma_start3A_96 : memref<80x64xf32, #tpu.memory_space<hbm>>) target(%arg6 : memref<80x64xf32, #tpu.memory_space<vmem>>) target_semaphore(%arg10 : memref<!tpu.dma_semaphore, #tpu.memory_space<semaphore_mem>>)
      %mul3A_97 = arith.constant 2 : i32
      %mul3A_98 = arith.muli %mul3A_97, %scan3A_74 : i32
      %add3A_99 = arith.constant 1 : i32
      %add3A_100 = arith.addi %mul3A_98, %add3A_99 : i32
      %dma_wait3A_101 = arith.constant 0 : i32
      %dma_wait3A_102 = arith.constant 0 : i32
      %dma_wait3A_103 = tpu.memref_slice %arg2[%dma_wait3A_101, %dma_wait3A_102] : memref<64000x64xf32, #tpu.memory_space<hbm>> -> memref<80x64xf32, #tpu.memory_space<hbm>>
      %dma_wait3A_104 = arith.constant 0 : i32
      %dma_wait3A_105 = arith.constant 0 : i32
      %dma_wait3A_106 = tpu.memref_slice %arg2[%dma_wait3A_104, %dma_wait3A_105] : memref<64000x64xf32, #tpu.memory_space<hbm>> -> memref<80x64xf32, #tpu.memory_space<hbm>>
      tpu.wait_dma2 semaphore(%arg11 : memref<!tpu.dma_semaphore, #tpu.memory_space<semaphore_mem>>) src(%dma_wait3A_106 : memref<80x64xf32, #tpu.memory_space<hbm>>) dst(%arg7 : memref<80x64xf32, #tpu.memory_space<vmem>>)
      %mul3A_107 = arith.constant 80 : i32
      %mul3A_108 = arith.muli %add3A_100, %mul3A_107 : i32
      "tpu.region"() ({
        %run_scoped3A = tpu.sem_alloc : memref<!tpu.dma_semaphore, #tpu.memory_space<semaphore_mem>>
        %dma_start3A_120 = tpu.memref_slice %arg5[%mul3A_108] : memref<2000xi32, #tpu.memory_space<vmem>> -> memref<80xi32, #tpu.memory_space<vmem>>
        %dma_start3A_121 = arith.constant 0 : i32
        %dma_start3A_122 = arith.constant 0 : i32
        %dma_start3A_123 = tpu.memref_slice %arg9[%dma_start3A_121, %dma_start3A_122] : memref<10240x64xf32, #tpu.memory_space<vmem_shared>> -> memref<10240x64xf32, #tpu.memory_space<vmem_shared>>
        tpu.enqueue_indirect_dma source(%arg7 : memref<80x64xf32, #tpu.memory_space<vmem>>) target(%dma_start3A_123 : memref<10240x64xf32, #tpu.memory_space<vmem_shared>>) offsets(%dma_start3A_120 : memref<80xi32, #tpu.memory_space<vmem>>) semaphore(%run_scoped3A : memref<!tpu.dma_semaphore, #tpu.memory_space<semaphore_mem>>) {add = true}
        %dma_wait3A_124 = tpu.memref_slice %arg5[%mul3A_108] : memref<2000xi32, #tpu.memory_space<vmem>> -> memref<80xi32, #tpu.memory_space<vmem>>
        %dma_wait3A_125 = arith.constant 0 : i32
        %dma_wait3A_126 = arith.constant 0 : i32
        %dma_wait3A_127 = tpu.memref_slice %arg9[%dma_wait3A_125, %dma_wait3A_126] : memref<10240x64xf32, #tpu.memory_space<vmem_shared>> -> memref<10240x64xf32, #tpu.memory_space<vmem_shared>>
        tpu.wait_indirect_dma semaphore(%run_scoped3A : memref<!tpu.dma_semaphore, #tpu.memory_space<semaphore_mem>>) src(%arg7 : memref<80x64xf32, #tpu.memory_space<vmem>>) dst(%dma_wait3A_127 : memref<10240x64xf32, #tpu.memory_space<vmem_shared>>)
        tpu.yield
      }) : () -> ()
      %add3A_109 = arith.constant 2 : i32
      %add3A_110 = arith.addi %add3A_100, %add3A_109 : i32
      %min3A_111 = arith.constant 24 : i32
      %min3A_112 = arith.minsi %add3A_110, %min3A_111 : i32
      %mul3A_113 = arith.constant 80 : i32
      %mul3A_114 = arith.muli %min3A_112, %mul3A_113 : i32
      %add3A_115 = arith.addi %mul3A_2, %mul3A_114 : i32
      %dma_start3A_116 = arith.constant 0 : i32
      %dma_start3A_117 = tpu.memref_slice %arg2[%add3A_115, %dma_start3A_116] : memref<64000x64xf32, #tpu.memory_space<hbm>> -> memref<80x64xf32, #tpu.memory_space<hbm>>
      %dma_start3A_118 = arith.constant 0 : i32
      %dma_start3A_119 = tpu.memref_slice %arg2[%add3A_115, %dma_start3A_118] : memref<64000x64xf32, #tpu.memory_space<hbm>> -> memref<80x64xf32, #tpu.memory_space<hbm>>
      tpu.enqueue_dma source(%dma_start3A_119 : memref<80x64xf32, #tpu.memory_space<hbm>>) target(%arg7 : memref<80x64xf32, #tpu.memory_space<vmem>>) target_semaphore(%arg11 : memref<!tpu.dma_semaphore, #tpu.memory_space<semaphore_mem>>)
    }
    %scan3A_57 = arith.constant 12 : i32
    %dma_wait3A = arith.constant 0 : i32
    %dma_wait3A_58 = arith.constant 0 : i32
    %dma_wait3A_59 = tpu.memref_slice %arg2[%dma_wait3A, %dma_wait3A_58] : memref<64000x64xf32, #tpu.memory_space<hbm>> -> memref<80x64xf32, #tpu.memory_space<hbm>>
    %dma_wait3A_60 = arith.constant 0 : i32
    %dma_wait3A_61 = arith.constant 0 : i32
    %dma_wait3A_62 = tpu.memref_slice %arg2[%dma_wait3A_60, %dma_wait3A_61] : memref<64000x64xf32, #tpu.memory_space<hbm>> -> memref<80x64xf32, #tpu.memory_space<hbm>>
    tpu.wait_dma2 semaphore(%arg10 : memref<!tpu.dma_semaphore, #tpu.memory_space<semaphore_mem>>) src(%dma_wait3A_62 : memref<80x64xf32, #tpu.memory_space<hbm>>) dst(%arg6 : memref<80x64xf32, #tpu.memory_space<vmem>>)
    "tpu.region"() ({
      %run_scoped3A = tpu.sem_alloc : memref<!tpu.dma_semaphore, #tpu.memory_space<semaphore_mem>>
      %dma_start3A_74 = arith.constant 1920 : i32
      %dma_start3A_75 = tpu.memref_slice %arg5[%dma_start3A_74] : memref<2000xi32, #tpu.memory_space<vmem>> -> memref<80xi32, #tpu.memory_space<vmem>>
      %dma_start3A_76 = arith.constant 0 : i32
      %dma_start3A_77 = arith.constant 0 : i32
      %dma_start3A_78 = tpu.memref_slice %arg9[%dma_start3A_76, %dma_start3A_77] : memref<10240x64xf32, #tpu.memory_space<vmem_shared>> -> memref<10240x64xf32, #tpu.memory_space<vmem_shared>>
      tpu.enqueue_indirect_dma source(%arg6 : memref<80x64xf32, #tpu.memory_space<vmem>>) target(%dma_start3A_78 : memref<10240x64xf32, #tpu.memory_space<vmem_shared>>) offsets(%dma_start3A_75 : memref<80xi32, #tpu.memory_space<vmem>>) semaphore(%run_scoped3A : memref<!tpu.dma_semaphore, #tpu.memory_space<semaphore_mem>>) {add = true}
      %dma_wait3A_79 = arith.constant 1920 : i32
      %dma_wait3A_80 = tpu.memref_slice %arg5[%dma_wait3A_79] : memref<2000xi32, #tpu.memory_space<vmem>> -> memref<80xi32, #tpu.memory_space<vmem>>
      %dma_wait3A_81 = arith.constant 0 : i32
      %dma_wait3A_82 = arith.constant 0 : i32
      %dma_wait3A_83 = tpu.memref_slice %arg9[%dma_wait3A_81, %dma_wait3A_82] : memref<10240x64xf32, #tpu.memory_space<vmem_shared>> -> memref<10240x64xf32, #tpu.memory_space<vmem_shared>>
      tpu.wait_indirect_dma semaphore(%run_scoped3A : memref<!tpu.dma_semaphore, #tpu.memory_space<semaphore_mem>>) src(%arg6 : memref<80x64xf32, #tpu.memory_space<vmem>>) dst(%dma_wait3A_83 : memref<10240x64xf32, #tpu.memory_space<vmem_shared>>)
      tpu.yield
    }) : () -> ()
    %dma_wait3A_63 = arith.constant 0 : i32
    %dma_wait3A_64 = arith.constant 0 : i32
    %dma_wait3A_65 = tpu.memref_slice %arg2[%dma_wait3A_63, %dma_wait3A_64] : memref<64000x64xf32, #tpu.memory_space<hbm>> -> memref<80x64xf32, #tpu.memory_space<hbm>>
    %dma_wait3A_66 = arith.constant 0 : i32
    %dma_wait3A_67 = arith.constant 0 : i32
    %dma_wait3A_68 = tpu.memref_slice %arg2[%dma_wait3A_66, %dma_wait3A_67] : memref<64000x64xf32, #tpu.memory_space<hbm>> -> memref<80x64xf32, #tpu.memory_space<hbm>>
    tpu.wait_dma2 semaphore(%arg11 : memref<!tpu.dma_semaphore, #tpu.memory_space<semaphore_mem>>) src(%dma_wait3A_68 : memref<80x64xf32, #tpu.memory_space<hbm>>) dst(%arg7 : memref<80x64xf32, #tpu.memory_space<vmem>>)
    %barrier3A_69 = arith.constant 0 : index
    tpu.barrier barrier_id(%barrier3A_69)
    %mul3A_70 = arith.constant 640 : i32
    %mul3A_71 = arith.muli %arg1, %mul3A_70 : i32
    %mul3A_72 = arith.constant 640 : i32
    %mul3A_73 = arith.muli %arg1, %mul3A_72 : i32
    "tpu.region"() ({
      %run_scoped3A = tpu.sem_alloc : memref<!tpu.dma_semaphore, #tpu.memory_space<semaphore_mem>>
      %dma_start3A_74 = arith.constant 0 : i32
      %dma_start3A_75 = tpu.memref_slice %arg4[%arg0, %mul3A_73, %dma_start3A_74] : memref<2x10240x64xf32, #tpu.memory_space<hbm>> -> memref<1x640x64xf32, #tpu.memory_space<hbm>>
      %dma_start3A_76 = tpu.memref_squeeze %dma_start3A_75 : memref<1x640x64xf32, #tpu.memory_space<hbm>> -> memref<640x64xf32, #tpu.memory_space<hbm>>
      %dma_start3A_77 = arith.constant 0 : i32
      %dma_start3A_78 = tpu.memref_slice %arg9[%mul3A_71, %dma_start3A_77] : memref<10240x64xf32, #tpu.memory_space<vmem_shared>> -> memref<640x64xf32, #tpu.memory_space<vmem_shared>>
      tpu.enqueue_dma source(%dma_start3A_78 : memref<640x64xf32, #tpu.memory_space<vmem_shared>>) target(%dma_start3A_76 : memref<640x64xf32, #tpu.memory_space<hbm>>) target_semaphore(%run_scoped3A : memref<!tpu.dma_semaphore, #tpu.memory_space<semaphore_mem>>)
      %dma_wait3A_79 = arith.constant 0 : i32
      %dma_wait3A_80 = tpu.memref_slice %arg4[%arg0, %mul3A_73, %dma_wait3A_79] : memref<2x10240x64xf32, #tpu.memory_space<hbm>> -> memref<1x640x64xf32, #tpu.memory_space<hbm>>
      %dma_wait3A_81 = tpu.memref_squeeze %dma_wait3A_80 : memref<1x640x64xf32, #tpu.memory_space<hbm>> -> memref<640x64xf32, #tpu.memory_space<hbm>>
      %dma_wait3A_82 = arith.constant 0 : i32
      %dma_wait3A_83 = tpu.memref_slice %arg9[%mul3A_71, %dma_wait3A_82] : memref<10240x64xf32, #tpu.memory_space<vmem_shared>> -> memref<640x64xf32, #tpu.memory_space<vmem_shared>>
      tpu.wait_dma2 semaphore(%run_scoped3A : memref<!tpu.dma_semaphore, #tpu.memory_space<semaphore_mem>>) src(%dma_wait3A_83 : memref<640x64xf32, #tpu.memory_space<vmem_shared>>) dst(%dma_wait3A_81 : memref<640x64xf32, #tpu.memory_space<hbm>>)
      tpu.yield
    }) : () -> ()
    return
  }
}

#map = affine_map<(d0, d1) -> (0, 0)>
#map1 = affine_map<(d0, d1) -> (0, 0, 0)>
module attributes {stable_mosaic.version = 14 : i64} {
  func.func @seg_sum(%arg0: i32, %arg1: i32, %arg2: memref<64000x64xf32, #tpu.memory_space<hbm>>, %arg3: memref<32x2000xi32, #tpu.memory_space<hbm>>, %arg4: memref<2x10240x64xf32, #tpu.memory_space<hbm>>, %arg5: memref<2000xi32, #tpu.memory_space<vmem>>, %arg6: memref<80x64xf32, #tpu.memory_space<vmem>>, %arg7: memref<80x64xf32, #tpu.memory_space<vmem>>, %arg8: memref<80x64xf32, #tpu.memory_space<vmem>>, %arg9: memref<10240x64xf32, #tpu.memory_space<vmem_shared>>, %arg10: memref<!tpu.dma_semaphore, #tpu.memory_space<semaphore_mem>>, %arg11: memref<!tpu.dma_semaphore, #tpu.memory_space<semaphore_mem>>) attributes {dimension_semantics = [#tpu.dimension_semantics<core_parallel>, #tpu.dimension_semantics<subcore_parallel>], iteration_bounds = array<i64: 2, 16>, scalar_prefetch = 0 : i64, scratch_operands = 7 : i64, tpu.core_type = #tpu.core_type<sc_vector_subcore>, window_params = [{transform_indices = #map}, {transform_indices = #map}, {transform_indices = #map1}]} {
    %mul3A = arith.constant 2 : i32
    %mul3A_0 = arith.muli %arg1, %mul3A : i32
    %add3A = arith.addi %mul3A_0, %arg0 : i32
    %mul3A_1 = arith.constant 2000 : i32
    %mul3A_2 = arith.muli %add3A, %mul3A_1 : i32
    %add3A_3 = arith.constant 0 : i32
    %add3A_4 = arith.addi %mul3A_2, %add3A_3 : i32
    %dma_start3A = arith.constant 0 : i32
    %dma_start3A_5 = tpu.memref_slice %arg2[%add3A_4, %dma_start3A] : memref<64000x64xf32, #tpu.memory_space<hbm>> -> memref<80x64xf32, #tpu.memory_space<hbm>>
    %dma_start3A_6 = arith.constant 0 : i32
    %dma_start3A_7 = tpu.memref_slice %arg2[%add3A_4, %dma_start3A_6] : memref<64000x64xf32, #tpu.memory_space<hbm>> -> memref<80x64xf32, #tpu.memory_space<hbm>>
    tpu.enqueue_dma source(%dma_start3A_7 : memref<80x64xf32, #tpu.memory_space<hbm>>) target(%arg6 : memref<80x64xf32, #tpu.memory_space<vmem>>) target_semaphore(%arg10 : memref<!tpu.dma_semaphore, #tpu.memory_space<semaphore_mem>>)
    %add3A_8 = arith.constant 80 : i32
    %add3A_9 = arith.addi %mul3A_2, %add3A_8 : i32
    %dma_start3A_10 = arith.constant 0 : i32
    %dma_start3A_11 = tpu.memref_slice %arg2[%add3A_9, %dma_start3A_10] : memref<64000x64xf32, #tpu.memory_space<hbm>> -> memref<80x64xf32, #tpu.memory_space<hbm>>
    %dma_start3A_12 = arith.constant 0 : i32
    %dma_start3A_13 = tpu.memref_slice %arg2[%add3A_9, %dma_start3A_12] : memref<64000x64xf32, #tpu.memory_space<hbm>> -> memref<80x64xf32, #tpu.memory_space<hbm>>
    tpu.enqueue_dma source(%dma_start3A_13 : memref<80x64xf32, #tpu.memory_space<hbm>>) target(%arg7 : memref<80x64xf32, #tpu.memory_space<vmem>>) target_semaphore(%arg11 : memref<!tpu.dma_semaphore, #tpu.memory_space<semaphore_mem>>)
    "tpu.region"() ({
      %run_scoped3A = tpu.sem_alloc : memref<!tpu.dma_semaphore, #tpu.memory_space<semaphore_mem>>
      %dma_start3A_74 = arith.constant 0 : i32
      %dma_start3A_75 = tpu.memref_slice %arg3[%add3A, %dma_start3A_74] : memref<32x2000xi32, #tpu.memory_space<hbm>> -> memref<1x2000xi32, #tpu.memory_space<hbm>>
      %dma_start3A_76 = tpu.memref_squeeze %dma_start3A_75 : memref<1x2000xi32, #tpu.memory_space<hbm>> -> memref<2000xi32, #tpu.memory_space<hbm>>
      %dma_start3A_77 = arith.constant 0 : i32
      %dma_start3A_78 = tpu.memref_slice %arg3[%add3A, %dma_start3A_77] : memref<32x2000xi32, #tpu.memory_space<hbm>> -> memref<1x2000xi32, #tpu.memory_space<hbm>>
      %dma_start3A_79 = tpu.memref_squeeze %dma_start3A_78 : memref<1x2000xi32, #tpu.memory_space<hbm>> -> memref<2000xi32, #tpu.memory_space<hbm>>
      tpu.enqueue_dma source(%dma_start3A_79 : memref<2000xi32, #tpu.memory_space<hbm>>) target(%arg5 : memref<2000xi32, #tpu.memory_space<vmem>>) target_semaphore(%run_scoped3A : memref<!tpu.dma_semaphore, #tpu.memory_space<semaphore_mem>>)
      %dma_wait3A_80 = arith.constant 0 : i32
      %dma_wait3A_81 = tpu.memref_slice %arg3[%add3A, %dma_wait3A_80] : memref<32x2000xi32, #tpu.memory_space<hbm>> -> memref<1x2000xi32, #tpu.memory_space<hbm>>
      %dma_wait3A_82 = tpu.memref_squeeze %dma_wait3A_81 : memref<1x2000xi32, #tpu.memory_space<hbm>> -> memref<2000xi32, #tpu.memory_space<hbm>>
      %dma_wait3A_83 = arith.constant 0 : i32
      %dma_wait3A_84 = tpu.memref_slice %arg3[%add3A, %dma_wait3A_83] : memref<32x2000xi32, #tpu.memory_space<hbm>> -> memref<1x2000xi32, #tpu.memory_space<hbm>>
      %dma_wait3A_85 = tpu.memref_squeeze %dma_wait3A_84 : memref<1x2000xi32, #tpu.memory_space<hbm>> -> memref<2000xi32, #tpu.memory_space<hbm>>
      tpu.wait_dma2 semaphore(%run_scoped3A : memref<!tpu.dma_semaphore, #tpu.memory_space<semaphore_mem>>) src(%dma_wait3A_85 : memref<2000xi32, #tpu.memory_space<hbm>>) dst(%arg5 : memref<2000xi32, #tpu.memory_space<vmem>>)
      tpu.yield
    }) : () -> ()
    %broadcast_in_dim3A = arith.constant 0.000000e+00 : f32
    %broadcast_in_dim3A_14 = vector.broadcast %broadcast_in_dim3A : f32 to vector<16xf32>
    %scan3A = arith.constant 0 : i32
    %scan3A_15 = arith.constant 0 : i32
    %scan3A_16 = arith.constant 80 : i32
    %scan3A_17 = arith.addi %scan3A_15, %scan3A_16 : i32
    %scan3A_18 = arith.constant 1 : i32
    scf.for %scan3A_74 = %scan3A_15 to %scan3A_17 step %scan3A_18  : i32 {
      %swap3A = arith.index_cast %scan3A_74 : i32 to index
      %swap3A_75 = arith.constant 0 : index
      %swap3A_76 = tpu.vector_load %arg8[%swap3A, %swap3A_75] {strides = array<i32>} : memref<80x64xf32, #tpu.memory_space<vmem>>, vector<1x16xf32>,
      %swap3A_77 = vector.shape_cast %swap3A_76 : vector<1x16xf32> to vector<16xf32>
      %swap3A_78 = vector.shape_cast %broadcast_in_dim3A_14 : vector<16xf32> to vector<1x16xf32>
      tpu.vector_store %arg8[%swap3A, %swap3A_75], %swap3A_78 {strides = array<i32>} : memref<80x64xf32, #tpu.memory_space<vmem>>, vector<1x16xf32>,
      %swap3A_79 = arith.index_cast %scan3A_74 : i32 to index
      %swap3A_80 = arith.constant 16 : index
      %swap3A_81 = tpu.vector_load %arg8[%swap3A_79, %swap3A_80] {strides = array<i32>} : memref<80x64xf32, #tpu.memory_space<vmem>>, vector<1x16xf32>,
      %swap3A_82 = vector.shape_cast %swap3A_81 : vector<1x16xf32> to vector<16xf32>
      %swap3A_83 = vector.shape_cast %broadcast_in_dim3A_14 : vector<16xf32> to vector<1x16xf32>
      tpu.vector_store %arg8[%swap3A_79, %swap3A_80], %swap3A_83 {strides = array<i32>} : memref<80x64xf32, #tpu.memory_space<vmem>>, vector<1x16xf32>,
      %swap3A_84 = arith.index_cast %scan3A_74 : i32 to index
      %swap3A_85 = arith.constant 32 : index
      %swap3A_86 = tpu.vector_load %arg8[%swap3A_84, %swap3A_85] {strides = array<i32>} : memref<80x64xf32, #tpu.memory_space<vmem>>, vector<1x16xf32>,
      %swap3A_87 = vector.shape_cast %swap3A_86 : vector<1x16xf32> to vector<16xf32>
      %swap3A_88 = vector.shape_cast %broadcast_in_dim3A_14 : vector<16xf32> to vector<1x16xf32>
      tpu.vector_store %arg8[%swap3A_84, %swap3A_85], %swap3A_88 {strides = array<i32>} : memref<80x64xf32, #tpu.memory_space<vmem>>, vector<1x16xf32>,
      %swap3A_89 = arith.index_cast %scan3A_74 : i32 to index
      %swap3A_90 = arith.constant 48 : index
      %swap3A_91 = tpu.vector_load %arg8[%swap3A_89, %swap3A_90] {strides = array<i32>} : memref<80x64xf32, #tpu.memory_space<vmem>>, vector<1x16xf32>,
      %swap3A_92 = vector.shape_cast %swap3A_91 : vector<1x16xf32> to vector<16xf32>
      %swap3A_93 = vector.shape_cast %broadcast_in_dim3A_14 : vector<16xf32> to vector<1x16xf32>
      tpu.vector_store %arg8[%swap3A_89, %swap3A_90], %swap3A_93 {strides = array<i32>} : memref<80x64xf32, #tpu.memory_space<vmem>>, vector<1x16xf32>,
    }
    %scan3A_19 = arith.constant 80 : i32
    %mul3A_20 = arith.constant 640 : i32
    %mul3A_21 = arith.muli %arg1, %mul3A_20 : i32
    %add3A_22 = arith.constant 0 : i32
    %add3A_23 = arith.addi %mul3A_21, %add3A_22 : i32
    "tpu.region"() ({
      %run_scoped3A = tpu.sem_alloc : memref<!tpu.dma_semaphore, #tpu.memory_space<semaphore_mem>>
      %dma_start3A_74 = arith.constant 0 : i32
      %dma_start3A_75 = tpu.memref_slice %arg9[%add3A_23, %dma_start3A_74] : memref<10240x64xf32, #tpu.memory_space<vmem_shared>> -> memref<80x64xf32, #tpu.memory_space<vmem_shared>>
      %dma_start3A_76 = arith.constant 0 : i32
      %dma_start3A_77 = tpu.memref_slice %arg9[%add3A_23, %dma_start3A_76] : memref<10240x64xf32, #tpu.memory_space<vmem_shared>> -> memref<80x64xf32, #tpu.memory_space<vmem_shared>>
      tpu.enqueue_dma source(%arg8 : memref<80x64xf32, #tpu.memory_space<vmem>>) target(%dma_start3A_77 : memref<80x64xf32, #tpu.memory_space<vmem_shared>>) target_semaphore(%run_scoped3A : memref<!tpu.dma_semaphore, #tpu.memory_space<semaphore_mem>>)
      %dma_wait3A_78 = arith.constant 0 : i32
      %dma_wait3A_79 = tpu.memref_slice %arg9[%add3A_23, %dma_wait3A_78] : memref<10240x64xf32, #tpu.memory_space<vmem_shared>> -> memref<80x64xf32, #tpu.memory_space<vmem_shared>>
      %dma_wait3A_80 = arith.constant 0 : i32
      %dma_wait3A_81 = tpu.memref_slice %arg9[%add3A_23, %dma_wait3A_80] : memref<10240x64xf32, #tpu.memory_space<vmem_shared>> -> memref<80x64xf32, #tpu.memory_space<vmem_shared>>
      tpu.wait_dma2 semaphore(%run_scoped3A : memref<!tpu.dma_semaphore, #tpu.memory_space<semaphore_mem>>) src(%arg8 : memref<80x64xf32, #tpu.memory_space<vmem>>) dst(%dma_wait3A_81 : memref<80x64xf32, #tpu.memory_space<vmem_shared>>)
      tpu.yield
    }) : () -> ()
    %mul3A_24 = arith.constant 640 : i32
    %mul3A_25 = arith.muli %arg1, %mul3A_24 : i32
    %add3A_26 = arith.constant 80 : i32
    %add3A_27 = arith.addi %mul3A_25, %add3A_26 : i32
    "tpu.region"() ({
      %run_scoped3A = tpu.sem_alloc : memref<!tpu.dma_semaphore, #tpu.memory_space<semaphore_mem>>
      %dma_start3A_74 = arith.constant 0 : i32
      %dma_start3A_75 = tpu.memref_slice %arg9[%add3A_27, %dma_start3A_74] : memref<10240x64xf32, #tpu.memory_space<vmem_shared>> -> memref<80x64xf32, #tpu.memory_space<vmem_shared>>
      %dma_start3A_76 = arith.constant 0 : i32
      %dma_start3A_77 = tpu.memref_slice %arg9[%add3A_27, %dma_start3A_76] : memref<10240x64xf32, #tpu.memory_space<vmem_shared>> -> memref<80x64xf32, #tpu.memory_space<vmem_shared>>
      tpu.enqueue_dma source(%arg8 : memref<80x64xf32, #tpu.memory_space<vmem>>) target(%dma_start3A_77 : memref<80x64xf32, #tpu.memory_space<vmem_shared>>) target_semaphore(%run_scoped3A : memref<!tpu.dma_semaphore, #tpu.memory_space<semaphore_mem>>)
      %dma_wait3A_78 = arith.constant 0 : i32
      %dma_wait3A_79 = tpu.memref_slice %arg9[%add3A_27, %dma_wait3A_78] : memref<10240x64xf32, #tpu.memory_space<vmem_shared>> -> memref<80x64xf32, #tpu.memory_space<vmem_shared>>
      %dma_wait3A_80 = arith.constant 0 : i32
      %dma_wait3A_81 = tpu.memref_slice %arg9[%add3A_27, %dma_wait3A_80] : memref<10240x64xf32, #tpu.memory_space<vmem_shared>> -> memref<80x64xf32, #tpu.memory_space<vmem_shared>>
      tpu.wait_dma2 semaphore(%run_scoped3A : memref<!tpu.dma_semaphore, #tpu.memory_space<semaphore_mem>>) src(%arg8 : memref<80x64xf32, #tpu.memory_space<vmem>>) dst(%dma_wait3A_81 : memref<80x64xf32, #tpu.memory_space<vmem_shared>>)
      tpu.yield
    }) : () -> ()
    %mul3A_28 = arith.constant 640 : i32
    %mul3A_29 = arith.muli %arg1, %mul3A_28 : i32
    %add3A_30 = arith.constant 160 : i32
    %add3A_31 = arith.addi %mul3A_29, %add3A_30 : i32
    "tpu.region"() ({
      %run_scoped3A = tpu.sem_alloc : memref<!tpu.dma_semaphore, #tpu.memory_space<semaphore_mem>>
      %dma_start3A_74 = arith.constant 0 : i32
      %dma_start3A_75 = tpu.memref_slice %arg9[%add3A_31, %dma_start3A_74] : memref<10240x64xf32, #tpu.memory_space<vmem_shared>> -> memref<80x64xf32, #tpu.memory_space<vmem_shared>>
      %dma_start3A_76 = arith.constant 0 : i32
      %dma_start3A_77 = tpu.memref_slice %arg9[%add3A_31, %dma_start3A_76] : memref<10240x64xf32, #tpu.memory_space<vmem_shared>> -> memref<80x64xf32, #tpu.memory_space<vmem_shared>>
      tpu.enqueue_dma source(%arg8 : memref<80x64xf32, #tpu.memory_space<vmem>>) target(%dma_start3A_77 : memref<80x64xf32, #tpu.memory_space<vmem_shared>>) target_semaphore(%run_scoped3A : memref<!tpu.dma_semaphore, #tpu.memory_space<semaphore_mem>>)
      %dma_wait3A_78 = arith.constant 0 : i32
      %dma_wait3A_79 = tpu.memref_slice %arg9[%add3A_31, %dma_wait3A_78] : memref<10240x64xf32, #tpu.memory_space<vmem_shared>> -> memref<80x64xf32, #tpu.memory_space<vmem_shared>>
      %dma_wait3A_80 = arith.constant 0 : i32
      %dma_wait3A_81 = tpu.memref_slice %arg9[%add3A_31, %dma_wait3A_80] : memref<10240x64xf32, #tpu.memory_space<vmem_shared>> -> memref<80x64xf32, #tpu.memory_space<vmem_shared>>
      tpu.wait_dma2 semaphore(%run_scoped3A : memref<!tpu.dma_semaphore, #tpu.memory_space<semaphore_mem>>) src(%arg8 : memref<80x64xf32, #tpu.memory_space<vmem>>) dst(%dma_wait3A_81 : memref<80x64xf32, #tpu.memory_space<vmem_shared>>)
      tpu.yield
    }) : () -> ()
    %mul3A_32 = arith.constant 640 : i32
    %mul3A_33 = arith.muli %arg1, %mul3A_32 : i32
    %add3A_34 = arith.constant 240 : i32
    %add3A_35 = arith.addi %mul3A_33, %add3A_34 : i32
    "tpu.region"() ({
      %run_scoped3A = tpu.sem_alloc : memref<!tpu.dma_semaphore, #tpu.memory_space<semaphore_mem>>
      %dma_start3A_74 = arith.constant 0 : i32
      %dma_start3A_75 = tpu.memref_slice %arg9[%add3A_35, %dma_start3A_74] : memref<10240x64xf32, #tpu.memory_space<vmem_shared>> -> memref<80x64xf32, #tpu.memory_space<vmem_shared>>
      %dma_start3A_76 = arith.constant 0 : i32
      %dma_start3A_77 = tpu.memref_slice %arg9[%add3A_35, %dma_start3A_76] : memref<10240x64xf32, #tpu.memory_space<vmem_shared>> -> memref<80x64xf32, #tpu.memory_space<vmem_shared>>
      tpu.enqueue_dma source(%arg8 : memref<80x64xf32, #tpu.memory_space<vmem>>) target(%dma_start3A_77 : memref<80x64xf32, #tpu.memory_space<vmem_shared>>) target_semaphore(%run_scoped3A : memref<!tpu.dma_semaphore, #tpu.memory_space<semaphore_mem>>)
      %dma_wait3A_78 = arith.constant 0 : i32
      %dma_wait3A_79 = tpu.memref_slice %arg9[%add3A_35, %dma_wait3A_78] : memref<10240x64xf32, #tpu.memory_space<vmem_shared>> -> memref<80x64xf32, #tpu.memory_space<vmem_shared>>
      %dma_wait3A_80 = arith.constant 0 : i32
      %dma_wait3A_81 = tpu.memref_slice %arg9[%add3A_35, %dma_wait3A_80] : memref<10240x64xf32, #tpu.memory_space<vmem_shared>> -> memref<80x64xf32, #tpu.memory_space<vmem_shared>>
      tpu.wait_dma2 semaphore(%run_scoped3A : memref<!tpu.dma_semaphore, #tpu.memory_space<semaphore_mem>>) src(%arg8 : memref<80x64xf32, #tpu.memory_space<vmem>>) dst(%dma_wait3A_81 : memref<80x64xf32, #tpu.memory_space<vmem_shared>>)
      tpu.yield
    }) : () -> ()
    %mul3A_36 = arith.constant 640 : i32
    %mul3A_37 = arith.muli %arg1, %mul3A_36 : i32
    %add3A_38 = arith.constant 320 : i32
    %add3A_39 = arith.addi %mul3A_37, %add3A_38 : i32
    "tpu.region"() ({
      %run_scoped3A = tpu.sem_alloc : memref<!tpu.dma_semaphore, #tpu.memory_space<semaphore_mem>>
      %dma_start3A_74 = arith.constant 0 : i32
      %dma_start3A_75 = tpu.memref_slice %arg9[%add3A_39, %dma_start3A_74] : memref<10240x64xf32, #tpu.memory_space<vmem_shared>> -> memref<80x64xf32, #tpu.memory_space<vmem_shared>>
      %dma_start3A_76 = arith.constant 0 : i32
      %dma_start3A_77 = tpu.memref_slice %arg9[%add3A_39, %dma_start3A_76] : memref<10240x64xf32, #tpu.memory_space<vmem_shared>> -> memref<80x64xf32, #tpu.memory_space<vmem_shared>>
      tpu.enqueue_dma source(%arg8 : memref<80x64xf32, #tpu.memory_space<vmem>>) target(%dma_start3A_77 : memref<80x64xf32, #tpu.memory_space<vmem_shared>>) target_semaphore(%run_scoped3A : memref<!tpu.dma_semaphore, #tpu.memory_space<semaphore_mem>>)
      %dma_wait3A_78 = arith.constant 0 : i32
      %dma_wait3A_79 = tpu.memref_slice %arg9[%add3A_39, %dma_wait3A_78] : memref<10240x64xf32, #tpu.memory_space<vmem_shared>> -> memref<80x64xf32, #tpu.memory_space<vmem_shared>>
      %dma_wait3A_80 = arith.constant 0 : i32
      %dma_wait3A_81 = tpu.memref_slice %arg9[%add3A_39, %dma_wait3A_80] : memref<10240x64xf32, #tpu.memory_space<vmem_shared>> -> memref<80x64xf32, #tpu.memory_space<vmem_shared>>
      tpu.wait_dma2 semaphore(%run_scoped3A : memref<!tpu.dma_semaphore, #tpu.memory_space<semaphore_mem>>) src(%arg8 : memref<80x64xf32, #tpu.memory_space<vmem>>) dst(%dma_wait3A_81 : memref<80x64xf32, #tpu.memory_space<vmem_shared>>)
      tpu.yield
    }) : () -> ()
    %mul3A_40 = arith.constant 640 : i32
    %mul3A_41 = arith.muli %arg1, %mul3A_40 : i32
    %add3A_42 = arith.constant 400 : i32
    %add3A_43 = arith.addi %mul3A_41, %add3A_42 : i32
    "tpu.region"() ({
      %run_scoped3A = tpu.sem_alloc : memref<!tpu.dma_semaphore, #tpu.memory_space<semaphore_mem>>
      %dma_start3A_74 = arith.constant 0 : i32
      %dma_start3A_75 = tpu.memref_slice %arg9[%add3A_43, %dma_start3A_74] : memref<10240x64xf32, #tpu.memory_space<vmem_shared>> -> memref<80x64xf32, #tpu.memory_space<vmem_shared>>
      %dma_start3A_76 = arith.constant 0 : i32
      %dma_start3A_77 = tpu.memref_slice %arg9[%add3A_43, %dma_start3A_76] : memref<10240x64xf32, #tpu.memory_space<vmem_shared>> -> memref<80x64xf32, #tpu.memory_space<vmem_shared>>
      tpu.enqueue_dma source(%arg8 : memref<80x64xf32, #tpu.memory_space<vmem>>) target(%dma_start3A_77 : memref<80x64xf32, #tpu.memory_space<vmem_shared>>) target_semaphore(%run_scoped3A : memref<!tpu.dma_semaphore, #tpu.memory_space<semaphore_mem>>)
      %dma_wait3A_78 = arith.constant 0 : i32
      %dma_wait3A_79 = tpu.memref_slice %arg9[%add3A_43, %dma_wait3A_78] : memref<10240x64xf32, #tpu.memory_space<vmem_shared>> -> memref<80x64xf32, #tpu.memory_space<vmem_shared>>
      %dma_wait3A_80 = arith.constant 0 : i32
      %dma_wait3A_81 = tpu.memref_slice %arg9[%add3A_43, %dma_wait3A_80] : memref<10240x64xf32, #tpu.memory_space<vmem_shared>> -> memref<80x64xf32, #tpu.memory_space<vmem_shared>>
      tpu.wait_dma2 semaphore(%run_scoped3A : memref<!tpu.dma_semaphore, #tpu.memory_space<semaphore_mem>>) src(%arg8 : memref<80x64xf32, #tpu.memory_space<vmem>>) dst(%dma_wait3A_81 : memref<80x64xf32, #tpu.memory_space<vmem_shared>>)
      tpu.yield
    }) : () -> ()
    %mul3A_44 = arith.constant 640 : i32
    %mul3A_45 = arith.muli %arg1, %mul3A_44 : i32
    %add3A_46 = arith.constant 480 : i32
    %add3A_47 = arith.addi %mul3A_45, %add3A_46 : i32
    "tpu.region"() ({
      %run_scoped3A = tpu.sem_alloc : memref<!tpu.dma_semaphore, #tpu.memory_space<semaphore_mem>>
      %dma_start3A_74 = arith.constant 0 : i32
      %dma_start3A_75 = tpu.memref_slice %arg9[%add3A_47, %dma_start3A_74] : memref<10240x64xf32, #tpu.memory_space<vmem_shared>> -> memref<80x64xf32, #tpu.memory_space<vmem_shared>>
      %dma_start3A_76 = arith.constant 0 : i32
      %dma_start3A_77 = tpu.memref_slice %arg9[%add3A_47, %dma_start3A_76] : memref<10240x64xf32, #tpu.memory_space<vmem_shared>> -> memref<80x64xf32, #tpu.memory_space<vmem_shared>>
      tpu.enqueue_dma source(%arg8 : memref<80x64xf32, #tpu.memory_space<vmem>>) target(%dma_start3A_77 : memref<80x64xf32, #tpu.memory_space<vmem_shared>>) target_semaphore(%run_scoped3A : memref<!tpu.dma_semaphore, #tpu.memory_space<semaphore_mem>>)
      %dma_wait3A_78 = arith.constant 0 : i32
      %dma_wait3A_79 = tpu.memref_slice %arg9[%add3A_47, %dma_wait3A_78] : memref<10240x64xf32, #tpu.memory_space<vmem_shared>> -> memref<80x64xf32, #tpu.memory_space<vmem_shared>>
      %dma_wait3A_80 = arith.constant 0 : i32
      %dma_wait3A_81 = tpu.memref_slice %arg9[%add3A_47, %dma_wait3A_80] : memref<10240x64xf32, #tpu.memory_space<vmem_shared>> -> memref<80x64xf32, #tpu.memory_space<vmem_shared>>
      tpu.wait_dma2 semaphore(%run_scoped3A : memref<!tpu.dma_semaphore, #tpu.memory_space<semaphore_mem>>) src(%arg8 : memref<80x64xf32, #tpu.memory_space<vmem>>) dst(%dma_wait3A_81 : memref<80x64xf32, #tpu.memory_space<vmem_shared>>)
      tpu.yield
    }) : () -> ()
    %mul3A_48 = arith.constant 640 : i32
    %mul3A_49 = arith.muli %arg1, %mul3A_48 : i32
    %add3A_50 = arith.constant 560 : i32
    %add3A_51 = arith.addi %mul3A_49, %add3A_50 : i32
    "tpu.region"() ({
      %run_scoped3A = tpu.sem_alloc : memref<!tpu.dma_semaphore, #tpu.memory_space<semaphore_mem>>
      %dma_start3A_74 = arith.constant 0 : i32
      %dma_start3A_75 = tpu.memref_slice %arg9[%add3A_51, %dma_start3A_74] : memref<10240x64xf32, #tpu.memory_space<vmem_shared>> -> memref<80x64xf32, #tpu.memory_space<vmem_shared>>
      %dma_start3A_76 = arith.constant 0 : i32
      %dma_start3A_77 = tpu.memref_slice %arg9[%add3A_51, %dma_start3A_76] : memref<10240x64xf32, #tpu.memory_space<vmem_shared>> -> memref<80x64xf32, #tpu.memory_space<vmem_shared>>
      tpu.enqueue_dma source(%arg8 : memref<80x64xf32, #tpu.memory_space<vmem>>) target(%dma_start3A_77 : memref<80x64xf32, #tpu.memory_space<vmem_shared>>) target_semaphore(%run_scoped3A : memref<!tpu.dma_semaphore, #tpu.memory_space<semaphore_mem>>)
      %dma_wait3A_78 = arith.constant 0 : i32
      %dma_wait3A_79 = tpu.memref_slice %arg9[%add3A_51, %dma_wait3A_78] : memref<10240x64xf32, #tpu.memory_space<vmem_shared>> -> memref<80x64xf32, #tpu.memory_space<vmem_shared>>
      %dma_wait3A_80 = arith.constant 0 : i32
      %dma_wait3A_81 = tpu.memref_slice %arg9[%add3A_51, %dma_wait3A_80] : memref<10240x64xf32, #tpu.memory_space<vmem_shared>> -> memref<80x64xf32, #tpu.memory_space<vmem_shared>>
      tpu.wait_dma2 semaphore(%run_scoped3A : memref<!tpu.dma_semaphore, #tpu.memory_space<semaphore_mem>>) src(%arg8 : memref<80x64xf32, #tpu.memory_space<vmem>>) dst(%dma_wait3A_81 : memref<80x64xf32, #tpu.memory_space<vmem_shared>>)
      tpu.yield
    }) : () -> ()
    %barrier3A = arith.constant 0 : index
    tpu.barrier barrier_id(%barrier3A)
    %scan3A_52 = arith.constant 0 : i32
    %scan3A_53 = arith.constant 0 : i32
    %scan3A_54 = arith.constant 12 : i32
    %scan3A_55 = arith.addi %scan3A_53, %scan3A_54 : i32
    %scan3A_56 = arith.constant 1 : i32
    scf.for %scan3A_74 = %scan3A_53 to %scan3A_55 step %scan3A_56  : i32 {
      %mul3A_75 = arith.constant 2 : i32
      %mul3A_76 = arith.muli %mul3A_75, %scan3A_74 : i32
      %add3A_77 = arith.constant 0 : i32
      %add3A_78 = arith.addi %mul3A_76, %add3A_77 : i32
      %dma_wait3A_79 = arith.constant 0 : i32
      %dma_wait3A_80 = arith.constant 0 : i32
      %dma_wait3A_81 = tpu.memref_slice %arg2[%dma_wait3A_79, %dma_wait3A_80] : memref<64000x64xf32, #tpu.memory_space<hbm>> -> memref<80x64xf32, #tpu.memory_space<hbm>>
      %dma_wait3A_82 = arith.constant 0 : i32
      %dma_wait3A_83 = arith.constant 0 : i32
      %dma_wait3A_84 = tpu.memref_slice %arg2[%dma_wait3A_82, %dma_wait3A_83] : memref<64000x64xf32, #tpu.memory_space<hbm>> -> memref<80x64xf32, #tpu.memory_space<hbm>>
      tpu.wait_dma2 semaphore(%arg10 : memref<!tpu.dma_semaphore, #tpu.memory_space<semaphore_mem>>) src(%dma_wait3A_84 : memref<80x64xf32, #tpu.memory_space<hbm>>) dst(%arg6 : memref<80x64xf32, #tpu.memory_space<vmem>>)
      %mul3A_85 = arith.constant 80 : i32
      %mul3A_86 = arith.muli %add3A_78, %mul3A_85 : i32
      "tpu.region"() ({
        %run_scoped3A = tpu.sem_alloc : memref<!tpu.dma_semaphore, #tpu.memory_space<semaphore_mem>>
        %dma_start3A_120 = tpu.memref_slice %arg5[%mul3A_86] : memref<2000xi32, #tpu.memory_space<vmem>> -> memref<80xi32, #tpu.memory_space<vmem>>
        %dma_start3A_121 = arith.constant 0 : i32
        %dma_start3A_122 = arith.constant 0 : i32
        %dma_start3A_123 = tpu.memref_slice %arg9[%dma_start3A_121, %dma_start3A_122] : memref<10240x64xf32, #tpu.memory_space<vmem_shared>> -> memref<10240x64xf32, #tpu.memory_space<vmem_shared>>
        tpu.enqueue_indirect_dma source(%arg6 : memref<80x64xf32, #tpu.memory_space<vmem>>) target(%dma_start3A_123 : memref<10240x64xf32, #tpu.memory_space<vmem_shared>>) offsets(%dma_start3A_120 : memref<80xi32, #tpu.memory_space<vmem>>) semaphore(%run_scoped3A : memref<!tpu.dma_semaphore, #tpu.memory_space<semaphore_mem>>) {add = true}
        %dma_wait3A_124 = tpu.memref_slice %arg5[%mul3A_86] : memref<2000xi32, #tpu.memory_space<vmem>> -> memref<80xi32, #tpu.memory_space<vmem>>
        %dma_wait3A_125 = arith.constant 0 : i32
        %dma_wait3A_126 = arith.constant 0 : i32
        %dma_wait3A_127 = tpu.memref_slice %arg9[%dma_wait3A_125, %dma_wait3A_126] : memref<10240x64xf32, #tpu.memory_space<vmem_shared>> -> memref<10240x64xf32, #tpu.memory_space<vmem_shared>>
        tpu.wait_indirect_dma semaphore(%run_scoped3A : memref<!tpu.dma_semaphore, #tpu.memory_space<semaphore_mem>>) src(%arg6 : memref<80x64xf32, #tpu.memory_space<vmem>>) dst(%dma_wait3A_127 : memref<10240x64xf32, #tpu.memory_space<vmem_shared>>)
        tpu.yield
      }) : () -> ()
      %add3A_87 = arith.constant 2 : i32
      %add3A_88 = arith.addi %add3A_78, %add3A_87 : i32
      %min3A = arith.constant 24 : i32
      %min3A_89 = arith.minsi %add3A_88, %min3A : i32
      %mul3A_90 = arith.constant 80 : i32
      %mul3A_91 = arith.muli %min3A_89, %mul3A_90 : i32
      %add3A_92 = arith.addi %mul3A_2, %mul3A_91 : i32
      %dma_start3A_93 = arith.constant 0 : i32
      %dma_start3A_94 = tpu.memref_slice %arg2[%add3A_92, %dma_start3A_93] : memref<64000x64xf32, #tpu.memory_space<hbm>> -> memref<80x64xf32, #tpu.memory_space<hbm>>
      %dma_start3A_95 = arith.constant 0 : i32
      %dma_start3A_96 = tpu.memref_slice %arg2[%add3A_92, %dma_start3A_95] : memref<64000x64xf32, #tpu.memory_space<hbm>> -> memref<80x64xf32, #tpu.memory_space<hbm>>
      tpu.enqueue_dma source(%dma_start3A_96 : memref<80x64xf32, #tpu.memory_space<hbm>>) target(%arg6 : memref<80x64xf32, #tpu.memory_space<vmem>>) target_semaphore(%arg10 : memref<!tpu.dma_semaphore, #tpu.memory_space<semaphore_mem>>)
      %mul3A_97 = arith.constant 2 : i32
      %mul3A_98 = arith.muli %mul3A_97, %scan3A_74 : i32
      %add3A_99 = arith.constant 1 : i32
      %add3A_100 = arith.addi %mul3A_98, %add3A_99 : i32
      %dma_wait3A_101 = arith.constant 0 : i32
      %dma_wait3A_102 = arith.constant 0 : i32
      %dma_wait3A_103 = tpu.memref_slice %arg2[%dma_wait3A_101, %dma_wait3A_102] : memref<64000x64xf32, #tpu.memory_space<hbm>> -> memref<80x64xf32, #tpu.memory_space<hbm>>
      %dma_wait3A_104 = arith.constant 0 : i32
      %dma_wait3A_105 = arith.constant 0 : i32
      %dma_wait3A_106 = tpu.memref_slice %arg2[%dma_wait3A_104, %dma_wait3A_105] : memref<64000x64xf32, #tpu.memory_space<hbm>> -> memref<80x64xf32, #tpu.memory_space<hbm>>
      tpu.wait_dma2 semaphore(%arg11 : memref<!tpu.dma_semaphore, #tpu.memory_space<semaphore_mem>>) src(%dma_wait3A_106 : memref<80x64xf32, #tpu.memory_space<hbm>>) dst(%arg7 : memref<80x64xf32, #tpu.memory_space<vmem>>)
      %mul3A_107 = arith.constant 80 : i32
      %mul3A_108 = arith.muli %add3A_100, %mul3A_107 : i32
      "tpu.region"() ({
        %run_scoped3A = tpu.sem_alloc : memref<!tpu.dma_semaphore, #tpu.memory_space<semaphore_mem>>
        %dma_start3A_120 = tpu.memref_slice %arg5[%mul3A_108] : memref<2000xi32, #tpu.memory_space<vmem>> -> memref<80xi32, #tpu.memory_space<vmem>>
        %dma_start3A_121 = arith.constant 0 : i32
        %dma_start3A_122 = arith.constant 0 : i32
        %dma_start3A_123 = tpu.memref_slice %arg9[%dma_start3A_121, %dma_start3A_122] : memref<10240x64xf32, #tpu.memory_space<vmem_shared>> -> memref<10240x64xf32, #tpu.memory_space<vmem_shared>>
        tpu.enqueue_indirect_dma source(%arg7 : memref<80x64xf32, #tpu.memory_space<vmem>>) target(%dma_start3A_123 : memref<10240x64xf32, #tpu.memory_space<vmem_shared>>) offsets(%dma_start3A_120 : memref<80xi32, #tpu.memory_space<vmem>>) semaphore(%run_scoped3A : memref<!tpu.dma_semaphore, #tpu.memory_space<semaphore_mem>>) {add = true}
        %dma_wait3A_124 = tpu.memref_slice %arg5[%mul3A_108] : memref<2000xi32, #tpu.memory_space<vmem>> -> memref<80xi32, #tpu.memory_space<vmem>>
        %dma_wait3A_125 = arith.constant 0 : i32
        %dma_wait3A_126 = arith.constant 0 : i32
        %dma_wait3A_127 = tpu.memref_slice %arg9[%dma_wait3A_125, %dma_wait3A_126] : memref<10240x64xf32, #tpu.memory_space<vmem_shared>> -> memref<10240x64xf32, #tpu.memory_space<vmem_shared>>
        tpu.wait_indirect_dma semaphore(%run_scoped3A : memref<!tpu.dma_semaphore, #tpu.memory_space<semaphore_mem>>) src(%arg7 : memref<80x64xf32, #tpu.memory_space<vmem>>) dst(%dma_wait3A_127 : memref<10240x64xf32, #tpu.memory_space<vmem_shared>>)
        tpu.yield
      }) : () -> ()
      %add3A_109 = arith.constant 2 : i32
      %add3A_110 = arith.addi %add3A_100, %add3A_109 : i32
      %min3A_111 = arith.constant 24 : i32
      %min3A_112 = arith.minsi %add3A_110, %min3A_111 : i32
      %mul3A_113 = arith.constant 80 : i32
      %mul3A_114 = arith.muli %min3A_112, %mul3A_113 : i32
      %add3A_115 = arith.addi %mul3A_2, %mul3A_114 : i32
      %dma_start3A_116 = arith.constant 0 : i32
      %dma_start3A_117 = tpu.memref_slice %arg2[%add3A_115, %dma_start3A_116] : memref<64000x64xf32, #tpu.memory_space<hbm>> -> memref<80x64xf32, #tpu.memory_space<hbm>>
      %dma_start3A_118 = arith.constant 0 : i32
      %dma_start3A_119 = tpu.memref_slice %arg2[%add3A_115, %dma_start3A_118] : memref<64000x64xf32, #tpu.memory_space<hbm>> -> memref<80x64xf32, #tpu.memory_space<hbm>>
      tpu.enqueue_dma source(%dma_start3A_119 : memref<80x64xf32, #tpu.memory_space<hbm>>) target(%arg7 : memref<80x64xf32, #tpu.memory_space<vmem>>) target_semaphore(%arg11 : memref<!tpu.dma_semaphore, #tpu.memory_space<semaphore_mem>>)
    }
    %scan3A_57 = arith.constant 12 : i32
    %dma_wait3A = arith.constant 0 : i32
    %dma_wait3A_58 = arith.constant 0 : i32
    %dma_wait3A_59 = tpu.memref_slice %arg2[%dma_wait3A, %dma_wait3A_58] : memref<64000x64xf32, #tpu.memory_space<hbm>> -> memref<80x64xf32, #tpu.memory_space<hbm>>
    %dma_wait3A_60 = arith.constant 0 : i32
    %dma_wait3A_61 = arith.constant 0 : i32
    %dma_wait3A_62 = tpu.memref_slice %arg2[%dma_wait3A_60, %dma_wait3A_61] : memref<64000x64xf32, #tpu.memory_space<hbm>> -> memref<80x64xf32, #tpu.memory_space<hbm>>
    tpu.wait_dma2 semaphore(%arg10 : memref<!tpu.dma_semaphore, #tpu.memory_space<semaphore_mem>>) src(%dma_wait3A_62 : memref<80x64xf32, #tpu.memory_space<hbm>>) dst(%arg6 : memref<80x64xf32, #tpu.memory_space<vmem>>)
    "tpu.region"() ({
      %run_scoped3A = tpu.sem_alloc : memref<!tpu.dma_semaphore, #tpu.memory_space<semaphore_mem>>
      %dma_start3A_74 = arith.constant 1920 : i32
      %dma_start3A_75 = tpu.memref_slice %arg5[%dma_start3A_74] : memref<2000xi32, #tpu.memory_space<vmem>> -> memref<80xi32, #tpu.memory_space<vmem>>
      %dma_start3A_76 = arith.constant 0 : i32
      %dma_start3A_77 = arith.constant 0 : i32
      %dma_start3A_78 = tpu.memref_slice %arg9[%dma_start3A_76, %dma_start3A_77] : memref<10240x64xf32, #tpu.memory_space<vmem_shared>> -> memref<10240x64xf32, #tpu.memory_space<vmem_shared>>
      tpu.enqueue_indirect_dma source(%arg6 : memref<80x64xf32, #tpu.memory_space<vmem>>) target(%dma_start3A_78 : memref<10240x64xf32, #tpu.memory_space<vmem_shared>>) offsets(%dma_start3A_75 : memref<80xi32, #tpu.memory_space<vmem>>) semaphore(%run_scoped3A : memref<!tpu.dma_semaphore, #tpu.memory_space<semaphore_mem>>) {add = true}
      %dma_wait3A_79 = arith.constant 1920 : i32
      %dma_wait3A_80 = tpu.memref_slice %arg5[%dma_wait3A_79] : memref<2000xi32, #tpu.memory_space<vmem>> -> memref<80xi32, #tpu.memory_space<vmem>>
      %dma_wait3A_81 = arith.constant 0 : i32
      %dma_wait3A_82 = arith.constant 0 : i32
      %dma_wait3A_83 = tpu.memref_slice %arg9[%dma_wait3A_81, %dma_wait3A_82] : memref<10240x64xf32, #tpu.memory_space<vmem_shared>> -> memref<10240x64xf32, #tpu.memory_space<vmem_shared>>
      tpu.wait_indirect_dma semaphore(%run_scoped3A : memref<!tpu.dma_semaphore, #tpu.memory_space<semaphore_mem>>) src(%arg6 : memref<80x64xf32, #tpu.memory_space<vmem>>) dst(%dma_wait3A_83 : memref<10240x64xf32, #tpu.memory_space<vmem_shared>>)
      tpu.yield
    }) : () -> ()
    %dma_wait3A_63 = arith.constant 0 : i32
    %dma_wait3A_64 = arith.constant 0 : i32
    %dma_wait3A_65 = tpu.memref_slice %arg2[%dma_wait3A_63, %dma_wait3A_64] : memref<64000x64xf32, #tpu.memory_space<hbm>> -> memref<80x64xf32, #tpu.memory_space<hbm>>
    %dma_wait3A_66 = arith.constant 0 : i32
    %dma_wait3A_67 = arith.constant 0 : i32
    %dma_wait3A_68 = tpu.memref_slice %arg2[%dma_wait3A_66, %dma_wait3A_67] : memref<64000x64xf32, #tpu.memory_space<hbm>> -> memref<80x64xf32, #tpu.memory_space<hbm>>
    tpu.wait_dma2 semaphore(%arg11 : memref<!tpu.dma_semaphore, #tpu.memory_space<semaphore_mem>>) src(%dma_wait3A_68 : memref<80x64xf32, #tpu.memory_space<hbm>>) dst(%arg7 : memref<80x64xf32, #tpu.memory_space<vmem>>)
    %barrier3A_69 = arith.constant 0 : index
    tpu.barrier barrier_id(%barrier3A_69)
    %mul3A_70 = arith.constant 640 : i32
    %mul3A_71 = arith.muli %arg1, %mul3A_70 : i32
    %mul3A_72 = arith.constant 640 : i32
    %mul3A_73 = arith.muli %arg1, %mul3A_72 : i32
    "tpu.region"() ({
      %run_scoped3A = tpu.sem_alloc : memref<!tpu.dma_semaphore, #tpu.memory_space<semaphore_mem>>
      %dma_start3A_74 = arith.constant 0 : i32
      %dma_start3A_75 = tpu.memref_slice %arg4[%arg0, %mul3A_73, %dma_start3A_74] : memref<2x10240x64xf32, #tpu.memory_space<hbm>> -> memref<1x640x64xf32, #tpu.memory_space<hbm>>
      %dma_start3A_76 = tpu.memref_squeeze %dma_start3A_75 : memref<1x640x64xf32, #tpu.memory_space<hbm>> -> memref<640x64xf32, #tpu.memory_space<hbm>>
      %dma_start3A_77 = arith.constant 0 : i32
      %dma_start3A_78 = tpu.memref_slice %arg9[%mul3A_71, %dma_start3A_77] : memref<10240x64xf32, #tpu.memory_space<vmem_shared>> -> memref<640x64xf32, #tpu.memory_space<vmem_shared>>
      tpu.enqueue_dma source(%dma_start3A_78 : memref<640x64xf32, #tpu.memory_space<vmem_shared>>) target(%dma_start3A_76 : memref<640x64xf32, #tpu.memory_space<hbm>>) target_semaphore(%run_scoped3A : memref<!tpu.dma_semaphore, #tpu.memory_space<semaphore_mem>>)
      %dma_wait3A_79 = arith.constant 0 : i32
      %dma_wait3A_80 = tpu.memref_slice %arg4[%arg0, %mul3A_73, %dma_wait3A_79] : memref<2x10240x64xf32, #tpu.memory_space<hbm>> -> memref<1x640x64xf32, #tpu.memory_space<hbm>>
      %dma_wait3A_81 = tpu.memref_squeeze %dma_wait3A_80 : memref<1x640x64xf32, #tpu.memory_space<hbm>> -> memref<640x64xf32, #tpu.memory_space<hbm>>
      %dma_wait3A_82 = arith.constant 0 : i32
      %dma_wait3A_83 = tpu.memref_slice %arg9[%mul3A_71, %dma_wait3A_82] : memref<10240x64xf32, #tpu.memory_space<vmem_shared>> -> memref<640x64xf32, #tpu.memory_space<vmem_shared>>
      tpu.wait_dma2 semaphore(%run_scoped3A : memref<!tpu.dma_semaphore, #tpu.memory_space<semaphore_mem>>) src(%dma_wait3A_83 : memref<640x64xf32, #tpu.memory_space<vmem_shared>>) dst(%dma_wait3A_81 : memref<640x64xf32, #tpu.memory_space<hbm>>)
      tpu.yield
    }) : () -> ()
    return
  }
}

module attributes {stable_mosaic.version = 14 : i64} {
  func.func @_vb_body(%arg0: i32, %arg1: memref<8000x128xf32, #tpu.memory_space<vmem>>, %arg2: memref<128x64xf32, #tpu.memory_space<vmem>>, %arg3: memref<128x64xf32, #tpu.memory_space<vmem>>, %arg4: memref<64x32xf32, #tpu.memory_space<vmem>>, %arg5: memref<64x32xf32, #tpu.memory_space<vmem>>, %arg6: memref<8000x64xf32, #tpu.memory_space<vmem>>) attributes {dimension_semantics = [#tpu.dimension_semantics<arbitrary>], iteration_bounds = array<i64: 8>, scalar_prefetch = 0 : i64, scratch_operands = 0 : i64, tpu.core_type = #tpu.core_type<tc>, window_params = [{transform_indices = @transform_0, window_bounds = array<i64: 8000, 128>}, {pipeline_mode = #tpu.pipeline_mode<synchronous>, transform_indices = @transform_1, window_bounds = array<i64: 128, 64>}, {pipeline_mode = #tpu.pipeline_mode<synchronous>, transform_indices = @transform_2, window_bounds = array<i64: 128, 64>}, {pipeline_mode = #tpu.pipeline_mode<synchronous>, transform_indices = @transform_3, window_bounds = array<i64: 64, 32>}, {pipeline_mode = #tpu.pipeline_mode<synchronous>, transform_indices = @transform_4, window_bounds = array<i64: 64, 32>}, {transform_indices = @transform_5, window_bounds = array<i64: 8000, 64>}]} {
    %get3A = arith.constant 0 : index
    %get3A_0 = arith.constant 0 : index
    %get3A_1 = vector.load %arg1[%get3A, %get3A_0] : memref<8000x128xf32, #tpu.memory_space<vmem>>, vector<8000x128xf32>
    %get3A_2 = arith.constant 0 : index
    %get3A_3 = arith.constant 0 : index
    %get3A_4 = vector.load %arg2[%get3A_2, %get3A_3] : memref<128x64xf32, #tpu.memory_space<vmem>>, vector<128x64xf32>
    %mul3A = arith.constant 0.176776692 : f32
    %mul3A_5 = vector.broadcast %mul3A : f32 to vector<128x64xf32>
    %mul3A_6 = arith.mulf %mul3A_5, %get3A_4 : vector<128x64xf32>
    %get3A_7 = arith.constant 0 : index
    %get3A_8 = arith.constant 0 : index
    %get3A_9 = vector.load %arg3[%get3A_7, %get3A_8] : memref<128x64xf32, #tpu.memory_space<vmem>>, vector<128x64xf32>
    %exp3A = math.exp %get3A_9 : vector<128x64xf32>
    %mul3A_10 = arith.constant 3.125000e-02 : f32
    %mul3A_11 = vector.broadcast %mul3A_10 : f32 to vector<128x64xf32>
    %mul3A_12 = arith.mulf %mul3A_11, %exp3A : vector<128x64xf32>
    %get3A_13 = arith.constant 0 : index
    %get3A_14 = arith.constant 0 : index
    %get3A_15 = vector.load %arg4[%get3A_13, %get3A_14] : memref<64x32xf32, #tpu.memory_space<vmem>>, vector<64x32xf32>
    %get3A_16 = arith.constant 0 : index
    %get3A_17 = arith.constant 0 : index
    %get3A_18 = vector.load %arg5[%get3A_16, %get3A_17] : memref<64x32xf32, #tpu.memory_space<vmem>>, vector<64x32xf32>
    %exp3A_19 = math.exp %get3A_18 : vector<64x32xf32>
    %dot_general3A = arith.constant dense<0.000000e+00> : vector<8000x64xf32>
    %dot_general3A_20 = tpu.matmul %get3A_1, %mul3A_6, %dot_general3A {dimension_numbers = #tpu.dot_dimension_numbers<[1], [0], [0], [1], [0, 0, 1, 1], [], []>, transpose_lhs_hint = false} : vector<8000x128xf32>, vector<128x64xf32>, vector<8000x64xf32> -> vector<8000x64xf32>
    %max3A = arith.constant 0.000000e+00 : f32
    %max3A_21 = vector.broadcast %max3A : f32 to vector<8000x64xf32>
    %max3A_22 = arith.maximumf %dot_general3A_20, %max3A_21 : vector<8000x64xf32>
    %mul3A_23 = arith.mulf %get3A_1, %get3A_1 : vector<8000x128xf32>
    %dot_general3A_24 = arith.constant dense<0.000000e+00> : vector<8000x64xf32>
    %dot_general3A_25 = tpu.matmul %mul3A_23, %mul3A_12, %dot_general3A_24 {dimension_numbers = #tpu.dot_dimension_numbers<[1], [0], [0], [1], [0, 0, 1, 1], [], []>, transpose_lhs_hint = false} : vector<8000x128xf32>, vector<128x64xf32>, vector<8000x64xf32> -> vector<8000x64xf32>
    %dot_general3A_26 = arith.constant dense<0.000000e+00> : vector<8000x32xf32>
    %dot_general3A_27 = tpu.matmul %max3A_22, %get3A_15, %dot_general3A_26 {dimension_numbers = #tpu.dot_dimension_numbers<[1], [0], [0], [1], [0, 0, 1, 1], [], []>, transpose_lhs_hint = false} : vector<8000x64xf32>, vector<64x32xf32>, vector<8000x32xf32> -> vector<8000x32xf32>
    %mul3A_28 = arith.mulf %max3A_22, %max3A_22 : vector<8000x64xf32>
    %add3A = arith.addf %mul3A_28, %dot_general3A_25 : vector<8000x64xf32>
    %dot_general3A_29 = arith.constant dense<0.000000e+00> : vector<8000x32xf32>
    %dot_general3A_30 = tpu.matmul %add3A, %exp3A_19, %dot_general3A_29 {dimension_numbers = #tpu.dot_dimension_numbers<[1], [0], [0], [1], [0, 0, 1, 1], [], []>, transpose_lhs_hint = false} : vector<8000x64xf32>, vector<64x32xf32>, vector<8000x32xf32> -> vector<8000x32xf32>
    %mul3A_31 = arith.mulf %get3A_15, %get3A_15 : vector<64x32xf32>
    %dot_general3A_32 = arith.constant dense<0.000000e+00> : vector<8000x32xf32>
    %dot_general3A_33 = tpu.matmul %dot_general3A_25, %mul3A_31, %dot_general3A_32 {dimension_numbers = #tpu.dot_dimension_numbers<[1], [0], [0], [1], [0, 0, 1, 1], [], []>, transpose_lhs_hint = false} : vector<8000x64xf32>, vector<64x32xf32>, vector<8000x32xf32> -> vector<8000x32xf32>
    %add3A_34 = arith.addf %dot_general3A_30, %dot_general3A_33 : vector<8000x32xf32>
    %add3A_35 = arith.constant 9.99999993E-9 : f32
    %add3A_36 = vector.broadcast %add3A_35 : f32 to vector<8000x32xf32>
    %add3A_37 = arith.addf %add3A_34, %add3A_36 : vector<8000x32xf32>
    %div3A = arith.constant 1.000000e+00 : f32
    %div3A_38 = vector.broadcast %div3A : f32 to vector<8000x32xf32>
    %div3A_39 = arith.divf %div3A_38, %add3A_37 : vector<8000x32xf32>
    %swap3A = arith.constant 0 : index
    %swap3A_40 = arith.constant 0 : index
    %swap3A_41 = vector.load %arg6[%swap3A, %swap3A_40] : memref<8000x64xf32, #tpu.memory_space<vmem>>, vector<8000x32xf32>
    tpu.vector_store %arg6[%swap3A, %swap3A_40], %div3A_39 {strides = array<i32>} : memref<8000x64xf32, #tpu.memory_space<vmem>>, vector<8000x32xf32>,
    %mul3A_42 = arith.mulf %div3A_39, %dot_general3A_27 : vector<8000x32xf32>
    %swap3A_43 = arith.constant 0 : index
    %swap3A_44 = arith.constant 32 : index
    %swap3A_45 = vector.load %arg6[%swap3A_43, %swap3A_44] : memref<8000x64xf32, #tpu.memory_space<vmem>>, vector<8000x32xf32>
    tpu.vector_store %arg6[%swap3A_43, %swap3A_44], %mul3A_42 {strides = array<i32>} : memref<8000x64xf32, #tpu.memory_space<vmem>>, vector<8000x32xf32>,
    return
  }
  func.func @transform_0(%arg0: i32) -> (i32, i32) {
    %add3A = arith.constant 32 : i32
    %add3A_0 = arith.addi %add3A, %arg0 : i32
    %c0_i32 = arith.constant 0 : i32
    %c0_i32_1 = arith.constant 0 : i32
    return %add3A_0, %c0_i32 : i32, i32
  }
  func.func @transform_1(%arg0: i32) -> (i32, i32) {
    %c0_i32 = arith.constant 0 : i32
    %c0_i32_0 = arith.constant 0 : i32
    %c0_i32_1 = arith.constant 0 : i32
    return %c0_i32, %c0_i32_0 : i32, i32
  }
  func.func @transform_2(%arg0: i32) -> (i32, i32) {
    %c0_i32 = arith.constant 0 : i32
    %c0_i32_0 = arith.constant 0 : i32
    %c0_i32_1 = arith.constant 0 : i32
    return %c0_i32, %c0_i32_0 : i32, i32
  }
  func.func @transform_3(%arg0: i32) -> (i32, i32) {
    %c0_i32 = arith.constant 0 : i32
    %c0_i32_0 = arith.constant 0 : i32
    %c0_i32_1 = arith.constant 0 : i32
    return %c0_i32, %c0_i32_0 : i32, i32
  }
  func.func @transform_4(%arg0: i32) -> (i32, i32) {
    %c0_i32 = arith.constant 0 : i32
    %c0_i32_0 = arith.constant 0 : i32
    %c0_i32_1 = arith.constant 0 : i32
    return %c0_i32, %c0_i32_0 : i32, i32
  }
  func.func @transform_5(%arg0: i32) -> (i32, i32) {
    %c0_i32 = arith.constant 0 : i32
    %c0_i32_0 = arith.constant 0 : i32
    return %arg0, %c0_i32 : i32, i32
  }
}

module attributes {stable_mosaic.version = 14 : i64} {
  func.func @_vb_body(%arg0: i32, %arg1: memref<8000x128xf32, #tpu.memory_space<vmem>>, %arg2: memref<128x64xf32, #tpu.memory_space<vmem>>, %arg3: memref<128x64xf32, #tpu.memory_space<vmem>>, %arg4: memref<64x32xf32, #tpu.memory_space<vmem>>, %arg5: memref<64x32xf32, #tpu.memory_space<vmem>>, %arg6: memref<8000x64xf32, #tpu.memory_space<vmem>>) attributes {dimension_semantics = [#tpu.dimension_semantics<arbitrary>], iteration_bounds = array<i64: 8>, scalar_prefetch = 0 : i64, scratch_operands = 0 : i64, tpu.core_type = #tpu.core_type<tc>, window_params = [{transform_indices = @transform_0, window_bounds = array<i64: 8000, 128>}, {pipeline_mode = #tpu.pipeline_mode<synchronous>, transform_indices = @transform_1, window_bounds = array<i64: 128, 64>}, {pipeline_mode = #tpu.pipeline_mode<synchronous>, transform_indices = @transform_2, window_bounds = array<i64: 128, 64>}, {pipeline_mode = #tpu.pipeline_mode<synchronous>, transform_indices = @transform_3, window_bounds = array<i64: 64, 32>}, {pipeline_mode = #tpu.pipeline_mode<synchronous>, transform_indices = @transform_4, window_bounds = array<i64: 64, 32>}, {transform_indices = @transform_5, window_bounds = array<i64: 8000, 64>}]} {
    %get3A = arith.constant 0 : index
    %get3A_0 = arith.constant 0 : index
    %get3A_1 = vector.load %arg1[%get3A, %get3A_0] : memref<8000x128xf32, #tpu.memory_space<vmem>>, vector<8000x128xf32>
    %get3A_2 = arith.constant 0 : index
    %get3A_3 = arith.constant 0 : index
    %get3A_4 = vector.load %arg2[%get3A_2, %get3A_3] : memref<128x64xf32, #tpu.memory_space<vmem>>, vector<128x64xf32>
    %mul3A = arith.constant 0.176776692 : f32
    %mul3A_5 = vector.broadcast %mul3A : f32 to vector<128x64xf32>
    %mul3A_6 = arith.mulf %mul3A_5, %get3A_4 : vector<128x64xf32>
    %get3A_7 = arith.constant 0 : index
    %get3A_8 = arith.constant 0 : index
    %get3A_9 = vector.load %arg3[%get3A_7, %get3A_8] : memref<128x64xf32, #tpu.memory_space<vmem>>, vector<128x64xf32>
    %exp3A = math.exp %get3A_9 : vector<128x64xf32>
    %mul3A_10 = arith.constant 3.125000e-02 : f32
    %mul3A_11 = vector.broadcast %mul3A_10 : f32 to vector<128x64xf32>
    %mul3A_12 = arith.mulf %mul3A_11, %exp3A : vector<128x64xf32>
    %get3A_13 = arith.constant 0 : index
    %get3A_14 = arith.constant 0 : index
    %get3A_15 = vector.load %arg4[%get3A_13, %get3A_14] : memref<64x32xf32, #tpu.memory_space<vmem>>, vector<64x32xf32>
    %get3A_16 = arith.constant 0 : index
    %get3A_17 = arith.constant 0 : index
    %get3A_18 = vector.load %arg5[%get3A_16, %get3A_17] : memref<64x32xf32, #tpu.memory_space<vmem>>, vector<64x32xf32>
    %exp3A_19 = math.exp %get3A_18 : vector<64x32xf32>
    %dot_general3A = arith.constant dense<0.000000e+00> : vector<8000x64xf32>
    %dot_general3A_20 = tpu.matmul %get3A_1, %mul3A_6, %dot_general3A {dimension_numbers = #tpu.dot_dimension_numbers<[1], [0], [0], [1], [0, 0, 1, 1], [], []>, transpose_lhs_hint = false} : vector<8000x128xf32>, vector<128x64xf32>, vector<8000x64xf32> -> vector<8000x64xf32>
    %max3A = arith.constant 0.000000e+00 : f32
    %max3A_21 = vector.broadcast %max3A : f32 to vector<8000x64xf32>
    %max3A_22 = arith.maximumf %dot_general3A_20, %max3A_21 : vector<8000x64xf32>
    %mul3A_23 = arith.mulf %get3A_1, %get3A_1 : vector<8000x128xf32>
    %dot_general3A_24 = arith.constant dense<0.000000e+00> : vector<8000x64xf32>
    %dot_general3A_25 = tpu.matmul %mul3A_23, %mul3A_12, %dot_general3A_24 {dimension_numbers = #tpu.dot_dimension_numbers<[1], [0], [0], [1], [0, 0, 1, 1], [], []>, transpose_lhs_hint = false} : vector<8000x128xf32>, vector<128x64xf32>, vector<8000x64xf32> -> vector<8000x64xf32>
    %dot_general3A_26 = arith.constant dense<0.000000e+00> : vector<8000x32xf32>
    %dot_general3A_27 = tpu.matmul %max3A_22, %get3A_15, %dot_general3A_26 {dimension_numbers = #tpu.dot_dimension_numbers<[1], [0], [0], [1], [0, 0, 1, 1], [], []>, transpose_lhs_hint = false} : vector<8000x64xf32>, vector<64x32xf32>, vector<8000x32xf32> -> vector<8000x32xf32>
    %mul3A_28 = arith.mulf %max3A_22, %max3A_22 : vector<8000x64xf32>
    %add3A = arith.addf %mul3A_28, %dot_general3A_25 : vector<8000x64xf32>
    %dot_general3A_29 = arith.constant dense<0.000000e+00> : vector<8000x32xf32>
    %dot_general3A_30 = tpu.matmul %add3A, %exp3A_19, %dot_general3A_29 {dimension_numbers = #tpu.dot_dimension_numbers<[1], [0], [0], [1], [0, 0, 1, 1], [], []>, transpose_lhs_hint = false} : vector<8000x64xf32>, vector<64x32xf32>, vector<8000x32xf32> -> vector<8000x32xf32>
    %mul3A_31 = arith.mulf %get3A_15, %get3A_15 : vector<64x32xf32>
    %dot_general3A_32 = arith.constant dense<0.000000e+00> : vector<8000x32xf32>
    %dot_general3A_33 = tpu.matmul %dot_general3A_25, %mul3A_31, %dot_general3A_32 {dimension_numbers = #tpu.dot_dimension_numbers<[1], [0], [0], [1], [0, 0, 1, 1], [], []>, transpose_lhs_hint = false} : vector<8000x64xf32>, vector<64x32xf32>, vector<8000x32xf32> -> vector<8000x32xf32>
    %add3A_34 = arith.addf %dot_general3A_30, %dot_general3A_33 : vector<8000x32xf32>
    %add3A_35 = arith.constant 9.99999993E-9 : f32
    %add3A_36 = vector.broadcast %add3A_35 : f32 to vector<8000x32xf32>
    %add3A_37 = arith.addf %add3A_34, %add3A_36 : vector<8000x32xf32>
    %div3A = arith.constant 1.000000e+00 : f32
    %div3A_38 = vector.broadcast %div3A : f32 to vector<8000x32xf32>
    %div3A_39 = arith.divf %div3A_38, %add3A_37 : vector<8000x32xf32>
    %swap3A = arith.constant 0 : index
    %swap3A_40 = arith.constant 0 : index
    %swap3A_41 = vector.load %arg6[%swap3A, %swap3A_40] : memref<8000x64xf32, #tpu.memory_space<vmem>>, vector<8000x32xf32>
    tpu.vector_store %arg6[%swap3A, %swap3A_40], %div3A_39 {strides = array<i32>} : memref<8000x64xf32, #tpu.memory_space<vmem>>, vector<8000x32xf32>,
    %mul3A_42 = arith.mulf %div3A_39, %dot_general3A_27 : vector<8000x32xf32>
    %swap3A_43 = arith.constant 0 : index
    %swap3A_44 = arith.constant 32 : index
    %swap3A_45 = vector.load %arg6[%swap3A_43, %swap3A_44] : memref<8000x64xf32, #tpu.memory_space<vmem>>, vector<8000x32xf32>
    tpu.vector_store %arg6[%swap3A_43, %swap3A_44], %mul3A_42 {strides = array<i32>} : memref<8000x64xf32, #tpu.memory_space<vmem>>, vector<8000x32xf32>,
    return
  }
  func.func @transform_0(%arg0: i32) -> (i32, i32) {
    %add3A = arith.constant 24 : i32
    %add3A_0 = arith.addi %add3A, %arg0 : i32
    %c0_i32 = arith.constant 0 : i32
    %c0_i32_1 = arith.constant 0 : i32
    return %add3A_0, %c0_i32 : i32, i32
  }
  func.func @transform_1(%arg0: i32) -> (i32, i32) {
    %c0_i32 = arith.constant 0 : i32
    %c0_i32_0 = arith.constant 0 : i32
    %c0_i32_1 = arith.constant 0 : i32
    return %c0_i32, %c0_i32_0 : i32, i32
  }
  func.func @transform_2(%arg0: i32) -> (i32, i32) {
    %c0_i32 = arith.constant 0 : i32
    %c0_i32_0 = arith.constant 0 : i32
    %c0_i32_1 = arith.constant 0 : i32
    return %c0_i32, %c0_i32_0 : i32, i32
  }
  func.func @transform_3(%arg0: i32) -> (i32, i32) {
    %c0_i32 = arith.constant 0 : i32
    %c0_i32_0 = arith.constant 0 : i32
    %c0_i32_1 = arith.constant 0 : i32
    return %c0_i32, %c0_i32_0 : i32, i32
  }
  func.func @transform_4(%arg0: i32) -> (i32, i32) {
    %c0_i32 = arith.constant 0 : i32
    %c0_i32_0 = arith.constant 0 : i32
    %c0_i32_1 = arith.constant 0 : i32
    return %c0_i32, %c0_i32_0 : i32, i32
  }
  func.func @transform_5(%arg0: i32) -> (i32, i32) {
    %c0_i32 = arith.constant 0 : i32
    %c0_i32_0 = arith.constant 0 : i32
    return %arg0, %c0_i32 : i32, i32
  }
}

module attributes {stable_mosaic.version = 14 : i64} {
  func.func @_vb_body(%arg0: i32, %arg1: memref<8000x128xf32, #tpu.memory_space<vmem>>, %arg2: memref<128x64xf32, #tpu.memory_space<vmem>>, %arg3: memref<128x64xf32, #tpu.memory_space<vmem>>, %arg4: memref<64x32xf32, #tpu.memory_space<vmem>>, %arg5: memref<64x32xf32, #tpu.memory_space<vmem>>, %arg6: memref<8000x64xf32, #tpu.memory_space<vmem>>) attributes {dimension_semantics = [#tpu.dimension_semantics<arbitrary>], iteration_bounds = array<i64: 8>, scalar_prefetch = 0 : i64, scratch_operands = 0 : i64, tpu.core_type = #tpu.core_type<tc>, window_params = [{transform_indices = @transform_0, window_bounds = array<i64: 8000, 128>}, {pipeline_mode = #tpu.pipeline_mode<synchronous>, transform_indices = @transform_1, window_bounds = array<i64: 128, 64>}, {pipeline_mode = #tpu.pipeline_mode<synchronous>, transform_indices = @transform_2, window_bounds = array<i64: 128, 64>}, {pipeline_mode = #tpu.pipeline_mode<synchronous>, transform_indices = @transform_3, window_bounds = array<i64: 64, 32>}, {pipeline_mode = #tpu.pipeline_mode<synchronous>, transform_indices = @transform_4, window_bounds = array<i64: 64, 32>}, {transform_indices = @transform_5, window_bounds = array<i64: 8000, 64>}]} {
    %get3A = arith.constant 0 : index
    %get3A_0 = arith.constant 0 : index
    %get3A_1 = vector.load %arg1[%get3A, %get3A_0] : memref<8000x128xf32, #tpu.memory_space<vmem>>, vector<8000x128xf32>
    %get3A_2 = arith.constant 0 : index
    %get3A_3 = arith.constant 0 : index
    %get3A_4 = vector.load %arg2[%get3A_2, %get3A_3] : memref<128x64xf32, #tpu.memory_space<vmem>>, vector<128x64xf32>
    %mul3A = arith.constant 0.176776692 : f32
    %mul3A_5 = vector.broadcast %mul3A : f32 to vector<128x64xf32>
    %mul3A_6 = arith.mulf %mul3A_5, %get3A_4 : vector<128x64xf32>
    %get3A_7 = arith.constant 0 : index
    %get3A_8 = arith.constant 0 : index
    %get3A_9 = vector.load %arg3[%get3A_7, %get3A_8] : memref<128x64xf32, #tpu.memory_space<vmem>>, vector<128x64xf32>
    %exp3A = math.exp %get3A_9 : vector<128x64xf32>
    %mul3A_10 = arith.constant 3.125000e-02 : f32
    %mul3A_11 = vector.broadcast %mul3A_10 : f32 to vector<128x64xf32>
    %mul3A_12 = arith.mulf %mul3A_11, %exp3A : vector<128x64xf32>
    %get3A_13 = arith.constant 0 : index
    %get3A_14 = arith.constant 0 : index
    %get3A_15 = vector.load %arg4[%get3A_13, %get3A_14] : memref<64x32xf32, #tpu.memory_space<vmem>>, vector<64x32xf32>
    %get3A_16 = arith.constant 0 : index
    %get3A_17 = arith.constant 0 : index
    %get3A_18 = vector.load %arg5[%get3A_16, %get3A_17] : memref<64x32xf32, #tpu.memory_space<vmem>>, vector<64x32xf32>
    %exp3A_19 = math.exp %get3A_18 : vector<64x32xf32>
    %dot_general3A = arith.constant dense<0.000000e+00> : vector<8000x64xf32>
    %dot_general3A_20 = tpu.matmul %get3A_1, %mul3A_6, %dot_general3A {dimension_numbers = #tpu.dot_dimension_numbers<[1], [0], [0], [1], [0, 0, 1, 1], [], []>, transpose_lhs_hint = false} : vector<8000x128xf32>, vector<128x64xf32>, vector<8000x64xf32> -> vector<8000x64xf32>
    %max3A = arith.constant 0.000000e+00 : f32
    %max3A_21 = vector.broadcast %max3A : f32 to vector<8000x64xf32>
    %max3A_22 = arith.maximumf %dot_general3A_20, %max3A_21 : vector<8000x64xf32>
    %mul3A_23 = arith.mulf %get3A_1, %get3A_1 : vector<8000x128xf32>
    %dot_general3A_24 = arith.constant dense<0.000000e+00> : vector<8000x64xf32>
    %dot_general3A_25 = tpu.matmul %mul3A_23, %mul3A_12, %dot_general3A_24 {dimension_numbers = #tpu.dot_dimension_numbers<[1], [0], [0], [1], [0, 0, 1, 1], [], []>, transpose_lhs_hint = false} : vector<8000x128xf32>, vector<128x64xf32>, vector<8000x64xf32> -> vector<8000x64xf32>
    %dot_general3A_26 = arith.constant dense<0.000000e+00> : vector<8000x32xf32>
    %dot_general3A_27 = tpu.matmul %max3A_22, %get3A_15, %dot_general3A_26 {dimension_numbers = #tpu.dot_dimension_numbers<[1], [0], [0], [1], [0, 0, 1, 1], [], []>, transpose_lhs_hint = false} : vector<8000x64xf32>, vector<64x32xf32>, vector<8000x32xf32> -> vector<8000x32xf32>
    %mul3A_28 = arith.mulf %max3A_22, %max3A_22 : vector<8000x64xf32>
    %add3A = arith.addf %mul3A_28, %dot_general3A_25 : vector<8000x64xf32>
    %dot_general3A_29 = arith.constant dense<0.000000e+00> : vector<8000x32xf32>
    %dot_general3A_30 = tpu.matmul %add3A, %exp3A_19, %dot_general3A_29 {dimension_numbers = #tpu.dot_dimension_numbers<[1], [0], [0], [1], [0, 0, 1, 1], [], []>, transpose_lhs_hint = false} : vector<8000x64xf32>, vector<64x32xf32>, vector<8000x32xf32> -> vector<8000x32xf32>
    %mul3A_31 = arith.mulf %get3A_15, %get3A_15 : vector<64x32xf32>
    %dot_general3A_32 = arith.constant dense<0.000000e+00> : vector<8000x32xf32>
    %dot_general3A_33 = tpu.matmul %dot_general3A_25, %mul3A_31, %dot_general3A_32 {dimension_numbers = #tpu.dot_dimension_numbers<[1], [0], [0], [1], [0, 0, 1, 1], [], []>, transpose_lhs_hint = false} : vector<8000x64xf32>, vector<64x32xf32>, vector<8000x32xf32> -> vector<8000x32xf32>
    %add3A_34 = arith.addf %dot_general3A_30, %dot_general3A_33 : vector<8000x32xf32>
    %add3A_35 = arith.constant 9.99999993E-9 : f32
    %add3A_36 = vector.broadcast %add3A_35 : f32 to vector<8000x32xf32>
    %add3A_37 = arith.addf %add3A_34, %add3A_36 : vector<8000x32xf32>
    %div3A = arith.constant 1.000000e+00 : f32
    %div3A_38 = vector.broadcast %div3A : f32 to vector<8000x32xf32>
    %div3A_39 = arith.divf %div3A_38, %add3A_37 : vector<8000x32xf32>
    %swap3A = arith.constant 0 : index
    %swap3A_40 = arith.constant 0 : index
    %swap3A_41 = vector.load %arg6[%swap3A, %swap3A_40] : memref<8000x64xf32, #tpu.memory_space<vmem>>, vector<8000x32xf32>
    tpu.vector_store %arg6[%swap3A, %swap3A_40], %div3A_39 {strides = array<i32>} : memref<8000x64xf32, #tpu.memory_space<vmem>>, vector<8000x32xf32>,
    %mul3A_42 = arith.mulf %div3A_39, %dot_general3A_27 : vector<8000x32xf32>
    %swap3A_43 = arith.constant 0 : index
    %swap3A_44 = arith.constant 32 : index
    %swap3A_45 = vector.load %arg6[%swap3A_43, %swap3A_44] : memref<8000x64xf32, #tpu.memory_space<vmem>>, vector<8000x32xf32>
    tpu.vector_store %arg6[%swap3A_43, %swap3A_44], %mul3A_42 {strides = array<i32>} : memref<8000x64xf32, #tpu.memory_space<vmem>>, vector<8000x32xf32>,
    return
  }
  func.func @transform_0(%arg0: i32) -> (i32, i32) {
    %add3A = arith.constant 16 : i32
    %add3A_0 = arith.addi %add3A, %arg0 : i32
    %c0_i32 = arith.constant 0 : i32
    %c0_i32_1 = arith.constant 0 : i32
    return %add3A_0, %c0_i32 : i32, i32
  }
  func.func @transform_1(%arg0: i32) -> (i32, i32) {
    %c0_i32 = arith.constant 0 : i32
    %c0_i32_0 = arith.constant 0 : i32
    %c0_i32_1 = arith.constant 0 : i32
    return %c0_i32, %c0_i32_0 : i32, i32
  }
  func.func @transform_2(%arg0: i32) -> (i32, i32) {
    %c0_i32 = arith.constant 0 : i32
    %c0_i32_0 = arith.constant 0 : i32
    %c0_i32_1 = arith.constant 0 : i32
    return %c0_i32, %c0_i32_0 : i32, i32
  }
  func.func @transform_3(%arg0: i32) -> (i32, i32) {
    %c0_i32 = arith.constant 0 : i32
    %c0_i32_0 = arith.constant 0 : i32
    %c0_i32_1 = arith.constant 0 : i32
    return %c0_i32, %c0_i32_0 : i32, i32
  }
  func.func @transform_4(%arg0: i32) -> (i32, i32) {
    %c0_i32 = arith.constant 0 : i32
    %c0_i32_0 = arith.constant 0 : i32
    %c0_i32_1 = arith.constant 0 : i32
    return %c0_i32, %c0_i32_0 : i32, i32
  }
  func.func @transform_5(%arg0: i32) -> (i32, i32) {
    %c0_i32 = arith.constant 0 : i32
    %c0_i32_0 = arith.constant 0 : i32
    return %arg0, %c0_i32 : i32, i32
  }
}

module attributes {stable_mosaic.version = 14 : i64} {
  func.func @_vb_body(%arg0: i32, %arg1: memref<8000x128xf32, #tpu.memory_space<vmem>>, %arg2: memref<128x64xf32, #tpu.memory_space<vmem>>, %arg3: memref<128x64xf32, #tpu.memory_space<vmem>>, %arg4: memref<64x32xf32, #tpu.memory_space<vmem>>, %arg5: memref<64x32xf32, #tpu.memory_space<vmem>>, %arg6: memref<8000x64xf32, #tpu.memory_space<vmem>>) attributes {dimension_semantics = [#tpu.dimension_semantics<arbitrary>], iteration_bounds = array<i64: 8>, scalar_prefetch = 0 : i64, scratch_operands = 0 : i64, tpu.core_type = #tpu.core_type<tc>, window_params = [{transform_indices = @transform_0, window_bounds = array<i64: 8000, 128>}, {pipeline_mode = #tpu.pipeline_mode<synchronous>, transform_indices = @transform_1, window_bounds = array<i64: 128, 64>}, {pipeline_mode = #tpu.pipeline_mode<synchronous>, transform_indices = @transform_2, window_bounds = array<i64: 128, 64>}, {pipeline_mode = #tpu.pipeline_mode<synchronous>, transform_indices = @transform_3, window_bounds = array<i64: 64, 32>}, {pipeline_mode = #tpu.pipeline_mode<synchronous>, transform_indices = @transform_4, window_bounds = array<i64: 64, 32>}, {transform_indices = @transform_5, window_bounds = array<i64: 8000, 64>}]} {
    %get3A = arith.constant 0 : index
    %get3A_0 = arith.constant 0 : index
    %get3A_1 = vector.load %arg1[%get3A, %get3A_0] : memref<8000x128xf32, #tpu.memory_space<vmem>>, vector<8000x128xf32>
    %get3A_2 = arith.constant 0 : index
    %get3A_3 = arith.constant 0 : index
    %get3A_4 = vector.load %arg2[%get3A_2, %get3A_3] : memref<128x64xf32, #tpu.memory_space<vmem>>, vector<128x64xf32>
    %mul3A = arith.constant 0.176776692 : f32
    %mul3A_5 = vector.broadcast %mul3A : f32 to vector<128x64xf32>
    %mul3A_6 = arith.mulf %mul3A_5, %get3A_4 : vector<128x64xf32>
    %get3A_7 = arith.constant 0 : index
    %get3A_8 = arith.constant 0 : index
    %get3A_9 = vector.load %arg3[%get3A_7, %get3A_8] : memref<128x64xf32, #tpu.memory_space<vmem>>, vector<128x64xf32>
    %exp3A = math.exp %get3A_9 : vector<128x64xf32>
    %mul3A_10 = arith.constant 3.125000e-02 : f32
    %mul3A_11 = vector.broadcast %mul3A_10 : f32 to vector<128x64xf32>
    %mul3A_12 = arith.mulf %mul3A_11, %exp3A : vector<128x64xf32>
    %get3A_13 = arith.constant 0 : index
    %get3A_14 = arith.constant 0 : index
    %get3A_15 = vector.load %arg4[%get3A_13, %get3A_14] : memref<64x32xf32, #tpu.memory_space<vmem>>, vector<64x32xf32>
    %get3A_16 = arith.constant 0 : index
    %get3A_17 = arith.constant 0 : index
    %get3A_18 = vector.load %arg5[%get3A_16, %get3A_17] : memref<64x32xf32, #tpu.memory_space<vmem>>, vector<64x32xf32>
    %exp3A_19 = math.exp %get3A_18 : vector<64x32xf32>
    %dot_general3A = arith.constant dense<0.000000e+00> : vector<8000x64xf32>
    %dot_general3A_20 = tpu.matmul %get3A_1, %mul3A_6, %dot_general3A {dimension_numbers = #tpu.dot_dimension_numbers<[1], [0], [0], [1], [0, 0, 1, 1], [], []>, transpose_lhs_hint = false} : vector<8000x128xf32>, vector<128x64xf32>, vector<8000x64xf32> -> vector<8000x64xf32>
    %max3A = arith.constant 0.000000e+00 : f32
    %max3A_21 = vector.broadcast %max3A : f32 to vector<8000x64xf32>
    %max3A_22 = arith.maximumf %dot_general3A_20, %max3A_21 : vector<8000x64xf32>
    %mul3A_23 = arith.mulf %get3A_1, %get3A_1 : vector<8000x128xf32>
    %dot_general3A_24 = arith.constant dense<0.000000e+00> : vector<8000x64xf32>
    %dot_general3A_25 = tpu.matmul %mul3A_23, %mul3A_12, %dot_general3A_24 {dimension_numbers = #tpu.dot_dimension_numbers<[1], [0], [0], [1], [0, 0, 1, 1], [], []>, transpose_lhs_hint = false} : vector<8000x128xf32>, vector<128x64xf32>, vector<8000x64xf32> -> vector<8000x64xf32>
    %dot_general3A_26 = arith.constant dense<0.000000e+00> : vector<8000x32xf32>
    %dot_general3A_27 = tpu.matmul %max3A_22, %get3A_15, %dot_general3A_26 {dimension_numbers = #tpu.dot_dimension_numbers<[1], [0], [0], [1], [0, 0, 1, 1], [], []>, transpose_lhs_hint = false} : vector<8000x64xf32>, vector<64x32xf32>, vector<8000x32xf32> -> vector<8000x32xf32>
    %mul3A_28 = arith.mulf %max3A_22, %max3A_22 : vector<8000x64xf32>
    %add3A = arith.addf %mul3A_28, %dot_general3A_25 : vector<8000x64xf32>
    %dot_general3A_29 = arith.constant dense<0.000000e+00> : vector<8000x32xf32>
    %dot_general3A_30 = tpu.matmul %add3A, %exp3A_19, %dot_general3A_29 {dimension_numbers = #tpu.dot_dimension_numbers<[1], [0], [0], [1], [0, 0, 1, 1], [], []>, transpose_lhs_hint = false} : vector<8000x64xf32>, vector<64x32xf32>, vector<8000x32xf32> -> vector<8000x32xf32>
    %mul3A_31 = arith.mulf %get3A_15, %get3A_15 : vector<64x32xf32>
    %dot_general3A_32 = arith.constant dense<0.000000e+00> : vector<8000x32xf32>
    %dot_general3A_33 = tpu.matmul %dot_general3A_25, %mul3A_31, %dot_general3A_32 {dimension_numbers = #tpu.dot_dimension_numbers<[1], [0], [0], [1], [0, 0, 1, 1], [], []>, transpose_lhs_hint = false} : vector<8000x64xf32>, vector<64x32xf32>, vector<8000x32xf32> -> vector<8000x32xf32>
    %add3A_34 = arith.addf %dot_general3A_30, %dot_general3A_33 : vector<8000x32xf32>
    %add3A_35 = arith.constant 9.99999993E-9 : f32
    %add3A_36 = vector.broadcast %add3A_35 : f32 to vector<8000x32xf32>
    %add3A_37 = arith.addf %add3A_34, %add3A_36 : vector<8000x32xf32>
    %div3A = arith.constant 1.000000e+00 : f32
    %div3A_38 = vector.broadcast %div3A : f32 to vector<8000x32xf32>
    %div3A_39 = arith.divf %div3A_38, %add3A_37 : vector<8000x32xf32>
    %swap3A = arith.constant 0 : index
    %swap3A_40 = arith.constant 0 : index
    %swap3A_41 = vector.load %arg6[%swap3A, %swap3A_40] : memref<8000x64xf32, #tpu.memory_space<vmem>>, vector<8000x32xf32>
    tpu.vector_store %arg6[%swap3A, %swap3A_40], %div3A_39 {strides = array<i32>} : memref<8000x64xf32, #tpu.memory_space<vmem>>, vector<8000x32xf32>,
    %mul3A_42 = arith.mulf %div3A_39, %dot_general3A_27 : vector<8000x32xf32>
    %swap3A_43 = arith.constant 0 : index
    %swap3A_44 = arith.constant 32 : index
    %swap3A_45 = vector.load %arg6[%swap3A_43, %swap3A_44] : memref<8000x64xf32, #tpu.memory_space<vmem>>, vector<8000x32xf32>
    tpu.vector_store %arg6[%swap3A_43, %swap3A_44], %mul3A_42 {strides = array<i32>} : memref<8000x64xf32, #tpu.memory_space<vmem>>, vector<8000x32xf32>,
    return
  }
  func.func @transform_0(%arg0: i32) -> (i32, i32) {
    %add3A = arith.constant 8 : i32
    %add3A_0 = arith.addi %add3A, %arg0 : i32
    %c0_i32 = arith.constant 0 : i32
    %c0_i32_1 = arith.constant 0 : i32
    return %add3A_0, %c0_i32 : i32, i32
  }
  func.func @transform_1(%arg0: i32) -> (i32, i32) {
    %c0_i32 = arith.constant 0 : i32
    %c0_i32_0 = arith.constant 0 : i32
    %c0_i32_1 = arith.constant 0 : i32
    return %c0_i32, %c0_i32_0 : i32, i32
  }
  func.func @transform_2(%arg0: i32) -> (i32, i32) {
    %c0_i32 = arith.constant 0 : i32
    %c0_i32_0 = arith.constant 0 : i32
    %c0_i32_1 = arith.constant 0 : i32
    return %c0_i32, %c0_i32_0 : i32, i32
  }
  func.func @transform_3(%arg0: i32) -> (i32, i32) {
    %c0_i32 = arith.constant 0 : i32
    %c0_i32_0 = arith.constant 0 : i32
    %c0_i32_1 = arith.constant 0 : i32
    return %c0_i32, %c0_i32_0 : i32, i32
  }
  func.func @transform_4(%arg0: i32) -> (i32, i32) {
    %c0_i32 = arith.constant 0 : i32
    %c0_i32_0 = arith.constant 0 : i32
    %c0_i32_1 = arith.constant 0 : i32
    return %c0_i32, %c0_i32_0 : i32, i32
  }
  func.func @transform_5(%arg0: i32) -> (i32, i32) {
    %c0_i32 = arith.constant 0 : i32
    %c0_i32_0 = arith.constant 0 : i32
    return %arg0, %c0_i32 : i32, i32
  }
}

module attributes {stable_mosaic.version = 14 : i64} {
  func.func @_vb_body(%arg0: i32, %arg1: memref<8000x128xf32, #tpu.memory_space<vmem>>, %arg2: memref<128x64xf32, #tpu.memory_space<vmem>>, %arg3: memref<128x64xf32, #tpu.memory_space<vmem>>, %arg4: memref<64x32xf32, #tpu.memory_space<vmem>>, %arg5: memref<64x32xf32, #tpu.memory_space<vmem>>, %arg6: memref<8000x64xf32, #tpu.memory_space<vmem>>) attributes {dimension_semantics = [#tpu.dimension_semantics<arbitrary>], iteration_bounds = array<i64: 8>, scalar_prefetch = 0 : i64, scratch_operands = 0 : i64, tpu.core_type = #tpu.core_type<tc>, window_params = [{transform_indices = @transform_0, window_bounds = array<i64: 8000, 128>}, {pipeline_mode = #tpu.pipeline_mode<synchronous>, transform_indices = @transform_1, window_bounds = array<i64: 128, 64>}, {pipeline_mode = #tpu.pipeline_mode<synchronous>, transform_indices = @transform_2, window_bounds = array<i64: 128, 64>}, {pipeline_mode = #tpu.pipeline_mode<synchronous>, transform_indices = @transform_3, window_bounds = array<i64: 64, 32>}, {pipeline_mode = #tpu.pipeline_mode<synchronous>, transform_indices = @transform_4, window_bounds = array<i64: 64, 32>}, {transform_indices = @transform_5, window_bounds = array<i64: 8000, 64>}]} {
    %get3A = arith.constant 0 : index
    %get3A_0 = arith.constant 0 : index
    %get3A_1 = vector.load %arg1[%get3A, %get3A_0] : memref<8000x128xf32, #tpu.memory_space<vmem>>, vector<8000x128xf32>
    %get3A_2 = arith.constant 0 : index
    %get3A_3 = arith.constant 0 : index
    %get3A_4 = vector.load %arg2[%get3A_2, %get3A_3] : memref<128x64xf32, #tpu.memory_space<vmem>>, vector<128x64xf32>
    %mul3A = arith.constant 0.176776692 : f32
    %mul3A_5 = vector.broadcast %mul3A : f32 to vector<128x64xf32>
    %mul3A_6 = arith.mulf %mul3A_5, %get3A_4 : vector<128x64xf32>
    %get3A_7 = arith.constant 0 : index
    %get3A_8 = arith.constant 0 : index
    %get3A_9 = vector.load %arg3[%get3A_7, %get3A_8] : memref<128x64xf32, #tpu.memory_space<vmem>>, vector<128x64xf32>
    %exp3A = math.exp %get3A_9 : vector<128x64xf32>
    %mul3A_10 = arith.constant 3.125000e-02 : f32
    %mul3A_11 = vector.broadcast %mul3A_10 : f32 to vector<128x64xf32>
    %mul3A_12 = arith.mulf %mul3A_11, %exp3A : vector<128x64xf32>
    %get3A_13 = arith.constant 0 : index
    %get3A_14 = arith.constant 0 : index
    %get3A_15 = vector.load %arg4[%get3A_13, %get3A_14] : memref<64x32xf32, #tpu.memory_space<vmem>>, vector<64x32xf32>
    %get3A_16 = arith.constant 0 : index
    %get3A_17 = arith.constant 0 : index
    %get3A_18 = vector.load %arg5[%get3A_16, %get3A_17] : memref<64x32xf32, #tpu.memory_space<vmem>>, vector<64x32xf32>
    %exp3A_19 = math.exp %get3A_18 : vector<64x32xf32>
    %dot_general3A = arith.constant dense<0.000000e+00> : vector<8000x64xf32>
    %dot_general3A_20 = tpu.matmul %get3A_1, %mul3A_6, %dot_general3A {dimension_numbers = #tpu.dot_dimension_numbers<[1], [0], [0], [1], [0, 0, 1, 1], [], []>, transpose_lhs_hint = false} : vector<8000x128xf32>, vector<128x64xf32>, vector<8000x64xf32> -> vector<8000x64xf32>
    %max3A = arith.constant 0.000000e+00 : f32
    %max3A_21 = vector.broadcast %max3A : f32 to vector<8000x64xf32>
    %max3A_22 = arith.maximumf %dot_general3A_20, %max3A_21 : vector<8000x64xf32>
    %mul3A_23 = arith.mulf %get3A_1, %get3A_1 : vector<8000x128xf32>
    %dot_general3A_24 = arith.constant dense<0.000000e+00> : vector<8000x64xf32>
    %dot_general3A_25 = tpu.matmul %mul3A_23, %mul3A_12, %dot_general3A_24 {dimension_numbers = #tpu.dot_dimension_numbers<[1], [0], [0], [1], [0, 0, 1, 1], [], []>, transpose_lhs_hint = false} : vector<8000x128xf32>, vector<128x64xf32>, vector<8000x64xf32> -> vector<8000x64xf32>
    %dot_general3A_26 = arith.constant dense<0.000000e+00> : vector<8000x32xf32>
    %dot_general3A_27 = tpu.matmul %max3A_22, %get3A_15, %dot_general3A_26 {dimension_numbers = #tpu.dot_dimension_numbers<[1], [0], [0], [1], [0, 0, 1, 1], [], []>, transpose_lhs_hint = false} : vector<8000x64xf32>, vector<64x32xf32>, vector<8000x32xf32> -> vector<8000x32xf32>
    %mul3A_28 = arith.mulf %max3A_22, %max3A_22 : vector<8000x64xf32>
    %add3A = arith.addf %mul3A_28, %dot_general3A_25 : vector<8000x64xf32>
    %dot_general3A_29 = arith.constant dense<0.000000e+00> : vector<8000x32xf32>
    %dot_general3A_30 = tpu.matmul %add3A, %exp3A_19, %dot_general3A_29 {dimension_numbers = #tpu.dot_dimension_numbers<[1], [0], [0], [1], [0, 0, 1, 1], [], []>, transpose_lhs_hint = false} : vector<8000x64xf32>, vector<64x32xf32>, vector<8000x32xf32> -> vector<8000x32xf32>
    %mul3A_31 = arith.mulf %get3A_15, %get3A_15 : vector<64x32xf32>
    %dot_general3A_32 = arith.constant dense<0.000000e+00> : vector<8000x32xf32>
    %dot_general3A_33 = tpu.matmul %dot_general3A_25, %mul3A_31, %dot_general3A_32 {dimension_numbers = #tpu.dot_dimension_numbers<[1], [0], [0], [1], [0, 0, 1, 1], [], []>, transpose_lhs_hint = false} : vector<8000x64xf32>, vector<64x32xf32>, vector<8000x32xf32> -> vector<8000x32xf32>
    %add3A_34 = arith.addf %dot_general3A_30, %dot_general3A_33 : vector<8000x32xf32>
    %add3A_35 = arith.constant 9.99999993E-9 : f32
    %add3A_36 = vector.broadcast %add3A_35 : f32 to vector<8000x32xf32>
    %add3A_37 = arith.addf %add3A_34, %add3A_36 : vector<8000x32xf32>
    %div3A = arith.constant 1.000000e+00 : f32
    %div3A_38 = vector.broadcast %div3A : f32 to vector<8000x32xf32>
    %div3A_39 = arith.divf %div3A_38, %add3A_37 : vector<8000x32xf32>
    %swap3A = arith.constant 0 : index
    %swap3A_40 = arith.constant 0 : index
    %swap3A_41 = vector.load %arg6[%swap3A, %swap3A_40] : memref<8000x64xf32, #tpu.memory_space<vmem>>, vector<8000x32xf32>
    tpu.vector_store %arg6[%swap3A, %swap3A_40], %div3A_39 {strides = array<i32>} : memref<8000x64xf32, #tpu.memory_space<vmem>>, vector<8000x32xf32>,
    %mul3A_42 = arith.mulf %div3A_39, %dot_general3A_27 : vector<8000x32xf32>
    %swap3A_43 = arith.constant 0 : index
    %swap3A_44 = arith.constant 32 : index
    %swap3A_45 = vector.load %arg6[%swap3A_43, %swap3A_44] : memref<8000x64xf32, #tpu.memory_space<vmem>>, vector<8000x32xf32>
    tpu.vector_store %arg6[%swap3A_43, %swap3A_44], %mul3A_42 {strides = array<i32>} : memref<8000x64xf32, #tpu.memory_space<vmem>>, vector<8000x32xf32>,
    return
  }
  func.func @transform_0(%arg0: i32) -> (i32, i32) {
    %add3A = arith.constant 0 : i32
    %add3A_0 = arith.addi %add3A, %arg0 : i32
    %c0_i32 = arith.constant 0 : i32
    %c0_i32_1 = arith.constant 0 : i32
    return %add3A_0, %c0_i32 : i32, i32
  }
  func.func @transform_1(%arg0: i32) -> (i32, i32) {
    %c0_i32 = arith.constant 0 : i32
    %c0_i32_0 = arith.constant 0 : i32
    %c0_i32_1 = arith.constant 0 : i32
    return %c0_i32, %c0_i32_0 : i32, i32
  }
  func.func @transform_2(%arg0: i32) -> (i32, i32) {
    %c0_i32 = arith.constant 0 : i32
    %c0_i32_0 = arith.constant 0 : i32
    %c0_i32_1 = arith.constant 0 : i32
    return %c0_i32, %c0_i32_0 : i32, i32
  }
  func.func @transform_3(%arg0: i32) -> (i32, i32) {
    %c0_i32 = arith.constant 0 : i32
    %c0_i32_0 = arith.constant 0 : i32
    %c0_i32_1 = arith.constant 0 : i32
    return %c0_i32, %c0_i32_0 : i32, i32
  }
  func.func @transform_4(%arg0: i32) -> (i32, i32) {
    %c0_i32 = arith.constant 0 : i32
    %c0_i32_0 = arith.constant 0 : i32
    %c0_i32_1 = arith.constant 0 : i32
    return %c0_i32, %c0_i32_0 : i32, i32
  }
  func.func @transform_5(%arg0: i32) -> (i32, i32) {
    %c0_i32 = arith.constant 0 : i32
    %c0_i32_0 = arith.constant 0 : i32
    return %arg0, %c0_i32 : i32, i32
  }
}

module attributes {stable_mosaic.version = 14 : i64} {
  func.func @_fin_body(%arg0: i32, %arg1: memref<2x1280x64xf32, #tpu.memory_space<vmem>>, %arg2: memref<2x1280x64xf32, #tpu.memory_space<vmem>>, %arg3: memref<2x1280x64xf32, #tpu.memory_space<vmem>>, %arg4: memref<2x1280x64xf32, #tpu.memory_space<vmem>>, %arg5: memref<2x1280x64xf32, #tpu.memory_space<vmem>>, %arg6: memref<1280x32xf32, #tpu.memory_space<vmem>>, %arg7: memref<1280x32xf32, #tpu.memory_space<vmem>>) attributes {dimension_semantics = [#tpu.dimension_semantics<arbitrary>], iteration_bounds = array<i64: 8>, scalar_prefetch = 0 : i64, scratch_operands = 0 : i64, tpu.core_type = #tpu.core_type<tc>, window_params = [{transform_indices = @transform_0, window_bounds = array<i64: 2, 1280, 64>}, {transform_indices = @transform_1, window_bounds = array<i64: 2, 1280, 64>}, {transform_indices = @transform_2, window_bounds = array<i64: 2, 1280, 64>}, {transform_indices = @transform_3, window_bounds = array<i64: 2, 1280, 64>}, {transform_indices = @transform_4, window_bounds = array<i64: 2, 1280, 64>}, {transform_indices = @transform_5, window_bounds = array<i64: 1280, 32>}, {transform_indices = @transform_6, window_bounds = array<i64: 1280, 32>}]} {
    %get3A = arith.constant 0 : index
    %get3A_0 = arith.constant 0 : index
    %get3A_1 = arith.constant 0 : index
    %get3A_2 = vector.load %arg1[%get3A, %get3A_0, %get3A_1] : memref<2x1280x64xf32, #tpu.memory_space<vmem>>, vector<1x1280x64xf32>
    %get3A_3 = vector.shape_cast %get3A_2 : vector<1x1280x64xf32> to vector<1280x64xf32>
    %get3A_4 = arith.constant 1 : index
    %get3A_5 = arith.constant 0 : index
    %get3A_6 = arith.constant 0 : index
    %get3A_7 = vector.load %arg1[%get3A_4, %get3A_5, %get3A_6] : memref<2x1280x64xf32, #tpu.memory_space<vmem>>, vector<1x1280x64xf32>
    %get3A_8 = vector.shape_cast %get3A_7 : vector<1x1280x64xf32> to vector<1280x64xf32>
    %add3A = arith.addf %get3A_3, %get3A_8 : vector<1280x64xf32>
    %get3A_9 = arith.constant 0 : index
    %get3A_10 = arith.constant 0 : index
    %get3A_11 = arith.constant 0 : index
    %get3A_12 = vector.load %arg2[%get3A_9, %get3A_10, %get3A_11] : memref<2x1280x64xf32, #tpu.memory_space<vmem>>, vector<1x1280x64xf32>
    %get3A_13 = vector.shape_cast %get3A_12 : vector<1x1280x64xf32> to vector<1280x64xf32>
    %add3A_14 = arith.addf %add3A, %get3A_13 : vector<1280x64xf32>
    %get3A_15 = arith.constant 1 : index
    %get3A_16 = arith.constant 0 : index
    %get3A_17 = arith.constant 0 : index
    %get3A_18 = vector.load %arg2[%get3A_15, %get3A_16, %get3A_17] : memref<2x1280x64xf32, #tpu.memory_space<vmem>>, vector<1x1280x64xf32>
    %get3A_19 = vector.shape_cast %get3A_18 : vector<1x1280x64xf32> to vector<1280x64xf32>
    %add3A_20 = arith.addf %add3A_14, %get3A_19 : vector<1280x64xf32>
    %get3A_21 = arith.constant 0 : index
    %get3A_22 = arith.constant 0 : index
    %get3A_23 = arith.constant 0 : index
    %get3A_24 = vector.load %arg3[%get3A_21, %get3A_22, %get3A_23] : memref<2x1280x64xf32, #tpu.memory_space<vmem>>, vector<1x1280x64xf32>
    %get3A_25 = vector.shape_cast %get3A_24 : vector<1x1280x64xf32> to vector<1280x64xf32>
    %add3A_26 = arith.addf %add3A_20, %get3A_25 : vector<1280x64xf32>
    %get3A_27 = arith.constant 1 : index
    %get3A_28 = arith.constant 0 : index
    %get3A_29 = arith.constant 0 : index
    %get3A_30 = vector.load %arg3[%get3A_27, %get3A_28, %get3A_29] : memref<2x1280x64xf32, #tpu.memory_space<vmem>>, vector<1x1280x64xf32>
    %get3A_31 = vector.shape_cast %get3A_30 : vector<1x1280x64xf32> to vector<1280x64xf32>
    %add3A_32 = arith.addf %add3A_26, %get3A_31 : vector<1280x64xf32>
    %get3A_33 = arith.constant 0 : index
    %get3A_34 = arith.constant 0 : index
    %get3A_35 = arith.constant 0 : index
    %get3A_36 = vector.load %arg4[%get3A_33, %get3A_34, %get3A_35] : memref<2x1280x64xf32, #tpu.memory_space<vmem>>, vector<1x1280x64xf32>
    %get3A_37 = vector.shape_cast %get3A_36 : vector<1x1280x64xf32> to vector<1280x64xf32>
    %add3A_38 = arith.addf %add3A_32, %get3A_37 : vector<1280x64xf32>
    %get3A_39 = arith.constant 1 : index
    %get3A_40 = arith.constant 0 : index
    %get3A_41 = arith.constant 0 : index
    %get3A_42 = vector.load %arg4[%get3A_39, %get3A_40, %get3A_41] : memref<2x1280x64xf32, #tpu.memory_space<vmem>>, vector<1x1280x64xf32>
    %get3A_43 = vector.shape_cast %get3A_42 : vector<1x1280x64xf32> to vector<1280x64xf32>
    %add3A_44 = arith.addf %add3A_38, %get3A_43 : vector<1280x64xf32>
    %get3A_45 = arith.constant 0 : index
    %get3A_46 = arith.constant 0 : index
    %get3A_47 = arith.constant 0 : index
    %get3A_48 = vector.load %arg5[%get3A_45, %get3A_46, %get3A_47] : memref<2x1280x64xf32, #tpu.memory_space<vmem>>, vector<1x1280x64xf32>
    %get3A_49 = vector.shape_cast %get3A_48 : vector<1x1280x64xf32> to vector<1280x64xf32>
    %add3A_50 = arith.addf %add3A_44, %get3A_49 : vector<1280x64xf32>
    %get3A_51 = arith.constant 1 : index
    %get3A_52 = arith.constant 0 : index
    %get3A_53 = arith.constant 0 : index
    %get3A_54 = vector.load %arg5[%get3A_51, %get3A_52, %get3A_53] : memref<2x1280x64xf32, #tpu.memory_space<vmem>>, vector<1x1280x64xf32>
    %get3A_55 = vector.shape_cast %get3A_54 : vector<1x1280x64xf32> to vector<1280x64xf32>
    %add3A_56 = arith.addf %add3A_50, %get3A_55 : vector<1280x64xf32>
    %slice3A = vector.extract_strided_slice %add3A_56 {offsets = [0, 0], sizes = [1280, 32], strides = [1, 1]} : vector<1280x64xf32> to vector<1280x32xf32>
    %add3A_57 = arith.constant 9.99999993E-9 : f32
    %add3A_58 = vector.broadcast %add3A_57 : f32 to vector<1280x32xf32>
    %add3A_59 = arith.addf %slice3A, %add3A_58 : vector<1280x32xf32>
    %div3A = arith.constant 1.000000e+00 : f32
    %div3A_60 = vector.broadcast %div3A : f32 to vector<1280x32xf32>
    %div3A_61 = arith.divf %div3A_60, %add3A_59 : vector<1280x32xf32>
    %slice3A_62 = vector.extract_strided_slice %add3A_56 {offsets = [0, 32], sizes = [1280, 32], strides = [1, 1]} : vector<1280x64xf32> to vector<1280x32xf32>
    %mul3A = arith.mulf %slice3A_62, %div3A_61 : vector<1280x32xf32>
    %swap3A = arith.constant 0 : index
    %swap3A_63 = arith.constant 0 : index
    %swap3A_64 = vector.load %arg6[%swap3A, %swap3A_63] : memref<1280x32xf32, #tpu.memory_space<vmem>>, vector<1280x32xf32>
    tpu.vector_store %arg6[%swap3A, %swap3A_63], %mul3A {strides = array<i32>} : memref<1280x32xf32, #tpu.memory_space<vmem>>, vector<1280x32xf32>,
    %swap3A_65 = arith.constant 0 : index
    %swap3A_66 = arith.constant 0 : index
    %swap3A_67 = vector.load %arg7[%swap3A_65, %swap3A_66] : memref<1280x32xf32, #tpu.memory_space<vmem>>, vector<1280x32xf32>
    tpu.vector_store %arg7[%swap3A_65, %swap3A_66], %div3A_61 {strides = array<i32>} : memref<1280x32xf32, #tpu.memory_space<vmem>>, vector<1280x32xf32>,
    return
  }
  func.func @transform_0(%arg0: i32) -> (i32, i32, i32) {
    %c0_i32 = arith.constant 0 : i32
    %c0_i32_0 = arith.constant 0 : i32
    %c0_i32_1 = arith.constant 0 : i32
    return %c0_i32, %arg0, %c0_i32_0 : i32, i32, i32
  }
  func.func @transform_1(%arg0: i32) -> (i32, i32, i32) {
    %c0_i32 = arith.constant 0 : i32
    %c0_i32_0 = arith.constant 0 : i32
    %c0_i32_1 = arith.constant 0 : i32
    return %c0_i32, %arg0, %c0_i32_0 : i32, i32, i32
  }
  func.func @transform_2(%arg0: i32) -> (i32, i32, i32) {
    %c0_i32 = arith.constant 0 : i32
    %c0_i32_0 = arith.constant 0 : i32
    %c0_i32_1 = arith.constant 0 : i32
    return %c0_i32, %arg0, %c0_i32_0 : i32, i32, i32
  }
  func.func @transform_3(%arg0: i32) -> (i32, i32, i32) {
    %c0_i32 = arith.constant 0 : i32
    %c0_i32_0 = arith.constant 0 : i32
    %c0_i32_1 = arith.constant 0 : i32
    return %c0_i32, %arg0, %c0_i32_0 : i32, i32, i32
  }
  func.func @transform_4(%arg0: i32) -> (i32, i32, i32) {
    %c0_i32 = arith.constant 0 : i32
    %c0_i32_0 = arith.constant 0 : i32
    %c0_i32_1 = arith.constant 0 : i32
    return %c0_i32, %arg0, %c0_i32_0 : i32, i32, i32
  }
  func.func @transform_5(%arg0: i32) -> (i32, i32) {
    %c0_i32 = arith.constant 0 : i32
    %c0_i32_0 = arith.constant 0 : i32
    return %arg0, %c0_i32 : i32, i32
  }
  func.func @transform_6(%arg0: i32) -> (i32, i32) {
    %c0_i32 = arith.constant 0 : i32
    %c0_i32_0 = arith.constant 0 : i32
    return %arg0, %c0_i32 : i32, i32
  }
}

</mosaic_0001>

<sc_bundles>
// kernel: kernel.13.cloned.1.call-start
scs
__scs_entry_jumppad:
0x0: {  	(pc) =	sbr.rel $0x88, $3  }
0x1: {  	(tag) =	ssettag $0x0;
	lr =	simm.s32 $0x1  }
0x2: {  	[smem:$0x3F9B] =	sst lr;
	_ =	strace $0xD0000000  }
0x3: {  	_ = 	snop  }
0x4: {  	_ = 	snop  }
0x5: {  	_ = 	snop  }
0x6: {  	_ = 	snop  }
0x7: {  	_ = 	snop  }
__scs_overlays_trampoline_lowered:
0x8: {  	[smem:$0x3FAA] =	sst s0  }
0x9: {  	[smem:$0x3FAB] =	sst s1  }
0xa: {  	[smem:$0x3FAC] =	sst s2  }
0xb: {  	[smem:$0x3FAD] =	sst s3  }
0xc: {  	[smem:$0x3FAE] =	sst s4  }
0xd: {  	[smem:$0x3FAF] =	sst s5  }
0xe: {  	[smem:$0x3FB0] =	sst s6  }
0xf: {  	[smem:$0x3FB1] =	sst s7  }
0x10: {  	[smem:$0x3FB2] =	sst s8  }
0x11: {  	[smem:$0x3FB3] =	sst s9;
	s0 =	simm.s32 @!p0 $0x0  }
0x12: {  	s1 =	sld [smem:$0x3F99];
	s0 =	simm.s32 @p0 $0x1  }
0x13: {  	[smem:$0x3FB4] =	sst s0;
	s0 =	simm.s32 @!p1 $0x0  }
0x14: {  	s2 =	sld [smem:$0x3F98];
	s0 =	simm.s32 @p1 $0x1  }
0x15: {  	[smem:$0x3FB5] =	sst s0;
	s0 =	simm.s32 @!p2 $0x0  }
0x16: {  	s3 =	sld [smem:$0x3FDB];
	s0 =	simm.s32 @p2 $0x1  }
0x17: {  	s4 =	simm.s32 $0x1BF5;
	[smem:$0x3FB7] =	sst s0  }
0x18: {  	s0 =	sld [smem:$0x3F9A];
	_ =	swait.ge [sflag:s4], $0x0  }
0x19: {  	s7 =	sld [smem:$0x3F9B]  }
0x1a: {  	s8 =	sadd.s32 $0xFFFFE003, lr  }
0x1b: {  	s9 =	sadd.s32 $0xFFFFFEF7, lr;
	s5 =	simm.s32 $0xFFFFFFFF;
	p2 =	slt.u32 s8, $0xFFFFF086  }
0x1c: {  	p1 =	slt.u32 s9, $0xF7A;
	s5 =	simm.s32 @!p2 $0x0  }
0x1d: {  	s5 =	simm.s32 @p1 $0x1;
	p0 =	seq.s32 s7, s2  }
0x1e: {  	s7 =	smul.u32 @!p0 $0xF7A, s2;
	p2 =	seq.s32 @!p0 s5, $0x0  }
0x1f: {  	s9 =	smul.u32 $0xF7A, s1;
	s8 =	simm.s32 @!p0 $0x1BF5;
	p2 =	por !p2, p0  }
0x20: {  	[sflag:s8] =	ssyncset.s32 @!p0 $0xFFFFF086;
	s6 =	sadd.s32 @!p0 s3, s7;
	s7 =	simm.s32 @!p0 $0x108  }
0x21: {  	s3 =	sadd.s32 s3, s9;
	s6 =	sadd.s32 @!p0 $0x88, s6;
	s7 =	simm.s32 @p2 $0x1082  }
0x22: {  	[simem:s7], [sflag:s8] =	dma.local @!p0 [hbm:s6], $0xF7A  }
0x23: {  	s9 =	sor.u32 $0xD0000000, s2;
	s6 =	simm.s32 $0x108;
	_ =	swait.ge @!p0 [sflag:s8], $0x0  }
0x24: {  	s3 =	sadd.s32 $0x88, s3;
	s6 =	simm.s32 @!p1 $0x1082;
	[sflag:s4] =	ssyncset.s32 $0xFFFFF086  }
0x25: {  	[simem:s6], [sflag:s4] =	dma.local [hbm:s3], $0xF7A  }
0x26: {  	[smem:$0x3F9B] =	sst s1;
	(tag) =	ssettag s2;
	_ =	strace s9  }
0x27: {  	s1 =	sld [smem:$0x3FAB]  }
0x28: {  	s2 =	sld [smem:$0x3FAC]  }
0x29: {  	s4 =	sld [smem:$0x3FAE]  }
0x2a: {  	p0 =	seq.s32 s5, $0x0;
	s5 =	sld [smem:$0x3FAF]  }
0x2b: {  	s6 =	sld [smem:$0x3FB0]  }
0x2c: {  	s7 =	sld [smem:$0x3FB1]  }
0x2d: {  	s3 =	simm.s32 $0x108;
	s8 =	sld [smem:$0x3FB2]  }
0x2e: {  	s3 =	simm.s32 @!p0 $0x1082;
	s9 =	sld [smem:$0x3FB3]  }
0x2f: {  	lr =	sadd.s32 s0, s3;
	s0 =	sld [smem:$0x3FAA]  }
0x30: {  	s3 =	sld [smem:$0x3FAD]  }
0x31: {  	[smem:$0x3FB6] =	sst s10  }
0x32: {  	s10 =	sld [smem:$0x3FB4];
	_ =	sdelay $0x3  }
0x33: {  	p0 =	seq.s32 s10, $0x1;
	s10 =	sld [smem:$0x3FB6];
	_ =	sdelay $0x3  }
0x34: {  	[smem:$0x3FB6] =	sst s10  }
0x35: {  	s10 =	sld [smem:$0x3FB5];
	_ =	sdelay $0x3  }
0x36: {  	p1 =	seq.s32 s10, $0x1;
	s10 =	sld [smem:$0x3FB6];
	_ =	sdelay $0x3  }
0x37: {  	[smem:$0x3FB6] =	sst s10  }
0x38: {  	s10 =	sld [smem:$0x3FB7]  }
0x39: {  	_ = 	snop;
	(pc) =	sbr.ind lr, $3  }
0x3a: {  	_ = 	snop  }
0x3b: {  	_ = 	snop  }
0x3c: {  	p2 =	seq.s32 s10, $0x1;
	s10 =	sld [smem:$0x3FB6]  }
0x3d: {  	_ =	shalt  }
0x3e: {  	_ =	shalt  }
0x3f: {  	_ =	shalt  }
0x40: {  	_ =	shalt  }
0x41: {  	_ =	shalt  }
0x42: {  	_ =	shalt  }
0x43: {  	_ =	shalt  }
0x44: {  	_ =	shalt  }
0x45: {  	_ =	shalt  }
0x46: {  	_ =	shalt  }
0x47: {  	_ =	shalt  }
0x48: {  	_ =	shalt  }
0x49: {  	_ =	shalt  }
0x4a: {  	_ =	shalt  }
0x4b: {  	_ =	shalt  }
0x4c: {  	_ =	shalt  }
0x4d: {  	_ =	shalt  }
0x4e: {  	_ =	shalt  }
0x4f: {  	_ =	shalt  }
0x50: {  	_ =	shalt  }
0x51: {  	_ =	shalt  }
0x52: {  	_ =	shalt  }
0x53: {  	_ =	shalt  }
0x54: {  	_ =	shalt  }
0x55: {  	_ =	shalt  }
0x56: {  	_ =	shalt  }
0x57: {  	_ =	shalt  }
0x58: {  	_ =	shalt  }
0x59: {  	_ =	shalt  }
0x5a: {  	_ =	shalt  }
0x5b: {  	_ =	shalt  }
0x5c: {  	_ =	shalt  }
0x5d: {  	_ =	shalt  }
0x5e: {  	_ =	shalt  }
0x5f: {  	_ =	shalt  }
0x60: {  	_ =	shalt  }
0x61: {  	_ =	shalt  }
0x62: {  	_ =	shalt  }
0x63: {  	_ =	shalt  }
0x64: {  	_ =	shalt  }
0x65: {  	_ =	shalt  }
0x66: {  	_ =	shalt  }
0x67: {  	_ =	shalt  }
0x68: {  	_ =	shalt  }
0x69: {  	_ =	shalt  }
0x6a: {  	_ =	shalt  }
0x6b: {  	_ =	shalt  }
0x6c: {  	_ =	shalt  }
0x6d: {  	_ =	shalt  }
0x6e: {  	_ =	shalt  }
0x6f: {  	_ =	shalt  }
0x70: {  	_ =	shalt  }
0x71: {  	_ =	shalt  }
0x72: {  	_ =	shalt  }
0x73: {  	_ =	shalt  }
0x74: {  	_ =	shalt  }
0x75: {  	_ =	shalt  }
0x76: {  	_ =	shalt  }
0x77: {  	_ =	shalt  }
0x78: {  	_ =	shalt  }
0x79: {  	_ =	shalt  }
0x7a: {  	_ =	shalt  }
0x7b: {  	_ =	shalt  }
0x7c: {  	_ =	shalt  }
0x7d: {  	_ =	shalt  }
0x7e: {  	_ =	shalt  }
0x7f: {  	_ =	shalt  }
0x80: {  	_ =	shalt  }
0x81: {  	_ =	shalt  }
0x82: {  	_ =	shalt  }
0x83: {  	_ =	shalt  }
0x84: {  	_ =	shalt  }
0x85: {  	_ =	shalt  }
0x86: {  	_ =	shalt  }
0x87: {  	_ =	shalt  }
.Lfunc_end0:
.L_simem_size_0:
called_computation_lowered:
.L_overlay_start_0:
0x88: {  	s2 =	sld [smem:$0x3FD9]  }
0x89: {  	s3 =	sld [smem:$0x3FFE];
	_ =	sdelay $0x1  }
0x8a: {  	s1 =	srdreg.scid  }
0x8b: {  	s0 =	sand.u32 $0x1, s1  }
0x8c: {  	s15 =	sshll.u32 s0, $0xA;
	s2 =	sadd.s32 s3, s2  }
0x8d: {  	s2 =	sadd.s32 s2, s15  }
0x8e: {  	[smem:$0x3FC2] =	sst s2  }
0x8f: {  	_ = 	snop  }
0x90: {  	s2 =	sld [smem:$0x3FD0];
	_ =	sdelay $0x2  }
0x91: {  	s16 =	simm.s32 $0xE;
	s4 =	simm.s32 $0x10  }
0x92: {  	[smem:s4], [sflag:s16] =	dma.local [hbm:s2], $0x1  }
0x93: {  	_ =	swait.eq [sflag:s16], $0x1  }
0x94: {  	[sflag:s16] =	ssyncset.done $0x0  }
0x95: {  	[sflag:s16] =	ssyncadd.s32 $0xFFFFFFFF  }
0x96: {  	s17 =	sld [smem:$0x11];
	(tm) =	ssettm $0x1  }
0x97: {  	s18 =	sld [smem:$0x3FFB];
	_ =	sdelay $0x3  }
0x98: {  	_ =	strace s18  }
0x99: {  	s2 =	sld [smem:$0x3FFC];
	_ =	sdelay $0x3  }
0x9a: {  	_ =	strace s2  }
0x9b: {  	s2 =	sld [smem:$0x3FFD];
	_ =	sdelay $0x3  }
0x9c: {  	_ =	strace s2  }
0x9d: {  	_ =	strace $0x8FFFFFFF  }
0x9e: {  	s19 =	sld [smem:$0x3FDB];
	_ =	sdelay $0x1  }
0x9f: {  	s20 =	simm.s32 $_scs_section_size  }
0xa0: {  	s5 =	simm.s32 $_size__tile_overlayer_lowered;
	s6 =	simm.s32 $_tile_overlayer_lowered  }
0xa1: {  	s7 =	simm.s32 $0x1BFF;
	s21 =	sshll.u32 s6, $0x1;
	s4 =	sadd.s32 s20, s19  }
0xa2: {  	s22 =	simm.s32 $0x0;
	s5 =	sshll.u32 s5, $0x1;
	s6 =	sadd.s32 s21, s4  }
0xa3: {  	[timem:s22], [sflag:s7] =	dma.local [hbm:s6], s5  }
0xa4: {  	_ =	swait.ge [sflag:s7], s5  }
0xa5: {  	s5 =	ssub.s32 $0x0, s5;
	[sflag:s7] =	ssyncset.done $0x0  }
0xa6: {  	[sflag:s7] =	ssyncadd.s32 s5;
	_ =	sdelay $0x1  }
0xa7: {  	s23 =	simm.s32 $0x1B8B  }
0xa8: {  	_ =	swait.ge [sflag:s23], $0x1  }
0xa9: {  	[sflag:s23] =	ssyncset.done $0x0  }
0xaa: {  	[sflag:s23] =	ssyncadd.s32 $0xFFFFFFFF  }
0xab: {  	s5 =	sld [smem:$0x0]  }
0xac: {  	s6 =	sand.u32 $0xFFFFFFFE, s1  }
0xad: {  	p0 =	sne.s32 s1, s6  }
0xae: {  	s6 =	sshll.u32 @p0 s6, $0xE  }
0xaf: {  	s6 =	sadd.s32 @p0 $0x11B8D, s6;
	s7 =	sshll.u32 @p0 s5, $0x11  }
0xb0: {  	s6 =	sor.u32 @p0 s7, s6  }
0xb1: {  	[sflag:s6] =	ssyncadd.remote.s32 @p0 $0x1;
	_ =	sdelay $0x1  }
0xb2: {  	s6 =	simm.s32 @p0 $0x1B8D  }
0xb3: {  	_ =	swait.eq @p0 [sflag:s6], $0x1  }
0xb4: {  	[sflag:s6] =	ssyncadd.s32 @p0 $0xFFFFFFFF  }
0xb5: {  	s7 =	sshll.u32 @!p0 s1, $0xE  }
0xb6: {  	s7 =	sor.u32 @!p0 $0x4000, s7;
	s6 =	simm.s32 @!p0 $0x1B8D  }
0xb7: {  	s5 =	sshll.u32 @!p0 s5, $0x11;
	s7 =	sadd.s32 @!p0 $0x11B8D, s7;
	_ =	swait.eq @!p0 [sflag:s6], $0x1  }
0xb8: {  	s5 =	sor.u32 @!p0 s5, s7;
	[sflag:s6] =	ssyncadd.s32 @!p0 $0xFFFFFFFF  }
0xb9: {  	s25 =	simm.s32 $0x1B8E;
	s24 =	sld [smem:$0x3FFE];
	[sflag:s5] =	ssyncadd.remote.s32 @!p0 $0x1  }
0xba: {  	s26 =	simm.s32 $execute0_lowered;
	[smem:$0x3FD2] =	sst s25  }
0xbb: {  	s6 =	sshll.u32 s26, $0x1;
	_ =	strace $0x80000052;
	[dreg:$0x1] =	wrdreg $0xFFFFFFFF  }
0xbc: {  	s28 =	simm.s32 $_size_execute0_lowered;
	s4 =	sadd.s32 s4, s6;
	[dreg:$0x0] =	wrdreg $0x0  }
0xbd: {  	s6 =	sshll.u32 s28, $0x1;
	[dreg:$0x2] =	wrdreg s4  }
0xbe: {  	[dreg:$0x3] =	wrdreg s6  }
0xbf: {  	[dreg:$0x4] =	wrdreg $0xC0  }
0xc0: {  	_ =	task [dreg:s22], $0x5FFFF  }
0xc1: {  	[dreg:$0x1] =	wrdreg $0xFFFFFFFF  }
0xc2: {  	[dreg:$0x0] =	wrdreg $0x60  }
0xc3: {  	[dreg:$0x2] =	wrdreg s24  }
0xc4: {  	[dreg:$0x3] =	wrdreg s17  }
0xc5: {  	[dreg:$0x4] =	wrdreg $0x80000  }
0xc6: {  	[dreg:$0x5] =	wrdreg $0x9  }
0xc7: {  	_ =	task.clear_ibuf [dreg:s22], $0x6FFFF;
	_ =	strace $0x90000052  }
0xc8: {  	s29 =	simm.s32 $0x9;
	_ =	strace $0x80000054  }
0xc9: {  	_ =	swait.ge [sflag:s29], $0x1  }
0xca: {  	[sflag:s29] =	ssyncadd.s32 $0xFFFFFFFF  }
0xcb: {  	_ =	strace $0x90000054  }
0xcc: {  	_ =	sfence  }
0xcd: {  	s30 =	sld [smem:$0x0];
	_ =	sdelay $0x2  }
0xce: {  	s31 =	sshll.u32 s1, $0xD;
	s1 =	sshrl.u32 s1, $0x2  }
0xcf: {  	s4 =	sand.u32 $0x4000, s31;
	s1 =	sadd.s32 s1, s30  }
0xd0: {  	s0 =	sor.u32 s4, s0;
	s1 =	sshll.u32 s1, $0x11  }
0xd1: {  	s0 =	sor.u32 s1, s0  }
0xd2: {  	s0 =	sadd.s32 $0x8F2B, s0  }
0xd3: {  	[sflag:s0] =	ssyncadd.remote.s32 $0x1  }
0xd4: {  	_ =	sfence.sel $0xFFFF  }
0xd5: {  	[dreg:$0x0] =	wrdreg $0xFFFFFFFF;
	(pc) =	sbr.abs _section_cstart, $3  }
0xd6: {  	[dreg:$0x1] =	wrdreg $0xFFFFFFFF  }
0xd7: {  	_ =	task.clear_ibuf [dreg:s22], $0x2FFFF;
	_ =	strace $0x9FFFFFFF  }
0xd8: {  	(tm) =	ssettm $0x7FFFFFFF  }
0xd9: {  	_ =	shalt  }
tec
execute0_lowered:
.L_overlay_start_1:
0x0: {  	(tag) =	ssettag $0x1  }
0x1: {  	s0 =	rddreg [dreg:$0x0]  }
0x2: {  	s2 =	rddreg [dreg:$0x1]  }
0x3: {  	s1 =	rddreg [dreg:$0x2]  }
0x4: {  	s3 =	srdreg.scid;
	s11 =	stileid.u32  }
0x5: {  	s19 =	simm.s32 $0x800;
	s20 =	simm.s32 $0x3000;
	s5 =	smul.u32 $0x14000, s11  }
0x6: {  	s28 =	simm.s32 $0x2;
	s31 =	simm.s32 $0x780;
	s25 =	smul.u32 $0x50000, s11  }
0x7: {  	s13 =	sand.u32 $0x1, s3;
	s3 =	simm.s32 $0x0;
	s29 =	smul.u32 $0xFA00, s11  }
0x8: {  	s6 =	sshll.u32 s11, $0x1;
	s15 =	sadd.s32 $0x52FE00, s0;
	s4 =	smul.u32 $0x140000, s13  }
0x9: {  	s26 =	sshll.u32 s11, $0x9;
	s21 =	sor.u32 s13, s6;
	s17 =	smul.u32 $0x7D00, s13  }
0xa: {  	[smem:$0x7FF] =	sst s3;
	s22 =	ssub.s32 $0x2, s13;
	s7 =	smul.u32 $0x3E800, s21  }
0xb: {  	_ =	strace $0x80000053;
	s23 =	sshrl.u32 s22, $0x1;
	s8 =	smul.u32 $0x7D00, s21  }
0xc: {  	s4 =	sadd.s32 s5, s4;
	s16 =	ssub.s32 s22, s23;
	s5 =	sshll.u32 s21, $0x4  }
0xd: {  	s23 =	simm.s32 $0x3;
	s4 =	sshrl.u32 s4, $0x3;
	s24 =	sshrl.u32 s7, $0x3  }
0xe: {  	s7 =	sshrl.u32 s25, $0x2;
	s9 =	sand.u32 $0x70, s5;
	s16 =	smax.u32 s16, $0x1  }
0xf: {  	s25 =	simm.s32 $0x1;
	s0 =	sadd.s32 s4, s0;
	s4 =	sadd.s32 s15, s8  }
0x10: {  	s6 =	sadd.s32 s15, s24;
	s8 =	sand.u32 $0x1800, s26;
	s5 =	sadd.s32 s7, s1  }
0x11: {  	s24 =	simm.s32 $0x5800;
	s26 =	simm.s32 $0x50;
	s2 =	sadd.s32 s2, s8  }
0x12: {  	s6 =	sadd.s32 $0x500, s6;
	s8 =	sadd.s32 $0x2800, s5;
	s10 =	sadd.s32 $0x7800, s5  }
0x13: {  	s11 =	sadd.s32 $0xA000, s5;
	s12 =	sadd.s32 $0xC800, s5;
	s13 =	sadd.s32 $0xF000, s5  }
0x14: {  	s14 =	sadd.s32 $0x11800, s5;
	s7 =	sadd.s32 s9, s2;
	s2 =	sadd.s32 s29, s15  }
0x15: {  	s9 =	sadd.s32 $0x5000, s5;
	s15 =	sadd.s32 $0x629E00, s0;
	s30 =	sadd.s32 s17, s2  }
0x16: {  	v0 =	vimm.f32 $0.0e+00;
	s0 =	simm.s32 $0x0;
	s17 =	sadd.s32 $0x7800, s4;
	s22 =	sadd.s32 $0xF00, s30  }
.LBB2_1:
0x17: {  	[tilespmem:s19], [sflag:$0x1] =	stream.linear.gather [hbm4b:s4+s3], $0x2800, $0x38;
	[tilespmem:$0x12000] =	vst v63  }
0x18: {  	_ = 	snop  }
0x19: {  	[tilespmem:s20], [sflag:$0x2] =	stream.linear.gather [hbm4b:s6+s3], $0x2800, $0x38;
	[tilespmem:$0x12000] =	vst v63  }
0x1a: {  	s2 =	simm.s32 $0x80;
	s18 =	simm.s32 $0x400  }
0x1b: {  	[tilespmem:s3], [sflag:$0x3] =	stream.strided.gather [hbm4b:s7+s2], $0x800, s18, s2, $0x38;
	[tilespmem:$0x12000] =	vst v63  }
0x1c: {  	_ =	swait.ge [sflag:s23], $0x800  }
0x1d: {  	[sflag:s23] =	ssyncset.done $0x0  }
0x1e: {  	s18 =	simm.s32 $0x200;
	s2 =	simm.s32 $0x0;
	[sflag:s23] =	ssyncadd.s32 $0xFFFFF800  }
.LBB2_2:
0x1f: {  	p0 =	sne.s32 s18, $0x9E00;
	[tilespmem:s2+$0x5830] =	vst v0;
	s21 =	smov.u32 s18;
	s18 =	sadd.s32 $0x200, s18  }
.Ltmp0:
0x20: {  	[tilespmem:s2+$0x5820] =	vst v0;
	(pc) =	sbr.rel @p0 .LBB2_2-.Ltmp0, $3  }
0x21: {  	[tilespmem:s2+$0x5800] =	vst v0  }
0x22: {  	[tilespmem:s2+$0x5810] =	vst v0;
	_ =	sdelay $0x1  }
0x23: {  	s2 =	sshra.s32 s21, $0x2  }
0x24: {  	[tilespmem:s2+$0x5830] =	vst v0  }
0x25: {  	[tilespmem:s2+$0x5820] =	vst v0  }
0x26: {  	[tilespmem:s2+$0x5800] =	vst v0  }
0x27: {  	[tilespmem:s2+$0x5810] =	vst v0  }
0x28: {  	[spmem:s5] =	stream.linear.scatter [tilespmem:s24], [sflag:$0x3], $0x2800, $0x38;
	[tilespmem:$0x12000] =	vst v63  }
0x29: {  	_ =	swait.ge [sflag:s23], $0x2800  }
0x2a: {  	[sflag:s23] =	ssyncset.done $0x0  }
0x2b: {  	[sflag:s23] =	ssyncadd.s32 $0xFFFFD800  }
0x2c: {  	[spmem:s8] =	stream.linear.scatter [tilespmem:s24], [sflag:$0x3], $0x2800, $0x38;
	[tilespmem:$0x12000] =	vst v63  }
0x2d: {  	_ =	swait.ge [sflag:s23], $0x2800  }
0x2e: {  	[sflag:s23] =	ssyncset.done $0x0  }
0x2f: {  	[sflag:s23] =	ssyncadd.s32 $0xFFFFD800  }
0x30: {  	[spmem:s9] =	stream.linear.scatter [tilespmem:s24], [sflag:$0x3], $0x2800, $0x38;
	[tilespmem:$0x12000] =	vst v63  }
0x31: {  	_ =	swait.ge [sflag:s23], $0x2800  }
0x32: {  	[sflag:s23] =	ssyncset.done $0x0  }
0x33: {  	[sflag:s23] =	ssyncadd.s32 $0xFFFFD800  }
0x34: {  	[spmem:s10] =	stream.linear.scatter [tilespmem:s24], [sflag:$0x3], $0x2800, $0x38;
	[tilespmem:$0x12000] =	vst v63  }
0x35: {  	_ =	swait.ge [sflag:s23], $0x2800  }
0x36: {  	[sflag:s23] =	ssyncset.done $0x0  }
0x37: {  	[sflag:s23] =	ssyncadd.s32 $0xFFFFD800  }
0x38: {  	[spmem:s11] =	stream.linear.scatter [tilespmem:s24], [sflag:$0x3], $0x2800, $0x38;
	[tilespmem:$0x12000] =	vst v63  }
0x39: {  	_ =	swait.ge [sflag:s23], $0x2800  }
0x3a: {  	[sflag:s23] =	ssyncset.done $0x0  }
0x3b: {  	[sflag:s23] =	ssyncadd.s32 $0xFFFFD800  }
0x3c: {  	[spmem:s12] =	stream.linear.scatter [tilespmem:s24], [sflag:$0x3], $0x2800, $0x38;
	[tilespmem:$0x12000] =	vst v63  }
0x3d: {  	_ =	swait.ge [sflag:s23], $0x2800  }
0x3e: {  	[sflag:s23] =	ssyncset.done $0x0  }
0x3f: {  	[sflag:s23] =	ssyncadd.s32 $0xFFFFD800  }
0x40: {  	[spmem:s13] =	stream.linear.scatter [tilespmem:s24], [sflag:$0x3], $0x2800, $0x38;
	[tilespmem:$0x12000] =	vst v63  }
0x41: {  	_ =	swait.ge [sflag:s23], $0x2800  }
0x42: {  	[sflag:s23] =	ssyncset.done $0x0  }
0x43: {  	[sflag:s23] =	ssyncadd.s32 $0xFFFFD800  }
0x44: {  	[spmem:s14] =	stream.linear.scatter [tilespmem:s24], [sflag:$0x3], $0x2800, $0x38;
	[tilespmem:$0x12000] =	vst v63  }
0x45: {  	_ =	swait.ge [sflag:s23], $0x2800  }
0x46: {  	[sflag:s23] =	ssyncset.done $0x0  }
0x47: {  	[sflag:s23] =	ssyncadd.s32 $0xFFFFD800  }
0x48: {  	[bflag:$0x0] =	sbarrier.arrive $0xFFFF  }
0x49: {  	_ =	swait.ge [sflag:s25], $0x2800  }
0x4a: {  	[sflag:s25] =	ssyncset.done $0x0  }
0x4b: {  	s21 =	simm.s32 $0x0;
	[sflag:s25] =	ssyncadd.s32 $0xFFFFD800  }
0x4c: {  	[spmem:s1] =	stream.indirect.scatter.add.f32 [tilespmem:s19], [sflag:$0x3], $0x40, s21, s26, $0xb8;
	[tilespmem:$0x12000] =	vst v63  }
0x4d: {  	_ =	swait.ge [sflag:s23], $0x1400  }
0x4e: {  	[sflag:s23] =	ssyncset.done $0x0  }
0x4f: {  	s29 =	sadd.s32 $0xFFFFFB00, s22;
	[sflag:s23] =	ssyncadd.s32 $0xFFFFEC00  }
0x50: {  	[tilespmem:s19], [sflag:$0x1] =	stream.linear.gather [hbm4b:s29+s3], $0x2800, $0x38;
	[tilespmem:$0x12000] =	vst v63  }
0x51: {  	_ =	swait.ge [sflag:s28], $0x2800  }
0x52: {  	[sflag:s28] =	ssyncset.done $0x0  }
0x53: {  	s30 =	simm.s32 $0x50;
	[sflag:s28] =	ssyncadd.s32 $0xFFFFD800  }
0x54: {  	[spmem:s1] =	stream.indirect.scatter.add.f32 [tilespmem:s20], [sflag:$0x3], $0x40, s30, s26, $0xb8;
	[tilespmem:$0x12000] =	vst v63  }
0x55: {  	_ =	swait.ge [sflag:s23], $0x1400  }
0x56: {  	s2 =	simm.s32 $0x280;
	[sflag:s23] =	ssyncset.done $0x0  }
0x57: {  	s18 =	smov.u32 s22;
	s21 =	sadd.s32 $0xA00, s22;
	[sflag:s23] =	ssyncadd.s32 $0xFFFFEC00  }
.LBB2_4:
0x58: {  	[tilespmem:s20], [sflag:$0x2] =	stream.linear.gather [hbm4b:s18+s3], $0x2800, $0x38;
	[tilespmem:$0x12000] =	vst v63  }
0x59: {  	s29 =	smov.u32 s2;
	s18 =	smov.u32 s21  }
0x5a: {  	p0 =	sne.s32 s2, $0x1900;
	s2 =	sadd.s32 $0x280, s2;
	_ =	swait.ge [sflag:s25], $0x2800  }
0x5b: {  	[sflag:s25] =	ssyncset.done $0x0  }
0x5c: {  	s29 =	sshra.s32 s29, $0x2;
	[sflag:s25] =	ssyncadd.s32 $0xFFFFD800  }
0x5d: {  	[spmem:s1] =	stream.indirect.scatter.add.f32 [tilespmem:s19], [sflag:$0x3], $0x40, s29, s26, $0xb8;
	[tilespmem:$0x12000] =	vst v63  }
0x5e: {  	_ =	swait.ge [sflag:s23], $0x1400  }
0x5f: {  	[sflag:s23] =	ssyncset.done $0x0  }
0x60: {  	s30 =	sadd.s32 $0xFFFFFB00, s21;
	[sflag:s23] =	ssyncadd.s32 $0xFFFFEC00  }
0x61: {  	[tilespmem:s19], [sflag:$0x1] =	stream.linear.gather [hbm4b:s30+s3], $0x2800, $0x38;
	[tilespmem:$0x12000] =	vst v63  }
0x62: {  	_ =	swait.ge [sflag:s28], $0x2800  }
0x63: {  	[sflag:s28] =	ssyncset.done $0x0  }
.Ltmp1:
0x64: {  	s29 =	sadd.s32 $0x50, s29;
	[sflag:s28] =	ssyncadd.s32 $0xFFFFD800;
	(pc) =	sbr.rel @p0 .LBB2_4-.Ltmp1, $4  }
0x65: {  	[spmem:s1] =	stream.indirect.scatter.add.f32 [tilespmem:s20], [sflag:$0x3], $0x40, s29, s26, $0xb8;
	[tilespmem:$0x12000] =	vst v63  }
0x66: {  	_ =	swait.ge [sflag:s23], $0x1400  }
0x67: {  	[sflag:s23] =	ssyncset.done $0x0  }
0x68: {  	s21 =	sadd.s32 $0xA00, s21;
	[sflag:s23] =	ssyncadd.s32 $0xFFFFEC00  }
0x69: {  	[tilespmem:s20], [sflag:$0x2] =	stream.linear.gather [hbm4b:s18+s3], $0x2800, $0x38;
	[tilespmem:$0x12000] =	vst v63  }
0x6a: {  	_ =	swait.ge [sflag:s25], $0x2800  }
0x6b: {  	[sflag:s25] =	ssyncset.done $0x0  }
0x6c: {  	s2 =	simm.s32 $0x6E0;
	[sflag:s25] =	ssyncadd.s32 $0xFFFFD800  }
0x6d: {  	[spmem:s1] =	stream.indirect.scatter.add.f32 [tilespmem:s19], [sflag:$0x3], $0x40, s2, s26, $0xb8;
	[tilespmem:$0x12000] =	vst v63  }
0x6e: {  	_ =	swait.ge [sflag:s23], $0x1400  }
0x6f: {  	[sflag:s23] =	ssyncset.done $0x0  }
0x70: {  	[sflag:s23] =	ssyncadd.s32 $0xFFFFEC00  }
0x71: {  	[tilespmem:s19], [sflag:$0x1] =	stream.linear.gather [hbm4b:s17+s3], $0x2800, $0x38;
	[tilespmem:$0x12000] =	vst v63  }
0x72: {  	_ =	swait.ge [sflag:s28], $0x2800  }
0x73: {  	[sflag:s28] =	ssyncset.done $0x0  }
0x74: {  	s21 =	simm.s32 $0x730;
	[sflag:s28] =	ssyncadd.s32 $0xFFFFD800  }
0x75: {  	[spmem:s1] =	stream.indirect.scatter.add.f32 [tilespmem:s20], [sflag:$0x3], $0x40, s21, s26, $0xb8;
	[tilespmem:$0x12000] =	vst v63  }
0x76: {  	_ =	swait.ge [sflag:s23], $0x1400  }
0x77: {  	[sflag:s23] =	ssyncset.done $0x0  }
0x78: {  	[sflag:s23] =	ssyncadd.s32 $0xFFFFEC00  }
0x79: {  	[tilespmem:s20], [sflag:$0x2] =	stream.linear.gather [hbm4b:s17+s3], $0x2800, $0x38;
	[tilespmem:$0x12000] =	vst v63  }
0x7a: {  	_ =	swait.ge [sflag:s25], $0x2800  }
0x7b: {  	[sflag:s25] =	ssyncset.done $0x0  }
0x7c: {  	[sflag:s25] =	ssyncadd.s32 $0xFFFFD800  }
0x7d: {  	[spmem:s1] =	stream.indirect.scatter.add.f32 [tilespmem:s19], [sflag:$0x3], $0x40, s31, s26, $0xb8;
	[tilespmem:$0x12000] =	vst v63  }
0x7e: {  	_ =	swait.ge [sflag:s23], $0x1400  }
0x7f: {  	[sflag:s23] =	ssyncset.done $0x0  }
0x80: {  	[sflag:s23] =	ssyncadd.s32 $0xFFFFEC00  }
0x81: {  	s29 =	stileid.u32;
	_ =	swait.ge [sflag:s28], $0x2800  }
0x82: {  	s30 =	sshrl.u32 s5, $0x3;
	s0 =	sadd.s32 $0x1, s0;
	[sflag:s28] =	ssyncset.done $0x0  }
0x83: {  	p0 =	sne.s32 s0, s16;
	s2 =	sshll.u32 s29, $0x6;
	[sflag:s28] =	ssyncadd.s32 $0xFFFFD800  }
.Ltmp2:
0x84: {  	s2 =	sor.u32 $0x1C03, s2;
	[bflag:$0x0] =	sbarrier.arrive $0xFFFF;
	(pc) =	sbr.rel @p0 .LBB2_1-.Ltmp2, $4  }
0x85: {  	[hbm:s15], [sflag:s2] =	dma.local [spmem:s30], $0x2800  }
0x86: {  	_ =	swait.ge [sflag:s23], $0x2800  }
0x87: {  	[sflag:s23] =	ssyncset.done $0x0  }
0x88: {  	[sflag:s23] =	ssyncadd.s32 $0xFFFFD800  }
0x89: {  	_ =	sfence.sel $0x180000  }
0x8a: {  	[bflag:$0x0] =	sbarrier.arrive $0xFFFF  }
0x8b: {  	_ =	strace $0x90000053  }
0x8c: {  	s0 =	stileid.u32;
	[bflag:$0x2] =	sbarrier.arrive $0xFFFF  }
0x8d: {  	p0 =	sne.s32 s0, $0x0;
	s0 =	rddreg [dreg:$0x3]  }
0x8e: {  	s0 =	sadd.s32 @!p0 $0x100000, s0  }
0x8f: {  	[sflag:s0] =	ssyncadd.tile.s32 @!p0 $0x1;
	_ =	shalt  }
.Lfunc_end2:
_tile_overlayer_lowered:
.L_overlay_start_2:
0x90: {  	(tag) =	ssettag $0x2  }
0x91: {  	s0 =	rddreg [dreg:$0x0];
	s2 =	stileid.u32  }
0x92: {  	s1 =	rddreg [dreg:$0x1];
	p0 =	sne.s32 s2, $0x0  }
0x93: {  	s3 =	rddreg [dreg:$0x2];
	[bflag:$0x3] =	sbarrier.arrive $0xFFFF;
	s2 =	simm.s32 @!p0 $0x1C03  }
0x94: {  	[timem:s3], [sflag:s2] =	dma.local @!p0 [hbm:s0], s1  }
0x95: {  	s0 =	simm.s32 @!p0 $0x3  }
0x96: {  	_ =	swait.ge @!p0 [sflag:s0], s1  }
0x97: {  	s1 =	ssub.s32 @!p0 $0x0, s1;
	[sflag:s0] =	ssyncset.done @!p0 $0x0  }
0x98: {  	[sflag:s0] =	ssyncadd.s32 @!p0 s1  }
0x99: {  	[bflag:$0x3] =	sbarrier.arrive $0xFFFF  }
0x9a: {  	_ =	shalt  }

// kernel: kernel.16.cloned.1.call-start
scs
__scs_entry_jumppad:
0x0: {  	(pc) =	sbr.rel $0x88, $3  }
0x1: {  	(tag) =	ssettag $0x0;
	lr =	simm.s32 $0x1  }
0x2: {  	[smem:$0x3F9B] =	sst lr;
	_ =	strace $0xD0000000  }
0x3: {  	_ = 	snop  }
0x4: {  	_ = 	snop  }
0x5: {  	_ = 	snop  }
0x6: {  	_ = 	snop  }
0x7: {  	_ = 	snop  }
__scs_overlays_trampoline_lowered:
0x8: {  	[smem:$0x3FAA] =	sst s0  }
0x9: {  	[smem:$0x3FAB] =	sst s1  }
0xa: {  	[smem:$0x3FAC] =	sst s2  }
0xb: {  	[smem:$0x3FAD] =	sst s3  }
0xc: {  	[smem:$0x3FAE] =	sst s4  }
0xd: {  	[smem:$0x3FAF] =	sst s5  }
0xe: {  	[smem:$0x3FB0] =	sst s6  }
0xf: {  	[smem:$0x3FB1] =	sst s7  }
0x10: {  	[smem:$0x3FB2] =	sst s8  }
0x11: {  	[smem:$0x3FB3] =	sst s9;
	s0 =	simm.s32 @!p0 $0x0  }
0x12: {  	s1 =	sld [smem:$0x3F99];
	s0 =	simm.s32 @p0 $0x1  }
0x13: {  	[smem:$0x3FB4] =	sst s0;
	s0 =	simm.s32 @!p1 $0x0  }
0x14: {  	s2 =	sld [smem:$0x3F98];
	s0 =	simm.s32 @p1 $0x1  }
0x15: {  	[smem:$0x3FB5] =	sst s0;
	s0 =	simm.s32 @!p2 $0x0  }
0x16: {  	s3 =	sld [smem:$0x3FDB];
	s0 =	simm.s32 @p2 $0x1  }
0x17: {  	s4 =	simm.s32 $0x1BF5;
	[smem:$0x3FB7] =	sst s0  }
0x18: {  	s0 =	sld [smem:$0x3F9A];
	_ =	swait.ge [sflag:s4], $0x0  }
0x19: {  	s7 =	sld [smem:$0x3F9B]  }
0x1a: {  	s8 =	sadd.s32 $0xFFFFE003, lr  }
0x1b: {  	s9 =	sadd.s32 $0xFFFFFEF7, lr;
	s5 =	simm.s32 $0xFFFFFFFF;
	p2 =	slt.u32 s8, $0xFFFFF086  }
0x1c: {  	p1 =	slt.u32 s9, $0xF7A;
	s5 =	simm.s32 @!p2 $0x0  }
0x1d: {  	s5 =	simm.s32 @p1 $0x1;
	p0 =	seq.s32 s7, s2  }
0x1e: {  	s7 =	smul.u32 @!p0 $0xF7A, s2;
	p2 =	seq.s32 @!p0 s5, $0x0  }
0x1f: {  	s9 =	smul.u32 $0xF7A, s1;
	s8 =	simm.s32 @!p0 $0x1BF5;
	p2 =	por !p2, p0  }
0x20: {  	[sflag:s8] =	ssyncset.s32 @!p0 $0xFFFFF086;
	s6 =	sadd.s32 @!p0 s3, s7;
	s7 =	simm.s32 @!p0 $0x108  }
0x21: {  	s3 =	sadd.s32 s3, s9;
	s6 =	sadd.s32 @!p0 $0x88, s6;
	s7 =	simm.s32 @p2 $0x1082  }
0x22: {  	[simem:s7], [sflag:s8] =	dma.local @!p0 [hbm:s6], $0xF7A  }
0x23: {  	s9 =	sor.u32 $0xD0000000, s2;
	s6 =	simm.s32 $0x108;
	_ =	swait.ge @!p0 [sflag:s8], $0x0  }
0x24: {  	s3 =	sadd.s32 $0x88, s3;
	s6 =	simm.s32 @!p1 $0x1082;
	[sflag:s4] =	ssyncset.s32 $0xFFFFF086  }
0x25: {  	[simem:s6], [sflag:s4] =	dma.local [hbm:s3], $0xF7A  }
0x26: {  	[smem:$0x3F9B] =	sst s1;
	(tag) =	ssettag s2;
	_ =	strace s9  }
0x27: {  	s1 =	sld [smem:$0x3FAB]  }
0x28: {  	s2 =	sld [smem:$0x3FAC]  }
0x29: {  	s4 =	sld [smem:$0x3FAE]  }
0x2a: {  	p0 =	seq.s32 s5, $0x0;
	s5 =	sld [smem:$0x3FAF]  }
0x2b: {  	s6 =	sld [smem:$0x3FB0]  }
0x2c: {  	s7 =	sld [smem:$0x3FB1]  }
0x2d: {  	s3 =	simm.s32 $0x108;
	s8 =	sld [smem:$0x3FB2]  }
0x2e: {  	s3 =	simm.s32 @!p0 $0x1082;
	s9 =	sld [smem:$0x3FB3]  }
0x2f: {  	lr =	sadd.s32 s0, s3;
	s0 =	sld [smem:$0x3FAA]  }
0x30: {  	s3 =	sld [smem:$0x3FAD]  }
0x31: {  	[smem:$0x3FB6] =	sst s10  }
0x32: {  	s10 =	sld [smem:$0x3FB4];
	_ =	sdelay $0x3  }
0x33: {  	p0 =	seq.s32 s10, $0x1;
	s10 =	sld [smem:$0x3FB6];
	_ =	sdelay $0x3  }
0x34: {  	[smem:$0x3FB6] =	sst s10  }
0x35: {  	s10 =	sld [smem:$0x3FB5];
	_ =	sdelay $0x3  }
0x36: {  	p1 =	seq.s32 s10, $0x1;
	s10 =	sld [smem:$0x3FB6];
	_ =	sdelay $0x3  }
0x37: {  	[smem:$0x3FB6] =	sst s10  }
0x38: {  	s10 =	sld [smem:$0x3FB7]  }
0x39: {  	_ = 	snop;
	(pc) =	sbr.ind lr, $3  }
0x3a: {  	_ = 	snop  }
0x3b: {  	_ = 	snop  }
0x3c: {  	p2 =	seq.s32 s10, $0x1;
	s10 =	sld [smem:$0x3FB6]  }
0x3d: {  	_ =	shalt  }
0x3e: {  	_ =	shalt  }
0x3f: {  	_ =	shalt  }
0x40: {  	_ =	shalt  }
0x41: {  	_ =	shalt  }
0x42: {  	_ =	shalt  }
0x43: {  	_ =	shalt  }
0x44: {  	_ =	shalt  }
0x45: {  	_ =	shalt  }
0x46: {  	_ =	shalt  }
0x47: {  	_ =	shalt  }
0x48: {  	_ =	shalt  }
0x49: {  	_ =	shalt  }
0x4a: {  	_ =	shalt  }
0x4b: {  	_ =	shalt  }
0x4c: {  	_ =	shalt  }
0x4d: {  	_ =	shalt  }
0x4e: {  	_ =	shalt  }
0x4f: {  	_ =	shalt  }
0x50: {  	_ =	shalt  }
0x51: {  	_ =	shalt  }
0x52: {  	_ =	shalt  }
0x53: {  	_ =	shalt  }
0x54: {  	_ =	shalt  }
0x55: {  	_ =	shalt  }
0x56: {  	_ =	shalt  }
0x57: {  	_ =	shalt  }
0x58: {  	_ =	shalt  }
0x59: {  	_ =	shalt  }
0x5a: {  	_ =	shalt  }
0x5b: {  	_ =	shalt  }
0x5c: {  	_ =	shalt  }
0x5d: {  	_ =	shalt  }
0x5e: {  	_ =	shalt  }
0x5f: {  	_ =	shalt  }
0x60: {  	_ =	shalt  }
0x61: {  	_ =	shalt  }
0x62: {  	_ =	shalt  }
0x63: {  	_ =	shalt  }
0x64: {  	_ =	shalt  }
0x65: {  	_ =	shalt  }
0x66: {  	_ =	shalt  }
0x67: {  	_ =	shalt  }
0x68: {  	_ =	shalt  }
0x69: {  	_ =	shalt  }
0x6a: {  	_ =	shalt  }
0x6b: {  	_ =	shalt  }
0x6c: {  	_ =	shalt  }
0x6d: {  	_ =	shalt  }
0x6e: {  	_ =	shalt  }
0x6f: {  	_ =	shalt  }
0x70: {  	_ =	shalt  }
0x71: {  	_ =	shalt  }
0x72: {  	_ =	shalt  }
0x73: {  	_ =	shalt  }
0x74: {  	_ =	shalt  }
0x75: {  	_ =	shalt  }
0x76: {  	_ =	shalt  }
0x77: {  	_ =	shalt  }
0x78: {  	_ =	shalt  }
0x79: {  	_ =	shalt  }
0x7a: {  	_ =	shalt  }
0x7b: {  	_ =	shalt  }
0x7c: {  	_ =	shalt  }
0x7d: {  	_ =	shalt  }
0x7e: {  	_ =	shalt  }
0x7f: {  	_ =	shalt  }
0x80: {  	_ =	shalt  }
0x81: {  	_ =	shalt  }
0x82: {  	_ =	shalt  }
0x83: {  	_ =	shalt  }
0x84: {  	_ =	shalt  }
0x85: {  	_ =	shalt  }
0x86: {  	_ =	shalt  }
0x87: {  	_ =	shalt  }
.Lfunc_end0:
.L_simem_size_0:
called_computation.1_lowered:
.L_overlay_start_0:
0x88: {  	s2 =	sld [smem:$0x3FD9]  }
0x89: {  	s3 =	sld [smem:$0x3FFE];
	_ =	sdelay $0x1  }
0x8a: {  	s1 =	srdreg.scid  }
0x8b: {  	s0 =	sand.u32 $0x1, s1  }
0x8c: {  	s17 =	sshll.u32 s0, $0xA;
	s2 =	sadd.s32 s3, s2  }
0x8d: {  	s2 =	sadd.s32 s2, s17  }
0x8e: {  	[smem:$0x3FC2] =	sst s2  }
0x8f: {  	_ = 	snop  }
0x90: {  	(tm) =	ssettm $0x1  }
0x91: {  	s18 =	sld [smem:$0x3FFB];
	_ =	sdelay $0x3  }
0x92: {  	_ =	strace s18  }
0x93: {  	s2 =	sld [smem:$0x3FFC];
	_ =	sdelay $0x3  }
0x94: {  	_ =	strace s2  }
0x95: {  	s2 =	sld [smem:$0x3FFD];
	_ =	sdelay $0x3  }
0x96: {  	_ =	strace s2  }
0x97: {  	_ =	strace $0x8FFFFFFF  }
0x98: {  	s19 =	sld [smem:$0x3FDB];
	_ =	sdelay $0x1  }
0x99: {  	s20 =	simm.s32 $_scs_section_size  }
0x9a: {  	s4 =	simm.s32 $_size__tile_overlayer_lowered;
	s5 =	simm.s32 $_tile_overlayer_lowered  }
0x9b: {  	s6 =	simm.s32 $0x1BFF;
	s21 =	sshll.u32 s5, $0x1;
	s3 =	sadd.s32 s20, s19  }
0x9c: {  	s22 =	simm.s32 $0x0;
	s4 =	sshll.u32 s4, $0x1;
	s5 =	sadd.s32 s21, s3  }
0x9d: {  	[timem:s22], [sflag:s6] =	dma.local [hbm:s5], s4  }
0x9e: {  	_ =	swait.ge [sflag:s6], s4  }
0x9f: {  	s4 =	ssub.s32 $0x0, s4;
	[sflag:s6] =	ssyncset.done $0x0  }
0xa0: {  	[sflag:s6] =	ssyncadd.s32 s4;
	_ =	sdelay $0x1  }
0xa1: {  	s23 =	simm.s32 $0x1B8B  }
0xa2: {  	_ =	swait.ge [sflag:s23], $0x1  }
0xa3: {  	[sflag:s23] =	ssyncset.done $0x0  }
0xa4: {  	[sflag:s23] =	ssyncadd.s32 $0xFFFFFFFF  }
0xa5: {  	s4 =	sld [smem:$0x0]  }
0xa6: {  	s5 =	sand.u32 $0xFFFFFFFE, s1  }
0xa7: {  	p0 =	sne.s32 s1, s5  }
0xa8: {  	s5 =	sshll.u32 @p0 s5, $0xE  }
0xa9: {  	s5 =	sadd.s32 @p0 $0x11B8D, s5;
	s6 =	sshll.u32 @p0 s4, $0x11  }
0xaa: {  	s5 =	sor.u32 @p0 s6, s5  }
0xab: {  	[sflag:s5] =	ssyncadd.remote.s32 @p0 $0x1;
	_ =	sdelay $0x1  }
0xac: {  	s5 =	simm.s32 @p0 $0x1B8D  }
0xad: {  	_ =	swait.eq @p0 [sflag:s5], $0x1  }
0xae: {  	[sflag:s5] =	ssyncadd.s32 @p0 $0xFFFFFFFF  }
0xaf: {  	s6 =	sshll.u32 @!p0 s1, $0xE  }
0xb0: {  	s6 =	sor.u32 @!p0 $0x4000, s6;
	s5 =	simm.s32 @!p0 $0x1B8D  }
0xb1: {  	s4 =	sshll.u32 @!p0 s4, $0x11;
	s6 =	sadd.s32 @!p0 $0x11B8D, s6;
	_ =	swait.eq @!p0 [sflag:s5], $0x1  }
0xb2: {  	s4 =	sor.u32 @!p0 s4, s6;
	[sflag:s5] =	ssyncadd.s32 @!p0 $0xFFFFFFFF  }
0xb3: {  	s25 =	simm.s32 $0x1B8E;
	s24 =	sld [smem:$0x3FFE];
	[sflag:s4] =	ssyncadd.remote.s32 @!p0 $0x1  }
0xb4: {  	s26 =	simm.s32 $execute0_lowered;
	[smem:$0x3FD2] =	sst s25  }
0xb5: {  	s5 =	sshll.u32 s26, $0x1;
	_ =	strace $0x8000004F;
	[dreg:$0x1] =	wrdreg $0xFFFFFFFF  }
0xb6: {  	s28 =	simm.s32 $_size_execute0_lowered;
	s3 =	sadd.s32 s3, s5;
	[dreg:$0x0] =	wrdreg $0x0  }
0xb7: {  	s5 =	sshll.u32 s28, $0x1;
	[dreg:$0x2] =	wrdreg s3  }
0xb8: {  	[dreg:$0x3] =	wrdreg s5  }
0xb9: {  	[dreg:$0x4] =	wrdreg $0xC0  }
0xba: {  	_ =	task [dreg:s22], $0x5FFFF  }
0xbb: {  	[dreg:$0x1] =	wrdreg $0xFFFFFFFF  }
0xbc: {  	[dreg:$0x0] =	wrdreg $0x60  }
0xbd: {  	[dreg:$0x2] =	wrdreg s24  }
0xbe: {  	[dreg:$0x3] =	wrdreg $0x80000  }
0xbf: {  	[dreg:$0x4] =	wrdreg $0xA  }
0xc0: {  	_ =	task.clear_ibuf [dreg:s22], $0x5FFFF;
	_ =	strace $0x9000004F  }
0xc1: {  	s29 =	simm.s32 $0xA;
	_ =	strace $0x80000051  }
0xc2: {  	_ =	swait.ge [sflag:s29], $0x1  }
0xc3: {  	[sflag:s29] =	ssyncadd.s32 $0xFFFFFFFF  }
0xc4: {  	_ =	strace $0x90000051  }
0xc5: {  	_ =	sfence  }
0xc6: {  	s30 =	sld [smem:$0x0];
	_ =	sdelay $0x2  }
0xc7: {  	s31 =	sshll.u32 s1, $0xD;
	s1 =	sshrl.u32 s1, $0x2  }
0xc8: {  	s4 =	sand.u32 $0x4000, s31;
	s1 =	sadd.s32 s1, s30  }
0xc9: {  	s0 =	sor.u32 s4, s0;
	s1 =	sshll.u32 s1, $0x11  }
0xca: {  	s0 =	sor.u32 s1, s0  }
0xcb: {  	s0 =	sadd.s32 $0x8F2B, s0  }
0xcc: {  	[sflag:s0] =	ssyncadd.remote.s32 $0x1  }
0xcd: {  	_ =	sfence.sel $0xFFFF  }
0xce: {  	[dreg:$0x0] =	wrdreg $0xFFFFFFFF;
	(pc) =	sbr.abs _section_cstart, $3  }
0xcf: {  	[dreg:$0x1] =	wrdreg $0xFFFFFFFF  }
0xd0: {  	_ =	task.clear_ibuf [dreg:s22], $0x2FFFF;
	_ =	strace $0x9FFFFFFF  }
0xd1: {  	(tm) =	ssettm $0x7FFFFFFF  }
tec
execute0_lowered:
.L_overlay_start_1:
0x0: {  	(tag) =	ssettag $0x1  }
0x1: {  	s0 =	rddreg [dreg:$0x0]  }
0x2: {  	s1 =	rddreg [dreg:$0x1]  }
0x3: {  	s2 =	simm.s32 $0x0;
	s3 =	srdreg.scid;
	s11 =	stileid.u32  }
0x4: {  	s19 =	simm.s32 $0x800;
	s20 =	simm.s32 $0x3000;
	s6 =	smul.u32 $0x14000, s11  }
0x5: {  	s28 =	simm.s32 $0x2;
	s31 =	simm.s32 $0x780;
	s10 =	smul.u32 $0x50000, s11  }
0x6: {  	[smem:$0x7FF] =	sst s2;
	s3 =	sand.u32 $0x1, s3;
	s17 =	smul.u32 $0xFA00, s11  }
0x7: {  	s5 =	sshll.u32 s11, $0x9;
	s7 =	sshll.u32 s11, $0x1;
	s4 =	smul.u32 $0x140000, s3  }
0x8: {  	s7 =	sor.u32 s3, s7;
	s8 =	ssub.s32 $0x2, s3;
	s3 =	smul.u32 $0x7D00, s3  }
0x9: {  	s15 =	sadd.s32 $0x3E5E00, s0;
	s5 =	sand.u32 $0x1800, s5;
	s22 =	smul.u32 $0x7D00, s7  }
0xa: {  	_ =	strace $0x80000050;
	s5 =	sadd.s32 s5, s0;
	s9 =	smul.u32 $0x3E800, s7  }
0xb: {  	s23 =	sshrl.u32 s8, $0x1;
	s24 =	sshll.u32 s7, $0x4;
	s26 =	sshrl.u32 s10, $0x2  }
0xc: {  	s17 =	sadd.s32 s17, s15;
	s4 =	sadd.s32 s6, s4;
	s16 =	ssub.s32 s8, s23  }
0xd: {  	s6 =	sand.u32 $0x70, s24;
	s30 =	sadd.s32 s3, s17;
	s23 =	simm.s32 $0x3  }
0xe: {  	s24 =	simm.s32 $0x5800;
	s4 =	sshrl.u32 s4, $0x3;
	s25 =	sshrl.u32 s9, $0x3  }
0xf: {  	s29 =	sadd.s32 s6, s5;
	s5 =	sadd.s32 s26, s1;
	s16 =	smax.u32 s16, $0x1  }
0x10: {  	s26 =	simm.s32 $0x50;
	s0 =	sadd.s32 s4, s0;
	s4 =	sadd.s32 s15, s22  }
0x11: {  	s7 =	sadd.s32 s15, s25;
	s8 =	sadd.s32 $0x2800, s5;
	s9 =	sadd.s32 $0x5000, s5  }
0x12: {  	s10 =	sadd.s32 $0x7800, s5;
	s11 =	sadd.s32 $0xA000, s5;
	s12 =	sadd.s32 $0xC800, s5  }
0x13: {  	s13 =	sadd.s32 $0xF000, s5;
	s14 =	sadd.s32 $0x11800, s5;
	s22 =	sadd.s32 $0xF00, s30  }
0x14: {  	s25 =	simm.s32 $0x1;
	s6 =	sadd.s32 $0x500, s7;
	s7 =	sadd.s32 $0x5E00, s29  }
0x15: {  	v0 =	vimm.f32 $0.0e+00;
	s15 =	sadd.s32 $0x4DFE00, s0;
	s17 =	sadd.s32 $0x7800, s4;
	s0 =	simm.s32 $0x0  }
.LBB2_1:
0x16: {  	[tilespmem:s19], [sflag:$0x1] =	stream.linear.gather [hbm4b:s4+s2], $0x2800, $0x38;
	[tilespmem:$0x12000] =	vst v63  }
0x17: {  	_ = 	snop  }
0x18: {  	[tilespmem:s20], [sflag:$0x2] =	stream.linear.gather [hbm4b:s6+s2], $0x2800, $0x38;
	[tilespmem:$0x12000] =	vst v63  }
0x19: {  	s3 =	simm.s32 $0x80;
	s18 =	simm.s32 $0x400  }
0x1a: {  	[tilespmem:s2], [sflag:$0x3] =	stream.strided.gather [hbm4b:s7+s3], $0x800, s18, s3, $0x38;
	[tilespmem:$0x12000] =	vst v63  }
0x1b: {  	_ =	swait.ge [sflag:s23], $0x800  }
0x1c: {  	[sflag:s23] =	ssyncset.done $0x0  }
0x1d: {  	s18 =	simm.s32 $0x200;
	s3 =	simm.s32 $0x0;
	[sflag:s23] =	ssyncadd.s32 $0xFFFFF800  }
.LBB2_2:
0x1e: {  	p0 =	sne.s32 s18, $0x9E00;
	[tilespmem:s3+$0x5830] =	vst v0;
	s21 =	smov.u32 s18;
	s18 =	sadd.s32 $0x200, s18  }
.Ltmp0:
0x1f: {  	[tilespmem:s3+$0x5820] =	vst v0;
	(pc) =	sbr.rel @p0 .LBB2_2-.Ltmp0, $3  }
0x20: {  	[tilespmem:s3+$0x5800] =	vst v0  }
0x21: {  	[tilespmem:s3+$0x5810] =	vst v0;
	_ =	sdelay $0x1  }
0x22: {  	s3 =	sshra.s32 s21, $0x2  }
0x23: {  	[tilespmem:s3+$0x5830] =	vst v0  }
0x24: {  	[tilespmem:s3+$0x5820] =	vst v0  }
0x25: {  	[tilespmem:s3+$0x5800] =	vst v0  }
0x26: {  	[tilespmem:s3+$0x5810] =	vst v0  }
0x27: {  	[spmem:s5] =	stream.linear.scatter [tilespmem:s24], [sflag:$0x3], $0x2800, $0x38;
	[tilespmem:$0x12000] =	vst v63  }
0x28: {  	_ =	swait.ge [sflag:s23], $0x2800  }
0x29: {  	[sflag:s23] =	ssyncset.done $0x0  }
0x2a: {  	[sflag:s23] =	ssyncadd.s32 $0xFFFFD800  }
0x2b: {  	[spmem:s8] =	stream.linear.scatter [tilespmem:s24], [sflag:$0x3], $0x2800, $0x38;
	[tilespmem:$0x12000] =	vst v63  }
0x2c: {  	_ =	swait.ge [sflag:s23], $0x2800  }
0x2d: {  	[sflag:s23] =	ssyncset.done $0x0  }
0x2e: {  	[sflag:s23] =	ssyncadd.s32 $0xFFFFD800  }
0x2f: {  	[spmem:s9] =	stream.linear.scatter [tilespmem:s24], [sflag:$0x3], $0x2800, $0x38;
	[tilespmem:$0x12000] =	vst v63  }
0x30: {  	_ =	swait.ge [sflag:s23], $0x2800  }
0x31: {  	[sflag:s23] =	ssyncset.done $0x0  }
0x32: {  	[sflag:s23] =	ssyncadd.s32 $0xFFFFD800  }
0x33: {  	[spmem:s10] =	stream.linear.scatter [tilespmem:s24], [sflag:$0x3], $0x2800, $0x38;
	[tilespmem:$0x12000] =	vst v63  }
0x34: {  	_ =	swait.ge [sflag:s23], $0x2800  }
0x35: {  	[sflag:s23] =	ssyncset.done $0x0  }
0x36: {  	[sflag:s23] =	ssyncadd.s32 $0xFFFFD800  }
0x37: {  	[spmem:s11] =	stream.linear.scatter [tilespmem:s24], [sflag:$0x3], $0x2800, $0x38;
	[tilespmem:$0x12000] =	vst v63  }
0x38: {  	_ =	swait.ge [sflag:s23], $0x2800  }
0x39: {  	[sflag:s23] =	ssyncset.done $0x0  }
0x3a: {  	[sflag:s23] =	ssyncadd.s32 $0xFFFFD800  }
0x3b: {  	[spmem:s12] =	stream.linear.scatter [tilespmem:s24], [sflag:$0x3], $0x2800, $0x38;
	[tilespmem:$0x12000] =	vst v63  }
0x3c: {  	_ =	swait.ge [sflag:s23], $0x2800  }
0x3d: {  	[sflag:s23] =	ssyncset.done $0x0  }
0x3e: {  	[sflag:s23] =	ssyncadd.s32 $0xFFFFD800  }
0x3f: {  	[spmem:s13] =	stream.linear.scatter [tilespmem:s24], [sflag:$0x3], $0x2800, $0x38;
	[tilespmem:$0x12000] =	vst v63  }
0x40: {  	_ =	swait.ge [sflag:s23], $0x2800  }
0x41: {  	[sflag:s23] =	ssyncset.done $0x0  }
0x42: {  	[sflag:s23] =	ssyncadd.s32 $0xFFFFD800  }
0x43: {  	[spmem:s14] =	stream.linear.scatter [tilespmem:s24], [sflag:$0x3], $0x2800, $0x38;
	[tilespmem:$0x12000] =	vst v63  }
0x44: {  	_ =	swait.ge [sflag:s23], $0x2800  }
0x45: {  	[sflag:s23] =	ssyncset.done $0x0  }
0x46: {  	[sflag:s23] =	ssyncadd.s32 $0xFFFFD800  }
0x47: {  	[bflag:$0x0] =	sbarrier.arrive $0xFFFF  }
0x48: {  	_ =	swait.ge [sflag:s25], $0x2800  }
0x49: {  	[sflag:s25] =	ssyncset.done $0x0  }
0x4a: {  	s21 =	simm.s32 $0x0;
	[sflag:s25] =	ssyncadd.s32 $0xFFFFD800  }
0x4b: {  	[spmem:s1] =	stream.indirect.scatter.add.f32 [tilespmem:s19], [sflag:$0x3], $0x40, s21, s26, $0xb8;
	[tilespmem:$0x12000] =	vst v63  }
0x4c: {  	_ =	swait.ge [sflag:s23], $0x1400  }
0x4d: {  	[sflag:s23] =	ssyncset.done $0x0  }
0x4e: {  	s29 =	sadd.s32 $0xFFFFFB00, s22;
	[sflag:s23] =	ssyncadd.s32 $0xFFFFEC00  }
0x4f: {  	[tilespmem:s19], [sflag:$0x1] =	stream.linear.gather [hbm4b:s29+s2], $0x2800, $0x38;
	[tilespmem:$0x12000] =	vst v63  }
0x50: {  	_ =	swait.ge [sflag:s28], $0x2800  }
0x51: {  	[sflag:s28] =	ssyncset.done $0x0  }
0x52: {  	s30 =	simm.s32 $0x50;
	[sflag:s28] =	ssyncadd.s32 $0xFFFFD800  }
0x53: {  	[spmem:s1] =	stream.indirect.scatter.add.f32 [tilespmem:s20], [sflag:$0x3], $0x40, s30, s26, $0xb8;
	[tilespmem:$0x12000] =	vst v63  }
0x54: {  	_ =	swait.ge [sflag:s23], $0x1400  }
0x55: {  	s3 =	simm.s32 $0x280;
	[sflag:s23] =	ssyncset.done $0x0  }
0x56: {  	s18 =	smov.u32 s22;
	s21 =	sadd.s32 $0xA00, s22;
	[sflag:s23] =	ssyncadd.s32 $0xFFFFEC00  }
.LBB2_4:
0x57: {  	[tilespmem:s20], [sflag:$0x2] =	stream.linear.gather [hbm4b:s18+s2], $0x2800, $0x38;
	[tilespmem:$0x12000] =	vst v63  }
0x58: {  	s29 =	smov.u32 s3;
	s18 =	smov.u32 s21  }
0x59: {  	p0 =	sne.s32 s3, $0x1900;
	s3 =	sadd.s32 $0x280, s3;
	_ =	swait.ge [sflag:s25], $0x2800  }
0x5a: {  	[sflag:s25] =	ssyncset.done $0x0  }
0x5b: {  	s29 =	sshra.s32 s29, $0x2;
	[sflag:s25] =	ssyncadd.s32 $0xFFFFD800  }
0x5c: {  	[spmem:s1] =	stream.indirect.scatter.add.f32 [tilespmem:s19], [sflag:$0x3], $0x40, s29, s26, $0xb8;
	[tilespmem:$0x12000] =	vst v63  }
0x5d: {  	_ =	swait.ge [sflag:s23], $0x1400  }
0x5e: {  	[sflag:s23] =	ssyncset.done $0x0  }
0x5f: {  	s30 =	sadd.s32 $0xFFFFFB00, s21;
	[sflag:s23] =	ssyncadd.s32 $0xFFFFEC00  }
0x60: {  	[tilespmem:s19], [sflag:$0x1] =	stream.linear.gather [hbm4b:s30+s2], $0x2800, $0x38;
	[tilespmem:$0x12000] =	vst v63  }
0x61: {  	_ =	swait.ge [sflag:s28], $0x2800  }
0x62: {  	[sflag:s28] =	ssyncset.done $0x0  }
.Ltmp1:
0x63: {  	s29 =	sadd.s32 $0x50, s29;
	[sflag:s28] =	ssyncadd.s32 $0xFFFFD800;
	(pc) =	sbr.rel @p0 .LBB2_4-.Ltmp1, $4  }
0x64: {  	[spmem:s1] =	stream.indirect.scatter.add.f32 [tilespmem:s20], [sflag:$0x3], $0x40, s29, s26, $0xb8;
	[tilespmem:$0x12000] =	vst v63  }
0x65: {  	_ =	swait.ge [sflag:s23], $0x1400  }
0x66: {  	[sflag:s23] =	ssyncset.done $0x0  }
0x67: {  	s21 =	sadd.s32 $0xA00, s21;
	[sflag:s23] =	ssyncadd.s32 $0xFFFFEC00  }
0x68: {  	[tilespmem:s20], [sflag:$0x2] =	stream.linear.gather [hbm4b:s18+s2], $0x2800, $0x38;
	[tilespmem:$0x12000] =	vst v63  }
0x69: {  	_ =	swait.ge [sflag:s25], $0x2800  }
0x6a: {  	[sflag:s25] =	ssyncset.done $0x0  }
0x6b: {  	s3 =	simm.s32 $0x6E0;
	[sflag:s25] =	ssyncadd.s32 $0xFFFFD800  }
0x6c: {  	[spmem:s1] =	stream.indirect.scatter.add.f32 [tilespmem:s19], [sflag:$0x3], $0x40, s3, s26, $0xb8;
	[tilespmem:$0x12000] =	vst v63  }
0x6d: {  	_ =	swait.ge [sflag:s23], $0x1400  }
0x6e: {  	[sflag:s23] =	ssyncset.done $0x0  }
0x6f: {  	[sflag:s23] =	ssyncadd.s32 $0xFFFFEC00  }
0x70: {  	[tilespmem:s19], [sflag:$0x1] =	stream.linear.gather [hbm4b:s17+s2], $0x2800, $0x38;
	[tilespmem:$0x12000] =	vst v63  }
0x71: {  	_ =	swait.ge [sflag:s28], $0x2800  }
0x72: {  	[sflag:s28] =	ssyncset.done $0x0  }
0x73: {  	s21 =	simm.s32 $0x730;
	[sflag:s28] =	ssyncadd.s32 $0xFFFFD800  }
0x74: {  	[spmem:s1] =	stream.indirect.scatter.add.f32 [tilespmem:s20], [sflag:$0x3], $0x40, s21, s26, $0xb8;
	[tilespmem:$0x12000] =	vst v63  }
0x75: {  	_ =	swait.ge [sflag:s23], $0x1400  }
0x76: {  	[sflag:s23] =	ssyncset.done $0x0  }
0x77: {  	[sflag:s23] =	ssyncadd.s32 $0xFFFFEC00  }
0x78: {  	[tilespmem:s20], [sflag:$0x2] =	stream.linear.gather [hbm4b:s17+s2], $0x2800, $0x38;
	[tilespmem:$0x12000] =	vst v63  }
0x79: {  	_ =	swait.ge [sflag:s25], $0x2800  }
0x7a: {  	[sflag:s25] =	ssyncset.done $0x0  }
0x7b: {  	[sflag:s25] =	ssyncadd.s32 $0xFFFFD800  }
0x7c: {  	[spmem:s1] =	stream.indirect.scatter.add.f32 [tilespmem:s19], [sflag:$0x3], $0x40, s31, s26, $0xb8;
	[tilespmem:$0x12000] =	vst v63  }
0x7d: {  	_ =	swait.ge [sflag:s23], $0x1400  }
0x7e: {  	[sflag:s23] =	ssyncset.done $0x0  }
0x7f: {  	[sflag:s23] =	ssyncadd.s32 $0xFFFFEC00  }
0x80: {  	s29 =	stileid.u32;
	_ =	swait.ge [sflag:s28], $0x2800  }
0x81: {  	s30 =	sshrl.u32 s5, $0x3;
	s0 =	sadd.s32 $0x1, s0;
	[sflag:s28] =	ssyncset.done $0x0  }
0x82: {  	p0 =	sne.s32 s0, s16;
	s3 =	sshll.u32 s29, $0x6;
	[sflag:s28] =	ssyncadd.s32 $0xFFFFD800  }
.Ltmp2:
0x83: {  	s3 =	sor.u32 $0x1C03, s3;
	[bflag:$0x0] =	sbarrier.arrive $0xFFFF;
	(pc) =	sbr.rel @p0 .LBB2_1-.Ltmp2, $4  }
0x84: {  	[hbm:s15], [sflag:s3] =	dma.local [spmem:s30], $0x2800  }
0x85: {  	_ =	swait.ge [sflag:s23], $0x2800  }
0x86: {  	[sflag:s23] =	ssyncset.done $0x0  }
0x87: {  	[sflag:s23] =	ssyncadd.s32 $0xFFFFD800  }
0x88: {  	_ =	sfence.sel $0x180000  }
0x89: {  	[bflag:$0x0] =	sbarrier.arrive $0xFFFF  }
0x8a: {  	_ =	strace $0x90000050  }
0x8b: {  	s0 =	stileid.u32;
	[bflag:$0x2] =	sbarrier.arrive $0xFFFF  }
0x8c: {  	p0 =	sne.s32 s0, $0x0;
	s0 =	rddreg [dreg:$0x2]  }
0x8d: {  	s0 =	sadd.s32 @!p0 $0x100000, s0  }
0x8e: {  	[sflag:s0] =	ssyncadd.tile.s32 @!p0 $0x1;
	_ =	shalt  }
.Lfunc_end2:
_tile_overlayer_lowered:
.L_overlay_start_2:
0x8f: {  	(tag) =	ssettag $0x2  }
0x90: {  	s0 =	rddreg [dreg:$0x0];
	s2 =	stileid.u32  }
0x91: {  	s1 =	rddreg [dreg:$0x1];
	p0 =	sne.s32 s2, $0x0  }
0x92: {  	s3 =	rddreg [dreg:$0x2];
	[bflag:$0x3] =	sbarrier.arrive $0xFFFF;
	s2 =	simm.s32 @!p0 $0x1C03  }
0x93: {  	[timem:s3], [sflag:s2] =	dma.local @!p0 [hbm:s0], s1  }
0x94: {  	s0 =	simm.s32 @!p0 $0x3  }
0x95: {  	_ =	swait.ge @!p0 [sflag:s0], s1  }
0x96: {  	s1 =	ssub.s32 @!p0 $0x0, s1;
	[sflag:s0] =	ssyncset.done @!p0 $0x0  }
0x97: {  	[sflag:s0] =	ssyncadd.s32 @!p0 s1  }
0x98: {  	[bflag:$0x3] =	sbarrier.arrive $0xFFFF  }
0x99: {  	_ =	shalt  }

// kernel: kernel.19.cloned.1.call-start
scs
__scs_entry_jumppad:
0x0: {  	(pc) =	sbr.rel $0x88, $3  }
0x1: {  	(tag) =	ssettag $0x0;
	lr =	simm.s32 $0x1  }
0x2: {  	[smem:$0x3F9B] =	sst lr;
	_ =	strace $0xD0000000  }
0x3: {  	_ = 	snop  }
0x4: {  	_ = 	snop  }
0x5: {  	_ = 	snop  }
0x6: {  	_ = 	snop  }
0x7: {  	_ = 	snop  }
__scs_overlays_trampoline_lowered:
0x8: {  	[smem:$0x3FAA] =	sst s0  }
0x9: {  	[smem:$0x3FAB] =	sst s1  }
0xa: {  	[smem:$0x3FAC] =	sst s2  }
0xb: {  	[smem:$0x3FAD] =	sst s3  }
0xc: {  	[smem:$0x3FAE] =	sst s4  }
0xd: {  	[smem:$0x3FAF] =	sst s5  }
0xe: {  	[smem:$0x3FB0] =	sst s6  }
0xf: {  	[smem:$0x3FB1] =	sst s7  }
0x10: {  	[smem:$0x3FB2] =	sst s8  }
0x11: {  	[smem:$0x3FB3] =	sst s9;
	s0 =	simm.s32 @!p0 $0x0  }
0x12: {  	s1 =	sld [smem:$0x3F99];
	s0 =	simm.s32 @p0 $0x1  }
0x13: {  	[smem:$0x3FB4] =	sst s0;
	s0 =	simm.s32 @!p1 $0x0  }
0x14: {  	s2 =	sld [smem:$0x3F98];
	s0 =	simm.s32 @p1 $0x1  }
0x15: {  	[smem:$0x3FB5] =	sst s0;
	s0 =	simm.s32 @!p2 $0x0  }
0x16: {  	s3 =	sld [smem:$0x3FDB];
	s0 =	simm.s32 @p2 $0x1  }
0x17: {  	s4 =	simm.s32 $0x1BF5;
	[smem:$0x3FB7] =	sst s0  }
0x18: {  	s0 =	sld [smem:$0x3F9A];
	_ =	swait.ge [sflag:s4], $0x0  }
0x19: {  	s7 =	sld [smem:$0x3F9B]  }
0x1a: {  	s8 =	sadd.s32 $0xFFFFE003, lr  }
0x1b: {  	s9 =	sadd.s32 $0xFFFFFEF7, lr;
	s5 =	simm.s32 $0xFFFFFFFF;
	p2 =	slt.u32 s8, $0xFFFFF086  }
0x1c: {  	p1 =	slt.u32 s9, $0xF7A;
	s5 =	simm.s32 @!p2 $0x0  }
0x1d: {  	s5 =	simm.s32 @p1 $0x1;
	p0 =	seq.s32 s7, s2  }
0x1e: {  	s7 =	smul.u32 @!p0 $0xF7A, s2;
	p2 =	seq.s32 @!p0 s5, $0x0  }
0x1f: {  	s9 =	smul.u32 $0xF7A, s1;
	s8 =	simm.s32 @!p0 $0x1BF5;
	p2 =	por !p2, p0  }
0x20: {  	[sflag:s8] =	ssyncset.s32 @!p0 $0xFFFFF086;
	s6 =	sadd.s32 @!p0 s3, s7;
	s7 =	simm.s32 @!p0 $0x108  }
0x21: {  	s3 =	sadd.s32 s3, s9;
	s6 =	sadd.s32 @!p0 $0x88, s6;
	s7 =	simm.s32 @p2 $0x1082  }
0x22: {  	[simem:s7], [sflag:s8] =	dma.local @!p0 [hbm:s6], $0xF7A  }
0x23: {  	s9 =	sor.u32 $0xD0000000, s2;
	s6 =	simm.s32 $0x108;
	_ =	swait.ge @!p0 [sflag:s8], $0x0  }
0x24: {  	s3 =	sadd.s32 $0x88, s3;
	s6 =	simm.s32 @!p1 $0x1082;
	[sflag:s4] =	ssyncset.s32 $0xFFFFF086  }
0x25: {  	[simem:s6], [sflag:s4] =	dma.local [hbm:s3], $0xF7A  }
0x26: {  	[smem:$0x3F9B] =	sst s1;
	(tag) =	ssettag s2;
	_ =	strace s9  }
0x27: {  	s1 =	sld [smem:$0x3FAB]  }
0x28: {  	s2 =	sld [smem:$0x3FAC]  }
0x29: {  	s4 =	sld [smem:$0x3FAE]  }
0x2a: {  	p0 =	seq.s32 s5, $0x0;
	s5 =	sld [smem:$0x3FAF]  }
0x2b: {  	s6 =	sld [smem:$0x3FB0]  }
0x2c: {  	s7 =	sld [smem:$0x3FB1]  }
0x2d: {  	s3 =	simm.s32 $0x108;
	s8 =	sld [smem:$0x3FB2]  }
0x2e: {  	s3 =	simm.s32 @!p0 $0x1082;
	s9 =	sld [smem:$0x3FB3]  }
0x2f: {  	lr =	sadd.s32 s0, s3;
	s0 =	sld [smem:$0x3FAA]  }
0x30: {  	s3 =	sld [smem:$0x3FAD]  }
0x31: {  	[smem:$0x3FB6] =	sst s10  }
0x32: {  	s10 =	sld [smem:$0x3FB4];
	_ =	sdelay $0x3  }
0x33: {  	p0 =	seq.s32 s10, $0x1;
	s10 =	sld [smem:$0x3FB6];
	_ =	sdelay $0x3  }
0x34: {  	[smem:$0x3FB6] =	sst s10  }
0x35: {  	s10 =	sld [smem:$0x3FB5];
	_ =	sdelay $0x3  }
0x36: {  	p1 =	seq.s32 s10, $0x1;
	s10 =	sld [smem:$0x3FB6];
	_ =	sdelay $0x3  }
0x37: {  	[smem:$0x3FB6] =	sst s10  }
0x38: {  	s10 =	sld [smem:$0x3FB7]  }
0x39: {  	_ = 	snop;
	(pc) =	sbr.ind lr, $3  }
0x3a: {  	_ = 	snop  }
0x3b: {  	_ = 	snop  }
0x3c: {  	p2 =	seq.s32 s10, $0x1;
	s10 =	sld [smem:$0x3FB6]  }
0x3d: {  	_ =	shalt  }
0x3e: {  	_ =	shalt  }
0x3f: {  	_ =	shalt  }
0x40: {  	_ =	shalt  }
0x41: {  	_ =	shalt  }
0x42: {  	_ =	shalt  }
0x43: {  	_ =	shalt  }
0x44: {  	_ =	shalt  }
0x45: {  	_ =	shalt  }
0x46: {  	_ =	shalt  }
0x47: {  	_ =	shalt  }
0x48: {  	_ =	shalt  }
0x49: {  	_ =	shalt  }
0x4a: {  	_ =	shalt  }
0x4b: {  	_ =	shalt  }
0x4c: {  	_ =	shalt  }
0x4d: {  	_ =	shalt  }
0x4e: {  	_ =	shalt  }
0x4f: {  	_ =	shalt  }
0x50: {  	_ =	shalt  }
0x51: {  	_ =	shalt  }
0x52: {  	_ =	shalt  }
0x53: {  	_ =	shalt  }
0x54: {  	_ =	shalt  }
0x55: {  	_ =	shalt  }
0x56: {  	_ =	shalt  }
0x57: {  	_ =	shalt  }
0x58: {  	_ =	shalt  }
0x59: {  	_ =	shalt  }
0x5a: {  	_ =	shalt  }
0x5b: {  	_ =	shalt  }
0x5c: {  	_ =	shalt  }
0x5d: {  	_ =	shalt  }
0x5e: {  	_ =	shalt  }
0x5f: {  	_ =	shalt  }
0x60: {  	_ =	shalt  }
0x61: {  	_ =	shalt  }
0x62: {  	_ =	shalt  }
0x63: {  	_ =	shalt  }
0x64: {  	_ =	shalt  }
0x65: {  	_ =	shalt  }
0x66: {  	_ =	shalt  }
0x67: {  	_ =	shalt  }
0x68: {  	_ =	shalt  }
0x69: {  	_ =	shalt  }
0x6a: {  	_ =	shalt  }
0x6b: {  	_ =	shalt  }
0x6c: {  	_ =	shalt  }
0x6d: {  	_ =	shalt  }
0x6e: {  	_ =	shalt  }
0x6f: {  	_ =	shalt  }
0x70: {  	_ =	shalt  }
0x71: {  	_ =	shalt  }
0x72: {  	_ =	shalt  }
0x73: {  	_ =	shalt  }
0x74: {  	_ =	shalt  }
0x75: {  	_ =	shalt  }
0x76: {  	_ =	shalt  }
0x77: {  	_ =	shalt  }
0x78: {  	_ =	shalt  }
0x79: {  	_ =	shalt  }
0x7a: {  	_ =	shalt  }
0x7b: {  	_ =	shalt  }
0x7c: {  	_ =	shalt  }
0x7d: {  	_ =	shalt  }
0x7e: {  	_ =	shalt  }
0x7f: {  	_ =	shalt  }
0x80: {  	_ =	shalt  }
0x81: {  	_ =	shalt  }
0x82: {  	_ =	shalt  }
0x83: {  	_ =	shalt  }
0x84: {  	_ =	shalt  }
0x85: {  	_ =	shalt  }
0x86: {  	_ =	shalt  }
0x87: {  	_ =	shalt  }
.Lfunc_end0:
.L_simem_size_0:
called_computation.2_lowered:
.L_overlay_start_0:
0x88: {  	s2 =	sld [smem:$0x3FD9]  }
0x89: {  	s3 =	sld [smem:$0x3FFE];
	_ =	sdelay $0x1  }
0x8a: {  	s1 =	srdreg.scid  }
0x8b: {  	s0 =	sand.u32 $0x1, s1  }
0x8c: {  	s17 =	sshll.u32 s0, $0xA;
	s2 =	sadd.s32 s3, s2  }
0x8d: {  	s2 =	sadd.s32 s2, s17  }
0x8e: {  	[smem:$0x3FC2] =	sst s2  }
0x8f: {  	_ = 	snop  }
0x90: {  	(tm) =	ssettm $0x1  }
0x91: {  	s18 =	sld [smem:$0x3FFB];
	_ =	sdelay $0x3  }
0x92: {  	_ =	strace s18  }
0x93: {  	s2 =	sld [smem:$0x3FFC];
	_ =	sdelay $0x3  }
0x94: {  	_ =	strace s2  }
0x95: {  	s2 =	sld [smem:$0x3FFD];
	_ =	sdelay $0x3  }
0x96: {  	_ =	strace s2  }
0x97: {  	_ =	strace $0x8FFFFFFF  }
0x98: {  	s19 =	sld [smem:$0x3FDB];
	_ =	sdelay $0x1  }
0x99: {  	s20 =	simm.s32 $_scs_section_size  }
0x9a: {  	s4 =	simm.s32 $_size__tile_overlayer_lowered;
	s5 =	simm.s32 $_tile_overlayer_lowered  }
0x9b: {  	s6 =	simm.s32 $0x1BFF;
	s21 =	sshll.u32 s5, $0x1;
	s3 =	sadd.s32 s20, s19  }
0x9c: {  	s22 =	simm.s32 $0x0;
	s4 =	sshll.u32 s4, $0x1;
	s5 =	sadd.s32 s21, s3  }
0x9d: {  	[timem:s22], [sflag:s6] =	dma.local [hbm:s5], s4  }
0x9e: {  	_ =	swait.ge [sflag:s6], s4  }
0x9f: {  	s4 =	ssub.s32 $0x0, s4;
	[sflag:s6] =	ssyncset.done $0x0  }
0xa0: {  	[sflag:s6] =	ssyncadd.s32 s4;
	_ =	sdelay $0x1  }
0xa1: {  	s23 =	simm.s32 $0x1B8B  }
0xa2: {  	_ =	swait.ge [sflag:s23], $0x1  }
0xa3: {  	[sflag:s23] =	ssyncset.done $0x0  }
0xa4: {  	[sflag:s23] =	ssyncadd.s32 $0xFFFFFFFF  }
0xa5: {  	s4 =	sld [smem:$0x0]  }
0xa6: {  	s5 =	sand.u32 $0xFFFFFFFE, s1  }
0xa7: {  	p0 =	sne.s32 s1, s5  }
0xa8: {  	s5 =	sshll.u32 @p0 s5, $0xE  }
0xa9: {  	s5 =	sadd.s32 @p0 $0x11B8D, s5;
	s6 =	sshll.u32 @p0 s4, $0x11  }
0xaa: {  	s5 =	sor.u32 @p0 s6, s5  }
0xab: {  	[sflag:s5] =	ssyncadd.remote.s32 @p0 $0x1;
	_ =	sdelay $0x1  }
0xac: {  	s5 =	simm.s32 @p0 $0x1B8D  }
0xad: {  	_ =	swait.eq @p0 [sflag:s5], $0x1  }
0xae: {  	[sflag:s5] =	ssyncadd.s32 @p0 $0xFFFFFFFF  }
0xaf: {  	s6 =	sshll.u32 @!p0 s1, $0xE  }
0xb0: {  	s6 =	sor.u32 @!p0 $0x4000, s6;
	s5 =	simm.s32 @!p0 $0x1B8D  }
0xb1: {  	s4 =	sshll.u32 @!p0 s4, $0x11;
	s6 =	sadd.s32 @!p0 $0x11B8D, s6;
	_ =	swait.eq @!p0 [sflag:s5], $0x1  }
0xb2: {  	s4 =	sor.u32 @!p0 s4, s6;
	[sflag:s5] =	ssyncadd.s32 @!p0 $0xFFFFFFFF  }
0xb3: {  	s25 =	simm.s32 $0x1B8E;
	s24 =	sld [smem:$0x3FFE];
	[sflag:s4] =	ssyncadd.remote.s32 @!p0 $0x1  }
0xb4: {  	s26 =	simm.s32 $execute0_lowered;
	[smem:$0x3FD2] =	sst s25  }
0xb5: {  	s5 =	sshll.u32 s26, $0x1;
	_ =	strace $0x8000004C;
	[dreg:$0x1] =	wrdreg $0xFFFFFFFF  }
0xb6: {  	s28 =	simm.s32 $_size_execute0_lowered;
	s3 =	sadd.s32 s3, s5;
	[dreg:$0x0] =	wrdreg $0x0  }
0xb7: {  	s5 =	sshll.u32 s28, $0x1;
	[dreg:$0x2] =	wrdreg s3  }
0xb8: {  	[dreg:$0x3] =	wrdreg s5  }
0xb9: {  	[dreg:$0x4] =	wrdreg $0xC0  }
0xba: {  	_ =	task [dreg:s22], $0x5FFFF  }
0xbb: {  	[dreg:$0x1] =	wrdreg $0xFFFFFFFF  }
0xbc: {  	[dreg:$0x0] =	wrdreg $0x60  }
0xbd: {  	[dreg:$0x2] =	wrdreg s24  }
0xbe: {  	[dreg:$0x3] =	wrdreg $0x80000  }
0xbf: {  	[dreg:$0x4] =	wrdreg $0xB  }
0xc0: {  	_ =	task.clear_ibuf [dreg:s22], $0x5FFFF;
	_ =	strace $0x9000004C  }
0xc1: {  	s29 =	simm.s32 $0xB;
	_ =	strace $0x8000004E  }
0xc2: {  	_ =	swait.ge [sflag:s29], $0x1  }
0xc3: {  	[sflag:s29] =	ssyncadd.s32 $0xFFFFFFFF  }
0xc4: {  	_ =	strace $0x9000004E  }
0xc5: {  	_ =	sfence  }
0xc6: {  	s30 =	sld [smem:$0x0];
	_ =	sdelay $0x2  }
0xc7: {  	s31 =	sshll.u32 s1, $0xD;
	s1 =	sshrl.u32 s1, $0x2  }
0xc8: {  	s4 =	sand.u32 $0x4000, s31;
	s1 =	sadd.s32 s1, s30  }
0xc9: {  	s0 =	sor.u32 s4, s0;
	s1 =	sshll.u32 s1, $0x11  }
0xca: {  	s0 =	sor.u32 s1, s0  }
0xcb: {  	s0 =	sadd.s32 $0x8F2B, s0  }
0xcc: {  	[sflag:s0] =	ssyncadd.remote.s32 $0x1  }
0xcd: {  	_ =	sfence.sel $0xFFFF  }
0xce: {  	[dreg:$0x0] =	wrdreg $0xFFFFFFFF;
	(pc) =	sbr.abs _section_cstart, $3  }
0xcf: {  	[dreg:$0x1] =	wrdreg $0xFFFFFFFF  }
0xd0: {  	_ =	task.clear_ibuf [dreg:s22], $0x2FFFF;
	_ =	strace $0x9FFFFFFF  }
0xd1: {  	(tm) =	ssettm $0x7FFFFFFF  }
tec
execute0_lowered:
.L_overlay_start_1:
0x0: {  	(tag) =	ssettag $0x1  }
0x1: {  	s0 =	rddreg [dreg:$0x0]  }
0x2: {  	s1 =	rddreg [dreg:$0x1]  }
0x3: {  	s2 =	simm.s32 $0x0;
	s3 =	srdreg.scid;
	s11 =	stileid.u32  }
0x4: {  	s19 =	simm.s32 $0x800;
	s20 =	simm.s32 $0x3000;
	s6 =	smul.u32 $0x14000, s11  }
0x5: {  	s28 =	simm.s32 $0x2;
	s31 =	simm.s32 $0x780;
	s10 =	smul.u32 $0x50000, s11  }
0x6: {  	[smem:$0x7FF] =	sst s2;
	s3 =	sand.u32 $0x1, s3;
	s17 =	smul.u32 $0xFA00, s11  }
0x7: {  	s5 =	sshll.u32 s11, $0x9;
	s7 =	sshll.u32 s11, $0x1;
	s4 =	smul.u32 $0x140000, s3  }
0x8: {  	s7 =	sor.u32 s3, s7;
	s8 =	ssub.s32 $0x2, s3;
	s3 =	smul.u32 $0x7D00, s3  }
0x9: {  	s15 =	sadd.s32 $0x29BE00, s0;
	s5 =	sand.u32 $0x1800, s5;
	s22 =	smul.u32 $0x7D00, s7  }
0xa: {  	_ =	strace $0x8000004D;
	s5 =	sadd.s32 s5, s0;
	s9 =	smul.u32 $0x3E800, s7  }
0xb: {  	s23 =	sshrl.u32 s8, $0x1;
	s24 =	sshll.u32 s7, $0x4;
	s26 =	sshrl.u32 s10, $0x2  }
0xc: {  	s17 =	sadd.s32 s17, s15;
	s4 =	sadd.s32 s6, s4;
	s16 =	ssub.s32 s8, s23  }
0xd: {  	s6 =	sand.u32 $0x70, s24;
	s30 =	sadd.s32 s3, s17;
	s23 =	simm.s32 $0x3  }
0xe: {  	s24 =	simm.s32 $0x5800;
	s4 =	sshrl.u32 s4, $0x3;
	s25 =	sshrl.u32 s9, $0x3  }
0xf: {  	s29 =	sadd.s32 s6, s5;
	s5 =	sadd.s32 s26, s1;
	s16 =	smax.u32 s16, $0x1  }
0x10: {  	s26 =	simm.s32 $0x50;
	s0 =	sadd.s32 s4, s0;
	s4 =	sadd.s32 s15, s22  }
0x11: {  	s7 =	sadd.s32 s15, s25;
	s8 =	sadd.s32 $0x2800, s5;
	s9 =	sadd.s32 $0x5000, s5  }
0x12: {  	s10 =	sadd.s32 $0x7800, s5;
	s11 =	sadd.s32 $0xA000, s5;
	s12 =	sadd.s32 $0xC800, s5  }
0x13: {  	s13 =	sadd.s32 $0xF000, s5;
	s14 =	sadd.s32 $0x11800, s5;
	s22 =	sadd.s32 $0xF00, s30  }
0x14: {  	s25 =	simm.s32 $0x1;
	s6 =	sadd.s32 $0x500, s7;
	s7 =	sadd.s32 $0x3E00, s29  }
0x15: {  	v0 =	vimm.f32 $0.0e+00;
	s15 =	sadd.s32 $0x395E00, s0;
	s17 =	sadd.s32 $0x7800, s4;
	s0 =	simm.s32 $0x0  }
.LBB2_1:
0x16: {  	[tilespmem:s19], [sflag:$0x1] =	stream.linear.gather [hbm4b:s4+s2], $0x2800, $0x38;
	[tilespmem:$0x12000] =	vst v63  }
0x17: {  	_ = 	snop  }
0x18: {  	[tilespmem:s20], [sflag:$0x2] =	stream.linear.gather [hbm4b:s6+s2], $0x2800, $0x38;
	[tilespmem:$0x12000] =	vst v63  }
0x19: {  	s3 =	simm.s32 $0x80;
	s18 =	simm.s32 $0x400  }
0x1a: {  	[tilespmem:s2], [sflag:$0x3] =	stream.strided.gather [hbm4b:s7+s3], $0x800, s18, s3, $0x38;
	[tilespmem:$0x12000] =	vst v63  }
0x1b: {  	_ =	swait.ge [sflag:s23], $0x800  }
0x1c: {  	[sflag:s23] =	ssyncset.done $0x0  }
0x1d: {  	s18 =	simm.s32 $0x200;
	s3 =	simm.s32 $0x0;
	[sflag:s23] =	ssyncadd.s32 $0xFFFFF800  }
.LBB2_2:
0x1e: {  	p0 =	sne.s32 s18, $0x9E00;
	[tilespmem:s3+$0x5830] =	vst v0;
	s21 =	smov.u32 s18;
	s18 =	sadd.s32 $0x200, s18  }
.Ltmp0:
0x1f: {  	[tilespmem:s3+$0x5820] =	vst v0;
	(pc) =	sbr.rel @p0 .LBB2_2-.Ltmp0, $3  }
0x20: {  	[tilespmem:s3+$0x5800] =	vst v0  }
0x21: {  	[tilespmem:s3+$0x5810] =	vst v0;
	_ =	sdelay $0x1  }
0x22: {  	s3 =	sshra.s32 s21, $0x2  }
0x23: {  	[tilespmem:s3+$0x5830] =	vst v0  }
0x24: {  	[tilespmem:s3+$0x5820] =	vst v0  }
0x25: {  	[tilespmem:s3+$0x5800] =	vst v0  }
0x26: {  	[tilespmem:s3+$0x5810] =	vst v0  }
0x27: {  	[spmem:s5] =	stream.linear.scatter [tilespmem:s24], [sflag:$0x3], $0x2800, $0x38;
	[tilespmem:$0x12000] =	vst v63  }
0x28: {  	_ =	swait.ge [sflag:s23], $0x2800  }
0x29: {  	[sflag:s23] =	ssyncset.done $0x0  }
0x2a: {  	[sflag:s23] =	ssyncadd.s32 $0xFFFFD800  }
0x2b: {  	[spmem:s8] =	stream.linear.scatter [tilespmem:s24], [sflag:$0x3], $0x2800, $0x38;
	[tilespmem:$0x12000] =	vst v63  }
0x2c: {  	_ =	swait.ge [sflag:s23], $0x2800  }
0x2d: {  	[sflag:s23] =	ssyncset.done $0x0  }
0x2e: {  	[sflag:s23] =	ssyncadd.s32 $0xFFFFD800  }
0x2f: {  	[spmem:s9] =	stream.linear.scatter [tilespmem:s24], [sflag:$0x3], $0x2800, $0x38;
	[tilespmem:$0x12000] =	vst v63  }
0x30: {  	_ =	swait.ge [sflag:s23], $0x2800  }
0x31: {  	[sflag:s23] =	ssyncset.done $0x0  }
0x32: {  	[sflag:s23] =	ssyncadd.s32 $0xFFFFD800  }
0x33: {  	[spmem:s10] =	stream.linear.scatter [tilespmem:s24], [sflag:$0x3], $0x2800, $0x38;
	[tilespmem:$0x12000] =	vst v63  }
0x34: {  	_ =	swait.ge [sflag:s23], $0x2800  }
0x35: {  	[sflag:s23] =	ssyncset.done $0x0  }
0x36: {  	[sflag:s23] =	ssyncadd.s32 $0xFFFFD800  }
0x37: {  	[spmem:s11] =	stream.linear.scatter [tilespmem:s24], [sflag:$0x3], $0x2800, $0x38;
	[tilespmem:$0x12000] =	vst v63  }
0x38: {  	_ =	swait.ge [sflag:s23], $0x2800  }
0x39: {  	[sflag:s23] =	ssyncset.done $0x0  }
0x3a: {  	[sflag:s23] =	ssyncadd.s32 $0xFFFFD800  }
0x3b: {  	[spmem:s12] =	stream.linear.scatter [tilespmem:s24], [sflag:$0x3], $0x2800, $0x38;
	[tilespmem:$0x12000] =	vst v63  }
0x3c: {  	_ =	swait.ge [sflag:s23], $0x2800  }
0x3d: {  	[sflag:s23] =	ssyncset.done $0x0  }
0x3e: {  	[sflag:s23] =	ssyncadd.s32 $0xFFFFD800  }
0x3f: {  	[spmem:s13] =	stream.linear.scatter [tilespmem:s24], [sflag:$0x3], $0x2800, $0x38;
	[tilespmem:$0x12000] =	vst v63  }
0x40: {  	_ =	swait.ge [sflag:s23], $0x2800  }
0x41: {  	[sflag:s23] =	ssyncset.done $0x0  }
0x42: {  	[sflag:s23] =	ssyncadd.s32 $0xFFFFD800  }
0x43: {  	[spmem:s14] =	stream.linear.scatter [tilespmem:s24], [sflag:$0x3], $0x2800, $0x38;
	[tilespmem:$0x12000] =	vst v63  }
0x44: {  	_ =	swait.ge [sflag:s23], $0x2800  }
0x45: {  	[sflag:s23] =	ssyncset.done $0x0  }
0x46: {  	[sflag:s23] =	ssyncadd.s32 $0xFFFFD800  }
0x47: {  	[bflag:$0x0] =	sbarrier.arrive $0xFFFF  }
0x48: {  	_ =	swait.ge [sflag:s25], $0x2800  }
0x49: {  	[sflag:s25] =	ssyncset.done $0x0  }
0x4a: {  	s21 =	simm.s32 $0x0;
	[sflag:s25] =	ssyncadd.s32 $0xFFFFD800  }
0x4b: {  	[spmem:s1] =	stream.indirect.scatter.add.f32 [tilespmem:s19], [sflag:$0x3], $0x40, s21, s26, $0xb8;
	[tilespmem:$0x12000] =	vst v63  }
0x4c: {  	_ =	swait.ge [sflag:s23], $0x1400  }
0x4d: {  	[sflag:s23] =	ssyncset.done $0x0  }
0x4e: {  	s29 =	sadd.s32 $0xFFFFFB00, s22;
	[sflag:s23] =	ssyncadd.s32 $0xFFFFEC00  }
0x4f: {  	[tilespmem:s19], [sflag:$0x1] =	stream.linear.gather [hbm4b:s29+s2], $0x2800, $0x38;
	[tilespmem:$0x12000] =	vst v63  }
0x50: {  	_ =	swait.ge [sflag:s28], $0x2800  }
0x51: {  	[sflag:s28] =	ssyncset.done $0x0  }
0x52: {  	s30 =	simm.s32 $0x50;
	[sflag:s28] =	ssyncadd.s32 $0xFFFFD800  }
0x53: {  	[spmem:s1] =	stream.indirect.scatter.add.f32 [tilespmem:s20], [sflag:$0x3], $0x40, s30, s26, $0xb8;
	[tilespmem:$0x12000] =	vst v63  }
0x54: {  	_ =	swait.ge [sflag:s23], $0x1400  }
0x55: {  	s3 =	simm.s32 $0x280;
	[sflag:s23] =	ssyncset.done $0x0  }
0x56: {  	s18 =	smov.u32 s22;
	s21 =	sadd.s32 $0xA00, s22;
	[sflag:s23] =	ssyncadd.s32 $0xFFFFEC00  }
.LBB2_4:
0x57: {  	[tilespmem:s20], [sflag:$0x2] =	stream.linear.gather [hbm4b:s18+s2], $0x2800, $0x38;
	[tilespmem:$0x12000] =	vst v63  }
0x58: {  	s29 =	smov.u32 s3;
	s18 =	smov.u32 s21  }
0x59: {  	p0 =	sne.s32 s3, $0x1900;
	s3 =	sadd.s32 $0x280, s3;
	_ =	swait.ge [sflag:s25], $0x2800  }
0x5a: {  	[sflag:s25] =	ssyncset.done $0x0  }
0x5b: {  	s29 =	sshra.s32 s29, $0x2;
	[sflag:s25] =	ssyncadd.s32 $0xFFFFD800  }
0x5c: {  	[spmem:s1] =	stream.indirect.scatter.add.f32 [tilespmem:s19], [sflag:$0x3], $0x40, s29, s26, $0xb8;
	[tilespmem:$0x12000] =	vst v63  }
0x5d: {  	_ =	swait.ge [sflag:s23], $0x1400  }
0x5e: {  	[sflag:s23] =	ssyncset.done $0x0  }
0x5f: {  	s30 =	sadd.s32 $0xFFFFFB00, s21;
	[sflag:s23] =	ssyncadd.s32 $0xFFFFEC00  }
0x60: {  	[tilespmem:s19], [sflag:$0x1] =	stream.linear.gather [hbm4b:s30+s2], $0x2800, $0x38;
	[tilespmem:$0x12000] =	vst v63  }
0x61: {  	_ =	swait.ge [sflag:s28], $0x2800  }
0x62: {  	[sflag:s28] =	ssyncset.done $0x0  }
.Ltmp1:
0x63: {  	s29 =	sadd.s32 $0x50, s29;
	[sflag:s28] =	ssyncadd.s32 $0xFFFFD800;
	(pc) =	sbr.rel @p0 .LBB2_4-.Ltmp1, $4  }
0x64: {  	[spmem:s1] =	stream.indirect.scatter.add.f32 [tilespmem:s20], [sflag:$0x3], $0x40, s29, s26, $0xb8;
	[tilespmem:$0x12000] =	vst v63  }
0x65: {  	_ =	swait.ge [sflag:s23], $0x1400  }
0x66: {  	[sflag:s23] =	ssyncset.done $0x0  }
0x67: {  	s21 =	sadd.s32 $0xA00, s21;
	[sflag:s23] =	ssyncadd.s32 $0xFFFFEC00  }
0x68: {  	[tilespmem:s20], [sflag:$0x2] =	stream.linear.gather [hbm4b:s18+s2], $0x2800, $0x38;
	[tilespmem:$0x12000] =	vst v63  }
0x69: {  	_ =	swait.ge [sflag:s25], $0x2800  }
0x6a: {  	[sflag:s25] =	ssyncset.done $0x0  }
0x6b: {  	s3 =	simm.s32 $0x6E0;
	[sflag:s25] =	ssyncadd.s32 $0xFFFFD800  }
0x6c: {  	[spmem:s1] =	stream.indirect.scatter.add.f32 [tilespmem:s19], [sflag:$0x3], $0x40, s3, s26, $0xb8;
	[tilespmem:$0x12000] =	vst v63  }
0x6d: {  	_ =	swait.ge [sflag:s23], $0x1400  }
0x6e: {  	[sflag:s23] =	ssyncset.done $0x0  }
0x6f: {  	[sflag:s23] =	ssyncadd.s32 $0xFFFFEC00  }
0x70: {  	[tilespmem:s19], [sflag:$0x1] =	stream.linear.gather [hbm4b:s17+s2], $0x2800, $0x38;
	[tilespmem:$0x12000] =	vst v63  }
0x71: {  	_ =	swait.ge [sflag:s28], $0x2800  }
0x72: {  	[sflag:s28] =	ssyncset.done $0x0  }
0x73: {  	s21 =	simm.s32 $0x730;
	[sflag:s28] =	ssyncadd.s32 $0xFFFFD800  }
0x74: {  	[spmem:s1] =	stream.indirect.scatter.add.f32 [tilespmem:s20], [sflag:$0x3], $0x40, s21, s26, $0xb8;
	[tilespmem:$0x12000] =	vst v63  }
0x75: {  	_ =	swait.ge [sflag:s23], $0x1400  }
0x76: {  	[sflag:s23] =	ssyncset.done $0x0  }
0x77: {  	[sflag:s23] =	ssyncadd.s32 $0xFFFFEC00  }
0x78: {  	[tilespmem:s20], [sflag:$0x2] =	stream.linear.gather [hbm4b:s17+s2], $0x2800, $0x38;
	[tilespmem:$0x12000] =	vst v63  }
0x79: {  	_ =	swait.ge [sflag:s25], $0x2800  }
0x7a: {  	[sflag:s25] =	ssyncset.done $0x0  }
0x7b: {  	[sflag:s25] =	ssyncadd.s32 $0xFFFFD800  }
0x7c: {  	[spmem:s1] =	stream.indirect.scatter.add.f32 [tilespmem:s19], [sflag:$0x3], $0x40, s31, s26, $0xb8;
	[tilespmem:$0x12000] =	vst v63  }
0x7d: {  	_ =	swait.ge [sflag:s23], $0x1400  }
0x7e: {  	[sflag:s23] =	ssyncset.done $0x0  }
0x7f: {  	[sflag:s23] =	ssyncadd.s32 $0xFFFFEC00  }
0x80: {  	s29 =	stileid.u32;
	_ =	swait.ge [sflag:s28], $0x2800  }
0x81: {  	s30 =	sshrl.u32 s5, $0x3;
	s0 =	sadd.s32 $0x1, s0;
	[sflag:s28] =	ssyncset.done $0x0  }
0x82: {  	p0 =	sne.s32 s0, s16;
	s3 =	sshll.u32 s29, $0x6;
	[sflag:s28] =	ssyncadd.s32 $0xFFFFD800  }
.Ltmp2:
0x83: {  	s3 =	sor.u32 $0x1C03, s3;
	[bflag:$0x0] =	sbarrier.arrive $0xFFFF;
	(pc) =	sbr.rel @p0 .LBB2_1-.Ltmp2, $4  }
0x84: {  	[hbm:s15], [sflag:s3] =	dma.local [spmem:s30], $0x2800  }
0x85: {  	_ =	swait.ge [sflag:s23], $0x2800  }
0x86: {  	[sflag:s23] =	ssyncset.done $0x0  }
0x87: {  	[sflag:s23] =	ssyncadd.s32 $0xFFFFD800  }
0x88: {  	_ =	sfence.sel $0x180000  }
0x89: {  	[bflag:$0x0] =	sbarrier.arrive $0xFFFF  }
0x8a: {  	_ =	strace $0x9000004D  }
0x8b: {  	s0 =	stileid.u32;
	[bflag:$0x2] =	sbarrier.arrive $0xFFFF  }
0x8c: {  	p0 =	sne.s32 s0, $0x0;
	s0 =	rddreg [dreg:$0x2]  }
0x8d: {  	s0 =	sadd.s32 @!p0 $0x100000, s0  }
0x8e: {  	[sflag:s0] =	ssyncadd.tile.s32 @!p0 $0x1;
	_ =	shalt  }
.Lfunc_end2:
_tile_overlayer_lowered:
.L_overlay_start_2:
0x8f: {  	(tag) =	ssettag $0x2  }
0x90: {  	s0 =	rddreg [dreg:$0x0];
	s2 =	stileid.u32  }
0x91: {  	s1 =	rddreg [dreg:$0x1];
	p0 =	sne.s32 s2, $0x0  }
0x92: {  	s3 =	rddreg [dreg:$0x2];
	[bflag:$0x3] =	sbarrier.arrive $0xFFFF;
	s2 =	simm.s32 @!p0 $0x1C03  }
0x93: {  	[timem:s3], [sflag:s2] =	dma.local @!p0 [hbm:s0], s1  }
0x94: {  	s0 =	simm.s32 @!p0 $0x3  }
0x95: {  	_ =	swait.ge @!p0 [sflag:s0], s1  }
0x96: {  	s1 =	ssub.s32 @!p0 $0x0, s1;
	[sflag:s0] =	ssyncset.done @!p0 $0x0  }
0x97: {  	[sflag:s0] =	ssyncadd.s32 @!p0 s1  }
0x98: {  	[bflag:$0x3] =	sbarrier.arrive $0xFFFF  }
0x99: {  	_ =	shalt  }

// kernel: kernel.22.cloned.1.call-start
scs
__scs_entry_jumppad:
0x0: {  	(pc) =	sbr.rel $0x88, $3  }
0x1: {  	(tag) =	ssettag $0x0;
	lr =	simm.s32 $0x1  }
0x2: {  	[smem:$0x3F9B] =	sst lr;
	_ =	strace $0xD0000000  }
0x3: {  	_ = 	snop  }
0x4: {  	_ = 	snop  }
0x5: {  	_ = 	snop  }
0x6: {  	_ = 	snop  }
0x7: {  	_ = 	snop  }
__scs_overlays_trampoline_lowered:
0x8: {  	[smem:$0x3FAA] =	sst s0  }
0x9: {  	[smem:$0x3FAB] =	sst s1  }
0xa: {  	[smem:$0x3FAC] =	sst s2  }
0xb: {  	[smem:$0x3FAD] =	sst s3  }
0xc: {  	[smem:$0x3FAE] =	sst s4  }
0xd: {  	[smem:$0x3FAF] =	sst s5  }
0xe: {  	[smem:$0x3FB0] =	sst s6  }
0xf: {  	[smem:$0x3FB1] =	sst s7  }
0x10: {  	[smem:$0x3FB2] =	sst s8  }
0x11: {  	[smem:$0x3FB3] =	sst s9;
	s0 =	simm.s32 @!p0 $0x0  }
0x12: {  	s1 =	sld [smem:$0x3F99];
	s0 =	simm.s32 @p0 $0x1  }
0x13: {  	[smem:$0x3FB4] =	sst s0;
	s0 =	simm.s32 @!p1 $0x0  }
0x14: {  	s2 =	sld [smem:$0x3F98];
	s0 =	simm.s32 @p1 $0x1  }
0x15: {  	[smem:$0x3FB5] =	sst s0;
	s0 =	simm.s32 @!p2 $0x0  }
0x16: {  	s3 =	sld [smem:$0x3FDB];
	s0 =	simm.s32 @p2 $0x1  }
0x17: {  	s4 =	simm.s32 $0x1BF5;
	[smem:$0x3FB7] =	sst s0  }
0x18: {  	s0 =	sld [smem:$0x3F9A];
	_ =	swait.ge [sflag:s4], $0x0  }
0x19: {  	s7 =	sld [smem:$0x3F9B]  }
0x1a: {  	s8 =	sadd.s32 $0xFFFFE003, lr  }
0x1b: {  	s9 =	sadd.s32 $0xFFFFFEF7, lr;
	s5 =	simm.s32 $0xFFFFFFFF;
	p2 =	slt.u32 s8, $0xFFFFF086  }
0x1c: {  	p1 =	slt.u32 s9, $0xF7A;
	s5 =	simm.s32 @!p2 $0x0  }
0x1d: {  	s5 =	simm.s32 @p1 $0x1;
	p0 =	seq.s32 s7, s2  }
0x1e: {  	s7 =	smul.u32 @!p0 $0xF7A, s2;
	p2 =	seq.s32 @!p0 s5, $0x0  }
0x1f: {  	s9 =	smul.u32 $0xF7A, s1;
	s8 =	simm.s32 @!p0 $0x1BF5;
	p2 =	por !p2, p0  }
0x20: {  	[sflag:s8] =	ssyncset.s32 @!p0 $0xFFFFF086;
	s6 =	sadd.s32 @!p0 s3, s7;
	s7 =	simm.s32 @!p0 $0x108  }
0x21: {  	s3 =	sadd.s32 s3, s9;
	s6 =	sadd.s32 @!p0 $0x88, s6;
	s7 =	simm.s32 @p2 $0x1082  }
0x22: {  	[simem:s7], [sflag:s8] =	dma.local @!p0 [hbm:s6], $0xF7A  }
0x23: {  	s9 =	sor.u32 $0xD0000000, s2;
	s6 =	simm.s32 $0x108;
	_ =	swait.ge @!p0 [sflag:s8], $0x0  }
0x24: {  	s3 =	sadd.s32 $0x88, s3;
	s6 =	simm.s32 @!p1 $0x1082;
	[sflag:s4] =	ssyncset.s32 $0xFFFFF086  }
0x25: {  	[simem:s6], [sflag:s4] =	dma.local [hbm:s3], $0xF7A  }
0x26: {  	[smem:$0x3F9B] =	sst s1;
	(tag) =	ssettag s2;
	_ =	strace s9  }
0x27: {  	s1 =	sld [smem:$0x3FAB]  }
0x28: {  	s2 =	sld [smem:$0x3FAC]  }
0x29: {  	s4 =	sld [smem:$0x3FAE]  }
0x2a: {  	p0 =	seq.s32 s5, $0x0;
	s5 =	sld [smem:$0x3FAF]  }
0x2b: {  	s6 =	sld [smem:$0x3FB0]  }
0x2c: {  	s7 =	sld [smem:$0x3FB1]  }
0x2d: {  	s3 =	simm.s32 $0x108;
	s8 =	sld [smem:$0x3FB2]  }
0x2e: {  	s3 =	simm.s32 @!p0 $0x1082;
	s9 =	sld [smem:$0x3FB3]  }
0x2f: {  	lr =	sadd.s32 s0, s3;
	s0 =	sld [smem:$0x3FAA]  }
0x30: {  	s3 =	sld [smem:$0x3FAD]  }
0x31: {  	[smem:$0x3FB6] =	sst s10  }
0x32: {  	s10 =	sld [smem:$0x3FB4];
	_ =	sdelay $0x3  }
0x33: {  	p0 =	seq.s32 s10, $0x1;
	s10 =	sld [smem:$0x3FB6];
	_ =	sdelay $0x3  }
0x34: {  	[smem:$0x3FB6] =	sst s10  }
0x35: {  	s10 =	sld [smem:$0x3FB5];
	_ =	sdelay $0x3  }
0x36: {  	p1 =	seq.s32 s10, $0x1;
	s10 =	sld [smem:$0x3FB6];
	_ =	sdelay $0x3  }
0x37: {  	[smem:$0x3FB6] =	sst s10  }
0x38: {  	s10 =	sld [smem:$0x3FB7]  }
0x39: {  	_ = 	snop;
	(pc) =	sbr.ind lr, $3  }
0x3a: {  	_ = 	snop  }
0x3b: {  	_ = 	snop  }
0x3c: {  	p2 =	seq.s32 s10, $0x1;
	s10 =	sld [smem:$0x3FB6]  }
0x3d: {  	_ =	shalt  }
0x3e: {  	_ =	shalt  }
0x3f: {  	_ =	shalt  }
0x40: {  	_ =	shalt  }
0x41: {  	_ =	shalt  }
0x42: {  	_ =	shalt  }
0x43: {  	_ =	shalt  }
0x44: {  	_ =	shalt  }
0x45: {  	_ =	shalt  }
0x46: {  	_ =	shalt  }
0x47: {  	_ =	shalt  }
0x48: {  	_ =	shalt  }
0x49: {  	_ =	shalt  }
0x4a: {  	_ =	shalt  }
0x4b: {  	_ =	shalt  }
0x4c: {  	_ =	shalt  }
0x4d: {  	_ =	shalt  }
0x4e: {  	_ =	shalt  }
0x4f: {  	_ =	shalt  }
0x50: {  	_ =	shalt  }
0x51: {  	_ =	shalt  }
0x52: {  	_ =	shalt  }
0x53: {  	_ =	shalt  }
0x54: {  	_ =	shalt  }
0x55: {  	_ =	shalt  }
0x56: {  	_ =	shalt  }
0x57: {  	_ =	shalt  }
0x58: {  	_ =	shalt  }
0x59: {  	_ =	shalt  }
0x5a: {  	_ =	shalt  }
0x5b: {  	_ =	shalt  }
0x5c: {  	_ =	shalt  }
0x5d: {  	_ =	shalt  }
0x5e: {  	_ =	shalt  }
0x5f: {  	_ =	shalt  }
0x60: {  	_ =	shalt  }
0x61: {  	_ =	shalt  }
0x62: {  	_ =	shalt  }
0x63: {  	_ =	shalt  }
0x64: {  	_ =	shalt  }
0x65: {  	_ =	shalt  }
0x66: {  	_ =	shalt  }
0x67: {  	_ =	shalt  }
0x68: {  	_ =	shalt  }
0x69: {  	_ =	shalt  }
0x6a: {  	_ =	shalt  }
0x6b: {  	_ =	shalt  }
0x6c: {  	_ =	shalt  }
0x6d: {  	_ =	shalt  }
0x6e: {  	_ =	shalt  }
0x6f: {  	_ =	shalt  }
0x70: {  	_ =	shalt  }
0x71: {  	_ =	shalt  }
0x72: {  	_ =	shalt  }
0x73: {  	_ =	shalt  }
0x74: {  	_ =	shalt  }
0x75: {  	_ =	shalt  }
0x76: {  	_ =	shalt  }
0x77: {  	_ =	shalt  }
0x78: {  	_ =	shalt  }
0x79: {  	_ =	shalt  }
0x7a: {  	_ =	shalt  }
0x7b: {  	_ =	shalt  }
0x7c: {  	_ =	shalt  }
0x7d: {  	_ =	shalt  }
0x7e: {  	_ =	shalt  }
0x7f: {  	_ =	shalt  }
0x80: {  	_ =	shalt  }
0x81: {  	_ =	shalt  }
0x82: {  	_ =	shalt  }
0x83: {  	_ =	shalt  }
0x84: {  	_ =	shalt  }
0x85: {  	_ =	shalt  }
0x86: {  	_ =	shalt  }
0x87: {  	_ =	shalt  }
.Lfunc_end0:
.L_simem_size_0:
called_computation.3_lowered:
.L_overlay_start_0:
0x88: {  	s2 =	sld [smem:$0x3FD9]  }
0x89: {  	s3 =	sld [smem:$0x3FFE];
	_ =	sdelay $0x1  }
0x8a: {  	s1 =	srdreg.scid  }
0x8b: {  	s0 =	sand.u32 $0x1, s1  }
0x8c: {  	s17 =	sshll.u32 s0, $0xA;
	s2 =	sadd.s32 s3, s2  }
0x8d: {  	s2 =	sadd.s32 s2, s17  }
0x8e: {  	[smem:$0x3FC2] =	sst s2  }
0x8f: {  	_ = 	snop  }
0x90: {  	(tm) =	ssettm $0x1  }
0x91: {  	s18 =	sld [smem:$0x3FFB];
	_ =	sdelay $0x3  }
0x92: {  	_ =	strace s18  }
0x93: {  	s2 =	sld [smem:$0x3FFC];
	_ =	sdelay $0x3  }
0x94: {  	_ =	strace s2  }
0x95: {  	s2 =	sld [smem:$0x3FFD];
	_ =	sdelay $0x3  }
0x96: {  	_ =	strace s2  }
0x97: {  	_ =	strace $0x8FFFFFFF  }
0x98: {  	s19 =	sld [smem:$0x3FDB];
	_ =	sdelay $0x1  }
0x99: {  	s20 =	simm.s32 $_scs_section_size  }
0x9a: {  	s4 =	simm.s32 $_size__tile_overlayer_lowered;
	s5 =	simm.s32 $_tile_overlayer_lowered  }
0x9b: {  	s6 =	simm.s32 $0x1BFF;
	s21 =	sshll.u32 s5, $0x1;
	s3 =	sadd.s32 s20, s19  }
0x9c: {  	s22 =	simm.s32 $0x0;
	s4 =	sshll.u32 s4, $0x1;
	s5 =	sadd.s32 s21, s3  }
0x9d: {  	[timem:s22], [sflag:s6] =	dma.local [hbm:s5], s4  }
0x9e: {  	_ =	swait.ge [sflag:s6], s4  }
0x9f: {  	s4 =	ssub.s32 $0x0, s4;
	[sflag:s6] =	ssyncset.done $0x0  }
0xa0: {  	[sflag:s6] =	ssyncadd.s32 s4;
	_ =	sdelay $0x1  }
0xa1: {  	s23 =	simm.s32 $0x1B8B  }
0xa2: {  	_ =	swait.ge [sflag:s23], $0x1  }
0xa3: {  	[sflag:s23] =	ssyncset.done $0x0  }
0xa4: {  	[sflag:s23] =	ssyncadd.s32 $0xFFFFFFFF  }
0xa5: {  	s4 =	sld [smem:$0x0]  }
0xa6: {  	s5 =	sand.u32 $0xFFFFFFFE, s1  }
0xa7: {  	p0 =	sne.s32 s1, s5  }
0xa8: {  	s5 =	sshll.u32 @p0 s5, $0xE  }
0xa9: {  	s5 =	sadd.s32 @p0 $0x11B8D, s5;
	s6 =	sshll.u32 @p0 s4, $0x11  }
0xaa: {  	s5 =	sor.u32 @p0 s6, s5  }
0xab: {  	[sflag:s5] =	ssyncadd.remote.s32 @p0 $0x1;
	_ =	sdelay $0x1  }
0xac: {  	s5 =	simm.s32 @p0 $0x1B8D  }
0xad: {  	_ =	swait.eq @p0 [sflag:s5], $0x1  }
0xae: {  	[sflag:s5] =	ssyncadd.s32 @p0 $0xFFFFFFFF  }
0xaf: {  	s6 =	sshll.u32 @!p0 s1, $0xE  }
0xb0: {  	s6 =	sor.u32 @!p0 $0x4000, s6;
	s5 =	simm.s32 @!p0 $0x1B8D  }
0xb1: {  	s4 =	sshll.u32 @!p0 s4, $0x11;
	s6 =	sadd.s32 @!p0 $0x11B8D, s6;
	_ =	swait.eq @!p0 [sflag:s5], $0x1  }
0xb2: {  	s4 =	sor.u32 @!p0 s4, s6;
	[sflag:s5] =	ssyncadd.s32 @!p0 $0xFFFFFFFF  }
0xb3: {  	s25 =	simm.s32 $0x1B8E;
	s24 =	sld [smem:$0x3FFE];
	[sflag:s4] =	ssyncadd.remote.s32 @!p0 $0x1  }
0xb4: {  	s26 =	simm.s32 $execute0_lowered;
	[smem:$0x3FD2] =	sst s25  }
0xb5: {  	s5 =	sshll.u32 s26, $0x1;
	_ =	strace $0x80000049;
	[dreg:$0x1] =	wrdreg $0xFFFFFFFF  }
0xb6: {  	s28 =	simm.s32 $_size_execute0_lowered;
	s3 =	sadd.s32 s3, s5;
	[dreg:$0x0] =	wrdreg $0x0  }
0xb7: {  	s5 =	sshll.u32 s28, $0x1;
	[dreg:$0x2] =	wrdreg s3  }
0xb8: {  	[dreg:$0x3] =	wrdreg s5  }
0xb9: {  	[dreg:$0x4] =	wrdreg $0xC0  }
0xba: {  	_ =	task [dreg:s22], $0x5FFFF  }
0xbb: {  	[dreg:$0x1] =	wrdreg $0xFFFFFFFF  }
0xbc: {  	[dreg:$0x0] =	wrdreg $0x60  }
0xbd: {  	[dreg:$0x2] =	wrdreg s24  }
0xbe: {  	[dreg:$0x3] =	wrdreg $0x80000  }
0xbf: {  	[dreg:$0x4] =	wrdreg $0xC  }
0xc0: {  	_ =	task.clear_ibuf [dreg:s22], $0x5FFFF;
	_ =	strace $0x90000049  }
0xc1: {  	s29 =	simm.s32 $0xC;
	_ =	strace $0x8000004B  }
0xc2: {  	_ =	swait.ge [sflag:s29], $0x1  }
0xc3: {  	[sflag:s29] =	ssyncadd.s32 $0xFFFFFFFF  }
0xc4: {  	_ =	strace $0x9000004B  }
0xc5: {  	_ =	sfence  }
0xc6: {  	s30 =	sld [smem:$0x0];
	_ =	sdelay $0x2  }
0xc7: {  	s31 =	sshll.u32 s1, $0xD;
	s1 =	sshrl.u32 s1, $0x2  }
0xc8: {  	s4 =	sand.u32 $0x4000, s31;
	s1 =	sadd.s32 s1, s30  }
0xc9: {  	s0 =	sor.u32 s4, s0;
	s1 =	sshll.u32 s1, $0x11  }
0xca: {  	s0 =	sor.u32 s1, s0  }
0xcb: {  	s0 =	sadd.s32 $0x8F2B, s0  }
0xcc: {  	[sflag:s0] =	ssyncadd.remote.s32 $0x1  }
0xcd: {  	_ =	sfence.sel $0xFFFF  }
0xce: {  	[dreg:$0x0] =	wrdreg $0xFFFFFFFF;
	(pc) =	sbr.abs _section_cstart, $3  }
0xcf: {  	[dreg:$0x1] =	wrdreg $0xFFFFFFFF  }
0xd0: {  	_ =	task.clear_ibuf [dreg:s22], $0x2FFFF;
	_ =	strace $0x9FFFFFFF  }
0xd1: {  	(tm) =	ssettm $0x7FFFFFFF  }
tec
execute0_lowered:
.L_overlay_start_1:
0x0: {  	(tag) =	ssettag $0x1  }
0x1: {  	s0 =	rddreg [dreg:$0x0]  }
0x2: {  	s1 =	rddreg [dreg:$0x1]  }
0x3: {  	s2 =	simm.s32 $0x0;
	s3 =	srdreg.scid;
	s11 =	stileid.u32  }
0x4: {  	s19 =	simm.s32 $0x800;
	s20 =	simm.s32 $0x3000;
	s6 =	smul.u32 $0x14000, s11  }
0x5: {  	s28 =	simm.s32 $0x2;
	s31 =	simm.s32 $0x780;
	s10 =	smul.u32 $0x50000, s11  }
0x6: {  	[smem:$0x7FF] =	sst s2;
	s3 =	sand.u32 $0x1, s3;
	s17 =	smul.u32 $0xFA00, s11  }
0x7: {  	s5 =	sshll.u32 s11, $0x9;
	s7 =	sshll.u32 s11, $0x1;
	s4 =	smul.u32 $0x140000, s3  }
0x8: {  	s7 =	sor.u32 s3, s7;
	s8 =	ssub.s32 $0x2, s3;
	s3 =	smul.u32 $0x7D00, s3  }
0x9: {  	s15 =	sadd.s32 $0x151E00, s0;
	s5 =	sand.u32 $0x1800, s5;
	s22 =	smul.u32 $0x7D00, s7  }
0xa: {  	_ =	strace $0x8000004A;
	s5 =	sadd.s32 s5, s0;
	s9 =	smul.u32 $0x3E800, s7  }
0xb: {  	s23 =	sshrl.u32 s8, $0x1;
	s24 =	sshll.u32 s7, $0x4;
	s26 =	sshrl.u32 s10, $0x2  }
0xc: {  	s17 =	sadd.s32 s17, s15;
	s4 =	sadd.s32 s6, s4;
	s16 =	ssub.s32 s8, s23  }
0xd: {  	s6 =	sand.u32 $0x70, s24;
	s30 =	sadd.s32 s3, s17;
	s23 =	simm.s32 $0x3  }
0xe: {  	s24 =	simm.s32 $0x5800;
	s4 =	sshrl.u32 s4, $0x3;
	s25 =	sshrl.u32 s9, $0x3  }
0xf: {  	s29 =	sadd.s32 s6, s5;
	s5 =	sadd.s32 s26, s1;
	s16 =	smax.u32 s16, $0x1  }
0x10: {  	s26 =	simm.s32 $0x50;
	s0 =	sadd.s32 s4, s0;
	s4 =	sadd.s32 s15, s22  }
0x11: {  	s7 =	sadd.s32 s15, s25;
	s8 =	sadd.s32 $0x2800, s5;
	s9 =	sadd.s32 $0x5000, s5  }
0x12: {  	s10 =	sadd.s32 $0x7800, s5;
	s11 =	sadd.s32 $0xA000, s5;
	s12 =	sadd.s32 $0xC800, s5  }
0x13: {  	s13 =	sadd.s32 $0xF000, s5;
	s14 =	sadd.s32 $0x11800, s5;
	s22 =	sadd.s32 $0xF00, s30  }
0x14: {  	s25 =	simm.s32 $0x1;
	s6 =	sadd.s32 $0x500, s7;
	s7 =	sadd.s32 $0x1E00, s29  }
0x15: {  	v0 =	vimm.f32 $0.0e+00;
	s15 =	sadd.s32 $0x24BE00, s0;
	s17 =	sadd.s32 $0x7800, s4;
	s0 =	simm.s32 $0x0  }
.LBB2_1:
0x16: {  	[tilespmem:s19], [sflag:$0x1] =	stream.linear.gather [hbm4b:s4+s2], $0x2800, $0x38;
	[tilespmem:$0x12000] =	vst v63  }
0x17: {  	_ = 	snop  }
0x18: {  	[tilespmem:s20], [sflag:$0x2] =	stream.linear.gather [hbm4b:s6+s2], $0x2800, $0x38;
	[tilespmem:$0x12000] =	vst v63  }
0x19: {  	s3 =	simm.s32 $0x80;
	s18 =	simm.s32 $0x400  }
0x1a: {  	[tilespmem:s2], [sflag:$0x3] =	stream.strided.gather [hbm4b:s7+s3], $0x800, s18, s3, $0x38;
	[tilespmem:$0x12000] =	vst v63  }
0x1b: {  	_ =	swait.ge [sflag:s23], $0x800  }
0x1c: {  	[sflag:s23] =	ssyncset.done $0x0  }
0x1d: {  	s18 =	simm.s32 $0x200;
	s3 =	simm.s32 $0x0;
	[sflag:s23] =	ssyncadd.s32 $0xFFFFF800  }
.LBB2_2:
0x1e: {  	p0 =	sne.s32 s18, $0x9E00;
	[tilespmem:s3+$0x5830] =	vst v0;
	s21 =	smov.u32 s18;
	s18 =	sadd.s32 $0x200, s18  }
.Ltmp0:
0x1f: {  	[tilespmem:s3+$0x5820] =	vst v0;
	(pc) =	sbr.rel @p0 .LBB2_2-.Ltmp0, $3  }
0x20: {  	[tilespmem:s3+$0x5800] =	vst v0  }
0x21: {  	[tilespmem:s3+$0x5810] =	vst v0;
	_ =	sdelay $0x1  }
0x22: {  	s3 =	sshra.s32 s21, $0x2  }
0x23: {  	[tilespmem:s3+$0x5830] =	vst v0  }
0x24: {  	[tilespmem:s3+$0x5820] =	vst v0  }
0x25: {  	[tilespmem:s3+$0x5800] =	vst v0  }
0x26: {  	[tilespmem:s3+$0x5810] =	vst v0  }
0x27: {  	[spmem:s5] =	stream.linear.scatter [tilespmem:s24], [sflag:$0x3], $0x2800, $0x38;
	[tilespmem:$0x12000] =	vst v63  }
0x28: {  	_ =	swait.ge [sflag:s23], $0x2800  }
0x29: {  	[sflag:s23] =	ssyncset.done $0x0  }
0x2a: {  	[sflag:s23] =	ssyncadd.s32 $0xFFFFD800  }
0x2b: {  	[spmem:s8] =	stream.linear.scatter [tilespmem:s24], [sflag:$0x3], $0x2800, $0x38;
	[tilespmem:$0x12000] =	vst v63  }
0x2c: {  	_ =	swait.ge [sflag:s23], $0x2800  }
0x2d: {  	[sflag:s23] =	ssyncset.done $0x0  }
0x2e: {  	[sflag:s23] =	ssyncadd.s32 $0xFFFFD800  }
0x2f: {  	[spmem:s9] =	stream.linear.scatter [tilespmem:s24], [sflag:$0x3], $0x2800, $0x38;
	[tilespmem:$0x12000] =	vst v63  }
0x30: {  	_ =	swait.ge [sflag:s23], $0x2800  }
0x31: {  	[sflag:s23] =	ssyncset.done $0x0  }
0x32: {  	[sflag:s23] =	ssyncadd.s32 $0xFFFFD800  }
0x33: {  	[spmem:s10] =	stream.linear.scatter [tilespmem:s24], [sflag:$0x3], $0x2800, $0x38;
	[tilespmem:$0x12000] =	vst v63  }
0x34: {  	_ =	swait.ge [sflag:s23], $0x2800  }
0x35: {  	[sflag:s23] =	ssyncset.done $0x0  }
0x36: {  	[sflag:s23] =	ssyncadd.s32 $0xFFFFD800  }
0x37: {  	[spmem:s11] =	stream.linear.scatter [tilespmem:s24], [sflag:$0x3], $0x2800, $0x38;
	[tilespmem:$0x12000] =	vst v63  }
0x38: {  	_ =	swait.ge [sflag:s23], $0x2800  }
0x39: {  	[sflag:s23] =	ssyncset.done $0x0  }
0x3a: {  	[sflag:s23] =	ssyncadd.s32 $0xFFFFD800  }
0x3b: {  	[spmem:s12] =	stream.linear.scatter [tilespmem:s24], [sflag:$0x3], $0x2800, $0x38;
	[tilespmem:$0x12000] =	vst v63  }
0x3c: {  	_ =	swait.ge [sflag:s23], $0x2800  }
0x3d: {  	[sflag:s23] =	ssyncset.done $0x0  }
0x3e: {  	[sflag:s23] =	ssyncadd.s32 $0xFFFFD800  }
0x3f: {  	[spmem:s13] =	stream.linear.scatter [tilespmem:s24], [sflag:$0x3], $0x2800, $0x38;
	[tilespmem:$0x12000] =	vst v63  }
0x40: {  	_ =	swait.ge [sflag:s23], $0x2800  }
0x41: {  	[sflag:s23] =	ssyncset.done $0x0  }
0x42: {  	[sflag:s23] =	ssyncadd.s32 $0xFFFFD800  }
0x43: {  	[spmem:s14] =	stream.linear.scatter [tilespmem:s24], [sflag:$0x3], $0x2800, $0x38;
	[tilespmem:$0x12000] =	vst v63  }
0x44: {  	_ =	swait.ge [sflag:s23], $0x2800  }
0x45: {  	[sflag:s23] =	ssyncset.done $0x0  }
0x46: {  	[sflag:s23] =	ssyncadd.s32 $0xFFFFD800  }
0x47: {  	[bflag:$0x0] =	sbarrier.arrive $0xFFFF  }
0x48: {  	_ =	swait.ge [sflag:s25], $0x2800  }
0x49: {  	[sflag:s25] =	ssyncset.done $0x0  }
0x4a: {  	s21 =	simm.s32 $0x0;
	[sflag:s25] =	ssyncadd.s32 $0xFFFFD800  }
0x4b: {  	[spmem:s1] =	stream.indirect.scatter.add.f32 [tilespmem:s19], [sflag:$0x3], $0x40, s21, s26, $0xb8;
	[tilespmem:$0x12000] =	vst v63  }
0x4c: {  	_ =	swait.ge [sflag:s23], $0x1400  }
0x4d: {  	[sflag:s23] =	ssyncset.done $0x0  }
0x4e: {  	s29 =	sadd.s32 $0xFFFFFB00, s22;
	[sflag:s23] =	ssyncadd.s32 $0xFFFFEC00  }
0x4f: {  	[tilespmem:s19], [sflag:$0x1] =	stream.linear.gather [hbm4b:s29+s2], $0x2800, $0x38;
	[tilespmem:$0x12000] =	vst v63  }
0x50: {  	_ =	swait.ge [sflag:s28], $0x2800  }
0x51: {  	[sflag:s28] =	ssyncset.done $0x0  }
0x52: {  	s30 =	simm.s32 $0x50;
	[sflag:s28] =	ssyncadd.s32 $0xFFFFD800  }
0x53: {  	[spmem:s1] =	stream.indirect.scatter.add.f32 [tilespmem:s20], [sflag:$0x3], $0x40, s30, s26, $0xb8;
	[tilespmem:$0x12000] =	vst v63  }
0x54: {  	_ =	swait.ge [sflag:s23], $0x1400  }
0x55: {  	s3 =	simm.s32 $0x280;
	[sflag:s23] =	ssyncset.done $0x0  }
0x56: {  	s18 =	smov.u32 s22;
	s21 =	sadd.s32 $0xA00, s22;
	[sflag:s23] =	ssyncadd.s32 $0xFFFFEC00  }
.LBB2_4:
0x57: {  	[tilespmem:s20], [sflag:$0x2] =	stream.linear.gather [hbm4b:s18+s2], $0x2800, $0x38;
	[tilespmem:$0x12000] =	vst v63  }
0x58: {  	s29 =	smov.u32 s3;
	s18 =	smov.u32 s21  }
0x59: {  	p0 =	sne.s32 s3, $0x1900;
	s3 =	sadd.s32 $0x280, s3;
	_ =	swait.ge [sflag:s25], $0x2800  }
0x5a: {  	[sflag:s25] =	ssyncset.done $0x0  }
0x5b: {  	s29 =	sshra.s32 s29, $0x2;
	[sflag:s25] =	ssyncadd.s32 $0xFFFFD800  }
0x5c: {  	[spmem:s1] =	stream.indirect.scatter.add.f32 [tilespmem:s19], [sflag:$0x3], $0x40, s29, s26, $0xb8;
	[tilespmem:$0x12000] =	vst v63  }
0x5d: {  	_ =	swait.ge [sflag:s23], $0x1400  }
0x5e: {  	[sflag:s23] =	ssyncset.done $0x0  }
0x5f: {  	s30 =	sadd.s32 $0xFFFFFB00, s21;
	[sflag:s23] =	ssyncadd.s32 $0xFFFFEC00  }
0x60: {  	[tilespmem:s19], [sflag:$0x1] =	stream.linear.gather [hbm4b:s30+s2], $0x2800, $0x38;
	[tilespmem:$0x12000] =	vst v63  }
0x61: {  	_ =	swait.ge [sflag:s28], $0x2800  }
0x62: {  	[sflag:s28] =	ssyncset.done $0x0  }
.Ltmp1:
0x63: {  	s29 =	sadd.s32 $0x50, s29;
	[sflag:s28] =	ssyncadd.s32 $0xFFFFD800;
	(pc) =	sbr.rel @p0 .LBB2_4-.Ltmp1, $4  }
0x64: {  	[spmem:s1] =	stream.indirect.scatter.add.f32 [tilespmem:s20], [sflag:$0x3], $0x40, s29, s26, $0xb8;
	[tilespmem:$0x12000] =	vst v63  }
0x65: {  	_ =	swait.ge [sflag:s23], $0x1400  }
0x66: {  	[sflag:s23] =	ssyncset.done $0x0  }
0x67: {  	s21 =	sadd.s32 $0xA00, s21;
	[sflag:s23] =	ssyncadd.s32 $0xFFFFEC00  }
0x68: {  	[tilespmem:s20], [sflag:$0x2] =	stream.linear.gather [hbm4b:s18+s2], $0x2800, $0x38;
	[tilespmem:$0x12000] =	vst v63  }
0x69: {  	_ =	swait.ge [sflag:s25], $0x2800  }
0x6a: {  	[sflag:s25] =	ssyncset.done $0x0  }
0x6b: {  	s3 =	simm.s32 $0x6E0;
	[sflag:s25] =	ssyncadd.s32 $0xFFFFD800  }
0x6c: {  	[spmem:s1] =	stream.indirect.scatter.add.f32 [tilespmem:s19], [sflag:$0x3], $0x40, s3, s26, $0xb8;
	[tilespmem:$0x12000] =	vst v63  }
0x6d: {  	_ =	swait.ge [sflag:s23], $0x1400  }
0x6e: {  	[sflag:s23] =	ssyncset.done $0x0  }
0x6f: {  	[sflag:s23] =	ssyncadd.s32 $0xFFFFEC00  }
0x70: {  	[tilespmem:s19], [sflag:$0x1] =	stream.linear.gather [hbm4b:s17+s2], $0x2800, $0x38;
	[tilespmem:$0x12000] =	vst v63  }
0x71: {  	_ =	swait.ge [sflag:s28], $0x2800  }
0x72: {  	[sflag:s28] =	ssyncset.done $0x0  }
0x73: {  	s21 =	simm.s32 $0x730;
	[sflag:s28] =	ssyncadd.s32 $0xFFFFD800  }
0x74: {  	[spmem:s1] =	stream.indirect.scatter.add.f32 [tilespmem:s20], [sflag:$0x3], $0x40, s21, s26, $0xb8;
	[tilespmem:$0x12000] =	vst v63  }
0x75: {  	_ =	swait.ge [sflag:s23], $0x1400  }
0x76: {  	[sflag:s23] =	ssyncset.done $0x0  }
0x77: {  	[sflag:s23] =	ssyncadd.s32 $0xFFFFEC00  }
0x78: {  	[tilespmem:s20], [sflag:$0x2] =	stream.linear.gather [hbm4b:s17+s2], $0x2800, $0x38;
	[tilespmem:$0x12000] =	vst v63  }
0x79: {  	_ =	swait.ge [sflag:s25], $0x2800  }
0x7a: {  	[sflag:s25] =	ssyncset.done $0x0  }
0x7b: {  	[sflag:s25] =	ssyncadd.s32 $0xFFFFD800  }
0x7c: {  	[spmem:s1] =	stream.indirect.scatter.add.f32 [tilespmem:s19], [sflag:$0x3], $0x40, s31, s26, $0xb8;
	[tilespmem:$0x12000] =	vst v63  }
0x7d: {  	_ =	swait.ge [sflag:s23], $0x1400  }
0x7e: {  	[sflag:s23] =	ssyncset.done $0x0  }
0x7f: {  	[sflag:s23] =	ssyncadd.s32 $0xFFFFEC00  }
0x80: {  	s29 =	stileid.u32;
	_ =	swait.ge [sflag:s28], $0x2800  }
0x81: {  	s30 =	sshrl.u32 s5, $0x3;
	s0 =	sadd.s32 $0x1, s0;
	[sflag:s28] =	ssyncset.done $0x0  }
0x82: {  	p0 =	sne.s32 s0, s16;
	s3 =	sshll.u32 s29, $0x6;
	[sflag:s28] =	ssyncadd.s32 $0xFFFFD800  }
.Ltmp2:
0x83: {  	s3 =	sor.u32 $0x1C03, s3;
	[bflag:$0x0] =	sbarrier.arrive $0xFFFF;
	(pc) =	sbr.rel @p0 .LBB2_1-.Ltmp2, $4  }
0x84: {  	[hbm:s15], [sflag:s3] =	dma.local [spmem:s30], $0x2800  }
0x85: {  	_ =	swait.ge [sflag:s23], $0x2800  }
0x86: {  	[sflag:s23] =	ssyncset.done $0x0  }
0x87: {  	[sflag:s23] =	ssyncadd.s32 $0xFFFFD800  }
0x88: {  	_ =	sfence.sel $0x180000  }
0x89: {  	[bflag:$0x0] =	sbarrier.arrive $0xFFFF  }
0x8a: {  	_ =	strace $0x9000004A  }
0x8b: {  	s0 =	stileid.u32;
	[bflag:$0x2] =	sbarrier.arrive $0xFFFF  }
0x8c: {  	p0 =	sne.s32 s0, $0x0;
	s0 =	rddreg [dreg:$0x2]  }
0x8d: {  	s0 =	sadd.s32 @!p0 $0x100000, s0  }
0x8e: {  	[sflag:s0] =	ssyncadd.tile.s32 @!p0 $0x1;
	_ =	shalt  }
.Lfunc_end2:
_tile_overlayer_lowered:
.L_overlay_start_2:
0x8f: {  	(tag) =	ssettag $0x2  }
0x90: {  	s0 =	rddreg [dreg:$0x0];
	s2 =	stileid.u32  }
0x91: {  	s1 =	rddreg [dreg:$0x1];
	p0 =	sne.s32 s2, $0x0  }
0x92: {  	s3 =	rddreg [dreg:$0x2];
	[bflag:$0x3] =	sbarrier.arrive $0xFFFF;
	s2 =	simm.s32 @!p0 $0x1C03  }
0x93: {  	[timem:s3], [sflag:s2] =	dma.local @!p0 [hbm:s0], s1  }
0x94: {  	s0 =	simm.s32 @!p0 $0x3  }
0x95: {  	_ =	swait.ge @!p0 [sflag:s0], s1  }
0x96: {  	s1 =	ssub.s32 @!p0 $0x0, s1;
	[sflag:s0] =	ssyncset.done @!p0 $0x0  }
0x97: {  	[sflag:s0] =	ssyncadd.s32 @!p0 s1  }
0x98: {  	[bflag:$0x3] =	sbarrier.arrive $0xFFFF  }
0x99: {  	_ =	shalt  }

// kernel: kernel.25.cloned.1.call-start
scs
__scs_entry_jumppad:
0x0: {  	(pc) =	sbr.rel $0x88, $3  }
0x1: {  	(tag) =	ssettag $0x0;
	lr =	simm.s32 $0x1  }
0x2: {  	[smem:$0x3F9B] =	sst lr;
	_ =	strace $0xD0000000  }
0x3: {  	_ = 	snop  }
0x4: {  	_ = 	snop  }
0x5: {  	_ = 	snop  }
0x6: {  	_ = 	snop  }
0x7: {  	_ = 	snop  }
__scs_overlays_trampoline_lowered:
0x8: {  	[smem:$0x3FAA] =	sst s0  }
0x9: {  	[smem:$0x3FAB] =	sst s1  }
0xa: {  	[smem:$0x3FAC] =	sst s2  }
0xb: {  	[smem:$0x3FAD] =	sst s3  }
0xc: {  	[smem:$0x3FAE] =	sst s4  }
0xd: {  	[smem:$0x3FAF] =	sst s5  }
0xe: {  	[smem:$0x3FB0] =	sst s6  }
0xf: {  	[smem:$0x3FB1] =	sst s7  }
0x10: {  	[smem:$0x3FB2] =	sst s8  }
0x11: {  	[smem:$0x3FB3] =	sst s9;
	s0 =	simm.s32 @!p0 $0x0  }
0x12: {  	s1 =	sld [smem:$0x3F99];
	s0 =	simm.s32 @p0 $0x1  }
0x13: {  	[smem:$0x3FB4] =	sst s0;
	s0 =	simm.s32 @!p1 $0x0  }
0x14: {  	s2 =	sld [smem:$0x3F98];
	s0 =	simm.s32 @p1 $0x1  }
0x15: {  	[smem:$0x3FB5] =	sst s0;
	s0 =	simm.s32 @!p2 $0x0  }
0x16: {  	s3 =	sld [smem:$0x3FDB];
	s0 =	simm.s32 @p2 $0x1  }
0x17: {  	s4 =	simm.s32 $0x1BF5;
	[smem:$0x3FB7] =	sst s0  }
0x18: {  	s0 =	sld [smem:$0x3F9A];
	_ =	swait.ge [sflag:s4], $0x0  }
0x19: {  	s7 =	sld [smem:$0x3F9B]  }
0x1a: {  	s8 =	sadd.s32 $0xFFFFE003, lr  }
0x1b: {  	s9 =	sadd.s32 $0xFFFFFEF7, lr;
	s5 =	simm.s32 $0xFFFFFFFF;
	p2 =	slt.u32 s8, $0xFFFFF086  }
0x1c: {  	p1 =	slt.u32 s9, $0xF7A;
	s5 =	simm.s32 @!p2 $0x0  }
0x1d: {  	s5 =	simm.s32 @p1 $0x1;
	p0 =	seq.s32 s7, s2  }
0x1e: {  	s7 =	smul.u32 @!p0 $0xF7A, s2;
	p2 =	seq.s32 @!p0 s5, $0x0  }
0x1f: {  	s9 =	smul.u32 $0xF7A, s1;
	s8 =	simm.s32 @!p0 $0x1BF5;
	p2 =	por !p2, p0  }
0x20: {  	[sflag:s8] =	ssyncset.s32 @!p0 $0xFFFFF086;
	s6 =	sadd.s32 @!p0 s3, s7;
	s7 =	simm.s32 @!p0 $0x108  }
0x21: {  	s3 =	sadd.s32 s3, s9;
	s6 =	sadd.s32 @!p0 $0x88, s6;
	s7 =	simm.s32 @p2 $0x1082  }
0x22: {  	[simem:s7], [sflag:s8] =	dma.local @!p0 [hbm:s6], $0xF7A  }
0x23: {  	s9 =	sor.u32 $0xD0000000, s2;
	s6 =	simm.s32 $0x108;
	_ =	swait.ge @!p0 [sflag:s8], $0x0  }
0x24: {  	s3 =	sadd.s32 $0x88, s3;
	s6 =	simm.s32 @!p1 $0x1082;
	[sflag:s4] =	ssyncset.s32 $0xFFFFF086  }
0x25: {  	[simem:s6], [sflag:s4] =	dma.local [hbm:s3], $0xF7A  }
0x26: {  	[smem:$0x3F9B] =	sst s1;
	(tag) =	ssettag s2;
	_ =	strace s9  }
0x27: {  	s1 =	sld [smem:$0x3FAB]  }
0x28: {  	s2 =	sld [smem:$0x3FAC]  }
0x29: {  	s4 =	sld [smem:$0x3FAE]  }
0x2a: {  	p0 =	seq.s32 s5, $0x0;
	s5 =	sld [smem:$0x3FAF]  }
0x2b: {  	s6 =	sld [smem:$0x3FB0]  }
0x2c: {  	s7 =	sld [smem:$0x3FB1]  }
0x2d: {  	s3 =	simm.s32 $0x108;
	s8 =	sld [smem:$0x3FB2]  }
0x2e: {  	s3 =	simm.s32 @!p0 $0x1082;
	s9 =	sld [smem:$0x3FB3]  }
0x2f: {  	lr =	sadd.s32 s0, s3;
	s0 =	sld [smem:$0x3FAA]  }
0x30: {  	s3 =	sld [smem:$0x3FAD]  }
0x31: {  	[smem:$0x3FB6] =	sst s10  }
0x32: {  	s10 =	sld [smem:$0x3FB4];
	_ =	sdelay $0x3  }
0x33: {  	p0 =	seq.s32 s10, $0x1;
	s10 =	sld [smem:$0x3FB6];
	_ =	sdelay $0x3  }
0x34: {  	[smem:$0x3FB6] =	sst s10  }
0x35: {  	s10 =	sld [smem:$0x3FB5];
	_ =	sdelay $0x3  }
0x36: {  	p1 =	seq.s32 s10, $0x1;
	s10 =	sld [smem:$0x3FB6];
	_ =	sdelay $0x3  }
0x37: {  	[smem:$0x3FB6] =	sst s10  }
0x38: {  	s10 =	sld [smem:$0x3FB7]  }
0x39: {  	_ = 	snop;
	(pc) =	sbr.ind lr, $3  }
0x3a: {  	_ = 	snop  }
0x3b: {  	_ = 	snop  }
0x3c: {  	p2 =	seq.s32 s10, $0x1;
	s10 =	sld [smem:$0x3FB6]  }
0x3d: {  	_ =	shalt  }
0x3e: {  	_ =	shalt  }
0x3f: {  	_ =	shalt  }
0x40: {  	_ =	shalt  }
0x41: {  	_ =	shalt  }
0x42: {  	_ =	shalt  }
0x43: {  	_ =	shalt  }
0x44: {  	_ =	shalt  }
0x45: {  	_ =	shalt  }
0x46: {  	_ =	shalt  }
0x47: {  	_ =	shalt  }
0x48: {  	_ =	shalt  }
0x49: {  	_ =	shalt  }
0x4a: {  	_ =	shalt  }
0x4b: {  	_ =	shalt  }
0x4c: {  	_ =	shalt  }
0x4d: {  	_ =	shalt  }
0x4e: {  	_ =	shalt  }
0x4f: {  	_ =	shalt  }
0x50: {  	_ =	shalt  }
0x51: {  	_ =	shalt  }
0x52: {  	_ =	shalt  }
0x53: {  	_ =	shalt  }
0x54: {  	_ =	shalt  }
0x55: {  	_ =	shalt  }
0x56: {  	_ =	shalt  }
0x57: {  	_ =	shalt  }
0x58: {  	_ =	shalt  }
0x59: {  	_ =	shalt  }
0x5a: {  	_ =	shalt  }
0x5b: {  	_ =	shalt  }
0x5c: {  	_ =	shalt  }
0x5d: {  	_ =	shalt  }
0x5e: {  	_ =	shalt  }
0x5f: {  	_ =	shalt  }
0x60: {  	_ =	shalt  }
0x61: {  	_ =	shalt  }
0x62: {  	_ =	shalt  }
0x63: {  	_ =	shalt  }
0x64: {  	_ =	shalt  }
0x65: {  	_ =	shalt  }
0x66: {  	_ =	shalt  }
0x67: {  	_ =	shalt  }
0x68: {  	_ =	shalt  }
0x69: {  	_ =	shalt  }
0x6a: {  	_ =	shalt  }
0x6b: {  	_ =	shalt  }
0x6c: {  	_ =	shalt  }
0x6d: {  	_ =	shalt  }
0x6e: {  	_ =	shalt  }
0x6f: {  	_ =	shalt  }
0x70: {  	_ =	shalt  }
0x71: {  	_ =	shalt  }
0x72: {  	_ =	shalt  }
0x73: {  	_ =	shalt  }
0x74: {  	_ =	shalt  }
0x75: {  	_ =	shalt  }
0x76: {  	_ =	shalt  }
0x77: {  	_ =	shalt  }
0x78: {  	_ =	shalt  }
0x79: {  	_ =	shalt  }
0x7a: {  	_ =	shalt  }
0x7b: {  	_ =	shalt  }
0x7c: {  	_ =	shalt  }
0x7d: {  	_ =	shalt  }
0x7e: {  	_ =	shalt  }
0x7f: {  	_ =	shalt  }
0x80: {  	_ =	shalt  }
0x81: {  	_ =	shalt  }
0x82: {  	_ =	shalt  }
0x83: {  	_ =	shalt  }
0x84: {  	_ =	shalt  }
0x85: {  	_ =	shalt  }
0x86: {  	_ =	shalt  }
0x87: {  	_ =	shalt  }
.Lfunc_end0:
.L_simem_size_0:
called_computation.4_lowered:
.L_overlay_start_0:
0x88: {  	s2 =	sld [smem:$0x3FD9]  }
0x89: {  	s3 =	sld [smem:$0x3FFE];
	_ =	sdelay $0x1  }
0x8a: {  	s1 =	srdreg.scid  }
0x8b: {  	s0 =	sand.u32 $0x1, s1  }
0x8c: {  	s14 =	sshll.u32 s0, $0xA;
	s2 =	sadd.s32 s3, s2  }
0x8d: {  	s2 =	sadd.s32 s2, s14  }
0x8e: {  	[smem:$0x3FC2] =	sst s2  }
0x8f: {  	_ = 	snop  }
0x90: {  	s2 =	sld [smem:$0x3FD0];
	_ =	sdelay $0x2  }
0x91: {  	s15 =	simm.s32 $0xE;
	s4 =	simm.s32 $0x10  }
0x92: {  	[smem:s4], [sflag:s15] =	dma.local [hbm:s2], $0x1  }
0x93: {  	_ =	swait.eq [sflag:s15], $0x1  }
0x94: {  	[sflag:s15] =	ssyncset.done $0x0  }
0x95: {  	[sflag:s15] =	ssyncadd.s32 $0xFFFFFFFF  }
0x96: {  	s16 =	sld [smem:$0x10];
	(tm) =	ssettm $0x1  }
0x97: {  	s17 =	sld [smem:$0x3FFB];
	_ =	sdelay $0x3  }
0x98: {  	_ =	strace s17  }
0x99: {  	s3 =	sld [smem:$0x3FFC];
	_ =	sdelay $0x3  }
0x9a: {  	_ =	strace s3  }
0x9b: {  	s3 =	sld [smem:$0x3FFD];
	_ =	sdelay $0x3  }
0x9c: {  	_ =	strace s3  }
0x9d: {  	_ =	strace $0x8FFFFFFF  }
0x9e: {  	s18 =	sld [smem:$0x3FDB];
	_ =	sdelay $0x1  }
0x9f: {  	s19 =	simm.s32 $_scs_section_size  }
0xa0: {  	s5 =	simm.s32 $_size__tile_overlayer_lowered;
	s6 =	simm.s32 $_tile_overlayer_lowered  }
0xa1: {  	s22 =	simm.s32 $0x1BFF;
	s21 =	sshll.u32 s6, $0x1;
	s3 =	sadd.s32 s19, s18  }
0xa2: {  	s7 =	simm.s32 $0x0;
	s20 =	sshll.u32 s5, $0x1;
	s5 =	sadd.s32 s21, s3  }
0xa3: {  	[timem:s7], [sflag:s22] =	dma.local [hbm:s5], s20  }
0xa4: {  	_ =	swait.ge [sflag:s22], s20  }
0xa5: {  	s4 =	ssub.s32 $0x0, s20;
	[sflag:s22] =	ssyncset.done $0x0  }
0xa6: {  	[sflag:s22] =	ssyncadd.s32 s4;
	_ =	sdelay $0x1  }
0xa7: {  	s23 =	simm.s32 $0x1B8B  }
0xa8: {  	_ =	swait.ge [sflag:s23], $0x1  }
0xa9: {  	[sflag:s23] =	ssyncset.done $0x0  }
0xaa: {  	s25 =	simm.s32 $0x1B8E;
	s24 =	sld [smem:$0x3FFE];
	[sflag:s23] =	ssyncadd.s32 $0xFFFFFFFF  }
0xab: {  	s26 =	simm.s32 $execute0_lowered;
	[smem:$0x3FD2] =	sst s25  }
0xac: {  	s5 =	sshll.u32 s26, $0x1;
	_ =	strace $0x80000046;
	[dreg:$0x1] =	wrdreg $0xFFFFFFFF  }
0xad: {  	s28 =	simm.s32 $_size_execute0_lowered;
	s3 =	sadd.s32 s3, s5;
	[dreg:$0x0] =	wrdreg $0x0  }
0xae: {  	s5 =	sshll.u32 s28, $0x1;
	[dreg:$0x2] =	wrdreg s3  }
0xaf: {  	[dreg:$0x3] =	wrdreg s5  }
0xb0: {  	[dreg:$0x4] =	wrdreg $0xC0  }
0xb1: {  	_ =	task [dreg:s7], $0x5FFFF  }
0xb2: {  	[dreg:$0x1] =	wrdreg $0xFFFFFFFF  }
0xb3: {  	[dreg:$0x0] =	wrdreg $0x60  }
0xb4: {  	[dreg:$0x2] =	wrdreg s24  }
0xb5: {  	[dreg:$0x3] =	wrdreg s16  }
0xb6: {  	[dreg:$0x4] =	wrdreg $0x80000  }
0xb7: {  	[dreg:$0x5] =	wrdreg $0xD  }
0xb8: {  	_ =	task.clear_ibuf [dreg:s7], $0x6FFFF;
	_ =	strace $0x90000046  }
0xb9: {  	s29 =	simm.s32 $0xD;
	_ =	strace $0x80000048  }
0xba: {  	_ =	swait.ge [sflag:s29], $0x1  }
0xbb: {  	[sflag:s29] =	ssyncadd.s32 $0xFFFFFFFF  }
0xbc: {  	_ =	strace $0x90000048  }
0xbd: {  	_ =	sfence  }
0xbe: {  	s30 =	sld [smem:$0x0];
	_ =	sdelay $0x2  }
0xbf: {  	s31 =	sshll.u32 s1, $0xD;
	s1 =	sshrl.u32 s1, $0x2  }
0xc0: {  	s3 =	sand.u32 $0x4000, s31;
	s1 =	sadd.s32 s1, s30  }
0xc1: {  	s0 =	sor.u32 s3, s0;
	s1 =	sshll.u32 s1, $0x11  }
0xc2: {  	s0 =	sor.u32 s1, s0  }
0xc3: {  	s0 =	sadd.s32 $0x8F2B, s0  }
0xc4: {  	[sflag:s0] =	ssyncadd.remote.s32 $0x1  }
0xc5: {  	_ =	sfence.sel $0xFFFF  }
0xc6: {  	[dreg:$0x0] =	wrdreg $0xFFFFFFFF;
	(pc) =	sbr.abs _section_cstart, $3  }
0xc7: {  	[dreg:$0x1] =	wrdreg $0xFFFFFFFF  }
0xc8: {  	_ =	task.clear_ibuf [dreg:s7], $0x2FFFF;
	_ =	strace $0x9FFFFFFF  }
0xc9: {  	(tm) =	ssettm $0x7FFFFFFF  }
tec
execute0_lowered:
.L_overlay_start_1:
0x0: {  	(tag) =	ssettag $0x1  }
0x1: {  	s0 =	rddreg [dreg:$0x0]  }
0x2: {  	s2 =	rddreg [dreg:$0x1]  }
0x3: {  	s1 =	rddreg [dreg:$0x2]  }
0x4: {  	s3 =	srdreg.scid;
	s11 =	stileid.u32  }
0x5: {  	s19 =	simm.s32 $0x800;
	s20 =	simm.s32 $0x3000;
	s5 =	smul.u32 $0x14000, s11  }
0x6: {  	s28 =	simm.s32 $0x2;
	s31 =	simm.s32 $0x780;
	s25 =	smul.u32 $0x50000, s11  }
0x7: {  	s13 =	sand.u32 $0x1, s3;
	s3 =	simm.s32 $0x0;
	s29 =	smul.u32 $0xFA00, s11  }
0x8: {  	s6 =	sshll.u32 s11, $0x1;
	s15 =	sadd.s32 $0x7E00, s0;
	s4 =	smul.u32 $0x140000, s13  }
0x9: {  	s26 =	sshll.u32 s11, $0x9;
	s21 =	sor.u32 s13, s6;
	s17 =	smul.u32 $0x7D00, s13  }
0xa: {  	[smem:$0x7FF] =	sst s3;
	s22 =	ssub.s32 $0x2, s13;
	s7 =	smul.u32 $0x3E800, s21  }
0xb: {  	_ =	strace $0x80000047;
	s23 =	sshrl.u32 s22, $0x1;
	s8 =	smul.u32 $0x7D00, s21  }
0xc: {  	s4 =	sadd.s32 s5, s4;
	s16 =	ssub.s32 s22, s23;
	s5 =	sshll.u32 s21, $0x4  }
0xd: {  	s23 =	simm.s32 $0x3;
	s4 =	sshrl.u32 s4, $0x3;
	s24 =	sshrl.u32 s7, $0x3  }
0xe: {  	s7 =	sshrl.u32 s25, $0x2;
	s9 =	sand.u32 $0x70, s5;
	s16 =	smax.u32 s16, $0x1  }
0xf: {  	s25 =	simm.s32 $0x1;
	s0 =	sadd.s32 s4, s0;
	s4 =	sadd.s32 s15, s8  }
0x10: {  	s6 =	sadd.s32 s15, s24;
	s8 =	sand.u32 $0x1800, s26;
	s5 =	sadd.s32 s7, s1  }
0x11: {  	s24 =	simm.s32 $0x5800;
	s26 =	simm.s32 $0x50;
	s2 =	sadd.s32 s2, s8  }
0x12: {  	s6 =	sadd.s32 $0x500, s6;
	s8 =	sadd.s32 $0x2800, s5;
	s10 =	sadd.s32 $0x7800, s5  }
0x13: {  	s11 =	sadd.s32 $0xA000, s5;
	s12 =	sadd.s32 $0xC800, s5;
	s13 =	sadd.s32 $0xF000, s5  }
0x14: {  	s14 =	sadd.s32 $0x11800, s5;
	s7 =	sadd.s32 s9, s2;
	s2 =	sadd.s32 s29, s15  }
0x15: {  	s9 =	sadd.s32 $0x5000, s5;
	s15 =	sadd.s32 $0x101E00, s0;
	s30 =	sadd.s32 s17, s2  }
0x16: {  	v0 =	vimm.f32 $0.0e+00;
	s0 =	simm.s32 $0x0;
	s17 =	sadd.s32 $0x7800, s4;
	s22 =	sadd.s32 $0xF00, s30  }
.LBB2_1:
0x17: {  	[tilespmem:s19], [sflag:$0x1] =	stream.linear.gather [hbm4b:s4+s3], $0x2800, $0x38;
	[tilespmem:$0x12000] =	vst v63  }
0x18: {  	_ = 	snop  }
0x19: {  	[tilespmem:s20], [sflag:$0x2] =	stream.linear.gather [hbm4b:s6+s3], $0x2800, $0x38;
	[tilespmem:$0x12000] =	vst v63  }
0x1a: {  	s2 =	simm.s32 $0x80;
	s18 =	simm.s32 $0x400  }
0x1b: {  	[tilespmem:s3], [sflag:$0x3] =	stream.strided.gather [hbm4b:s7+s2], $0x800, s18, s2, $0x38;
	[tilespmem:$0x12000] =	vst v63  }
0x1c: {  	_ =	swait.ge [sflag:s23], $0x800  }
0x1d: {  	[sflag:s23] =	ssyncset.done $0x0  }
0x1e: {  	s18 =	simm.s32 $0x200;
	s2 =	simm.s32 $0x0;
	[sflag:s23] =	ssyncadd.s32 $0xFFFFF800  }
.LBB2_2:
0x1f: {  	p0 =	sne.s32 s18, $0x9E00;
	[tilespmem:s2+$0x5830] =	vst v0;
	s21 =	smov.u32 s18;
	s18 =	sadd.s32 $0x200, s18  }
.Ltmp0:
0x20: {  	[tilespmem:s2+$0x5820] =	vst v0;
	(pc) =	sbr.rel @p0 .LBB2_2-.Ltmp0, $3  }
0x21: {  	[tilespmem:s2+$0x5800] =	vst v0  }
0x22: {  	[tilespmem:s2+$0x5810] =	vst v0;
	_ =	sdelay $0x1  }
0x23: {  	s2 =	sshra.s32 s21, $0x2  }
0x24: {  	[tilespmem:s2+$0x5830] =	vst v0  }
0x25: {  	[tilespmem:s2+$0x5820] =	vst v0  }
0x26: {  	[tilespmem:s2+$0x5800] =	vst v0  }
0x27: {  	[tilespmem:s2+$0x5810] =	vst v0  }
0x28: {  	[spmem:s5] =	stream.linear.scatter [tilespmem:s24], [sflag:$0x3], $0x2800, $0x38;
	[tilespmem:$0x12000] =	vst v63  }
0x29: {  	_ =	swait.ge [sflag:s23], $0x2800  }
0x2a: {  	[sflag:s23] =	ssyncset.done $0x0  }
0x2b: {  	[sflag:s23] =	ssyncadd.s32 $0xFFFFD800  }
0x2c: {  	[spmem:s8] =	stream.linear.scatter [tilespmem:s24], [sflag:$0x3], $0x2800, $0x38;
	[tilespmem:$0x12000] =	vst v63  }
0x2d: {  	_ =	swait.ge [sflag:s23], $0x2800  }
0x2e: {  	[sflag:s23] =	ssyncset.done $0x0  }
0x2f: {  	[sflag:s23] =	ssyncadd.s32 $0xFFFFD800  }
0x30: {  	[spmem:s9] =	stream.linear.scatter [tilespmem:s24], [sflag:$0x3], $0x2800, $0x38;
	[tilespmem:$0x12000] =	vst v63  }
0x31: {  	_ =	swait.ge [sflag:s23], $0x2800  }
0x32: {  	[sflag:s23] =	ssyncset.done $0x0  }
0x33: {  	[sflag:s23] =	ssyncadd.s32 $0xFFFFD800  }
0x34: {  	[spmem:s10] =	stream.linear.scatter [tilespmem:s24], [sflag:$0x3], $0x2800, $0x38;
	[tilespmem:$0x12000] =	vst v63  }
0x35: {  	_ =	swait.ge [sflag:s23], $0x2800  }
0x36: {  	[sflag:s23] =	ssyncset.done $0x0  }
0x37: {  	[sflag:s23] =	ssyncadd.s32 $0xFFFFD800  }
0x38: {  	[spmem:s11] =	stream.linear.scatter [tilespmem:s24], [sflag:$0x3], $0x2800, $0x38;
	[tilespmem:$0x12000] =	vst v63  }
0x39: {  	_ =	swait.ge [sflag:s23], $0x2800  }
0x3a: {  	[sflag:s23] =	ssyncset.done $0x0  }
0x3b: {  	[sflag:s23] =	ssyncadd.s32 $0xFFFFD800  }
0x3c: {  	[spmem:s12] =	stream.linear.scatter [tilespmem:s24], [sflag:$0x3], $0x2800, $0x38;
	[tilespmem:$0x12000] =	vst v63  }
0x3d: {  	_ =	swait.ge [sflag:s23], $0x2800  }
0x3e: {  	[sflag:s23] =	ssyncset.done $0x0  }
0x3f: {  	[sflag:s23] =	ssyncadd.s32 $0xFFFFD800  }
0x40: {  	[spmem:s13] =	stream.linear.scatter [tilespmem:s24], [sflag:$0x3], $0x2800, $0x38;
	[tilespmem:$0x12000] =	vst v63  }
0x41: {  	_ =	swait.ge [sflag:s23], $0x2800  }
0x42: {  	[sflag:s23] =	ssyncset.done $0x0  }
0x43: {  	[sflag:s23] =	ssyncadd.s32 $0xFFFFD800  }
0x44: {  	[spmem:s14] =	stream.linear.scatter [tilespmem:s24], [sflag:$0x3], $0x2800, $0x38;
	[tilespmem:$0x12000] =	vst v63  }
0x45: {  	_ =	swait.ge [sflag:s23], $0x2800  }
0x46: {  	[sflag:s23] =	ssyncset.done $0x0  }
0x47: {  	[sflag:s23] =	ssyncadd.s32 $0xFFFFD800  }
0x48: {  	[bflag:$0x0] =	sbarrier.arrive $0xFFFF  }
0x49: {  	_ =	swait.ge [sflag:s25], $0x2800  }
0x4a: {  	[sflag:s25] =	ssyncset.done $0x0  }
0x4b: {  	s21 =	simm.s32 $0x0;
	[sflag:s25] =	ssyncadd.s32 $0xFFFFD800  }
0x4c: {  	[spmem:s1] =	stream.indirect.scatter.add.f32 [tilespmem:s19], [sflag:$0x3], $0x40, s21, s26, $0xb8;
	[tilespmem:$0x12000] =	vst v63  }
0x4d: {  	_ =	swait.ge [sflag:s23], $0x1400  }
0x4e: {  	[sflag:s23] =	ssyncset.done $0x0  }
0x4f: {  	s29 =	sadd.s32 $0xFFFFFB00, s22;
	[sflag:s23] =	ssyncadd.s32 $0xFFFFEC00  }
0x50: {  	[tilespmem:s19], [sflag:$0x1] =	stream.linear.gather [hbm4b:s29+s3], $0x2800, $0x38;
	[tilespmem:$0x12000] =	vst v63  }
0x51: {  	_ =	swait.ge [sflag:s28], $0x2800  }
0x52: {  	[sflag:s28] =	ssyncset.done $0x0  }
0x53: {  	s30 =	simm.s32 $0x50;
	[sflag:s28] =	ssyncadd.s32 $0xFFFFD800  }
0x54: {  	[spmem:s1] =	stream.indirect.scatter.add.f32 [tilespmem:s20], [sflag:$0x3], $0x40, s30, s26, $0xb8;
	[tilespmem:$0x12000] =	vst v63  }
0x55: {  	_ =	swait.ge [sflag:s23], $0x1400  }
0x56: {  	s2 =	simm.s32 $0x280;
	[sflag:s23] =	ssyncset.done $0x0  }
0x57: {  	s18 =	smov.u32 s22;
	s21 =	sadd.s32 $0xA00, s22;
	[sflag:s23] =	ssyncadd.s32 $0xFFFFEC00  }
.LBB2_4:
0x58: {  	[tilespmem:s20], [sflag:$0x2] =	stream.linear.gather [hbm4b:s18+s3], $0x2800, $0x38;
	[tilespmem:$0x12000] =	vst v63  }
0x59: {  	s29 =	smov.u32 s2;
	s18 =	smov.u32 s21  }
0x5a: {  	p0 =	sne.s32 s2, $0x1900;
	s2 =	sadd.s32 $0x280, s2;
	_ =	swait.ge [sflag:s25], $0x2800  }
0x5b: {  	[sflag:s25] =	ssyncset.done $0x0  }
0x5c: {  	s29 =	sshra.s32 s29, $0x2;
	[sflag:s25] =	ssyncadd.s32 $0xFFFFD800  }
0x5d: {  	[spmem:s1] =	stream.indirect.scatter.add.f32 [tilespmem:s19], [sflag:$0x3], $0x40, s29, s26, $0xb8;
	[tilespmem:$0x12000] =	vst v63  }
0x5e: {  	_ =	swait.ge [sflag:s23], $0x1400  }
0x5f: {  	[sflag:s23] =	ssyncset.done $0x0  }
0x60: {  	s30 =	sadd.s32 $0xFFFFFB00, s21;
	[sflag:s23] =	ssyncadd.s32 $0xFFFFEC00  }
0x61: {  	[tilespmem:s19], [sflag:$0x1] =	stream.linear.gather [hbm4b:s30+s3], $0x2800, $0x38;
	[tilespmem:$0x12000] =	vst v63  }
0x62: {  	_ =	swait.ge [sflag:s28], $0x2800  }
0x63: {  	[sflag:s28] =	ssyncset.done $0x0  }
.Ltmp1:
0x64: {  	s29 =	sadd.s32 $0x50, s29;
	[sflag:s28] =	ssyncadd.s32 $0xFFFFD800;
	(pc) =	sbr.rel @p0 .LBB2_4-.Ltmp1, $4  }
0x65: {  	[spmem:s1] =	stream.indirect.scatter.add.f32 [tilespmem:s20], [sflag:$0x3], $0x40, s29, s26, $0xb8;
	[tilespmem:$0x12000] =	vst v63  }
0x66: {  	_ =	swait.ge [sflag:s23], $0x1400  }
0x67: {  	[sflag:s23] =	ssyncset.done $0x0  }
0x68: {  	s21 =	sadd.s32 $0xA00, s21;
	[sflag:s23] =	ssyncadd.s32 $0xFFFFEC00  }
0x69: {  	[tilespmem:s20], [sflag:$0x2] =	stream.linear.gather [hbm4b:s18+s3], $0x2800, $0x38;
	[tilespmem:$0x12000] =	vst v63  }
0x6a: {  	_ =	swait.ge [sflag:s25], $0x2800  }
0x6b: {  	[sflag:s25] =	ssyncset.done $0x0  }
0x6c: {  	s2 =	simm.s32 $0x6E0;
	[sflag:s25] =	ssyncadd.s32 $0xFFFFD800  }
0x6d: {  	[spmem:s1] =	stream.indirect.scatter.add.f32 [tilespmem:s19], [sflag:$0x3], $0x40, s2, s26, $0xb8;
	[tilespmem:$0x12000] =	vst v63  }
0x6e: {  	_ =	swait.ge [sflag:s23], $0x1400  }
0x6f: {  	[sflag:s23] =	ssyncset.done $0x0  }
0x70: {  	[sflag:s23] =	ssyncadd.s32 $0xFFFFEC00  }
0x71: {  	[tilespmem:s19], [sflag:$0x1] =	stream.linear.gather [hbm4b:s17+s3], $0x2800, $0x38;
	[tilespmem:$0x12000] =	vst v63  }
0x72: {  	_ =	swait.ge [sflag:s28], $0x2800  }
0x73: {  	[sflag:s28] =	ssyncset.done $0x0  }
0x74: {  	s21 =	simm.s32 $0x730;
	[sflag:s28] =	ssyncadd.s32 $0xFFFFD800  }
0x75: {  	[spmem:s1] =	stream.indirect.scatter.add.f32 [tilespmem:s20], [sflag:$0x3], $0x40, s21, s26, $0xb8;
	[tilespmem:$0x12000] =	vst v63  }
0x76: {  	_ =	swait.ge [sflag:s23], $0x1400  }
0x77: {  	[sflag:s23] =	ssyncset.done $0x0  }
0x78: {  	[sflag:s23] =	ssyncadd.s32 $0xFFFFEC00  }
0x79: {  	[tilespmem:s20], [sflag:$0x2] =	stream.linear.gather [hbm4b:s17+s3], $0x2800, $0x38;
	[tilespmem:$0x12000] =	vst v63  }
0x7a: {  	_ =	swait.ge [sflag:s25], $0x2800  }
0x7b: {  	[sflag:s25] =	ssyncset.done $0x0  }
0x7c: {  	[sflag:s25] =	ssyncadd.s32 $0xFFFFD800  }
0x7d: {  	[spmem:s1] =	stream.indirect.scatter.add.f32 [tilespmem:s19], [sflag:$0x3], $0x40, s31, s26, $0xb8;
	[tilespmem:$0x12000] =	vst v63  }
0x7e: {  	_ =	swait.ge [sflag:s23], $0x1400  }
0x7f: {  	[sflag:s23] =	ssyncset.done $0x0  }
0x80: {  	[sflag:s23] =	ssyncadd.s32 $0xFFFFEC00  }
0x81: {  	s29 =	stileid.u32;
	_ =	swait.ge [sflag:s28], $0x2800  }
0x82: {  	s30 =	sshrl.u32 s5, $0x3;
	s0 =	sadd.s32 $0x1, s0;
	[sflag:s28] =	ssyncset.done $0x0  }
0x83: {  	p0 =	sne.s32 s0, s16;
	s2 =	sshll.u32 s29, $0x6;
	[sflag:s28] =	ssyncadd.s32 $0xFFFFD800  }
.Ltmp2:
0x84: {  	s2 =	sor.u32 $0x1C03, s2;
	[bflag:$0x0] =	sbarrier.arrive $0xFFFF;
	(pc) =	sbr.rel @p0 .LBB2_1-.Ltmp2, $4  }
0x85: {  	[hbm:s15], [sflag:s2] =	dma.local [spmem:s30], $0x2800  }
0x86: {  	_ =	swait.ge [sflag:s23], $0x2800  }
0x87: {  	[sflag:s23] =	ssyncset.done $0x0  }
0x88: {  	[sflag:s23] =	ssyncadd.s32 $0xFFFFD800  }
0x89: {  	_ =	sfence.sel $0x180000  }
0x8a: {  	[bflag:$0x0] =	sbarrier.arrive $0xFFFF  }
0x8b: {  	_ =	strace $0x90000047  }
0x8c: {  	s0 =	stileid.u32;
	[bflag:$0x2] =	sbarrier.arrive $0xFFFF  }
0x8d: {  	p0 =	sne.s32 s0, $0x0;
	s0 =	rddreg [dreg:$0x3]  }
0x8e: {  	s0 =	sadd.s32 @!p0 $0x100000, s0  }
0x8f: {  	[sflag:s0] =	ssyncadd.tile.s32 @!p0 $0x1;
	_ =	shalt  }
.Lfunc_end2:
_tile_overlayer_lowered:
.L_overlay_start_2:
0x90: {  	(tag) =	ssettag $0x2  }
0x91: {  	s0 =	rddreg [dreg:$0x0];
	s2 =	stileid.u32  }
0x92: {  	s1 =	rddreg [dreg:$0x1];
	p0 =	sne.s32 s2, $0x0  }
0x93: {  	s3 =	rddreg [dreg:$0x2];
	[bflag:$0x3] =	sbarrier.arrive $0xFFFF;
	s2 =	simm.s32 @!p0 $0x1C03  }
0x94: {  	[timem:s3], [sflag:s2] =	dma.local @!p0 [hbm:s0], s1  }
0x95: {  	s0 =	simm.s32 @!p0 $0x3  }
0x96: {  	_ =	swait.ge @!p0 [sflag:s0], s1  }
0x97: {  	s1 =	ssub.s32 @!p0 $0x0, s1;
	[sflag:s0] =	ssyncset.done @!p0 $0x0  }
0x98: {  	[sflag:s0] =	ssyncadd.s32 @!p0 s1  }
0x99: {  	[bflag:$0x3] =	sbarrier.arrive $0xFFFF  }
0x9a: {  	_ =	shalt  }

</sc_bundles>
